<compile_context>
chip_gen: v7x
topology: tpu7x:2x2x1
jax: 0.10.2.dev20260603
libtpu: 0.0.44.dev20260713+nightly
codegen_flags: <defaults>
</compile_context>

<pallas_src>
import jax
import jax.numpy as jnp
from jax import lax
from jax.experimental import pallas as pl
from jax.experimental.pallas import tpu as pltpu
from jax.experimental.pallas import tpu_sc as plsc

B = 1024
D = 64
N_ROWS = 1000000
KP1 = 512
T = 0.07

NC = 2
NS = 16
NW = NC * NS
BPW = B // NW
NBUF = 4
LPU = 256
NUNIT = BPW * KP1 // LPU
CHUNK = 128
NCHUNK = LPU // CHUNK


def _sc_body(x_hbm, y_hbm, mem_hbm, idx_hbm, out_hbm, sums_hbm,
             x_v, y_v, idx_v, rows0, rows1, rows2, rows3, out_v, sum_v,
             sem0, sem1, sem2, sem3):
    wid = lax.axis_index("s") * NC + lax.axis_index("c")
    b0 = wid * BPW

    pltpu.sync_copy(x_hbm.at[pl.ds(b0, BPW)], x_v)
    pltpu.sync_copy(y_hbm.at[pl.ds(b0, BPW)], y_v)
    pltpu.sync_copy(idx_hbm.at[pl.ds(b0, BPW)], idx_v)

    lanes = lax.iota(jnp.int32, 16)

    zeros16 = jnp.zeros((16,), jnp.int32)
    for h in range(BPW // 16):
        yv = y_v[pl.ds(h * 16, 16)]
        plsc.store_scatter(idx_v, [h * 16 + lanes, zeros16], yv)

    rows_bufs = (rows0, rows1, rows2, rows3)
    sems = (sem0, sem1, sem2, sem3)

    def _fire(u, buf, sem):
        lb = u >> 1
        kb = (u & 1) * LPU
        for c in range(NCHUNK):
            pltpu.async_copy(
                mem_hbm.at[idx_v.at[lb, pl.ds(kb + c * CHUNK, CHUNK)]],
                buf.at[pl.ds(c * CHUNK, CHUNK)],
                sem,
            )

    def _drain(u, buf, sem):
        lb = u >> 1
        kb = (u & 1) * LPU
        for c in range(NCHUNK):
            pltpu.make_async_copy(
                mem_hbm.at[idx_v.at[lb, pl.ds(kb + c * CHUNK, CHUNK)]],
                buf.at[pl.ds(c * CHUNK, CHUNK)],
                sem,
            ).wait()

    inv_t = jnp.float32(1.0 / T)

    def _compute(u, buf, acc):
        lb = u >> 1
        kb = (u & 1) * LPU
        xr = [x_v[lb, pl.ds(q * 16, 16)] for q in range(D // 16)]

        def _group(g, acc_in):
            dots = []
            for j in range(16):
                row = g * 16 + j
                r = [buf[row, pl.ds(q * 16, 16)] for q in range(D // 16)]
                u0, u1 = plsc.unpack(
                    plsc.pack(r[0], r[1], format=plsc.PackFormat.INTERLEAVED),
                    format=plsc.PackFormat.INTERLEAVED)
                u2, u3 = plsc.unpack(
                    plsc.pack(r[2], r[3], format=plsc.PackFormat.INTERLEAVED),
                    format=plsc.PackFormat.INTERLEAVED)
                m = (u0 * xr[0] + u1 * xr[1]) + (u2 * xr[2] + u3 * xr[3])
                dots.append(jnp.sum(m))
            dot = jnp.zeros((16,), jnp.float32)
            for j in range(16):
                dot = jnp.where(lanes == j, dots[j], dot)
            ev = jnp.exp(dot * inv_t)
            out_v[lb, pl.ds(kb + g * 16, 16)] = ev
            return acc_in + ev
        return lax.fori_loop(0, LPU // 16, _group, acc)

    for p in range(NBUF - 1):
        _fire(p, rows_bufs[p], sems[p])

    def _step(i, acc):
        for j in range(NBUF):
            u = NBUF * i + j
            nxt = u + NBUF - 1
            jn = (j + NBUF - 1) % NBUF
            if j == 0:
                _fire(nxt, rows_bufs[jn], sems[jn])
            else:
                @pl.when(i < NUNIT // NBUF - 1)
                def _():
                    _fire(nxt, rows_bufs[jn], sems[jn])
            _drain(u, rows_bufs[j], sems[j])
            acc = _compute(u, rows_bufs[j], acc)
        return acc

    acc = lax.fori_loop(0, NUNIT // NBUF, _step, jnp.zeros((16,), jnp.float32))

    sum_v[...] = acc
    pltpu.sync_copy(out_v, out_hbm.at[pl.ds(b0, BPW)])
    pltpu.sync_copy(sum_v, sums_hbm.at[wid])


def _normalize_body(e_ref, s_ref, o_ref):
    total = jnp.sum(s_ref[...])
    scale = jnp.float32(B * KP1 / N_ROWS) / total
    o_ref[...] = e_ref[...] * scale


@jax.jit
def kernel(x, y, memory, idx):
    mesh = plsc.VectorSubcoreMesh(core_axis_name="c", subcore_axis_name="s")
    sc = pl.kernel(
        _sc_body,
        out_type=(
            jax.ShapeDtypeStruct((B, KP1), jnp.float32),
            jax.ShapeDtypeStruct((NW, 16), jnp.float32),
        ),
        mesh=mesh,
        compiler_params=pltpu.CompilerParams(
            use_tc_tiling_on_sc=False, needs_layout_passes=False),
        scratch_types=[
            pltpu.VMEM((BPW, D), jnp.float32),
            pltpu.VMEM((BPW,), jnp.int32),
            pltpu.VMEM((BPW, KP1), jnp.int32),
            pltpu.VMEM((LPU, D), jnp.float32),
            pltpu.VMEM((LPU, D), jnp.float32),
            pltpu.VMEM((LPU, D), jnp.float32),
            pltpu.VMEM((LPU, D), jnp.float32),
            pltpu.VMEM((BPW, KP1), jnp.float32),
            pltpu.VMEM((16,), jnp.float32),
            pltpu.SemaphoreType.DMA,
            pltpu.SemaphoreType.DMA,
            pltpu.SemaphoreType.DMA,
            pltpu.SemaphoreType.DMA,
        ],
    )
    x_r = x.astype(jnp.bfloat16).astype(jnp.float32)
    e, sums = sc(x_r, y.astype(jnp.int32), memory, idx.astype(jnp.int32))
    out = pl.pallas_call(
        _normalize_body,
        out_shape=jax.ShapeDtypeStruct((B, KP1), jnp.float32),
    )(e, sums)
    return out

# --- scband reference (transcript-rebuilt; emitter-appended) ---
"""Pipeline reference for scband-nceaverage-7876970021414 (READ-ONLY COPY).

The authoritative reference and input builder live on the scoring server;
editing this copy changes nothing except your own understanding.
"""

import jax, jax.numpy as jnp
import numpy as np
import math

B = 1024
D = 64          # inputSize
N = 1000000     # outputSize (memory bank rows)
K = 511         # noise samples
T = 0.07
MOMENTUM = 0.9


def setup_inputs(seed: int = 0) -> dict:
    key = jax.random.key(seed)
    k1, k2, k3, k4 = jax.random.split(key, 4)
    x = jax.random.normal(k1, (B, D), dtype=jnp.float32)
    y = jax.random.randint(k2, (B,), 0, N)
    stdv = 1.0 / math.sqrt(D / 3.0)
    memory = jax.random.uniform(k3, (N, D), dtype=jnp.float32, minval=-stdv, maxval=stdv)
    # idx is sampled internally by the torch module via a uniform alias multinomial;
    # we materialize the equivalent uniform samples here for determinism.
    idx = jax.random.randint(k4, (B, K + 1), 0, N)
    return {"x": x, "y": y, "memory": memory, "idx": idx}


def reference(x, y, memory, idx):
    # idx.select(1, 0).copy_(y)
    idx = idx.at[:, 0].set(y)
    # weight = index_select(memory, 0, idx.view(-1)).resize_(B, K+1, D)
    weight = jnp.take(memory, idx.reshape(-1), axis=0).reshape(B, K + 1, D)
    # out = bmm(weight, x.view(B, D, 1)); out.div_(T).exp_()
    out = jnp.einsum('bkd,bd->bk', weight, x)
    out = jnp.exp(out / T)
    # first call: Z = out.mean() * outputSize; out.div_(Z)
    Z = out.mean() * N
    out = out / Z
    return out

if __name__ == "__main__":
    import jax
    _d = setup_inputs()
    print(jax.jit(kernel)(*tuple(_d.values())))

</pallas_src>

<mosaic_0001>
#map = affine_map<(d0, d1) -> (0, 0)>
#map1 = affine_map<(d0, d1) -> (0)>
module attributes {stable_mosaic.version = 14 : i64} {
  func.func @_sc_body(%arg0: i32, %arg1: i32, %arg2: memref<1024x64xf32, #tpu.memory_space<hbm>>, %arg3: memref<1024xi32, #tpu.memory_space<hbm>>, %arg4: memref<1000000x64xf32, #tpu.memory_space<hbm>>, %arg5: memref<1024x512xi32, #tpu.memory_space<hbm>>, %arg6: memref<1024x512xf32, #tpu.memory_space<hbm>>, %arg7: memref<32x16xf32, #tpu.memory_space<hbm>>, %arg8: memref<32x64xf32, #tpu.memory_space<vmem>>, %arg9: memref<32xi32, #tpu.memory_space<vmem>>, %arg10: memref<32x512xi32, #tpu.memory_space<vmem>>, %arg11: memref<256x64xf32, #tpu.memory_space<vmem>>, %arg12: memref<256x64xf32, #tpu.memory_space<vmem>>, %arg13: memref<256x64xf32, #tpu.memory_space<vmem>>, %arg14: memref<256x64xf32, #tpu.memory_space<vmem>>, %arg15: memref<32x512xf32, #tpu.memory_space<vmem>>, %arg16: memref<16xf32, #tpu.memory_space<vmem>>, %arg17: memref<!tpu.dma_semaphore, #tpu.memory_space<semaphore_mem>>, %arg18: memref<!tpu.dma_semaphore, #tpu.memory_space<semaphore_mem>>, %arg19: memref<!tpu.dma_semaphore, #tpu.memory_space<semaphore_mem>>, %arg20: memref<!tpu.dma_semaphore, #tpu.memory_space<semaphore_mem>>) attributes {dimension_semantics = [#tpu.dimension_semantics<core_parallel>, #tpu.dimension_semantics<subcore_parallel>], iteration_bounds = array<i64: 2, 16>, scalar_prefetch = 0 : i64, scratch_operands = 13 : i64, tpu.core_type = #tpu.core_type<sc_vector_subcore>, window_params = [{transform_indices = #map}, {transform_indices = #map1}, {transform_indices = #map}, {transform_indices = #map}, {transform_indices = #map}, {transform_indices = #map}]} {
    %mul3A = arith.constant 2 : i32
    %mul3A_0 = arith.muli %arg1, %mul3A : i32
    %add3A = arith.addi %mul3A_0, %arg0 : i32
    %mul3A_1 = arith.constant 32 : i32
    %mul3A_2 = arith.muli %add3A, %mul3A_1 : i32
    "tpu.region"() ({
      %run_scoped3A = tpu.sem_alloc : memref<!tpu.dma_semaphore, #tpu.memory_space<semaphore_mem>>
      %dma_start3A_81 = arith.constant 0 : i32
      %dma_start3A_82 = tpu.memref_slice %arg2[%mul3A_2, %dma_start3A_81] : memref<1024x64xf32, #tpu.memory_space<hbm>> -> memref<32x64xf32, #tpu.memory_space<hbm>>
      %dma_start3A_83 = arith.constant 0 : i32
      %dma_start3A_84 = tpu.memref_slice %arg2[%mul3A_2, %dma_start3A_83] : memref<1024x64xf32, #tpu.memory_space<hbm>> -> memref<32x64xf32, #tpu.memory_space<hbm>>
      tpu.enqueue_dma source(%dma_start3A_84 : memref<32x64xf32, #tpu.memory_space<hbm>>) target(%arg8 : memref<32x64xf32, #tpu.memory_space<vmem>>) target_semaphore(%run_scoped3A : memref<!tpu.dma_semaphore, #tpu.memory_space<semaphore_mem>>)
      %dma_wait3A = arith.constant 0 : i32
      %dma_wait3A_85 = tpu.memref_slice %arg2[%mul3A_2, %dma_wait3A] : memref<1024x64xf32, #tpu.memory_space<hbm>> -> memref<32x64xf32, #tpu.memory_space<hbm>>
      %dma_wait3A_86 = arith.constant 0 : i32
      %dma_wait3A_87 = tpu.memref_slice %arg2[%mul3A_2, %dma_wait3A_86] : memref<1024x64xf32, #tpu.memory_space<hbm>> -> memref<32x64xf32, #tpu.memory_space<hbm>>
      tpu.wait_dma2 semaphore(%run_scoped3A : memref<!tpu.dma_semaphore, #tpu.memory_space<semaphore_mem>>) src(%dma_wait3A_87 : memref<32x64xf32, #tpu.memory_space<hbm>>) dst(%arg8 : memref<32x64xf32, #tpu.memory_space<vmem>>)
      tpu.yield
    }) : () -> ()
    "tpu.region"() ({
      %run_scoped3A = tpu.sem_alloc : memref<!tpu.dma_semaphore, #tpu.memory_space<semaphore_mem>>
      %dma_start3A_81 = tpu.memref_slice %arg3[%mul3A_2] : memref<1024xi32, #tpu.memory_space<hbm>> -> memref<32xi32, #tpu.memory_space<hbm>>
      %dma_start3A_82 = tpu.memref_slice %arg3[%mul3A_2] : memref<1024xi32, #tpu.memory_space<hbm>> -> memref<32xi32, #tpu.memory_space<hbm>>
      tpu.enqueue_dma source(%dma_start3A_82 : memref<32xi32, #tpu.memory_space<hbm>>) target(%arg9 : memref<32xi32, #tpu.memory_space<vmem>>) target_semaphore(%run_scoped3A : memref<!tpu.dma_semaphore, #tpu.memory_space<semaphore_mem>>)
      %dma_wait3A = tpu.memref_slice %arg3[%mul3A_2] : memref<1024xi32, #tpu.memory_space<hbm>> -> memref<32xi32, #tpu.memory_space<hbm>>
      %dma_wait3A_83 = tpu.memref_slice %arg3[%mul3A_2] : memref<1024xi32, #tpu.memory_space<hbm>> -> memref<32xi32, #tpu.memory_space<hbm>>
      tpu.wait_dma2 semaphore(%run_scoped3A : memref<!tpu.dma_semaphore, #tpu.memory_space<semaphore_mem>>) src(%dma_wait3A_83 : memref<32xi32, #tpu.memory_space<hbm>>) dst(%arg9 : memref<32xi32, #tpu.memory_space<vmem>>)
      tpu.yield
    }) : () -> ()
    "tpu.region"() ({
      %run_scoped3A = tpu.sem_alloc : memref<!tpu.dma_semaphore, #tpu.memory_space<semaphore_mem>>
      %dma_start3A_81 = arith.constant 0 : i32
      %dma_start3A_82 = tpu.memref_slice %arg5[%mul3A_2, %dma_start3A_81] : memref<1024x512xi32, #tpu.memory_space<hbm>> -> memref<32x512xi32, #tpu.memory_space<hbm>>
      %dma_start3A_83 = arith.constant 0 : i32
      %dma_start3A_84 = tpu.memref_slice %arg5[%mul3A_2, %dma_start3A_83] : memref<1024x512xi32, #tpu.memory_space<hbm>> -> memref<32x512xi32, #tpu.memory_space<hbm>>
      tpu.enqueue_dma source(%dma_start3A_84 : memref<32x512xi32, #tpu.memory_space<hbm>>) target(%arg10 : memref<32x512xi32, #tpu.memory_space<vmem>>) target_semaphore(%run_scoped3A : memref<!tpu.dma_semaphore, #tpu.memory_space<semaphore_mem>>)
      %dma_wait3A = arith.constant 0 : i32
      %dma_wait3A_85 = tpu.memref_slice %arg5[%mul3A_2, %dma_wait3A] : memref<1024x512xi32, #tpu.memory_space<hbm>> -> memref<32x512xi32, #tpu.memory_space<hbm>>
      %dma_wait3A_86 = arith.constant 0 : i32
      %dma_wait3A_87 = tpu.memref_slice %arg5[%mul3A_2, %dma_wait3A_86] : memref<1024x512xi32, #tpu.memory_space<hbm>> -> memref<32x512xi32, #tpu.memory_space<hbm>>
      tpu.wait_dma2 semaphore(%run_scoped3A : memref<!tpu.dma_semaphore, #tpu.memory_space<semaphore_mem>>) src(%dma_wait3A_87 : memref<32x512xi32, #tpu.memory_space<hbm>>) dst(%arg10 : memref<32x512xi32, #tpu.memory_space<vmem>>)
      tpu.yield
    }) : () -> ()
    %iota3A = tpu.iota {dimensions = array<i32: 0>} : vector<16xi32>
    %broadcast_in_dim3A = arith.constant 0 : i32
    %broadcast_in_dim3A_3 = vector.broadcast %broadcast_in_dim3A : i32 to vector<16xi32>
    %get3A = arith.constant 0 : index
    %get3A_4 = tpu.vector_load %arg9[%get3A] {strides = array<i32>} : memref<32xi32, #tpu.memory_space<vmem>>, vector<16xi32>,
    %add3A_5 = arith.constant 0 : i32
    %add3A_6 = vector.broadcast %add3A_5 : i32 to vector<16xi32>
    %add3A_7 = arith.addi %add3A_6, %iota3A : vector<16xi32>
    tpu.vector_store_idx %arg10[%add3A_7, %broadcast_in_dim3A_3], %get3A_4 : memref<32x512xi32, #tpu.memory_space<vmem>>[vector<16xi32>, vector<16xi32>], vector<16xi32>,
    %get3A_8 = arith.constant 16 : index
    %get3A_9 = tpu.vector_load %arg9[%get3A_8] {strides = array<i32>} : memref<32xi32, #tpu.memory_space<vmem>>, vector<16xi32>,
    %add3A_10 = arith.constant 16 : i32
    %add3A_11 = vector.broadcast %add3A_10 : i32 to vector<16xi32>
    %add3A_12 = arith.addi %add3A_11, %iota3A : vector<16xi32>
    tpu.vector_store_idx %arg10[%add3A_12, %broadcast_in_dim3A_3], %get3A_9 : memref<32x512xi32, #tpu.memory_space<vmem>>[vector<16xi32>, vector<16xi32>], vector<16xi32>,
    %dma_start3A = arith.constant 0 : i32
    %dma_start3A_13 = arith.constant 0 : i32
    %dma_start3A_14 = arith.constant 0 : i32
    %dma_start3A_15 = tpu.memref_slice %arg11[%dma_start3A_13, %dma_start3A_14] : memref<256x64xf32, #tpu.memory_space<vmem>> -> memref<128x64xf32, #tpu.memory_space<vmem>>
    %dma_start3A_16 = arith.constant 0 : i32
    %dma_start3A_17 = tpu.memref_slice %arg10[%dma_start3A, %dma_start3A_16] : memref<32x512xi32, #tpu.memory_space<vmem>> -> memref<1x128xi32, #tpu.memory_space<vmem>>
    %dma_start3A_18 = tpu.memref_squeeze %dma_start3A_17 : memref<1x128xi32, #tpu.memory_space<vmem>> -> memref<128xi32, #tpu.memory_space<vmem>>
    %dma_start3A_19 = arith.constant 0 : i32
    %dma_start3A_20 = arith.constant 0 : i32
    %dma_start3A_21 = tpu.memref_slice %arg4[%dma_start3A_19, %dma_start3A_20] : memref<1000000x64xf32, #tpu.memory_space<hbm>> -> memref<1000000x64xf32, #tpu.memory_space<hbm>>
    tpu.enqueue_indirect_dma source(%dma_start3A_21 : memref<1000000x64xf32, #tpu.memory_space<hbm>>) target(%dma_start3A_15 : memref<128x64xf32, #tpu.memory_space<vmem>>) offsets(%dma_start3A_18 : memref<128xi32, #tpu.memory_space<vmem>>) semaphore(%arg17 : memref<!tpu.dma_semaphore, #tpu.memory_space<semaphore_mem>>)
    %dma_start3A_22 = arith.constant 0 : i32
    %dma_start3A_23 = arith.constant 128 : i32
    %dma_start3A_24 = arith.constant 0 : i32
    %dma_start3A_25 = tpu.memref_slice %arg11[%dma_start3A_23, %dma_start3A_24] : memref<256x64xf32, #tpu.memory_space<vmem>> -> memref<128x64xf32, #tpu.memory_space<vmem>>
    %dma_start3A_26 = arith.constant 128 : i32
    %dma_start3A_27 = tpu.memref_slice %arg10[%dma_start3A_22, %dma_start3A_26] : memref<32x512xi32, #tpu.memory_space<vmem>> -> memref<1x128xi32, #tpu.memory_space<vmem>>
    %dma_start3A_28 = tpu.memref_squeeze %dma_start3A_27 : memref<1x128xi32, #tpu.memory_space<vmem>> -> memref<128xi32, #tpu.memory_space<vmem>>
    %dma_start3A_29 = arith.constant 0 : i32
    %dma_start3A_30 = arith.constant 0 : i32
    %dma_start3A_31 = tpu.memref_slice %arg4[%dma_start3A_29, %dma_start3A_30] : memref<1000000x64xf32, #tpu.memory_space<hbm>> -> memref<1000000x64xf32, #tpu.memory_space<hbm>>
    tpu.enqueue_indirect_dma source(%dma_start3A_31 : memref<1000000x64xf32, #tpu.memory_space<hbm>>) target(%dma_start3A_25 : memref<128x64xf32, #tpu.memory_space<vmem>>) offsets(%dma_start3A_28 : memref<128xi32, #tpu.memory_space<vmem>>) semaphore(%arg17 : memref<!tpu.dma_semaphore, #tpu.memory_space<semaphore_mem>>)
    %dma_start3A_32 = arith.constant 0 : i32
    %dma_start3A_33 = arith.constant 0 : i32
    %dma_start3A_34 = arith.constant 0 : i32
    %dma_start3A_35 = tpu.memref_slice %arg12[%dma_start3A_33, %dma_start3A_34] : memref<256x64xf32, #tpu.memory_space<vmem>> -> memref<128x64xf32, #tpu.memory_space<vmem>>
    %dma_start3A_36 = arith.constant 256 : i32
    %dma_start3A_37 = tpu.memref_slice %arg10[%dma_start3A_32, %dma_start3A_36] : memref<32x512xi32, #tpu.memory_space<vmem>> -> memref<1x128xi32, #tpu.memory_space<vmem>>
    %dma_start3A_38 = tpu.memref_squeeze %dma_start3A_37 : memref<1x128xi32, #tpu.memory_space<vmem>> -> memref<128xi32, #tpu.memory_space<vmem>>
    %dma_start3A_39 = arith.constant 0 : i32
    %dma_start3A_40 = arith.constant 0 : i32
    %dma_start3A_41 = tpu.memref_slice %arg4[%dma_start3A_39, %dma_start3A_40] : memref<1000000x64xf32, #tpu.memory_space<hbm>> -> memref<1000000x64xf32, #tpu.memory_space<hbm>>
    tpu.enqueue_indirect_dma source(%dma_start3A_41 : memref<1000000x64xf32, #tpu.memory_space<hbm>>) target(%dma_start3A_35 : memref<128x64xf32, #tpu.memory_space<vmem>>) offsets(%dma_start3A_38 : memref<128xi32, #tpu.memory_space<vmem>>) semaphore(%arg18 : memref<!tpu.dma_semaphore, #tpu.memory_space<semaphore_mem>>)
    %dma_start3A_42 = arith.constant 0 : i32
    %dma_start3A_43 = arith.constant 128 : i32
    %dma_start3A_44 = arith.constant 0 : i32
    %dma_start3A_45 = tpu.memref_slice %arg12[%dma_start3A_43, %dma_start3A_44] : memref<256x64xf32, #tpu.memory_space<vmem>> -> memref<128x64xf32, #tpu.memory_space<vmem>>
    %dma_start3A_46 = arith.constant 384 : i32
    %dma_start3A_47 = tpu.memref_slice %arg10[%dma_start3A_42, %dma_start3A_46] : memref<32x512xi32, #tpu.memory_space<vmem>> -> memref<1x128xi32, #tpu.memory_space<vmem>>
    %dma_start3A_48 = tpu.memref_squeeze %dma_start3A_47 : memref<1x128xi32, #tpu.memory_space<vmem>> -> memref<128xi32, #tpu.memory_space<vmem>>
    %dma_start3A_49 = arith.constant 0 : i32
    %dma_start3A_50 = arith.constant 0 : i32
    %dma_start3A_51 = tpu.memref_slice %arg4[%dma_start3A_49, %dma_start3A_50] : memref<1000000x64xf32, #tpu.memory_space<hbm>> -> memref<1000000x64xf32, #tpu.memory_space<hbm>>
    tpu.enqueue_indirect_dma source(%dma_start3A_51 : memref<1000000x64xf32, #tpu.memory_space<hbm>>) target(%dma_start3A_45 : memref<128x64xf32, #tpu.memory_space<vmem>>) offsets(%dma_start3A_48 : memref<128xi32, #tpu.memory_space<vmem>>) semaphore(%arg18 : memref<!tpu.dma_semaphore, #tpu.memory_space<semaphore_mem>>)
    %dma_start3A_52 = arith.constant 1 : i32
    %dma_start3A_53 = arith.constant 0 : i32
    %dma_start3A_54 = arith.constant 0 : i32
    %dma_start3A_55 = tpu.memref_slice %arg13[%dma_start3A_53, %dma_start3A_54] : memref<256x64xf32, #tpu.memory_space<vmem>> -> memref<128x64xf32, #tpu.memory_space<vmem>>
    %dma_start3A_56 = arith.constant 0 : i32
    %dma_start3A_57 = tpu.memref_slice %arg10[%dma_start3A_52, %dma_start3A_56] : memref<32x512xi32, #tpu.memory_space<vmem>> -> memref<1x128xi32, #tpu.memory_space<vmem>>
    %dma_start3A_58 = tpu.memref_squeeze %dma_start3A_57 : memref<1x128xi32, #tpu.memory_space<vmem>> -> memref<128xi32, #tpu.memory_space<vmem>>
    %dma_start3A_59 = arith.constant 0 : i32
    %dma_start3A_60 = arith.constant 0 : i32
    %dma_start3A_61 = tpu.memref_slice %arg4[%dma_start3A_59, %dma_start3A_60] : memref<1000000x64xf32, #tpu.memory_space<hbm>> -> memref<1000000x64xf32, #tpu.memory_space<hbm>>
    tpu.enqueue_indirect_dma source(%dma_start3A_61 : memref<1000000x64xf32, #tpu.memory_space<hbm>>) target(%dma_start3A_55 : memref<128x64xf32, #tpu.memory_space<vmem>>) offsets(%dma_start3A_58 : memref<128xi32, #tpu.memory_space<vmem>>) semaphore(%arg19 : memref<!tpu.dma_semaphore, #tpu.memory_space<semaphore_mem>>)
    %dma_start3A_62 = arith.constant 1 : i32
    %dma_start3A_63 = arith.constant 128 : i32
    %dma_start3A_64 = arith.constant 0 : i32
    %dma_start3A_65 = tpu.memref_slice %arg13[%dma_start3A_63, %dma_start3A_64] : memref<256x64xf32, #tpu.memory_space<vmem>> -> memref<128x64xf32, #tpu.memory_space<vmem>>
    %dma_start3A_66 = arith.constant 128 : i32
    %dma_start3A_67 = tpu.memref_slice %arg10[%dma_start3A_62, %dma_start3A_66] : memref<32x512xi32, #tpu.memory_space<vmem>> -> memref<1x128xi32, #tpu.memory_space<vmem>>
    %dma_start3A_68 = tpu.memref_squeeze %dma_start3A_67 : memref<1x128xi32, #tpu.memory_space<vmem>> -> memref<128xi32, #tpu.memory_space<vmem>>
    %dma_start3A_69 = arith.constant 0 : i32
    %dma_start3A_70 = arith.constant 0 : i32
    %dma_start3A_71 = tpu.memref_slice %arg4[%dma_start3A_69, %dma_start3A_70] : memref<1000000x64xf32, #tpu.memory_space<hbm>> -> memref<1000000x64xf32, #tpu.memory_space<hbm>>
    tpu.enqueue_indirect_dma source(%dma_start3A_71 : memref<1000000x64xf32, #tpu.memory_space<hbm>>) target(%dma_start3A_65 : memref<128x64xf32, #tpu.memory_space<vmem>>) offsets(%dma_start3A_68 : memref<128xi32, #tpu.memory_space<vmem>>) semaphore(%arg19 : memref<!tpu.dma_semaphore, #tpu.memory_space<semaphore_mem>>)
    %broadcast_in_dim3A_72 = arith.constant 0.000000e+00 : f32
    %broadcast_in_dim3A_73 = vector.broadcast %broadcast_in_dim3A_72 : f32 to vector<16xf32>
    %scan3A = arith.constant 14.2857141 : f32
    %scan3A_74 = arith.constant 0 : i32
    %scan3A_75 = arith.constant 16 : i32
    %scan3A_76 = arith.addi %scan3A_74, %scan3A_75 : i32
    %scan3A_77 = arith.constant 1 : i32
    %scan3A_78 = scf.for %scan3A_81 = %scan3A_74 to %scan3A_76 step %scan3A_77 iter_args(%scan3A_82 = %broadcast_in_dim3A_73) -> (vector<16xf32>)  : i32 {
      %mul3A_83 = arith.constant 4 : i32
      %mul3A_84 = arith.muli %mul3A_83, %scan3A_81 : i32
      %add3A_85 = arith.constant 0 : i32
      %add3A_86 = arith.addi %mul3A_84, %add3A_85 : i32
      %add3A_87 = arith.constant 4 : i32
      %add3A_88 = arith.addi %add3A_86, %add3A_87 : i32
      %sub3A = arith.constant 1 : i32
      %sub3A_89 = arith.subi %add3A_88, %sub3A : i32
      %shift_right_arithmetic3A = arith.constant 1 : i32
      %shift_right_arithmetic3A_90 = arith.shrsi %sub3A_89, %shift_right_arithmetic3A : i32
      %and3A = arith.constant 1 : i32
      %and3A_91 = arith.andi %sub3A_89, %and3A : i32
      %mul3A_92 = arith.constant 256 : i32
      %mul3A_93 = arith.muli %and3A_91, %mul3A_92 : i32
      %add3A_94 = arith.constant 0 : i32
      %add3A_95 = arith.addi %mul3A_93, %add3A_94 : i32
      %dma_start3A_96 = arith.constant 0 : i32
      %dma_start3A_97 = arith.constant 0 : i32
      %dma_start3A_98 = tpu.memref_slice %arg14[%dma_start3A_96, %dma_start3A_97] : memref<256x64xf32, #tpu.memory_space<vmem>> -> memref<128x64xf32, #tpu.memory_space<vmem>>
      %dma_start3A_99 = tpu.memref_slice %arg10[%shift_right_arithmetic3A_90, %add3A_95] : memref<32x512xi32, #tpu.memory_space<vmem>> -> memref<1x128xi32, #tpu.memory_space<vmem>>
      %dma_start3A_100 = tpu.memref_squeeze %dma_start3A_99 : memref<1x128xi32, #tpu.memory_space<vmem>> -> memref<128xi32, #tpu.memory_space<vmem>>
      %dma_start3A_101 = arith.constant 0 : i32
      %dma_start3A_102 = arith.constant 0 : i32
      %dma_start3A_103 = tpu.memref_slice %arg4[%dma_start3A_101, %dma_start3A_102] : memref<1000000x64xf32, #tpu.memory_space<hbm>> -> memref<1000000x64xf32, #tpu.memory_space<hbm>>
      tpu.enqueue_indirect_dma source(%dma_start3A_103 : memref<1000000x64xf32, #tpu.memory_space<hbm>>) target(%dma_start3A_98 : memref<128x64xf32, #tpu.memory_space<vmem>>) offsets(%dma_start3A_100 : memref<128xi32, #tpu.memory_space<vmem>>) semaphore(%arg20 : memref<!tpu.dma_semaphore, #tpu.memory_space<semaphore_mem>>)
      %add3A_104 = arith.constant 128 : i32
      %add3A_105 = arith.addi %mul3A_93, %add3A_104 : i32
      %dma_start3A_106 = arith.constant 128 : i32
      %dma_start3A_107 = arith.constant 0 : i32
      %dma_start3A_108 = tpu.memref_slice %arg14[%dma_start3A_106, %dma_start3A_107] : memref<256x64xf32, #tpu.memory_space<vmem>> -> memref<128x64xf32, #tpu.memory_space<vmem>>
      %dma_start3A_109 = tpu.memref_slice %arg10[%shift_right_arithmetic3A_90, %add3A_105] : memref<32x512xi32, #tpu.memory_space<vmem>> -> memref<1x128xi32, #tpu.memory_space<vmem>>
      %dma_start3A_110 = tpu.memref_squeeze %dma_start3A_109 : memref<1x128xi32, #tpu.memory_space<vmem>> -> memref<128xi32, #tpu.memory_space<vmem>>
      %dma_start3A_111 = arith.constant 0 : i32
      %dma_start3A_112 = arith.constant 0 : i32
      %dma_start3A_113 = tpu.memref_slice %arg4[%dma_start3A_111, %dma_start3A_112] : memref<1000000x64xf32, #tpu.memory_space<hbm>> -> memref<1000000x64xf32, #tpu.memory_space<hbm>>
      tpu.enqueue_indirect_dma source(%dma_start3A_113 : memref<1000000x64xf32, #tpu.memory_space<hbm>>) target(%dma_start3A_108 : memref<128x64xf32, #tpu.memory_space<vmem>>) offsets(%dma_start3A_110 : memref<128xi32, #tpu.memory_space<vmem>>) semaphore(%arg20 : memref<!tpu.dma_semaphore, #tpu.memory_space<semaphore_mem>>)
      %shift_right_arithmetic3A_114 = arith.constant 1 : i32
      %shift_right_arithmetic3A_115 = arith.shrsi %add3A_86, %shift_right_arithmetic3A_114 : i32
      %and3A_116 = arith.constant 1 : i32
      %and3A_117 = arith.andi %add3A_86, %and3A_116 : i32
      %mul3A_118 = arith.constant 256 : i32
      %mul3A_119 = arith.muli %and3A_117, %mul3A_118 : i32
      %add3A_120 = arith.constant 0 : i32
      %add3A_121 = arith.addi %mul3A_119, %add3A_120 : i32
      %dma_wait3A = arith.constant 0 : i32
      %dma_wait3A_122 = arith.constant 0 : i32
      %dma_wait3A_123 = tpu.memref_slice %arg11[%dma_wait3A, %dma_wait3A_122] : memref<256x64xf32, #tpu.memory_space<vmem>> -> memref<128x64xf32, #tpu.memory_space<vmem>>
      %dma_wait3A_124 = tpu.memref_slice %arg10[%shift_right_arithmetic3A_115, %add3A_121] : memref<32x512xi32, #tpu.memory_space<vmem>> -> memref<1x128xi32, #tpu.memory_space<vmem>>
      %dma_wait3A_125 = tpu.memref_squeeze %dma_wait3A_124 : memref<1x128xi32, #tpu.memory_space<vmem>> -> memref<128xi32, #tpu.memory_space<vmem>>
      %dma_wait3A_126 = arith.constant 0 : i32
      %dma_wait3A_127 = arith.constant 0 : i32
      %dma_wait3A_128 = tpu.memref_slice %arg4[%dma_wait3A_126, %dma_wait3A_127] : memref<1000000x64xf32, #tpu.memory_space<hbm>> -> memref<1000000x64xf32, #tpu.memory_space<hbm>>
      tpu.wait_indirect_dma semaphore(%arg17 : memref<!tpu.dma_semaphore, #tpu.memory_space<semaphore_mem>>) src(%dma_wait3A_128 : memref<1000000x64xf32, #tpu.memory_space<hbm>>) dst(%dma_wait3A_123 : memref<128x64xf32, #tpu.memory_space<vmem>>)
      %add3A_129 = arith.constant 128 : i32
      %add3A_130 = arith.addi %mul3A_119, %add3A_129 : i32
      %dma_wait3A_131 = arith.constant 128 : i32
      %dma_wait3A_132 = arith.constant 0 : i32
      %dma_wait3A_133 = tpu.memref_slice %arg11[%dma_wait3A_131, %dma_wait3A_132] : memref<256x64xf32, #tpu.memory_space<vmem>> -> memref<128x64xf32, #tpu.memory_space<vmem>>
      %dma_wait3A_134 = tpu.memref_slice %arg10[%shift_right_arithmetic3A_115, %add3A_130] : memref<32x512xi32, #tpu.memory_space<vmem>> -> memref<1x128xi32, #tpu.memory_space<vmem>>
      %dma_wait3A_135 = tpu.memref_squeeze %dma_wait3A_134 : memref<1x128xi32, #tpu.memory_space<vmem>> -> memref<128xi32, #tpu.memory_space<vmem>>
      %dma_wait3A_136 = arith.constant 0 : i32
      %dma_wait3A_137 = arith.constant 0 : i32
      %dma_wait3A_138 = tpu.memref_slice %arg4[%dma_wait3A_136, %dma_wait3A_137] : memref<1000000x64xf32, #tpu.memory_space<hbm>> -> memref<1000000x64xf32, #tpu.memory_space<hbm>>
      tpu.wait_indirect_dma semaphore(%arg17 : memref<!tpu.dma_semaphore, #tpu.memory_space<semaphore_mem>>) src(%dma_wait3A_138 : memref<1000000x64xf32, #tpu.memory_space<hbm>>) dst(%dma_wait3A_133 : memref<128x64xf32, #tpu.memory_space<vmem>>)
      %shift_right_arithmetic3A_139 = arith.constant 1 : i32
      %shift_right_arithmetic3A_140 = arith.shrsi %add3A_86, %shift_right_arithmetic3A_139 : i32
      %and3A_141 = arith.constant 1 : i32
      %and3A_142 = arith.andi %add3A_86, %and3A_141 : i32
      %mul3A_143 = arith.constant 256 : i32
      %mul3A_144 = arith.muli %and3A_142, %mul3A_143 : i32
      %get3A_145 = arith.index_cast %shift_right_arithmetic3A_140 : i32 to index
      %get3A_146 = arith.constant 0 : index
      %get3A_147 = tpu.vector_load %arg8[%get3A_145, %get3A_146] {strides = array<i32>} : memref<32x64xf32, #tpu.memory_space<vmem>>, vector<16xf32>,
      %get3A_148 = arith.index_cast %shift_right_arithmetic3A_140 : i32 to index
      %get3A_149 = arith.constant 16 : index
      %get3A_150 = tpu.vector_load %arg8[%get3A_148, %get3A_149] {strides = array<i32>} : memref<32x64xf32, #tpu.memory_space<vmem>>, vector<16xf32>,
      %get3A_151 = arith.index_cast %shift_right_arithmetic3A_140 : i32 to index
      %get3A_152 = arith.constant 32 : index
      %get3A_153 = tpu.vector_load %arg8[%get3A_151, %get3A_152] {strides = array<i32>} : memref<32x64xf32, #tpu.memory_space<vmem>>, vector<16xf32>,
      %get3A_154 = arith.index_cast %shift_right_arithmetic3A_140 : i32 to index
      %get3A_155 = arith.constant 48 : index
      %get3A_156 = tpu.vector_load %arg8[%get3A_154, %get3A_155] {strides = array<i32>} : memref<32x64xf32, #tpu.memory_space<vmem>>, vector<16xf32>,
      %scan3A_157 = arith.constant 0 : i32
      %scan3A_158 = arith.constant 16 : i32
      %scan3A_159 = arith.addi %scan3A_157, %scan3A_158 : i32
      %scan3A_160 = arith.constant 1 : i32
      %scan3A_161 = scf.for %scan3A_349 = %scan3A_157 to %scan3A_159 step %scan3A_160 iter_args(%scan3A_350 = %scan3A_82) -> (vector<16xf32>)  : i32 {
        %mul3A_351 = arith.constant 16 : i32
        %mul3A_352 = arith.muli %scan3A_349, %mul3A_351 : i32
        %add3A_353 = arith.constant 0 : i32
        %add3A_354 = arith.addi %mul3A_352, %add3A_353 : i32
        %get3A_355 = arith.index_cast %add3A_354 : i32 to index
        %get3A_356 = arith.constant 0 : index
        %get3A_357 = tpu.vector_load %arg11[%get3A_355, %get3A_356] {strides = array<i32>} : memref<256x64xf32, #tpu.memory_space<vmem>>, vector<16xf32>,
        %get3A_358 = arith.index_cast %add3A_354 : i32 to index
        %get3A_359 = arith.constant 16 : index
        %get3A_360 = tpu.vector_load %arg11[%get3A_358, %get3A_359] {strides = array<i32>} : memref<256x64xf32, #tpu.memory_space<vmem>>, vector<16xf32>,
        %get3A_361 = arith.index_cast %add3A_354 : i32 to index
        %get3A_362 = arith.constant 32 : index
        %get3A_363 = tpu.vector_load %arg11[%get3A_361, %get3A_362] {strides = array<i32>} : memref<256x64xf32, #tpu.memory_space<vmem>>, vector<16xf32>,
        %get3A_364 = arith.index_cast %add3A_354 : i32 to index
        %get3A_365 = arith.constant 48 : index
        %get3A_366 = tpu.vector_load %arg11[%get3A_364, %get3A_365] {strides = array<i32>} : memref<256x64xf32, #tpu.memory_space<vmem>>, vector<16xf32>,
        %pack3A = tpu.pack_subelements %get3A_357, %get3A_360 {pack_format = #tpu.pack_format<interleaved>, positions = array<i32: 0, 1>} : vector<16xf32>, vector<16xf32> -> vector<32xbf16>
        %unpack3A = tpu.unpack_subelements %pack3A, 0 {pack_format = #tpu.pack_format<interleaved>} : vector<32xbf16> -> vector<16xf32>
        %unpack3A_367 = tpu.unpack_subelements %pack3A, 1 {pack_format = #tpu.pack_format<interleaved>} : vector<32xbf16> -> vector<16xf32>
        %pack3A_368 = tpu.pack_subelements %get3A_363, %get3A_366 {pack_format = #tpu.pack_format<interleaved>, positions = array<i32: 0, 1>} : vector<16xf32>, vector<16xf32> -> vector<32xbf16>
        %unpack3A_369 = tpu.unpack_subelements %pack3A_368, 0 {pack_format = #tpu.pack_format<interleaved>} : vector<32xbf16> -> vector<16xf32>
        %unpack3A_370 = tpu.unpack_subelements %pack3A_368, 1 {pack_format = #tpu.pack_format<interleaved>} : vector<32xbf16> -> vector<16xf32>
        %mul3A_371 = arith.mulf %unpack3A, %get3A_147 : vector<16xf32>
        %mul3A_372 = arith.mulf %unpack3A_367, %get3A_150 : vector<16xf32>
        %add3A_373 = arith.addf %mul3A_371, %mul3A_372 : vector<16xf32>
        %mul3A_374 = arith.mulf %unpack3A_369, %get3A_153 : vector<16xf32>
        %mul3A_375 = arith.mulf %unpack3A_370, %get3A_156 : vector<16xf32>
        %add3A_376 = arith.addf %mul3A_374, %mul3A_375 : vector<16xf32>
        %add3A_377 = arith.addf %add3A_373, %add3A_376 : vector<16xf32>
        %reduce_sum3A = arith.constant true
        %reduce_sum3A_378 = vector.broadcast %reduce_sum3A : i1 to vector<16xi1>
        %reduce_sum3A_379 = tpu.scan <sum>, %add3A_377 masked %reduce_sum3A_378 : vector<16xf32>, vector<16xi1> -> vector<16xf32>
        %reduce_sum3A_380 = vector.extract %reduce_sum3A_379[15] : f32 from vector<16xf32>
        %mul3A_381 = arith.constant 16 : i32
        %mul3A_382 = arith.muli %scan3A_349, %mul3A_381 : i32
        %add3A_383 = arith.constant 1 : i32
        %add3A_384 = arith.addi %mul3A_382, %add3A_383 : i32
        %get3A_385 = arith.index_cast %add3A_384 : i32 to index
        %get3A_386 = arith.constant 0 : index
        %get3A_387 = tpu.vector_load %arg11[%get3A_385, %get3A_386] {strides = array<i32>} : memref<256x64xf32, #tpu.memory_space<vmem>>, vector<16xf32>,
        %get3A_388 = arith.index_cast %add3A_384 : i32 to index
        %get3A_389 = arith.constant 16 : index
        %get3A_390 = tpu.vector_load %arg11[%get3A_388, %get3A_389] {strides = array<i32>} : memref<256x64xf32, #tpu.memory_space<vmem>>, vector<16xf32>,
        %get3A_391 = arith.index_cast %add3A_384 : i32 to index
        %get3A_392 = arith.constant 32 : index
        %get3A_393 = tpu.vector_load %arg11[%get3A_391, %get3A_392] {strides = array<i32>} : memref<256x64xf32, #tpu.memory_space<vmem>>, vector<16xf32>,
        %get3A_394 = arith.index_cast %add3A_384 : i32 to index
        %get3A_395 = arith.constant 48 : index
        %get3A_396 = tpu.vector_load %arg11[%get3A_394, %get3A_395] {strides = array<i32>} : memref<256x64xf32, #tpu.memory_space<vmem>>, vector<16xf32>,
        %pack3A_397 = tpu.pack_subelements %get3A_387, %get3A_390 {pack_format = #tpu.pack_format<interleaved>, positions = array<i32: 0, 1>} : vector<16xf32>, vector<16xf32> -> vector<32xbf16>
        %unpack3A_398 = tpu.unpack_subelements %pack3A_397, 0 {pack_format = #tpu.pack_format<interleaved>} : vector<32xbf16> -> vector<16xf32>
        %unpack3A_399 = tpu.unpack_subelements %pack3A_397, 1 {pack_format = #tpu.pack_format<interleaved>} : vector<32xbf16> -> vector<16xf32>
        %pack3A_400 = tpu.pack_subelements %get3A_393, %get3A_396 {pack_format = #tpu.pack_format<interleaved>, positions = array<i32: 0, 1>} : vector<16xf32>, vector<16xf32> -> vector<32xbf16>
        %unpack3A_401 = tpu.unpack_subelements %pack3A_400, 0 {pack_format = #tpu.pack_format<interleaved>} : vector<32xbf16> -> vector<16xf32>
        %unpack3A_402 = tpu.unpack_subelements %pack3A_400, 1 {pack_format = #tpu.pack_format<interleaved>} : vector<32xbf16> -> vector<16xf32>
        %mul3A_403 = arith.mulf %unpack3A_398, %get3A_147 : vector<16xf32>
        %mul3A_404 = arith.mulf %unpack3A_399, %get3A_150 : vector<16xf32>
        %add3A_405 = arith.addf %mul3A_403, %mul3A_404 : vector<16xf32>
        %mul3A_406 = arith.mulf %unpack3A_401, %get3A_153 : vector<16xf32>
        %mul3A_407 = arith.mulf %unpack3A_402, %get3A_156 : vector<16xf32>
        %add3A_408 = arith.addf %mul3A_406, %mul3A_407 : vector<16xf32>
        %add3A_409 = arith.addf %add3A_405, %add3A_408 : vector<16xf32>
        %reduce_sum3A_410 = arith.constant true
        %reduce_sum3A_411 = vector.broadcast %reduce_sum3A_410 : i1 to vector<16xi1>
        %reduce_sum3A_412 = tpu.scan <sum>, %add3A_409 masked %reduce_sum3A_411 : vector<16xf32>, vector<16xi1> -> vector<16xf32>
        %reduce_sum3A_413 = vector.extract %reduce_sum3A_412[15] : f32 from vector<16xf32>
        %mul3A_414 = arith.constant 16 : i32
        %mul3A_415 = arith.muli %scan3A_349, %mul3A_414 : i32
        %add3A_416 = arith.constant 2 : i32
        %add3A_417 = arith.addi %mul3A_415, %add3A_416 : i32
        %get3A_418 = arith.index_cast %add3A_417 : i32 to index
        %get3A_419 = arith.constant 0 : index
        %get3A_420 = tpu.vector_load %arg11[%get3A_418, %get3A_419] {strides = array<i32>} : memref<256x64xf32, #tpu.memory_space<vmem>>, vector<16xf32>,
        %get3A_421 = arith.index_cast %add3A_417 : i32 to index
        %get3A_422 = arith.constant 16 : index
        %get3A_423 = tpu.vector_load %arg11[%get3A_421, %get3A_422] {strides = array<i32>} : memref<256x64xf32, #tpu.memory_space<vmem>>, vector<16xf32>,
        %get3A_424 = arith.index_cast %add3A_417 : i32 to index
        %get3A_425 = arith.constant 32 : index
        %get3A_426 = tpu.vector_load %arg11[%get3A_424, %get3A_425] {strides = array<i32>} : memref<256x64xf32, #tpu.memory_space<vmem>>, vector<16xf32>,
        %get3A_427 = arith.index_cast %add3A_417 : i32 to index
        %get3A_428 = arith.constant 48 : index
        %get3A_429 = tpu.vector_load %arg11[%get3A_427, %get3A_428] {strides = array<i32>} : memref<256x64xf32, #tpu.memory_space<vmem>>, vector<16xf32>,
        %pack3A_430 = tpu.pack_subelements %get3A_420, %get3A_423 {pack_format = #tpu.pack_format<interleaved>, positions = array<i32: 0, 1>} : vector<16xf32>, vector<16xf32> -> vector<32xbf16>
        %unpack3A_431 = tpu.unpack_subelements %pack3A_430, 0 {pack_format = #tpu.pack_format<interleaved>} : vector<32xbf16> -> vector<16xf32>
        %unpack3A_432 = tpu.unpack_subelements %pack3A_430, 1 {pack_format = #tpu.pack_format<interleaved>} : vector<32xbf16> -> vector<16xf32>
        %pack3A_433 = tpu.pack_subelements %get3A_426, %get3A_429 {pack_format = #tpu.pack_format<interleaved>, positions = array<i32: 0, 1>} : vector<16xf32>, vector<16xf32> -> vector<32xbf16>
        %unpack3A_434 = tpu.unpack_subelements %pack3A_433, 0 {pack_format = #tpu.pack_format<interleaved>} : vector<32xbf16> -> vector<16xf32>
        %unpack3A_435 = tpu.unpack_subelements %pack3A_433, 1 {pack_format = #tpu.pack_format<interleaved>} : vector<32xbf16> -> vector<16xf32>
        %mul3A_436 = arith.mulf %unpack3A_431, %get3A_147 : vector<16xf32>
        %mul3A_437 = arith.mulf %unpack3A_432, %get3A_150 : vector<16xf32>
        %add3A_438 = arith.addf %mul3A_436, %mul3A_437 : vector<16xf32>
        %mul3A_439 = arith.mulf %unpack3A_434, %get3A_153 : vector<16xf32>
        %mul3A_440 = arith.mulf %unpack3A_435, %get3A_156 : vector<16xf32>
        %add3A_441 = arith.addf %mul3A_439, %mul3A_440 : vector<16xf32>
        %add3A_442 = arith.addf %add3A_438, %add3A_441 : vector<16xf32>
        %reduce_sum3A_443 = arith.constant true
        %reduce_sum3A_444 = vector.broadcast %reduce_sum3A_443 : i1 to vector<16xi1>
        %reduce_sum3A_445 = tpu.scan <sum>, %add3A_442 masked %reduce_sum3A_444 : vector<16xf32>, vector<16xi1> -> vector<16xf32>
        %reduce_sum3A_446 = vector.extract %reduce_sum3A_445[15] : f32 from vector<16xf32>
        %mul3A_447 = arith.constant 16 : i32
        %mul3A_448 = arith.muli %scan3A_349, %mul3A_447 : i32
        %add3A_449 = arith.constant 3 : i32
        %add3A_450 = arith.addi %mul3A_448, %add3A_449 : i32
        %get3A_451 = arith.index_cast %add3A_450 : i32 to index
        %get3A_452 = arith.constant 0 : index
        %get3A_453 = tpu.vector_load %arg11[%get3A_451, %get3A_452] {strides = array<i32>} : memref<256x64xf32, #tpu.memory_space<vmem>>, vector<16xf32>,
        %get3A_454 = arith.index_cast %add3A_450 : i32 to index
        %get3A_455 = arith.constant 16 : index
        %get3A_456 = tpu.vector_load %arg11[%get3A_454, %get3A_455] {strides = array<i32>} : memref<256x64xf32, #tpu.memory_space<vmem>>, vector<16xf32>,
        %get3A_457 = arith.index_cast %add3A_450 : i32 to index
        %get3A_458 = arith.constant 32 : index
        %get3A_459 = tpu.vector_load %arg11[%get3A_457, %get3A_458] {strides = array<i32>} : memref<256x64xf32, #tpu.memory_space<vmem>>, vector<16xf32>,
        %get3A_460 = arith.index_cast %add3A_450 : i32 to index
        %get3A_461 = arith.constant 48 : index
        %get3A_462 = tpu.vector_load %arg11[%get3A_460, %get3A_461] {strides = array<i32>} : memref<256x64xf32, #tpu.memory_space<vmem>>, vector<16xf32>,
        %pack3A_463 = tpu.pack_subelements %get3A_453, %get3A_456 {pack_format = #tpu.pack_format<interleaved>, positions = array<i32: 0, 1>} : vector<16xf32>, vector<16xf32> -> vector<32xbf16>
        %unpack3A_464 = tpu.unpack_subelements %pack3A_463, 0 {pack_format = #tpu.pack_format<interleaved>} : vector<32xbf16> -> vector<16xf32>
        %unpack3A_465 = tpu.unpack_subelements %pack3A_463, 1 {pack_format = #tpu.pack_format<interleaved>} : vector<32xbf16> -> vector<16xf32>
        %pack3A_466 = tpu.pack_subelements %get3A_459, %get3A_462 {pack_format = #tpu.pack_format<interleaved>, positions = array<i32: 0, 1>} : vector<16xf32>, vector<16xf32> -> vector<32xbf16>
        %unpack3A_467 = tpu.unpack_subelements %pack3A_466, 0 {pack_format = #tpu.pack_format<interleaved>} : vector<32xbf16> -> vector<16xf32>
        %unpack3A_468 = tpu.unpack_subelements %pack3A_466, 1 {pack_format = #tpu.pack_format<interleaved>} : vector<32xbf16> -> vector<16xf32>
        %mul3A_469 = arith.mulf %unpack3A_464, %get3A_147 : vector<16xf32>
        %mul3A_470 = arith.mulf %unpack3A_465, %get3A_150 : vector<16xf32>
        %add3A_471 = arith.addf %mul3A_469, %mul3A_470 : vector<16xf32>
        %mul3A_472 = arith.mulf %unpack3A_467, %get3A_153 : vector<16xf32>
        %mul3A_473 = arith.mulf %unpack3A_468, %get3A_156 : vector<16xf32>
        %add3A_474 = arith.addf %mul3A_472, %mul3A_473 : vector<16xf32>
        %add3A_475 = arith.addf %add3A_471, %add3A_474 : vector<16xf32>
        %reduce_sum3A_476 = arith.constant true
        %reduce_sum3A_477 = vector.broadcast %reduce_sum3A_476 : i1 to vector<16xi1>
        %reduce_sum3A_478 = tpu.scan <sum>, %add3A_475 masked %reduce_sum3A_477 : vector<16xf32>, vector<16xi1> -> vector<16xf32>
        %reduce_sum3A_479 = vector.extract %reduce_sum3A_478[15] : f32 from vector<16xf32>
        %mul3A_480 = arith.constant 16 : i32
        %mul3A_481 = arith.muli %scan3A_349, %mul3A_480 : i32
        %add3A_482 = arith.constant 4 : i32
        %add3A_483 = arith.addi %mul3A_481, %add3A_482 : i32
        %get3A_484 = arith.index_cast %add3A_483 : i32 to index
        %get3A_485 = arith.constant 0 : index
        %get3A_486 = tpu.vector_load %arg11[%get3A_484, %get3A_485] {strides = array<i32>} : memref<256x64xf32, #tpu.memory_space<vmem>>, vector<16xf32>,
        %get3A_487 = arith.index_cast %add3A_483 : i32 to index
        %get3A_488 = arith.constant 16 : index
        %get3A_489 = tpu.vector_load %arg11[%get3A_487, %get3A_488] {strides = array<i32>} : memref<256x64xf32, #tpu.memory_space<vmem>>, vector<16xf32>,
        %get3A_490 = arith.index_cast %add3A_483 : i32 to index
        %get3A_491 = arith.constant 32 : index
        %get3A_492 = tpu.vector_load %arg11[%get3A_490, %get3A_491] {strides = array<i32>} : memref<256x64xf32, #tpu.memory_space<vmem>>, vector<16xf32>,
        %get3A_493 = arith.index_cast %add3A_483 : i32 to index
        %get3A_494 = arith.constant 48 : index
        %get3A_495 = tpu.vector_load %arg11[%get3A_493, %get3A_494] {strides = array<i32>} : memref<256x64xf32, #tpu.memory_space<vmem>>, vector<16xf32>,
        %pack3A_496 = tpu.pack_subelements %get3A_486, %get3A_489 {pack_format = #tpu.pack_format<interleaved>, positions = array<i32: 0, 1>} : vector<16xf32>, vector<16xf32> -> vector<32xbf16>
        %unpack3A_497 = tpu.unpack_subelements %pack3A_496, 0 {pack_format = #tpu.pack_format<interleaved>} : vector<32xbf16> -> vector<16xf32>
        %unpack3A_498 = tpu.unpack_subelements %pack3A_496, 1 {pack_format = #tpu.pack_format<interleaved>} : vector<32xbf16> -> vector<16xf32>
        %pack3A_499 = tpu.pack_subelements %get3A_492, %get3A_495 {pack_format = #tpu.pack_format<interleaved>, positions = array<i32: 0, 1>} : vector<16xf32>, vector<16xf32> -> vector<32xbf16>
        %unpack3A_500 = tpu.unpack_subelements %pack3A_499, 0 {pack_format = #tpu.pack_format<interleaved>} : vector<32xbf16> -> vector<16xf32>
        %unpack3A_501 = tpu.unpack_subelements %pack3A_499, 1 {pack_format = #tpu.pack_format<interleaved>} : vector<32xbf16> -> vector<16xf32>
        %mul3A_502 = arith.mulf %unpack3A_497, %get3A_147 : vector<16xf32>
        %mul3A_503 = arith.mulf %unpack3A_498, %get3A_150 : vector<16xf32>
        %add3A_504 = arith.addf %mul3A_502, %mul3A_503 : vector<16xf32>
        %mul3A_505 = arith.mulf %unpack3A_500, %get3A_153 : vector<16xf32>
        %mul3A_506 = arith.mulf %unpack3A_501, %get3A_156 : vector<16xf32>
        %add3A_507 = arith.addf %mul3A_505, %mul3A_506 : vector<16xf32>
        %add3A_508 = arith.addf %add3A_504, %add3A_507 : vector<16xf32>
        %reduce_sum3A_509 = arith.constant true
        %reduce_sum3A_510 = vector.broadcast %reduce_sum3A_509 : i1 to vector<16xi1>
        %reduce_sum3A_511 = tpu.scan <sum>, %add3A_508 masked %reduce_sum3A_510 : vector<16xf32>, vector<16xi1> -> vector<16xf32>
        %reduce_sum3A_512 = vector.extract %reduce_sum3A_511[15] : f32 from vector<16xf32>
        %mul3A_513 = arith.constant 16 : i32
        %mul3A_514 = arith.muli %scan3A_349, %mul3A_513 : i32
        %add3A_515 = arith.constant 5 : i32
        %add3A_516 = arith.addi %mul3A_514, %add3A_515 : i32
        %get3A_517 = arith.index_cast %add3A_516 : i32 to index
        %get3A_518 = arith.constant 0 : index
        %get3A_519 = tpu.vector_load %arg11[%get3A_517, %get3A_518] {strides = array<i32>} : memref<256x64xf32, #tpu.memory_space<vmem>>, vector<16xf32>,
        %get3A_520 = arith.index_cast %add3A_516 : i32 to index
        %get3A_521 = arith.constant 16 : index
        %get3A_522 = tpu.vector_load %arg11[%get3A_520, %get3A_521] {strides = array<i32>} : memref<256x64xf32, #tpu.memory_space<vmem>>, vector<16xf32>,
        %get3A_523 = arith.index_cast %add3A_516 : i32 to index
        %get3A_524 = arith.constant 32 : index
        %get3A_525 = tpu.vector_load %arg11[%get3A_523, %get3A_524] {strides = array<i32>} : memref<256x64xf32, #tpu.memory_space<vmem>>, vector<16xf32>,
        %get3A_526 = arith.index_cast %add3A_516 : i32 to index
        %get3A_527 = arith.constant 48 : index
        %get3A_528 = tpu.vector_load %arg11[%get3A_526, %get3A_527] {strides = array<i32>} : memref<256x64xf32, #tpu.memory_space<vmem>>, vector<16xf32>,
        %pack3A_529 = tpu.pack_subelements %get3A_519, %get3A_522 {pack_format = #tpu.pack_format<interleaved>, positions = array<i32: 0, 1>} : vector<16xf32>, vector<16xf32> -> vector<32xbf16>
        %unpack3A_530 = tpu.unpack_subelements %pack3A_529, 0 {pack_format = #tpu.pack_format<interleaved>} : vector<32xbf16> -> vector<16xf32>
        %unpack3A_531 = tpu.unpack_subelements %pack3A_529, 1 {pack_format = #tpu.pack_format<interleaved>} : vector<32xbf16> -> vector<16xf32>
        %pack3A_532 = tpu.pack_subelements %get3A_525, %get3A_528 {pack_format = #tpu.pack_format<interleaved>, positions = array<i32: 0, 1>} : vector<16xf32>, vector<16xf32> -> vector<32xbf16>
        %unpack3A_533 = tpu.unpack_subelements %pack3A_532, 0 {pack_format = #tpu.pack_format<interleaved>} : vector<32xbf16> -> vector<16xf32>
        %unpack3A_534 = tpu.unpack_subelements %pack3A_532, 1 {pack_format = #tpu.pack_format<interleaved>} : vector<32xbf16> -> vector<16xf32>
        %mul3A_535 = arith.mulf %unpack3A_530, %get3A_147 : vector<16xf32>
        %mul3A_536 = arith.mulf %unpack3A_531, %get3A_150 : vector<16xf32>
        %add3A_537 = arith.addf %mul3A_535, %mul3A_536 : vector<16xf32>
        %mul3A_538 = arith.mulf %unpack3A_533, %get3A_153 : vector<16xf32>
        %mul3A_539 = arith.mulf %unpack3A_534, %get3A_156 : vector<16xf32>
        %add3A_540 = arith.addf %mul3A_538, %mul3A_539 : vector<16xf32>
        %add3A_541 = arith.addf %add3A_537, %add3A_540 : vector<16xf32>
        %reduce_sum3A_542 = arith.constant true
        %reduce_sum3A_543 = vector.broadcast %reduce_sum3A_542 : i1 to vector<16xi1>
        %reduce_sum3A_544 = tpu.scan <sum>, %add3A_541 masked %reduce_sum3A_543 : vector<16xf32>, vector<16xi1> -> vector<16xf32>
        %reduce_sum3A_545 = vector.extract %reduce_sum3A_544[15] : f32 from vector<16xf32>
        %mul3A_546 = arith.constant 16 : i32
        %mul3A_547 = arith.muli %scan3A_349, %mul3A_546 : i32
        %add3A_548 = arith.constant 6 : i32
        %add3A_549 = arith.addi %mul3A_547, %add3A_548 : i32
        %get3A_550 = arith.index_cast %add3A_549 : i32 to index
        %get3A_551 = arith.constant 0 : index
        %get3A_552 = tpu.vector_load %arg11[%get3A_550, %get3A_551] {strides = array<i32>} : memref<256x64xf32, #tpu.memory_space<vmem>>, vector<16xf32>,
        %get3A_553 = arith.index_cast %add3A_549 : i32 to index
        %get3A_554 = arith.constant 16 : index
        %get3A_555 = tpu.vector_load %arg11[%get3A_553, %get3A_554] {strides = array<i32>} : memref<256x64xf32, #tpu.memory_space<vmem>>, vector<16xf32>,
        %get3A_556 = arith.index_cast %add3A_549 : i32 to index
        %get3A_557 = arith.constant 32 : index
        %get3A_558 = tpu.vector_load %arg11[%get3A_556, %get3A_557] {strides = array<i32>} : memref<256x64xf32, #tpu.memory_space<vmem>>, vector<16xf32>,
        %get3A_559 = arith.index_cast %add3A_549 : i32 to index
        %get3A_560 = arith.constant 48 : index
        %get3A_561 = tpu.vector_load %arg11[%get3A_559, %get3A_560] {strides = array<i32>} : memref<256x64xf32, #tpu.memory_space<vmem>>, vector<16xf32>,
        %pack3A_562 = tpu.pack_subelements %get3A_552, %get3A_555 {pack_format = #tpu.pack_format<interleaved>, positions = array<i32: 0, 1>} : vector<16xf32>, vector<16xf32> -> vector<32xbf16>
        %unpack3A_563 = tpu.unpack_subelements %pack3A_562, 0 {pack_format = #tpu.pack_format<interleaved>} : vector<32xbf16> -> vector<16xf32>
        %unpack3A_564 = tpu.unpack_subelements %pack3A_562, 1 {pack_format = #tpu.pack_format<interleaved>} : vector<32xbf16> -> vector<16xf32>
        %pack3A_565 = tpu.pack_subelements %get3A_558, %get3A_561 {pack_format = #tpu.pack_format<interleaved>, positions = array<i32: 0, 1>} : vector<16xf32>, vector<16xf32> -> vector<32xbf16>
        %unpack3A_566 = tpu.unpack_subelements %pack3A_565, 0 {pack_format = #tpu.pack_format<interleaved>} : vector<32xbf16> -> vector<16xf32>
        %unpack3A_567 = tpu.unpack_subelements %pack3A_565, 1 {pack_format = #tpu.pack_format<interleaved>} : vector<32xbf16> -> vector<16xf32>
        %mul3A_568 = arith.mulf %unpack3A_563, %get3A_147 : vector<16xf32>
        %mul3A_569 = arith.mulf %unpack3A_564, %get3A_150 : vector<16xf32>
        %add3A_570 = arith.addf %mul3A_568, %mul3A_569 : vector<16xf32>
        %mul3A_571 = arith.mulf %unpack3A_566, %get3A_153 : vector<16xf32>
        %mul3A_572 = arith.mulf %unpack3A_567, %get3A_156 : vector<16xf32>
        %add3A_573 = arith.addf %mul3A_571, %mul3A_572 : vector<16xf32>
        %add3A_574 = arith.addf %add3A_570, %add3A_573 : vector<16xf32>
        %reduce_sum3A_575 = arith.constant true
        %reduce_sum3A_576 = vector.broadcast %reduce_sum3A_575 : i1 to vector<16xi1>
        %reduce_sum3A_577 = tpu.scan <sum>, %add3A_574 masked %reduce_sum3A_576 : vector<16xf32>, vector<16xi1> -> vector<16xf32>
        %reduce_sum3A_578 = vector.extract %reduce_sum3A_577[15] : f32 from vector<16xf32>
        %mul3A_579 = arith.constant 16 : i32
        %mul3A_580 = arith.muli %scan3A_349, %mul3A_579 : i32
        %add3A_581 = arith.constant 7 : i32
        %add3A_582 = arith.addi %mul3A_580, %add3A_581 : i32
        %get3A_583 = arith.index_cast %add3A_582 : i32 to index
        %get3A_584 = arith.constant 0 : index
        %get3A_585 = tpu.vector_load %arg11[%get3A_583, %get3A_584] {strides = array<i32>} : memref<256x64xf32, #tpu.memory_space<vmem>>, vector<16xf32>,
        %get3A_586 = arith.index_cast %add3A_582 : i32 to index
        %get3A_587 = arith.constant 16 : index
        %get3A_588 = tpu.vector_load %arg11[%get3A_586, %get3A_587] {strides = array<i32>} : memref<256x64xf32, #tpu.memory_space<vmem>>, vector<16xf32>,
        %get3A_589 = arith.index_cast %add3A_582 : i32 to index
        %get3A_590 = arith.constant 32 : index
        %get3A_591 = tpu.vector_load %arg11[%get3A_589, %get3A_590] {strides = array<i32>} : memref<256x64xf32, #tpu.memory_space<vmem>>, vector<16xf32>,
        %get3A_592 = arith.index_cast %add3A_582 : i32 to index
        %get3A_593 = arith.constant 48 : index
        %get3A_594 = tpu.vector_load %arg11[%get3A_592, %get3A_593] {strides = array<i32>} : memref<256x64xf32, #tpu.memory_space<vmem>>, vector<16xf32>,
        %pack3A_595 = tpu.pack_subelements %get3A_585, %get3A_588 {pack_format = #tpu.pack_format<interleaved>, positions = array<i32: 0, 1>} : vector<16xf32>, vector<16xf32> -> vector<32xbf16>
        %unpack3A_596 = tpu.unpack_subelements %pack3A_595, 0 {pack_format = #tpu.pack_format<interleaved>} : vector<32xbf16> -> vector<16xf32>
        %unpack3A_597 = tpu.unpack_subelements %pack3A_595, 1 {pack_format = #tpu.pack_format<interleaved>} : vector<32xbf16> -> vector<16xf32>
        %pack3A_598 = tpu.pack_subelements %get3A_591, %get3A_594 {pack_format = #tpu.pack_format<interleaved>, positions = array<i32: 0, 1>} : vector<16xf32>, vector<16xf32> -> vector<32xbf16>
        %unpack3A_599 = tpu.unpack_subelements %pack3A_598, 0 {pack_format = #tpu.pack_format<interleaved>} : vector<32xbf16> -> vector<16xf32>
        %unpack3A_600 = tpu.unpack_subelements %pack3A_598, 1 {pack_format = #tpu.pack_format<interleaved>} : vector<32xbf16> -> vector<16xf32>
        %mul3A_601 = arith.mulf %unpack3A_596, %get3A_147 : vector<16xf32>
        %mul3A_602 = arith.mulf %unpack3A_597, %get3A_150 : vector<16xf32>
        %add3A_603 = arith.addf %mul3A_601, %mul3A_602 : vector<16xf32>
        %mul3A_604 = arith.mulf %unpack3A_599, %get3A_153 : vector<16xf32>
        %mul3A_605 = arith.mulf %unpack3A_600, %get3A_156 : vector<16xf32>
        %add3A_606 = arith.addf %mul3A_604, %mul3A_605 : vector<16xf32>
        %add3A_607 = arith.addf %add3A_603, %add3A_606 : vector<16xf32>
        %reduce_sum3A_608 = arith.constant true
        %reduce_sum3A_609 = vector.broadcast %reduce_sum3A_608 : i1 to vector<16xi1>
        %reduce_sum3A_610 = tpu.scan <sum>, %add3A_607 masked %reduce_sum3A_609 : vector<16xf32>, vector<16xi1> -> vector<16xf32>
        %reduce_sum3A_611 = vector.extract %reduce_sum3A_610[15] : f32 from vector<16xf32>
        %mul3A_612 = arith.constant 16 : i32
        %mul3A_613 = arith.muli %scan3A_349, %mul3A_612 : i32
        %add3A_614 = arith.constant 8 : i32
        %add3A_615 = arith.addi %mul3A_613, %add3A_614 : i32
        %get3A_616 = arith.index_cast %add3A_615 : i32 to index
        %get3A_617 = arith.constant 0 : index
        %get3A_618 = tpu.vector_load %arg11[%get3A_616, %get3A_617] {strides = array<i32>} : memref<256x64xf32, #tpu.memory_space<vmem>>, vector<16xf32>,
        %get3A_619 = arith.index_cast %add3A_615 : i32 to index
        %get3A_620 = arith.constant 16 : index
        %get3A_621 = tpu.vector_load %arg11[%get3A_619, %get3A_620] {strides = array<i32>} : memref<256x64xf32, #tpu.memory_space<vmem>>, vector<16xf32>,
        %get3A_622 = arith.index_cast %add3A_615 : i32 to index
        %get3A_623 = arith.constant 32 : index
        %get3A_624 = tpu.vector_load %arg11[%get3A_622, %get3A_623] {strides = array<i32>} : memref<256x64xf32, #tpu.memory_space<vmem>>, vector<16xf32>,
        %get3A_625 = arith.index_cast %add3A_615 : i32 to index
        %get3A_626 = arith.constant 48 : index
        %get3A_627 = tpu.vector_load %arg11[%get3A_625, %get3A_626] {strides = array<i32>} : memref<256x64xf32, #tpu.memory_space<vmem>>, vector<16xf32>,
        %pack3A_628 = tpu.pack_subelements %get3A_618, %get3A_621 {pack_format = #tpu.pack_format<interleaved>, positions = array<i32: 0, 1>} : vector<16xf32>, vector<16xf32> -> vector<32xbf16>
        %unpack3A_629 = tpu.unpack_subelements %pack3A_628, 0 {pack_format = #tpu.pack_format<interleaved>} : vector<32xbf16> -> vector<16xf32>
        %unpack3A_630 = tpu.unpack_subelements %pack3A_628, 1 {pack_format = #tpu.pack_format<interleaved>} : vector<32xbf16> -> vector<16xf32>
        %pack3A_631 = tpu.pack_subelements %get3A_624, %get3A_627 {pack_format = #tpu.pack_format<interleaved>, positions = array<i32: 0, 1>} : vector<16xf32>, vector<16xf32> -> vector<32xbf16>
        %unpack3A_632 = tpu.unpack_subelements %pack3A_631, 0 {pack_format = #tpu.pack_format<interleaved>} : vector<32xbf16> -> vector<16xf32>
        %unpack3A_633 = tpu.unpack_subelements %pack3A_631, 1 {pack_format = #tpu.pack_format<interleaved>} : vector<32xbf16> -> vector<16xf32>
        %mul3A_634 = arith.mulf %unpack3A_629, %get3A_147 : vector<16xf32>
        %mul3A_635 = arith.mulf %unpack3A_630, %get3A_150 : vector<16xf32>
        %add3A_636 = arith.addf %mul3A_634, %mul3A_635 : vector<16xf32>
        %mul3A_637 = arith.mulf %unpack3A_632, %get3A_153 : vector<16xf32>
        %mul3A_638 = arith.mulf %unpack3A_633, %get3A_156 : vector<16xf32>
        %add3A_639 = arith.addf %mul3A_637, %mul3A_638 : vector<16xf32>
        %add3A_640 = arith.addf %add3A_636, %add3A_639 : vector<16xf32>
        %reduce_sum3A_641 = arith.constant true
        %reduce_sum3A_642 = vector.broadcast %reduce_sum3A_641 : i1 to vector<16xi1>
        %reduce_sum3A_643 = tpu.scan <sum>, %add3A_640 masked %reduce_sum3A_642 : vector<16xf32>, vector<16xi1> -> vector<16xf32>
        %reduce_sum3A_644 = vector.extract %reduce_sum3A_643[15] : f32 from vector<16xf32>
        %mul3A_645 = arith.constant 16 : i32
        %mul3A_646 = arith.muli %scan3A_349, %mul3A_645 : i32
        %add3A_647 = arith.constant 9 : i32
        %add3A_648 = arith.addi %mul3A_646, %add3A_647 : i32
        %get3A_649 = arith.index_cast %add3A_648 : i32 to index
        %get3A_650 = arith.constant 0 : index
        %get3A_651 = tpu.vector_load %arg11[%get3A_649, %get3A_650] {strides = array<i32>} : memref<256x64xf32, #tpu.memory_space<vmem>>, vector<16xf32>,
        %get3A_652 = arith.index_cast %add3A_648 : i32 to index
        %get3A_653 = arith.constant 16 : index
        %get3A_654 = tpu.vector_load %arg11[%get3A_652, %get3A_653] {strides = array<i32>} : memref<256x64xf32, #tpu.memory_space<vmem>>, vector<16xf32>,
        %get3A_655 = arith.index_cast %add3A_648 : i32 to index
        %get3A_656 = arith.constant 32 : index
        %get3A_657 = tpu.vector_load %arg11[%get3A_655, %get3A_656] {strides = array<i32>} : memref<256x64xf32, #tpu.memory_space<vmem>>, vector<16xf32>,
        %get3A_658 = arith.index_cast %add3A_648 : i32 to index
        %get3A_659 = arith.constant 48 : index
        %get3A_660 = tpu.vector_load %arg11[%get3A_658, %get3A_659] {strides = array<i32>} : memref<256x64xf32, #tpu.memory_space<vmem>>, vector<16xf32>,
        %pack3A_661 = tpu.pack_subelements %get3A_651, %get3A_654 {pack_format = #tpu.pack_format<interleaved>, positions = array<i32: 0, 1>} : vector<16xf32>, vector<16xf32> -> vector<32xbf16>
        %unpack3A_662 = tpu.unpack_subelements %pack3A_661, 0 {pack_format = #tpu.pack_format<interleaved>} : vector<32xbf16> -> vector<16xf32>
        %unpack3A_663 = tpu.unpack_subelements %pack3A_661, 1 {pack_format = #tpu.pack_format<interleaved>} : vector<32xbf16> -> vector<16xf32>
        %pack3A_664 = tpu.pack_subelements %get3A_657, %get3A_660 {pack_format = #tpu.pack_format<interleaved>, positions = array<i32: 0, 1>} : vector<16xf32>, vector<16xf32> -> vector<32xbf16>
        %unpack3A_665 = tpu.unpack_subelements %pack3A_664, 0 {pack_format = #tpu.pack_format<interleaved>} : vector<32xbf16> -> vector<16xf32>
        %unpack3A_666 = tpu.unpack_subelements %pack3A_664, 1 {pack_format = #tpu.pack_format<interleaved>} : vector<32xbf16> -> vector<16xf32>
        %mul3A_667 = arith.mulf %unpack3A_662, %get3A_147 : vector<16xf32>
        %mul3A_668 = arith.mulf %unpack3A_663, %get3A_150 : vector<16xf32>
        %add3A_669 = arith.addf %mul3A_667, %mul3A_668 : vector<16xf32>
        %mul3A_670 = arith.mulf %unpack3A_665, %get3A_153 : vector<16xf32>
        %mul3A_671 = arith.mulf %unpack3A_666, %get3A_156 : vector<16xf32>
        %add3A_672 = arith.addf %mul3A_670, %mul3A_671 : vector<16xf32>
        %add3A_673 = arith.addf %add3A_669, %add3A_672 : vector<16xf32>
        %reduce_sum3A_674 = arith.constant true
        %reduce_sum3A_675 = vector.broadcast %reduce_sum3A_674 : i1 to vector<16xi1>
        %reduce_sum3A_676 = tpu.scan <sum>, %add3A_673 masked %reduce_sum3A_675 : vector<16xf32>, vector<16xi1> -> vector<16xf32>
        %reduce_sum3A_677 = vector.extract %reduce_sum3A_676[15] : f32 from vector<16xf32>
        %mul3A_678 = arith.constant 16 : i32
        %mul3A_679 = arith.muli %scan3A_349, %mul3A_678 : i32
        %add3A_680 = arith.constant 10 : i32
        %add3A_681 = arith.addi %mul3A_679, %add3A_680 : i32
        %get3A_682 = arith.index_cast %add3A_681 : i32 to index
        %get3A_683 = arith.constant 0 : index
        %get3A_684 = tpu.vector_load %arg11[%get3A_682, %get3A_683] {strides = array<i32>} : memref<256x64xf32, #tpu.memory_space<vmem>>, vector<16xf32>,
        %get3A_685 = arith.index_cast %add3A_681 : i32 to index
        %get3A_686 = arith.constant 16 : index
        %get3A_687 = tpu.vector_load %arg11[%get3A_685, %get3A_686] {strides = array<i32>} : memref<256x64xf32, #tpu.memory_space<vmem>>, vector<16xf32>,
        %get3A_688 = arith.index_cast %add3A_681 : i32 to index
        %get3A_689 = arith.constant 32 : index
        %get3A_690 = tpu.vector_load %arg11[%get3A_688, %get3A_689] {strides = array<i32>} : memref<256x64xf32, #tpu.memory_space<vmem>>, vector<16xf32>,
        %get3A_691 = arith.index_cast %add3A_681 : i32 to index
        %get3A_692 = arith.constant 48 : index
        %get3A_693 = tpu.vector_load %arg11[%get3A_691, %get3A_692] {strides = array<i32>} : memref<256x64xf32, #tpu.memory_space<vmem>>, vector<16xf32>,
        %pack3A_694 = tpu.pack_subelements %get3A_684, %get3A_687 {pack_format = #tpu.pack_format<interleaved>, positions = array<i32: 0, 1>} : vector<16xf32>, vector<16xf32> -> vector<32xbf16>
        %unpack3A_695 = tpu.unpack_subelements %pack3A_694, 0 {pack_format = #tpu.pack_format<interleaved>} : vector<32xbf16> -> vector<16xf32>
        %unpack3A_696 = tpu.unpack_subelements %pack3A_694, 1 {pack_format = #tpu.pack_format<interleaved>} : vector<32xbf16> -> vector<16xf32>
        %pack3A_697 = tpu.pack_subelements %get3A_690, %get3A_693 {pack_format = #tpu.pack_format<interleaved>, positions = array<i32: 0, 1>} : vector<16xf32>, vector<16xf32> -> vector<32xbf16>
        %unpack3A_698 = tpu.unpack_subelements %pack3A_697, 0 {pack_format = #tpu.pack_format<interleaved>} : vector<32xbf16> -> vector<16xf32>
        %unpack3A_699 = tpu.unpack_subelements %pack3A_697, 1 {pack_format = #tpu.pack_format<interleaved>} : vector<32xbf16> -> vector<16xf32>
        %mul3A_700 = arith.mulf %unpack3A_695, %get3A_147 : vector<16xf32>
        %mul3A_701 = arith.mulf %unpack3A_696, %get3A_150 : vector<16xf32>
        %add3A_702 = arith.addf %mul3A_700, %mul3A_701 : vector<16xf32>
        %mul3A_703 = arith.mulf %unpack3A_698, %get3A_153 : vector<16xf32>
        %mul3A_704 = arith.mulf %unpack3A_699, %get3A_156 : vector<16xf32>
        %add3A_705 = arith.addf %mul3A_703, %mul3A_704 : vector<16xf32>
        %add3A_706 = arith.addf %add3A_702, %add3A_705 : vector<16xf32>
        %reduce_sum3A_707 = arith.constant true
        %reduce_sum3A_708 = vector.broadcast %reduce_sum3A_707 : i1 to vector<16xi1>
        %reduce_sum3A_709 = tpu.scan <sum>, %add3A_706 masked %reduce_sum3A_708 : vector<16xf32>, vector<16xi1> -> vector<16xf32>
        %reduce_sum3A_710 = vector.extract %reduce_sum3A_709[15] : f32 from vector<16xf32>
        %mul3A_711 = arith.constant 16 : i32
        %mul3A_712 = arith.muli %scan3A_349, %mul3A_711 : i32
        %add3A_713 = arith.constant 11 : i32
        %add3A_714 = arith.addi %mul3A_712, %add3A_713 : i32
        %get3A_715 = arith.index_cast %add3A_714 : i32 to index
        %get3A_716 = arith.constant 0 : index
        %get3A_717 = tpu.vector_load %arg11[%get3A_715, %get3A_716] {strides = array<i32>} : memref<256x64xf32, #tpu.memory_space<vmem>>, vector<16xf32>,
        %get3A_718 = arith.index_cast %add3A_714 : i32 to index
        %get3A_719 = arith.constant 16 : index
        %get3A_720 = tpu.vector_load %arg11[%get3A_718, %get3A_719] {strides = array<i32>} : memref<256x64xf32, #tpu.memory_space<vmem>>, vector<16xf32>,
        %get3A_721 = arith.index_cast %add3A_714 : i32 to index
        %get3A_722 = arith.constant 32 : index
        %get3A_723 = tpu.vector_load %arg11[%get3A_721, %get3A_722] {strides = array<i32>} : memref<256x64xf32, #tpu.memory_space<vmem>>, vector<16xf32>,
        %get3A_724 = arith.index_cast %add3A_714 : i32 to index
        %get3A_725 = arith.constant 48 : index
        %get3A_726 = tpu.vector_load %arg11[%get3A_724, %get3A_725] {strides = array<i32>} : memref<256x64xf32, #tpu.memory_space<vmem>>, vector<16xf32>,
        %pack3A_727 = tpu.pack_subelements %get3A_717, %get3A_720 {pack_format = #tpu.pack_format<interleaved>, positions = array<i32: 0, 1>} : vector<16xf32>, vector<16xf32> -> vector<32xbf16>
        %unpack3A_728 = tpu.unpack_subelements %pack3A_727, 0 {pack_format = #tpu.pack_format<interleaved>} : vector<32xbf16> -> vector<16xf32>
        %unpack3A_729 = tpu.unpack_subelements %pack3A_727, 1 {pack_format = #tpu.pack_format<interleaved>} : vector<32xbf16> -> vector<16xf32>
        %pack3A_730 = tpu.pack_subelements %get3A_723, %get3A_726 {pack_format = #tpu.pack_format<interleaved>, positions = array<i32: 0, 1>} : vector<16xf32>, vector<16xf32> -> vector<32xbf16>
        %unpack3A_731 = tpu.unpack_subelements %pack3A_730, 0 {pack_format = #tpu.pack_format<interleaved>} : vector<32xbf16> -> vector<16xf32>
        %unpack3A_732 = tpu.unpack_subelements %pack3A_730, 1 {pack_format = #tpu.pack_format<interleaved>} : vector<32xbf16> -> vector<16xf32>
        %mul3A_733 = arith.mulf %unpack3A_728, %get3A_147 : vector<16xf32>
        %mul3A_734 = arith.mulf %unpack3A_729, %get3A_150 : vector<16xf32>
        %add3A_735 = arith.addf %mul3A_733, %mul3A_734 : vector<16xf32>
        %mul3A_736 = arith.mulf %unpack3A_731, %get3A_153 : vector<16xf32>
        %mul3A_737 = arith.mulf %unpack3A_732, %get3A_156 : vector<16xf32>
        %add3A_738 = arith.addf %mul3A_736, %mul3A_737 : vector<16xf32>
        %add3A_739 = arith.addf %add3A_735, %add3A_738 : vector<16xf32>
        %reduce_sum3A_740 = arith.constant true
        %reduce_sum3A_741 = vector.broadcast %reduce_sum3A_740 : i1 to vector<16xi1>
        %reduce_sum3A_742 = tpu.scan <sum>, %add3A_739 masked %reduce_sum3A_741 : vector<16xf32>, vector<16xi1> -> vector<16xf32>
        %reduce_sum3A_743 = vector.extract %reduce_sum3A_742[15] : f32 from vector<16xf32>
        %mul3A_744 = arith.constant 16 : i32
        %mul3A_745 = arith.muli %scan3A_349, %mul3A_744 : i32
        %add3A_746 = arith.constant 12 : i32
        %add3A_747 = arith.addi %mul3A_745, %add3A_746 : i32
        %get3A_748 = arith.index_cast %add3A_747 : i32 to index
        %get3A_749 = arith.constant 0 : index
        %get3A_750 = tpu.vector_load %arg11[%get3A_748, %get3A_749] {strides = array<i32>} : memref<256x64xf32, #tpu.memory_space<vmem>>, vector<16xf32>,
        %get3A_751 = arith.index_cast %add3A_747 : i32 to index
        %get3A_752 = arith.constant 16 : index
        %get3A_753 = tpu.vector_load %arg11[%get3A_751, %get3A_752] {strides = array<i32>} : memref<256x64xf32, #tpu.memory_space<vmem>>, vector<16xf32>,
        %get3A_754 = arith.index_cast %add3A_747 : i32 to index
        %get3A_755 = arith.constant 32 : index
        %get3A_756 = tpu.vector_load %arg11[%get3A_754, %get3A_755] {strides = array<i32>} : memref<256x64xf32, #tpu.memory_space<vmem>>, vector<16xf32>,
        %get3A_757 = arith.index_cast %add3A_747 : i32 to index
        %get3A_758 = arith.constant 48 : index
        %get3A_759 = tpu.vector_load %arg11[%get3A_757, %get3A_758] {strides = array<i32>} : memref<256x64xf32, #tpu.memory_space<vmem>>, vector<16xf32>,
        %pack3A_760 = tpu.pack_subelements %get3A_750, %get3A_753 {pack_format = #tpu.pack_format<interleaved>, positions = array<i32: 0, 1>} : vector<16xf32>, vector<16xf32> -> vector<32xbf16>
        %unpack3A_761 = tpu.unpack_subelements %pack3A_760, 0 {pack_format = #tpu.pack_format<interleaved>} : vector<32xbf16> -> vector<16xf32>
        %unpack3A_762 = tpu.unpack_subelements %pack3A_760, 1 {pack_format = #tpu.pack_format<interleaved>} : vector<32xbf16> -> vector<16xf32>
        %pack3A_763 = tpu.pack_subelements %get3A_756, %get3A_759 {pack_format = #tpu.pack_format<interleaved>, positions = array<i32: 0, 1>} : vector<16xf32>, vector<16xf32> -> vector<32xbf16>
        %unpack3A_764 = tpu.unpack_subelements %pack3A_763, 0 {pack_format = #tpu.pack_format<interleaved>} : vector<32xbf16> -> vector<16xf32>
        %unpack3A_765 = tpu.unpack_subelements %pack3A_763, 1 {pack_format = #tpu.pack_format<interleaved>} : vector<32xbf16> -> vector<16xf32>
        %mul3A_766 = arith.mulf %unpack3A_761, %get3A_147 : vector<16xf32>
        %mul3A_767 = arith.mulf %unpack3A_762, %get3A_150 : vector<16xf32>
        %add3A_768 = arith.addf %mul3A_766, %mul3A_767 : vector<16xf32>
        %mul3A_769 = arith.mulf %unpack3A_764, %get3A_153 : vector<16xf32>
        %mul3A_770 = arith.mulf %unpack3A_765, %get3A_156 : vector<16xf32>
        %add3A_771 = arith.addf %mul3A_769, %mul3A_770 : vector<16xf32>
        %add3A_772 = arith.addf %add3A_768, %add3A_771 : vector<16xf32>
        %reduce_sum3A_773 = arith.constant true
        %reduce_sum3A_774 = vector.broadcast %reduce_sum3A_773 : i1 to vector<16xi1>
        %reduce_sum3A_775 = tpu.scan <sum>, %add3A_772 masked %reduce_sum3A_774 : vector<16xf32>, vector<16xi1> -> vector<16xf32>
        %reduce_sum3A_776 = vector.extract %reduce_sum3A_775[15] : f32 from vector<16xf32>
        %mul3A_777 = arith.constant 16 : i32
        %mul3A_778 = arith.muli %scan3A_349, %mul3A_777 : i32
        %add3A_779 = arith.constant 13 : i32
        %add3A_780 = arith.addi %mul3A_778, %add3A_779 : i32
        %get3A_781 = arith.index_cast %add3A_780 : i32 to index
        %get3A_782 = arith.constant 0 : index
        %get3A_783 = tpu.vector_load %arg11[%get3A_781, %get3A_782] {strides = array<i32>} : memref<256x64xf32, #tpu.memory_space<vmem>>, vector<16xf32>,
        %get3A_784 = arith.index_cast %add3A_780 : i32 to index
        %get3A_785 = arith.constant 16 : index
        %get3A_786 = tpu.vector_load %arg11[%get3A_784, %get3A_785] {strides = array<i32>} : memref<256x64xf32, #tpu.memory_space<vmem>>, vector<16xf32>,
        %get3A_787 = arith.index_cast %add3A_780 : i32 to index
        %get3A_788 = arith.constant 32 : index
        %get3A_789 = tpu.vector_load %arg11[%get3A_787, %get3A_788] {strides = array<i32>} : memref<256x64xf32, #tpu.memory_space<vmem>>, vector<16xf32>,
        %get3A_790 = arith.index_cast %add3A_780 : i32 to index
        %get3A_791 = arith.constant 48 : index
        %get3A_792 = tpu.vector_load %arg11[%get3A_790, %get3A_791] {strides = array<i32>} : memref<256x64xf32, #tpu.memory_space<vmem>>, vector<16xf32>,
        %pack3A_793 = tpu.pack_subelements %get3A_783, %get3A_786 {pack_format = #tpu.pack_format<interleaved>, positions = array<i32: 0, 1>} : vector<16xf32>, vector<16xf32> -> vector<32xbf16>
        %unpack3A_794 = tpu.unpack_subelements %pack3A_793, 0 {pack_format = #tpu.pack_format<interleaved>} : vector<32xbf16> -> vector<16xf32>
        %unpack3A_795 = tpu.unpack_subelements %pack3A_793, 1 {pack_format = #tpu.pack_format<interleaved>} : vector<32xbf16> -> vector<16xf32>
        %pack3A_796 = tpu.pack_subelements %get3A_789, %get3A_792 {pack_format = #tpu.pack_format<interleaved>, positions = array<i32: 0, 1>} : vector<16xf32>, vector<16xf32> -> vector<32xbf16>
        %unpack3A_797 = tpu.unpack_subelements %pack3A_796, 0 {pack_format = #tpu.pack_format<interleaved>} : vector<32xbf16> -> vector<16xf32>
        %unpack3A_798 = tpu.unpack_subelements %pack3A_796, 1 {pack_format = #tpu.pack_format<interleaved>} : vector<32xbf16> -> vector<16xf32>
        %mul3A_799 = arith.mulf %unpack3A_794, %get3A_147 : vector<16xf32>
        %mul3A_800 = arith.mulf %unpack3A_795, %get3A_150 : vector<16xf32>
        %add3A_801 = arith.addf %mul3A_799, %mul3A_800 : vector<16xf32>
        %mul3A_802 = arith.mulf %unpack3A_797, %get3A_153 : vector<16xf32>
        %mul3A_803 = arith.mulf %unpack3A_798, %get3A_156 : vector<16xf32>
        %add3A_804 = arith.addf %mul3A_802, %mul3A_803 : vector<16xf32>
        %add3A_805 = arith.addf %add3A_801, %add3A_804 : vector<16xf32>
        %reduce_sum3A_806 = arith.constant true
        %reduce_sum3A_807 = vector.broadcast %reduce_sum3A_806 : i1 to vector<16xi1>
        %reduce_sum3A_808 = tpu.scan <sum>, %add3A_805 masked %reduce_sum3A_807 : vector<16xf32>, vector<16xi1> -> vector<16xf32>
        %reduce_sum3A_809 = vector.extract %reduce_sum3A_808[15] : f32 from vector<16xf32>
        %mul3A_810 = arith.constant 16 : i32
        %mul3A_811 = arith.muli %scan3A_349, %mul3A_810 : i32
        %add3A_812 = arith.constant 14 : i32
        %add3A_813 = arith.addi %mul3A_811, %add3A_812 : i32
        %get3A_814 = arith.index_cast %add3A_813 : i32 to index
        %get3A_815 = arith.constant 0 : index
        %get3A_816 = tpu.vector_load %arg11[%get3A_814, %get3A_815] {strides = array<i32>} : memref<256x64xf32, #tpu.memory_space<vmem>>, vector<16xf32>,
        %get3A_817 = arith.index_cast %add3A_813 : i32 to index
        %get3A_818 = arith.constant 16 : index
        %get3A_819 = tpu.vector_load %arg11[%get3A_817, %get3A_818] {strides = array<i32>} : memref<256x64xf32, #tpu.memory_space<vmem>>, vector<16xf32>,
        %get3A_820 = arith.index_cast %add3A_813 : i32 to index
        %get3A_821 = arith.constant 32 : index
        %get3A_822 = tpu.vector_load %arg11[%get3A_820, %get3A_821] {strides = array<i32>} : memref<256x64xf32, #tpu.memory_space<vmem>>, vector<16xf32>,
        %get3A_823 = arith.index_cast %add3A_813 : i32 to index
        %get3A_824 = arith.constant 48 : index
        %get3A_825 = tpu.vector_load %arg11[%get3A_823, %get3A_824] {strides = array<i32>} : memref<256x64xf32, #tpu.memory_space<vmem>>, vector<16xf32>,
        %pack3A_826 = tpu.pack_subelements %get3A_816, %get3A_819 {pack_format = #tpu.pack_format<interleaved>, positions = array<i32: 0, 1>} : vector<16xf32>, vector<16xf32> -> vector<32xbf16>
        %unpack3A_827 = tpu.unpack_subelements %pack3A_826, 0 {pack_format = #tpu.pack_format<interleaved>} : vector<32xbf16> -> vector<16xf32>
        %unpack3A_828 = tpu.unpack_subelements %pack3A_826, 1 {pack_format = #tpu.pack_format<interleaved>} : vector<32xbf16> -> vector<16xf32>
        %pack3A_829 = tpu.pack_subelements %get3A_822, %get3A_825 {pack_format = #tpu.pack_format<interleaved>, positions = array<i32: 0, 1>} : vector<16xf32>, vector<16xf32> -> vector<32xbf16>
        %unpack3A_830 = tpu.unpack_subelements %pack3A_829, 0 {pack_format = #tpu.pack_format<interleaved>} : vector<32xbf16> -> vector<16xf32>
        %unpack3A_831 = tpu.unpack_subelements %pack3A_829, 1 {pack_format = #tpu.pack_format<interleaved>} : vector<32xbf16> -> vector<16xf32>
        %mul3A_832 = arith.mulf %unpack3A_827, %get3A_147 : vector<16xf32>
        %mul3A_833 = arith.mulf %unpack3A_828, %get3A_150 : vector<16xf32>
        %add3A_834 = arith.addf %mul3A_832, %mul3A_833 : vector<16xf32>
        %mul3A_835 = arith.mulf %unpack3A_830, %get3A_153 : vector<16xf32>
        %mul3A_836 = arith.mulf %unpack3A_831, %get3A_156 : vector<16xf32>
        %add3A_837 = arith.addf %mul3A_835, %mul3A_836 : vector<16xf32>
        %add3A_838 = arith.addf %add3A_834, %add3A_837 : vector<16xf32>
        %reduce_sum3A_839 = arith.constant true
        %reduce_sum3A_840 = vector.broadcast %reduce_sum3A_839 : i1 to vector<16xi1>
        %reduce_sum3A_841 = tpu.scan <sum>, %add3A_838 masked %reduce_sum3A_840 : vector<16xf32>, vector<16xi1> -> vector<16xf32>
        %reduce_sum3A_842 = vector.extract %reduce_sum3A_841[15] : f32 from vector<16xf32>
        %mul3A_843 = arith.constant 16 : i32
        %mul3A_844 = arith.muli %scan3A_349, %mul3A_843 : i32
        %add3A_845 = arith.constant 15 : i32
        %add3A_846 = arith.addi %mul3A_844, %add3A_845 : i32
        %get3A_847 = arith.index_cast %add3A_846 : i32 to index
        %get3A_848 = arith.constant 0 : index
        %get3A_849 = tpu.vector_load %arg11[%get3A_847, %get3A_848] {strides = array<i32>} : memref<256x64xf32, #tpu.memory_space<vmem>>, vector<16xf32>,
        %get3A_850 = arith.index_cast %add3A_846 : i32 to index
        %get3A_851 = arith.constant 16 : index
        %get3A_852 = tpu.vector_load %arg11[%get3A_850, %get3A_851] {strides = array<i32>} : memref<256x64xf32, #tpu.memory_space<vmem>>, vector<16xf32>,
        %get3A_853 = arith.index_cast %add3A_846 : i32 to index
        %get3A_854 = arith.constant 32 : index
        %get3A_855 = tpu.vector_load %arg11[%get3A_853, %get3A_854] {strides = array<i32>} : memref<256x64xf32, #tpu.memory_space<vmem>>, vector<16xf32>,
        %get3A_856 = arith.index_cast %add3A_846 : i32 to index
        %get3A_857 = arith.constant 48 : index
        %get3A_858 = tpu.vector_load %arg11[%get3A_856, %get3A_857] {strides = array<i32>} : memref<256x64xf32, #tpu.memory_space<vmem>>, vector<16xf32>,
        %pack3A_859 = tpu.pack_subelements %get3A_849, %get3A_852 {pack_format = #tpu.pack_format<interleaved>, positions = array<i32: 0, 1>} : vector<16xf32>, vector<16xf32> -> vector<32xbf16>
        %unpack3A_860 = tpu.unpack_subelements %pack3A_859, 0 {pack_format = #tpu.pack_format<interleaved>} : vector<32xbf16> -> vector<16xf32>
        %unpack3A_861 = tpu.unpack_subelements %pack3A_859, 1 {pack_format = #tpu.pack_format<interleaved>} : vector<32xbf16> -> vector<16xf32>
        %pack3A_862 = tpu.pack_subelements %get3A_855, %get3A_858 {pack_format = #tpu.pack_format<interleaved>, positions = array<i32: 0, 1>} : vector<16xf32>, vector<16xf32> -> vector<32xbf16>
        %unpack3A_863 = tpu.unpack_subelements %pack3A_862, 0 {pack_format = #tpu.pack_format<interleaved>} : vector<32xbf16> -> vector<16xf32>
        %unpack3A_864 = tpu.unpack_subelements %pack3A_862, 1 {pack_format = #tpu.pack_format<interleaved>} : vector<32xbf16> -> vector<16xf32>
        %mul3A_865 = arith.mulf %unpack3A_860, %get3A_147 : vector<16xf32>
        %mul3A_866 = arith.mulf %unpack3A_861, %get3A_150 : vector<16xf32>
        %add3A_867 = arith.addf %mul3A_865, %mul3A_866 : vector<16xf32>
        %mul3A_868 = arith.mulf %unpack3A_863, %get3A_153 : vector<16xf32>
        %mul3A_869 = arith.mulf %unpack3A_864, %get3A_156 : vector<16xf32>
        %add3A_870 = arith.addf %mul3A_868, %mul3A_869 : vector<16xf32>
        %add3A_871 = arith.addf %add3A_867, %add3A_870 : vector<16xf32>
        %reduce_sum3A_872 = arith.constant true
        %reduce_sum3A_873 = vector.broadcast %reduce_sum3A_872 : i1 to vector<16xi1>
        %reduce_sum3A_874 = tpu.scan <sum>, %add3A_871 masked %reduce_sum3A_873 : vector<16xf32>, vector<16xi1> -> vector<16xf32>
        %reduce_sum3A_875 = vector.extract %reduce_sum3A_874[15] : f32 from vector<16xf32>
        %broadcast_in_dim3A_876 = arith.constant 0.000000e+00 : f32
        %broadcast_in_dim3A_877 = vector.broadcast %broadcast_in_dim3A_876 : f32 to vector<16xf32>
        %eq3A = arith.constant 0 : i32
        %eq3A_878 = vector.broadcast %eq3A : i32 to vector<16xi32>
        %eq3A_879 = arith.cmpi eq, %iota3A, %eq3A_878 : vector<16xi32>
        %broadcast_in_dim3A_880 = vector.broadcast %reduce_sum3A_380 : f32 to vector<16xf32>
        %select_n3A = arith.select %eq3A_879, %broadcast_in_dim3A_880, %broadcast_in_dim3A_877 : vector<16xi1>, vector<16xf32>
        %eq3A_881 = arith.constant 1 : i32
        %eq3A_882 = vector.broadcast %eq3A_881 : i32 to vector<16xi32>
        %eq3A_883 = arith.cmpi eq, %iota3A, %eq3A_882 : vector<16xi32>
        %broadcast_in_dim3A_884 = vector.broadcast %reduce_sum3A_413 : f32 to vector<16xf32>
        %select_n3A_885 = arith.select %eq3A_883, %broadcast_in_dim3A_884, %select_n3A : vector<16xi1>, vector<16xf32>
        %eq3A_886 = arith.constant 2 : i32
        %eq3A_887 = vector.broadcast %eq3A_886 : i32 to vector<16xi32>
        %eq3A_888 = arith.cmpi eq, %iota3A, %eq3A_887 : vector<16xi32>
        %broadcast_in_dim3A_889 = vector.broadcast %reduce_sum3A_446 : f32 to vector<16xf32>
        %select_n3A_890 = arith.select %eq3A_888, %broadcast_in_dim3A_889, %select_n3A_885 : vector<16xi1>, vector<16xf32>
        %eq3A_891 = arith.constant 3 : i32
        %eq3A_892 = vector.broadcast %eq3A_891 : i32 to vector<16xi32>
        %eq3A_893 = arith.cmpi eq, %iota3A, %eq3A_892 : vector<16xi32>
        %broadcast_in_dim3A_894 = vector.broadcast %reduce_sum3A_479 : f32 to vector<16xf32>
        %select_n3A_895 = arith.select %eq3A_893, %broadcast_in_dim3A_894, %select_n3A_890 : vector<16xi1>, vector<16xf32>
        %eq3A_896 = arith.constant 4 : i32
        %eq3A_897 = vector.broadcast %eq3A_896 : i32 to vector<16xi32>
        %eq3A_898 = arith.cmpi eq, %iota3A, %eq3A_897 : vector<16xi32>
        %broadcast_in_dim3A_899 = vector.broadcast %reduce_sum3A_512 : f32 to vector<16xf32>
        %select_n3A_900 = arith.select %eq3A_898, %broadcast_in_dim3A_899, %select_n3A_895 : vector<16xi1>, vector<16xf32>
        %eq3A_901 = arith.constant 5 : i32
        %eq3A_902 = vector.broadcast %eq3A_901 : i32 to vector<16xi32>
        %eq3A_903 = arith.cmpi eq, %iota3A, %eq3A_902 : vector<16xi32>
        %broadcast_in_dim3A_904 = vector.broadcast %reduce_sum3A_545 : f32 to vector<16xf32>
        %select_n3A_905 = arith.select %eq3A_903, %broadcast_in_dim3A_904, %select_n3A_900 : vector<16xi1>, vector<16xf32>
        %eq3A_906 = arith.constant 6 : i32
        %eq3A_907 = vector.broadcast %eq3A_906 : i32 to vector<16xi32>
        %eq3A_908 = arith.cmpi eq, %iota3A, %eq3A_907 : vector<16xi32>
        %broadcast_in_dim3A_909 = vector.broadcast %reduce_sum3A_578 : f32 to vector<16xf32>
        %select_n3A_910 = arith.select %eq3A_908, %broadcast_in_dim3A_909, %select_n3A_905 : vector<16xi1>, vector<16xf32>
        %eq3A_911 = arith.constant 7 : i32
        %eq3A_912 = vector.broadcast %eq3A_911 : i32 to vector<16xi32>
        %eq3A_913 = arith.cmpi eq, %iota3A, %eq3A_912 : vector<16xi32>
        %broadcast_in_dim3A_914 = vector.broadcast %reduce_sum3A_611 : f32 to vector<16xf32>
        %select_n3A_915 = arith.select %eq3A_913, %broadcast_in_dim3A_914, %select_n3A_910 : vector<16xi1>, vector<16xf32>
        %eq3A_916 = arith.constant 8 : i32
        %eq3A_917 = vector.broadcast %eq3A_916 : i32 to vector<16xi32>
        %eq3A_918 = arith.cmpi eq, %iota3A, %eq3A_917 : vector<16xi32>
        %broadcast_in_dim3A_919 = vector.broadcast %reduce_sum3A_644 : f32 to vector<16xf32>
        %select_n3A_920 = arith.select %eq3A_918, %broadcast_in_dim3A_919, %select_n3A_915 : vector<16xi1>, vector<16xf32>
        %eq3A_921 = arith.constant 9 : i32
        %eq3A_922 = vector.broadcast %eq3A_921 : i32 to vector<16xi32>
        %eq3A_923 = arith.cmpi eq, %iota3A, %eq3A_922 : vector<16xi32>
        %broadcast_in_dim3A_924 = vector.broadcast %reduce_sum3A_677 : f32 to vector<16xf32>
        %select_n3A_925 = arith.select %eq3A_923, %broadcast_in_dim3A_924, %select_n3A_920 : vector<16xi1>, vector<16xf32>
        %eq3A_926 = arith.constant 10 : i32
        %eq3A_927 = vector.broadcast %eq3A_926 : i32 to vector<16xi32>
        %eq3A_928 = arith.cmpi eq, %iota3A, %eq3A_927 : vector<16xi32>
        %broadcast_in_dim3A_929 = vector.broadcast %reduce_sum3A_710 : f32 to vector<16xf32>
        %select_n3A_930 = arith.select %eq3A_928, %broadcast_in_dim3A_929, %select_n3A_925 : vector<16xi1>, vector<16xf32>
        %eq3A_931 = arith.constant 11 : i32
        %eq3A_932 = vector.broadcast %eq3A_931 : i32 to vector<16xi32>
        %eq3A_933 = arith.cmpi eq, %iota3A, %eq3A_932 : vector<16xi32>
        %broadcast_in_dim3A_934 = vector.broadcast %reduce_sum3A_743 : f32 to vector<16xf32>
        %select_n3A_935 = arith.select %eq3A_933, %broadcast_in_dim3A_934, %select_n3A_930 : vector<16xi1>, vector<16xf32>
        %eq3A_936 = arith.constant 12 : i32
        %eq3A_937 = vector.broadcast %eq3A_936 : i32 to vector<16xi32>
        %eq3A_938 = arith.cmpi eq, %iota3A, %eq3A_937 : vector<16xi32>
        %broadcast_in_dim3A_939 = vector.broadcast %reduce_sum3A_776 : f32 to vector<16xf32>
        %select_n3A_940 = arith.select %eq3A_938, %broadcast_in_dim3A_939, %select_n3A_935 : vector<16xi1>, vector<16xf32>
        %eq3A_941 = arith.constant 13 : i32
        %eq3A_942 = vector.broadcast %eq3A_941 : i32 to vector<16xi32>
        %eq3A_943 = arith.cmpi eq, %iota3A, %eq3A_942 : vector<16xi32>
        %broadcast_in_dim3A_944 = vector.broadcast %reduce_sum3A_809 : f32 to vector<16xf32>
        %select_n3A_945 = arith.select %eq3A_943, %broadcast_in_dim3A_944, %select_n3A_940 : vector<16xi1>, vector<16xf32>
        %eq3A_946 = arith.constant 14 : i32
        %eq3A_947 = vector.broadcast %eq3A_946 : i32 to vector<16xi32>
        %eq3A_948 = arith.cmpi eq, %iota3A, %eq3A_947 : vector<16xi32>
        %broadcast_in_dim3A_949 = vector.broadcast %reduce_sum3A_842 : f32 to vector<16xf32>
        %select_n3A_950 = arith.select %eq3A_948, %broadcast_in_dim3A_949, %select_n3A_945 : vector<16xi1>, vector<16xf32>
        %eq3A_951 = arith.constant 15 : i32
        %eq3A_952 = vector.broadcast %eq3A_951 : i32 to vector<16xi32>
        %eq3A_953 = arith.cmpi eq, %iota3A, %eq3A_952 : vector<16xi32>
        %broadcast_in_dim3A_954 = vector.broadcast %reduce_sum3A_875 : f32 to vector<16xf32>
        %select_n3A_955 = arith.select %eq3A_953, %broadcast_in_dim3A_954, %select_n3A_950 : vector<16xi1>, vector<16xf32>
        %mul3A_956 = vector.broadcast %scan3A : f32 to vector<16xf32>
        %mul3A_957 = arith.mulf %select_n3A_955, %mul3A_956 : vector<16xf32>
        %exp3A = math.exp %mul3A_957 : vector<16xf32>
        %mul3A_958 = arith.constant 16 : i32
        %mul3A_959 = arith.muli %scan3A_349, %mul3A_958 : i32
        %add3A_960 = arith.addi %mul3A_144, %mul3A_959 : i32
        %swap3A_961 = arith.index_cast %shift_right_arithmetic3A_140 : i32 to index
        %swap3A_962 = arith.index_cast %add3A_960 : i32 to index
        %swap3A_963 = tpu.vector_load %arg15[%swap3A_961, %swap3A_962] {strides = array<i32>} : memref<32x512xf32, #tpu.memory_space<vmem>>, vector<16xf32>,
        tpu.vector_store %arg15[%swap3A_961, %swap3A_962], %exp3A {strides = array<i32>} : memref<32x512xf32, #tpu.memory_space<vmem>>, vector<16xf32>,
        %add3A_964 = arith.addf %scan3A_350, %exp3A : vector<16xf32>
        scf.yield %add3A_964 : vector<16xf32>
      }
      %scan3A_162 = arith.constant 16 : i32
      %mul3A_163 = arith.constant 4 : i32
      %mul3A_164 = arith.muli %mul3A_163, %scan3A_81 : i32
      %add3A_165 = arith.constant 1 : i32
      %add3A_166 = arith.addi %mul3A_164, %add3A_165 : i32
      %add3A_167 = arith.constant 4 : i32
      %add3A_168 = arith.addi %add3A_166, %add3A_167 : i32
      %sub3A_169 = arith.constant 1 : i32
      %sub3A_170 = arith.subi %add3A_168, %sub3A_169 : i32
      %lt3A = arith.constant 15 : i32
      %lt3A_171 = arith.cmpi slt, %scan3A_81, %lt3A : i32
      %convert_element_type3A = arith.extui %lt3A_171 : i1 to i32
      %cond3A = arith.constant 0 : i32
      %cond3A_172 = arith.cmpi ne, %convert_element_type3A, %cond3A : i32
      scf.if %cond3A_172 {
        %shift_right_arithmetic3A_349 = arith.constant 1 : i32
        %shift_right_arithmetic3A_350 = arith.shrsi %sub3A_170, %shift_right_arithmetic3A_349 : i32
        %and3A_351 = arith.constant 1 : i32
        %and3A_352 = arith.andi %sub3A_170, %and3A_351 : i32
        %mul3A_353 = arith.constant 256 : i32
        %mul3A_354 = arith.muli %and3A_352, %mul3A_353 : i32
        %add3A_355 = arith.constant 0 : i32
        %add3A_356 = arith.addi %mul3A_354, %add3A_355 : i32
        %dma_start3A_357 = arith.constant 0 : i32
        %dma_start3A_358 = arith.constant 0 : i32
        %dma_start3A_359 = tpu.memref_slice %arg11[%dma_start3A_357, %dma_start3A_358] : memref<256x64xf32, #tpu.memory_space<vmem>> -> memref<128x64xf32, #tpu.memory_space<vmem>>
        %dma_start3A_360 = tpu.memref_slice %arg10[%shift_right_arithmetic3A_350, %add3A_356] : memref<32x512xi32, #tpu.memory_space<vmem>> -> memref<1x128xi32, #tpu.memory_space<vmem>>
        %dma_start3A_361 = tpu.memref_squeeze %dma_start3A_360 : memref<1x128xi32, #tpu.memory_space<vmem>> -> memref<128xi32, #tpu.memory_space<vmem>>
        %dma_start3A_362 = arith.constant 0 : i32
        %dma_start3A_363 = arith.constant 0 : i32
        %dma_start3A_364 = tpu.memref_slice %arg4[%dma_start3A_362, %dma_start3A_363] : memref<1000000x64xf32, #tpu.memory_space<hbm>> -> memref<1000000x64xf32, #tpu.memory_space<hbm>>
        tpu.enqueue_indirect_dma source(%dma_start3A_364 : memref<1000000x64xf32, #tpu.memory_space<hbm>>) target(%dma_start3A_359 : memref<128x64xf32, #tpu.memory_space<vmem>>) offsets(%dma_start3A_361 : memref<128xi32, #tpu.memory_space<vmem>>) semaphore(%arg17 : memref<!tpu.dma_semaphore, #tpu.memory_space<semaphore_mem>>)
        %add3A_365 = arith.constant 128 : i32
        %add3A_366 = arith.addi %mul3A_354, %add3A_365 : i32
        %dma_start3A_367 = arith.constant 128 : i32
        %dma_start3A_368 = arith.constant 0 : i32
        %dma_start3A_369 = tpu.memref_slice %arg11[%dma_start3A_367, %dma_start3A_368] : memref<256x64xf32, #tpu.memory_space<vmem>> -> memref<128x64xf32, #tpu.memory_space<vmem>>
        %dma_start3A_370 = tpu.memref_slice %arg10[%shift_right_arithmetic3A_350, %add3A_366] : memref<32x512xi32, #tpu.memory_space<vmem>> -> memref<1x128xi32, #tpu.memory_space<vmem>>
        %dma_start3A_371 = tpu.memref_squeeze %dma_start3A_370 : memref<1x128xi32, #tpu.memory_space<vmem>> -> memref<128xi32, #tpu.memory_space<vmem>>
        %dma_start3A_372 = arith.constant 0 : i32
        %dma_start3A_373 = arith.constant 0 : i32
        %dma_start3A_374 = tpu.memref_slice %arg4[%dma_start3A_372, %dma_start3A_373] : memref<1000000x64xf32, #tpu.memory_space<hbm>> -> memref<1000000x64xf32, #tpu.memory_space<hbm>>
        tpu.enqueue_indirect_dma source(%dma_start3A_374 : memref<1000000x64xf32, #tpu.memory_space<hbm>>) target(%dma_start3A_369 : memref<128x64xf32, #tpu.memory_space<vmem>>) offsets(%dma_start3A_371 : memref<128xi32, #tpu.memory_space<vmem>>) semaphore(%arg17 : memref<!tpu.dma_semaphore, #tpu.memory_space<semaphore_mem>>)
      } else {
      }
      %shift_right_arithmetic3A_173 = arith.constant 1 : i32
      %shift_right_arithmetic3A_174 = arith.shrsi %add3A_166, %shift_right_arithmetic3A_173 : i32
      %and3A_175 = arith.constant 1 : i32
      %and3A_176 = arith.andi %add3A_166, %and3A_175 : i32
      %mul3A_177 = arith.constant 256 : i32
      %mul3A_178 = arith.muli %and3A_176, %mul3A_177 : i32
      %add3A_179 = arith.constant 0 : i32
      %add3A_180 = arith.addi %mul3A_178, %add3A_179 : i32
      %dma_wait3A_181 = arith.constant 0 : i32
      %dma_wait3A_182 = arith.constant 0 : i32
      %dma_wait3A_183 = tpu.memref_slice %arg12[%dma_wait3A_181, %dma_wait3A_182] : memref<256x64xf32, #tpu.memory_space<vmem>> -> memref<128x64xf32, #tpu.memory_space<vmem>>
      %dma_wait3A_184 = tpu.memref_slice %arg10[%shift_right_arithmetic3A_174, %add3A_180] : memref<32x512xi32, #tpu.memory_space<vmem>> -> memref<1x128xi32, #tpu.memory_space<vmem>>
      %dma_wait3A_185 = tpu.memref_squeeze %dma_wait3A_184 : memref<1x128xi32, #tpu.memory_space<vmem>> -> memref<128xi32, #tpu.memory_space<vmem>>
      %dma_wait3A_186 = arith.constant 0 : i32
      %dma_wait3A_187 = arith.constant 0 : i32
      %dma_wait3A_188 = tpu.memref_slice %arg4[%dma_wait3A_186, %dma_wait3A_187] : memref<1000000x64xf32, #tpu.memory_space<hbm>> -> memref<1000000x64xf32, #tpu.memory_space<hbm>>
      tpu.wait_indirect_dma semaphore(%arg18 : memref<!tpu.dma_semaphore, #tpu.memory_space<semaphore_mem>>) src(%dma_wait3A_188 : memref<1000000x64xf32, #tpu.memory_space<hbm>>) dst(%dma_wait3A_183 : memref<128x64xf32, #tpu.memory_space<vmem>>)
      %add3A_189 = arith.constant 128 : i32
      %add3A_190 = arith.addi %mul3A_178, %add3A_189 : i32
      %dma_wait3A_191 = arith.constant 128 : i32
      %dma_wait3A_192 = arith.constant 0 : i32
      %dma_wait3A_193 = tpu.memref_slice %arg12[%dma_wait3A_191, %dma_wait3A_192] : memref<256x64xf32, #tpu.memory_space<vmem>> -> memref<128x64xf32, #tpu.memory_space<vmem>>
      %dma_wait3A_194 = tpu.memref_slice %arg10[%shift_right_arithmetic3A_174, %add3A_190] : memref<32x512xi32, #tpu.memory_space<vmem>> -> memref<1x128xi32, #tpu.memory_space<vmem>>
      %dma_wait3A_195 = tpu.memref_squeeze %dma_wait3A_194 : memref<1x128xi32, #tpu.memory_space<vmem>> -> memref<128xi32, #tpu.memory_space<vmem>>
      %dma_wait3A_196 = arith.constant 0 : i32
      %dma_wait3A_197 = arith.constant 0 : i32
      %dma_wait3A_198 = tpu.memref_slice %arg4[%dma_wait3A_196, %dma_wait3A_197] : memref<1000000x64xf32, #tpu.memory_space<hbm>> -> memref<1000000x64xf32, #tpu.memory_space<hbm>>
      tpu.wait_indirect_dma semaphore(%arg18 : memref<!tpu.dma_semaphore, #tpu.memory_space<semaphore_mem>>) src(%dma_wait3A_198 : memref<1000000x64xf32, #tpu.memory_space<hbm>>) dst(%dma_wait3A_193 : memref<128x64xf32, #tpu.memory_space<vmem>>)
      %shift_right_arithmetic3A_199 = arith.constant 1 : i32
      %shift_right_arithmetic3A_200 = arith.shrsi %add3A_166, %shift_right_arithmetic3A_199 : i32
      %and3A_201 = arith.constant 1 : i32
      %and3A_202 = arith.andi %add3A_166, %and3A_201 : i32
      %mul3A_203 = arith.constant 256 : i32
      %mul3A_204 = arith.muli %and3A_202, %mul3A_203 : i32
      %get3A_205 = arith.index_cast %shift_right_arithmetic3A_200 : i32 to index
      %get3A_206 = arith.constant 0 : index
      %get3A_207 = tpu.vector_load %arg8[%get3A_205, %get3A_206] {strides = array<i32>} : memref<32x64xf32, #tpu.memory_space<vmem>>, vector<16xf32>,
      %get3A_208 = arith.index_cast %shift_right_arithmetic3A_200 : i32 to index
      %get3A_209 = arith.constant 16 : index
      %get3A_210 = tpu.vector_load %arg8[%get3A_208, %get3A_209] {strides = array<i32>} : memref<32x64xf32, #tpu.memory_space<vmem>>, vector<16xf32>,
      %get3A_211 = arith.index_cast %shift_right_arithmetic3A_200 : i32 to index
      %get3A_212 = arith.constant 32 : index
      %get3A_213 = tpu.vector_load %arg8[%get3A_211, %get3A_212] {strides = array<i32>} : memref<32x64xf32, #tpu.memory_space<vmem>>, vector<16xf32>,
      %get3A_214 = arith.index_cast %shift_right_arithmetic3A_200 : i32 to index
      %get3A_215 = arith.constant 48 : index
      %get3A_216 = tpu.vector_load %arg8[%get3A_214, %get3A_215] {strides = array<i32>} : memref<32x64xf32, #tpu.memory_space<vmem>>, vector<16xf32>,
      %scan3A_217 = arith.constant 0 : i32
      %scan3A_218 = arith.constant 16 : i32
      %scan3A_219 = arith.addi %scan3A_217, %scan3A_218 : i32
      %scan3A_220 = arith.constant 1 : i32
      %scan3A_221 = scf.for %scan3A_349 = %scan3A_217 to %scan3A_219 step %scan3A_220 iter_args(%scan3A_350 = %scan3A_161) -> (vector<16xf32>)  : i32 {
        %mul3A_351 = arith.constant 16 : i32
        %mul3A_352 = arith.muli %scan3A_349, %mul3A_351 : i32
        %add3A_353 = arith.constant 0 : i32
        %add3A_354 = arith.addi %mul3A_352, %add3A_353 : i32
        %get3A_355 = arith.index_cast %add3A_354 : i32 to index
        %get3A_356 = arith.constant 0 : index
        %get3A_357 = tpu.vector_load %arg12[%get3A_355, %get3A_356] {strides = array<i32>} : memref<256x64xf32, #tpu.memory_space<vmem>>, vector<16xf32>,
        %get3A_358 = arith.index_cast %add3A_354 : i32 to index
        %get3A_359 = arith.constant 16 : index
        %get3A_360 = tpu.vector_load %arg12[%get3A_358, %get3A_359] {strides = array<i32>} : memref<256x64xf32, #tpu.memory_space<vmem>>, vector<16xf32>,
        %get3A_361 = arith.index_cast %add3A_354 : i32 to index
        %get3A_362 = arith.constant 32 : index
        %get3A_363 = tpu.vector_load %arg12[%get3A_361, %get3A_362] {strides = array<i32>} : memref<256x64xf32, #tpu.memory_space<vmem>>, vector<16xf32>,
        %get3A_364 = arith.index_cast %add3A_354 : i32 to index
        %get3A_365 = arith.constant 48 : index
        %get3A_366 = tpu.vector_load %arg12[%get3A_364, %get3A_365] {strides = array<i32>} : memref<256x64xf32, #tpu.memory_space<vmem>>, vector<16xf32>,
        %pack3A = tpu.pack_subelements %get3A_357, %get3A_360 {pack_format = #tpu.pack_format<interleaved>, positions = array<i32: 0, 1>} : vector<16xf32>, vector<16xf32> -> vector<32xbf16>
        %unpack3A = tpu.unpack_subelements %pack3A, 0 {pack_format = #tpu.pack_format<interleaved>} : vector<32xbf16> -> vector<16xf32>
        %unpack3A_367 = tpu.unpack_subelements %pack3A, 1 {pack_format = #tpu.pack_format<interleaved>} : vector<32xbf16> -> vector<16xf32>
        %pack3A_368 = tpu.pack_subelements %get3A_363, %get3A_366 {pack_format = #tpu.pack_format<interleaved>, positions = array<i32: 0, 1>} : vector<16xf32>, vector<16xf32> -> vector<32xbf16>
        %unpack3A_369 = tpu.unpack_subelements %pack3A_368, 0 {pack_format = #tpu.pack_format<interleaved>} : vector<32xbf16> -> vector<16xf32>
        %unpack3A_370 = tpu.unpack_subelements %pack3A_368, 1 {pack_format = #tpu.pack_format<interleaved>} : vector<32xbf16> -> vector<16xf32>
        %mul3A_371 = arith.mulf %unpack3A, %get3A_207 : vector<16xf32>
        %mul3A_372 = arith.mulf %unpack3A_367, %get3A_210 : vector<16xf32>
        %add3A_373 = arith.addf %mul3A_371, %mul3A_372 : vector<16xf32>
        %mul3A_374 = arith.mulf %unpack3A_369, %get3A_213 : vector<16xf32>
        %mul3A_375 = arith.mulf %unpack3A_370, %get3A_216 : vector<16xf32>
        %add3A_376 = arith.addf %mul3A_374, %mul3A_375 : vector<16xf32>
        %add3A_377 = arith.addf %add3A_373, %add3A_376 : vector<16xf32>
        %reduce_sum3A = arith.constant true
        %reduce_sum3A_378 = vector.broadcast %reduce_sum3A : i1 to vector<16xi1>
        %reduce_sum3A_379 = tpu.scan <sum>, %add3A_377 masked %reduce_sum3A_378 : vector<16xf32>, vector<16xi1> -> vector<16xf32>
        %reduce_sum3A_380 = vector.extract %reduce_sum3A_379[15] : f32 from vector<16xf32>
        %mul3A_381 = arith.constant 16 : i32
        %mul3A_382 = arith.muli %scan3A_349, %mul3A_381 : i32
        %add3A_383 = arith.constant 1 : i32
        %add3A_384 = arith.addi %mul3A_382, %add3A_383 : i32
        %get3A_385 = arith.index_cast %add3A_384 : i32 to index
        %get3A_386 = arith.constant 0 : index
        %get3A_387 = tpu.vector_load %arg12[%get3A_385, %get3A_386] {strides = array<i32>} : memref<256x64xf32, #tpu.memory_space<vmem>>, vector<16xf32>,
        %get3A_388 = arith.index_cast %add3A_384 : i32 to index
        %get3A_389 = arith.constant 16 : index
        %get3A_390 = tpu.vector_load %arg12[%get3A_388, %get3A_389] {strides = array<i32>} : memref<256x64xf32, #tpu.memory_space<vmem>>, vector<16xf32>,
        %get3A_391 = arith.index_cast %add3A_384 : i32 to index
        %get3A_392 = arith.constant 32 : index
        %get3A_393 = tpu.vector_load %arg12[%get3A_391, %get3A_392] {strides = array<i32>} : memref<256x64xf32, #tpu.memory_space<vmem>>, vector<16xf32>,
        %get3A_394 = arith.index_cast %add3A_384 : i32 to index
        %get3A_395 = arith.constant 48 : index
        %get3A_396 = tpu.vector_load %arg12[%get3A_394, %get3A_395] {strides = array<i32>} : memref<256x64xf32, #tpu.memory_space<vmem>>, vector<16xf32>,
        %pack3A_397 = tpu.pack_subelements %get3A_387, %get3A_390 {pack_format = #tpu.pack_format<interleaved>, positions = array<i32: 0, 1>} : vector<16xf32>, vector<16xf32> -> vector<32xbf16>
        %unpack3A_398 = tpu.unpack_subelements %pack3A_397, 0 {pack_format = #tpu.pack_format<interleaved>} : vector<32xbf16> -> vector<16xf32>
        %unpack3A_399 = tpu.unpack_subelements %pack3A_397, 1 {pack_format = #tpu.pack_format<interleaved>} : vector<32xbf16> -> vector<16xf32>
        %pack3A_400 = tpu.pack_subelements %get3A_393, %get3A_396 {pack_format = #tpu.pack_format<interleaved>, positions = array<i32: 0, 1>} : vector<16xf32>, vector<16xf32> -> vector<32xbf16>
        %unpack3A_401 = tpu.unpack_subelements %pack3A_400, 0 {pack_format = #tpu.pack_format<interleaved>} : vector<32xbf16> -> vector<16xf32>
        %unpack3A_402 = tpu.unpack_subelements %pack3A_400, 1 {pack_format = #tpu.pack_format<interleaved>} : vector<32xbf16> -> vector<16xf32>
        %mul3A_403 = arith.mulf %unpack3A_398, %get3A_207 : vector<16xf32>
        %mul3A_404 = arith.mulf %unpack3A_399, %get3A_210 : vector<16xf32>
        %add3A_405 = arith.addf %mul3A_403, %mul3A_404 : vector<16xf32>
        %mul3A_406 = arith.mulf %unpack3A_401, %get3A_213 : vector<16xf32>
        %mul3A_407 = arith.mulf %unpack3A_402, %get3A_216 : vector<16xf32>
        %add3A_408 = arith.addf %mul3A_406, %mul3A_407 : vector<16xf32>
        %add3A_409 = arith.addf %add3A_405, %add3A_408 : vector<16xf32>
        %reduce_sum3A_410 = arith.constant true
        %reduce_sum3A_411 = vector.broadcast %reduce_sum3A_410 : i1 to vector<16xi1>
        %reduce_sum3A_412 = tpu.scan <sum>, %add3A_409 masked %reduce_sum3A_411 : vector<16xf32>, vector<16xi1> -> vector<16xf32>
        %reduce_sum3A_413 = vector.extract %reduce_sum3A_412[15] : f32 from vector<16xf32>
        %mul3A_414 = arith.constant 16 : i32
        %mul3A_415 = arith.muli %scan3A_349, %mul3A_414 : i32
        %add3A_416 = arith.constant 2 : i32
        %add3A_417 = arith.addi %mul3A_415, %add3A_416 : i32
        %get3A_418 = arith.index_cast %add3A_417 : i32 to index
        %get3A_419 = arith.constant 0 : index
        %get3A_420 = tpu.vector_load %arg12[%get3A_418, %get3A_419] {strides = array<i32>} : memref<256x64xf32, #tpu.memory_space<vmem>>, vector<16xf32>,
        %get3A_421 = arith.index_cast %add3A_417 : i32 to index
        %get3A_422 = arith.constant 16 : index
        %get3A_423 = tpu.vector_load %arg12[%get3A_421, %get3A_422] {strides = array<i32>} : memref<256x64xf32, #tpu.memory_space<vmem>>, vector<16xf32>,
        %get3A_424 = arith.index_cast %add3A_417 : i32 to index
        %get3A_425 = arith.constant 32 : index
        %get3A_426 = tpu.vector_load %arg12[%get3A_424, %get3A_425] {strides = array<i32>} : memref<256x64xf32, #tpu.memory_space<vmem>>, vector<16xf32>,
        %get3A_427 = arith.index_cast %add3A_417 : i32 to index
        %get3A_428 = arith.constant 48 : index
        %get3A_429 = tpu.vector_load %arg12[%get3A_427, %get3A_428] {strides = array<i32>} : memref<256x64xf32, #tpu.memory_space<vmem>>, vector<16xf32>,
        %pack3A_430 = tpu.pack_subelements %get3A_420, %get3A_423 {pack_format = #tpu.pack_format<interleaved>, positions = array<i32: 0, 1>} : vector<16xf32>, vector<16xf32> -> vector<32xbf16>
        %unpack3A_431 = tpu.unpack_subelements %pack3A_430, 0 {pack_format = #tpu.pack_format<interleaved>} : vector<32xbf16> -> vector<16xf32>
        %unpack3A_432 = tpu.unpack_subelements %pack3A_430, 1 {pack_format = #tpu.pack_format<interleaved>} : vector<32xbf16> -> vector<16xf32>
        %pack3A_433 = tpu.pack_subelements %get3A_426, %get3A_429 {pack_format = #tpu.pack_format<interleaved>, positions = array<i32: 0, 1>} : vector<16xf32>, vector<16xf32> -> vector<32xbf16>
        %unpack3A_434 = tpu.unpack_subelements %pack3A_433, 0 {pack_format = #tpu.pack_format<interleaved>} : vector<32xbf16> -> vector<16xf32>
        %unpack3A_435 = tpu.unpack_subelements %pack3A_433, 1 {pack_format = #tpu.pack_format<interleaved>} : vector<32xbf16> -> vector<16xf32>
        %mul3A_436 = arith.mulf %unpack3A_431, %get3A_207 : vector<16xf32>
        %mul3A_437 = arith.mulf %unpack3A_432, %get3A_210 : vector<16xf32>
        %add3A_438 = arith.addf %mul3A_436, %mul3A_437 : vector<16xf32>
        %mul3A_439 = arith.mulf %unpack3A_434, %get3A_213 : vector<16xf32>
        %mul3A_440 = arith.mulf %unpack3A_435, %get3A_216 : vector<16xf32>
        %add3A_441 = arith.addf %mul3A_439, %mul3A_440 : vector<16xf32>
        %add3A_442 = arith.addf %add3A_438, %add3A_441 : vector<16xf32>
        %reduce_sum3A_443 = arith.constant true
        %reduce_sum3A_444 = vector.broadcast %reduce_sum3A_443 : i1 to vector<16xi1>
        %reduce_sum3A_445 = tpu.scan <sum>, %add3A_442 masked %reduce_sum3A_444 : vector<16xf32>, vector<16xi1> -> vector<16xf32>
        %reduce_sum3A_446 = vector.extract %reduce_sum3A_445[15] : f32 from vector<16xf32>
        %mul3A_447 = arith.constant 16 : i32
        %mul3A_448 = arith.muli %scan3A_349, %mul3A_447 : i32
        %add3A_449 = arith.constant 3 : i32
        %add3A_450 = arith.addi %mul3A_448, %add3A_449 : i32
        %get3A_451 = arith.index_cast %add3A_450 : i32 to index
        %get3A_452 = arith.constant 0 : index
        %get3A_453 = tpu.vector_load %arg12[%get3A_451, %get3A_452] {strides = array<i32>} : memref<256x64xf32, #tpu.memory_space<vmem>>, vector<16xf32>,
        %get3A_454 = arith.index_cast %add3A_450 : i32 to index
        %get3A_455 = arith.constant 16 : index
        %get3A_456 = tpu.vector_load %arg12[%get3A_454, %get3A_455] {strides = array<i32>} : memref<256x64xf32, #tpu.memory_space<vmem>>, vector<16xf32>,
        %get3A_457 = arith.index_cast %add3A_450 : i32 to index
        %get3A_458 = arith.constant 32 : index
        %get3A_459 = tpu.vector_load %arg12[%get3A_457, %get3A_458] {strides = array<i32>} : memref<256x64xf32, #tpu.memory_space<vmem>>, vector<16xf32>,
        %get3A_460 = arith.index_cast %add3A_450 : i32 to index
        %get3A_461 = arith.constant 48 : index
        %get3A_462 = tpu.vector_load %arg12[%get3A_460, %get3A_461] {strides = array<i32>} : memref<256x64xf32, #tpu.memory_space<vmem>>, vector<16xf32>,
        %pack3A_463 = tpu.pack_subelements %get3A_453, %get3A_456 {pack_format = #tpu.pack_format<interleaved>, positions = array<i32: 0, 1>} : vector<16xf32>, vector<16xf32> -> vector<32xbf16>
        %unpack3A_464 = tpu.unpack_subelements %pack3A_463, 0 {pack_format = #tpu.pack_format<interleaved>} : vector<32xbf16> -> vector<16xf32>
        %unpack3A_465 = tpu.unpack_subelements %pack3A_463, 1 {pack_format = #tpu.pack_format<interleaved>} : vector<32xbf16> -> vector<16xf32>
        %pack3A_466 = tpu.pack_subelements %get3A_459, %get3A_462 {pack_format = #tpu.pack_format<interleaved>, positions = array<i32: 0, 1>} : vector<16xf32>, vector<16xf32> -> vector<32xbf16>
        %unpack3A_467 = tpu.unpack_subelements %pack3A_466, 0 {pack_format = #tpu.pack_format<interleaved>} : vector<32xbf16> -> vector<16xf32>
        %unpack3A_468 = tpu.unpack_subelements %pack3A_466, 1 {pack_format = #tpu.pack_format<interleaved>} : vector<32xbf16> -> vector<16xf32>
        %mul3A_469 = arith.mulf %unpack3A_464, %get3A_207 : vector<16xf32>
        %mul3A_470 = arith.mulf %unpack3A_465, %get3A_210 : vector<16xf32>
        %add3A_471 = arith.addf %mul3A_469, %mul3A_470 : vector<16xf32>
        %mul3A_472 = arith.mulf %unpack3A_467, %get3A_213 : vector<16xf32>
        %mul3A_473 = arith.mulf %unpack3A_468, %get3A_216 : vector<16xf32>
        %add3A_474 = arith.addf %mul3A_472, %mul3A_473 : vector<16xf32>
        %add3A_475 = arith.addf %add3A_471, %add3A_474 : vector<16xf32>
        %reduce_sum3A_476 = arith.constant true
        %reduce_sum3A_477 = vector.broadcast %reduce_sum3A_476 : i1 to vector<16xi1>
        %reduce_sum3A_478 = tpu.scan <sum>, %add3A_475 masked %reduce_sum3A_477 : vector<16xf32>, vector<16xi1> -> vector<16xf32>
        %reduce_sum3A_479 = vector.extract %reduce_sum3A_478[15] : f32 from vector<16xf32>
        %mul3A_480 = arith.constant 16 : i32
        %mul3A_481 = arith.muli %scan3A_349, %mul3A_480 : i32
        %add3A_482 = arith.constant 4 : i32
        %add3A_483 = arith.addi %mul3A_481, %add3A_482 : i32
        %get3A_484 = arith.index_cast %add3A_483 : i32 to index
        %get3A_485 = arith.constant 0 : index
        %get3A_486 = tpu.vector_load %arg12[%get3A_484, %get3A_485] {strides = array<i32>} : memref<256x64xf32, #tpu.memory_space<vmem>>, vector<16xf32>,
        %get3A_487 = arith.index_cast %add3A_483 : i32 to index
        %get3A_488 = arith.constant 16 : index
        %get3A_489 = tpu.vector_load %arg12[%get3A_487, %get3A_488] {strides = array<i32>} : memref<256x64xf32, #tpu.memory_space<vmem>>, vector<16xf32>,
        %get3A_490 = arith.index_cast %add3A_483 : i32 to index
        %get3A_491 = arith.constant 32 : index
        %get3A_492 = tpu.vector_load %arg12[%get3A_490, %get3A_491] {strides = array<i32>} : memref<256x64xf32, #tpu.memory_space<vmem>>, vector<16xf32>,
        %get3A_493 = arith.index_cast %add3A_483 : i32 to index
        %get3A_494 = arith.constant 48 : index
        %get3A_495 = tpu.vector_load %arg12[%get3A_493, %get3A_494] {strides = array<i32>} : memref<256x64xf32, #tpu.memory_space<vmem>>, vector<16xf32>,
        %pack3A_496 = tpu.pack_subelements %get3A_486, %get3A_489 {pack_format = #tpu.pack_format<interleaved>, positions = array<i32: 0, 1>} : vector<16xf32>, vector<16xf32> -> vector<32xbf16>
        %unpack3A_497 = tpu.unpack_subelements %pack3A_496, 0 {pack_format = #tpu.pack_format<interleaved>} : vector<32xbf16> -> vector<16xf32>
        %unpack3A_498 = tpu.unpack_subelements %pack3A_496, 1 {pack_format = #tpu.pack_format<interleaved>} : vector<32xbf16> -> vector<16xf32>
        %pack3A_499 = tpu.pack_subelements %get3A_492, %get3A_495 {pack_format = #tpu.pack_format<interleaved>, positions = array<i32: 0, 1>} : vector<16xf32>, vector<16xf32> -> vector<32xbf16>
        %unpack3A_500 = tpu.unpack_subelements %pack3A_499, 0 {pack_format = #tpu.pack_format<interleaved>} : vector<32xbf16> -> vector<16xf32>
        %unpack3A_501 = tpu.unpack_subelements %pack3A_499, 1 {pack_format = #tpu.pack_format<interleaved>} : vector<32xbf16> -> vector<16xf32>
        %mul3A_502 = arith.mulf %unpack3A_497, %get3A_207 : vector<16xf32>
        %mul3A_503 = arith.mulf %unpack3A_498, %get3A_210 : vector<16xf32>
        %add3A_504 = arith.addf %mul3A_502, %mul3A_503 : vector<16xf32>
        %mul3A_505 = arith.mulf %unpack3A_500, %get3A_213 : vector<16xf32>
        %mul3A_506 = arith.mulf %unpack3A_501, %get3A_216 : vector<16xf32>
        %add3A_507 = arith.addf %mul3A_505, %mul3A_506 : vector<16xf32>
        %add3A_508 = arith.addf %add3A_504, %add3A_507 : vector<16xf32>
        %reduce_sum3A_509 = arith.constant true
        %reduce_sum3A_510 = vector.broadcast %reduce_sum3A_509 : i1 to vector<16xi1>
        %reduce_sum3A_511 = tpu.scan <sum>, %add3A_508 masked %reduce_sum3A_510 : vector<16xf32>, vector<16xi1> -> vector<16xf32>
        %reduce_sum3A_512 = vector.extract %reduce_sum3A_511[15] : f32 from vector<16xf32>
        %mul3A_513 = arith.constant 16 : i32
        %mul3A_514 = arith.muli %scan3A_349, %mul3A_513 : i32
        %add3A_515 = arith.constant 5 : i32
        %add3A_516 = arith.addi %mul3A_514, %add3A_515 : i32
        %get3A_517 = arith.index_cast %add3A_516 : i32 to index
        %get3A_518 = arith.constant 0 : index
        %get3A_519 = tpu.vector_load %arg12[%get3A_517, %get3A_518] {strides = array<i32>} : memref<256x64xf32, #tpu.memory_space<vmem>>, vector<16xf32>,
        %get3A_520 = arith.index_cast %add3A_516 : i32 to index
        %get3A_521 = arith.constant 16 : index
        %get3A_522 = tpu.vector_load %arg12[%get3A_520, %get3A_521] {strides = array<i32>} : memref<256x64xf32, #tpu.memory_space<vmem>>, vector<16xf32>,
        %get3A_523 = arith.index_cast %add3A_516 : i32 to index
        %get3A_524 = arith.constant 32 : index
        %get3A_525 = tpu.vector_load %arg12[%get3A_523, %get3A_524] {strides = array<i32>} : memref<256x64xf32, #tpu.memory_space<vmem>>, vector<16xf32>,
        %get3A_526 = arith.index_cast %add3A_516 : i32 to index
        %get3A_527 = arith.constant 48 : index
        %get3A_528 = tpu.vector_load %arg12[%get3A_526, %get3A_527] {strides = array<i32>} : memref<256x64xf32, #tpu.memory_space<vmem>>, vector<16xf32>,
        %pack3A_529 = tpu.pack_subelements %get3A_519, %get3A_522 {pack_format = #tpu.pack_format<interleaved>, positions = array<i32: 0, 1>} : vector<16xf32>, vector<16xf32> -> vector<32xbf16>
        %unpack3A_530 = tpu.unpack_subelements %pack3A_529, 0 {pack_format = #tpu.pack_format<interleaved>} : vector<32xbf16> -> vector<16xf32>
        %unpack3A_531 = tpu.unpack_subelements %pack3A_529, 1 {pack_format = #tpu.pack_format<interleaved>} : vector<32xbf16> -> vector<16xf32>
        %pack3A_532 = tpu.pack_subelements %get3A_525, %get3A_528 {pack_format = #tpu.pack_format<interleaved>, positions = array<i32: 0, 1>} : vector<16xf32>, vector<16xf32> -> vector<32xbf16>
        %unpack3A_533 = tpu.unpack_subelements %pack3A_532, 0 {pack_format = #tpu.pack_format<interleaved>} : vector<32xbf16> -> vector<16xf32>
        %unpack3A_534 = tpu.unpack_subelements %pack3A_532, 1 {pack_format = #tpu.pack_format<interleaved>} : vector<32xbf16> -> vector<16xf32>
        %mul3A_535 = arith.mulf %unpack3A_530, %get3A_207 : vector<16xf32>
        %mul3A_536 = arith.mulf %unpack3A_531, %get3A_210 : vector<16xf32>
        %add3A_537 = arith.addf %mul3A_535, %mul3A_536 : vector<16xf32>
        %mul3A_538 = arith.mulf %unpack3A_533, %get3A_213 : vector<16xf32>
        %mul3A_539 = arith.mulf %unpack3A_534, %get3A_216 : vector<16xf32>
        %add3A_540 = arith.addf %mul3A_538, %mul3A_539 : vector<16xf32>
        %add3A_541 = arith.addf %add3A_537, %add3A_540 : vector<16xf32>
        %reduce_sum3A_542 = arith.constant true
        %reduce_sum3A_543 = vector.broadcast %reduce_sum3A_542 : i1 to vector<16xi1>
        %reduce_sum3A_544 = tpu.scan <sum>, %add3A_541 masked %reduce_sum3A_543 : vector<16xf32>, vector<16xi1> -> vector<16xf32>
        %reduce_sum3A_545 = vector.extract %reduce_sum3A_544[15] : f32 from vector<16xf32>
        %mul3A_546 = arith.constant 16 : i32
        %mul3A_547 = arith.muli %scan3A_349, %mul3A_546 : i32
        %add3A_548 = arith.constant 6 : i32
        %add3A_549 = arith.addi %mul3A_547, %add3A_548 : i32
        %get3A_550 = arith.index_cast %add3A_549 : i32 to index
        %get3A_551 = arith.constant 0 : index
        %get3A_552 = tpu.vector_load %arg12[%get3A_550, %get3A_551] {strides = array<i32>} : memref<256x64xf32, #tpu.memory_space<vmem>>, vector<16xf32>,
        %get3A_553 = arith.index_cast %add3A_549 : i32 to index
        %get3A_554 = arith.constant 16 : index
        %get3A_555 = tpu.vector_load %arg12[%get3A_553, %get3A_554] {strides = array<i32>} : memref<256x64xf32, #tpu.memory_space<vmem>>, vector<16xf32>,
        %get3A_556 = arith.index_cast %add3A_549 : i32 to index
        %get3A_557 = arith.constant 32 : index
        %get3A_558 = tpu.vector_load %arg12[%get3A_556, %get3A_557] {strides = array<i32>} : memref<256x64xf32, #tpu.memory_space<vmem>>, vector<16xf32>,
        %get3A_559 = arith.index_cast %add3A_549 : i32 to index
        %get3A_560 = arith.constant 48 : index
        %get3A_561 = tpu.vector_load %arg12[%get3A_559, %get3A_560] {strides = array<i32>} : memref<256x64xf32, #tpu.memory_space<vmem>>, vector<16xf32>,
        %pack3A_562 = tpu.pack_subelements %get3A_552, %get3A_555 {pack_format = #tpu.pack_format<interleaved>, positions = array<i32: 0, 1>} : vector<16xf32>, vector<16xf32> -> vector<32xbf16>
        %unpack3A_563 = tpu.unpack_subelements %pack3A_562, 0 {pack_format = #tpu.pack_format<interleaved>} : vector<32xbf16> -> vector<16xf32>
        %unpack3A_564 = tpu.unpack_subelements %pack3A_562, 1 {pack_format = #tpu.pack_format<interleaved>} : vector<32xbf16> -> vector<16xf32>
        %pack3A_565 = tpu.pack_subelements %get3A_558, %get3A_561 {pack_format = #tpu.pack_format<interleaved>, positions = array<i32: 0, 1>} : vector<16xf32>, vector<16xf32> -> vector<32xbf16>
        %unpack3A_566 = tpu.unpack_subelements %pack3A_565, 0 {pack_format = #tpu.pack_format<interleaved>} : vector<32xbf16> -> vector<16xf32>
        %unpack3A_567 = tpu.unpack_subelements %pack3A_565, 1 {pack_format = #tpu.pack_format<interleaved>} : vector<32xbf16> -> vector<16xf32>
        %mul3A_568 = arith.mulf %unpack3A_563, %get3A_207 : vector<16xf32>
        %mul3A_569 = arith.mulf %unpack3A_564, %get3A_210 : vector<16xf32>
        %add3A_570 = arith.addf %mul3A_568, %mul3A_569 : vector<16xf32>
        %mul3A_571 = arith.mulf %unpack3A_566, %get3A_213 : vector<16xf32>
        %mul3A_572 = arith.mulf %unpack3A_567, %get3A_216 : vector<16xf32>
        %add3A_573 = arith.addf %mul3A_571, %mul3A_572 : vector<16xf32>
        %add3A_574 = arith.addf %add3A_570, %add3A_573 : vector<16xf32>
        %reduce_sum3A_575 = arith.constant true
        %reduce_sum3A_576 = vector.broadcast %reduce_sum3A_575 : i1 to vector<16xi1>
        %reduce_sum3A_577 = tpu.scan <sum>, %add3A_574 masked %reduce_sum3A_576 : vector<16xf32>, vector<16xi1> -> vector<16xf32>
        %reduce_sum3A_578 = vector.extract %reduce_sum3A_577[15] : f32 from vector<16xf32>
        %mul3A_579 = arith.constant 16 : i32
        %mul3A_580 = arith.muli %scan3A_349, %mul3A_579 : i32
        %add3A_581 = arith.constant 7 : i32
        %add3A_582 = arith.addi %mul3A_580, %add3A_581 : i32
        %get3A_583 = arith.index_cast %add3A_582 : i32 to index
        %get3A_584 = arith.constant 0 : index
        %get3A_585 = tpu.vector_load %arg12[%get3A_583, %get3A_584] {strides = array<i32>} : memref<256x64xf32, #tpu.memory_space<vmem>>, vector<16xf32>,
        %get3A_586 = arith.index_cast %add3A_582 : i32 to index
        %get3A_587 = arith.constant 16 : index
        %get3A_588 = tpu.vector_load %arg12[%get3A_586, %get3A_587] {strides = array<i32>} : memref<256x64xf32, #tpu.memory_space<vmem>>, vector<16xf32>,
        %get3A_589 = arith.index_cast %add3A_582 : i32 to index
        %get3A_590 = arith.constant 32 : index
        %get3A_591 = tpu.vector_load %arg12[%get3A_589, %get3A_590] {strides = array<i32>} : memref<256x64xf32, #tpu.memory_space<vmem>>, vector<16xf32>,
        %get3A_592 = arith.index_cast %add3A_582 : i32 to index
        %get3A_593 = arith.constant 48 : index
        %get3A_594 = tpu.vector_load %arg12[%get3A_592, %get3A_593] {strides = array<i32>} : memref<256x64xf32, #tpu.memory_space<vmem>>, vector<16xf32>,
        %pack3A_595 = tpu.pack_subelements %get3A_585, %get3A_588 {pack_format = #tpu.pack_format<interleaved>, positions = array<i32: 0, 1>} : vector<16xf32>, vector<16xf32> -> vector<32xbf16>
        %unpack3A_596 = tpu.unpack_subelements %pack3A_595, 0 {pack_format = #tpu.pack_format<interleaved>} : vector<32xbf16> -> vector<16xf32>
        %unpack3A_597 = tpu.unpack_subelements %pack3A_595, 1 {pack_format = #tpu.pack_format<interleaved>} : vector<32xbf16> -> vector<16xf32>
        %pack3A_598 = tpu.pack_subelements %get3A_591, %get3A_594 {pack_format = #tpu.pack_format<interleaved>, positions = array<i32: 0, 1>} : vector<16xf32>, vector<16xf32> -> vector<32xbf16>
        %unpack3A_599 = tpu.unpack_subelements %pack3A_598, 0 {pack_format = #tpu.pack_format<interleaved>} : vector<32xbf16> -> vector<16xf32>
        %unpack3A_600 = tpu.unpack_subelements %pack3A_598, 1 {pack_format = #tpu.pack_format<interleaved>} : vector<32xbf16> -> vector<16xf32>
        %mul3A_601 = arith.mulf %unpack3A_596, %get3A_207 : vector<16xf32>
        %mul3A_602 = arith.mulf %unpack3A_597, %get3A_210 : vector<16xf32>
        %add3A_603 = arith.addf %mul3A_601, %mul3A_602 : vector<16xf32>
        %mul3A_604 = arith.mulf %unpack3A_599, %get3A_213 : vector<16xf32>
        %mul3A_605 = arith.mulf %unpack3A_600, %get3A_216 : vector<16xf32>
        %add3A_606 = arith.addf %mul3A_604, %mul3A_605 : vector<16xf32>
        %add3A_607 = arith.addf %add3A_603, %add3A_606 : vector<16xf32>
        %reduce_sum3A_608 = arith.constant true
        %reduce_sum3A_609 = vector.broadcast %reduce_sum3A_608 : i1 to vector<16xi1>
        %reduce_sum3A_610 = tpu.scan <sum>, %add3A_607 masked %reduce_sum3A_609 : vector<16xf32>, vector<16xi1> -> vector<16xf32>
        %reduce_sum3A_611 = vector.extract %reduce_sum3A_610[15] : f32 from vector<16xf32>
        %mul3A_612 = arith.constant 16 : i32
        %mul3A_613 = arith.muli %scan3A_349, %mul3A_612 : i32
        %add3A_614 = arith.constant 8 : i32
        %add3A_615 = arith.addi %mul3A_613, %add3A_614 : i32
        %get3A_616 = arith.index_cast %add3A_615 : i32 to index
        %get3A_617 = arith.constant 0 : index
        %get3A_618 = tpu.vector_load %arg12[%get3A_616, %get3A_617] {strides = array<i32>} : memref<256x64xf32, #tpu.memory_space<vmem>>, vector<16xf32>,
        %get3A_619 = arith.index_cast %add3A_615 : i32 to index
        %get3A_620 = arith.constant 16 : index
        %get3A_621 = tpu.vector_load %arg12[%get3A_619, %get3A_620] {strides = array<i32>} : memref<256x64xf32, #tpu.memory_space<vmem>>, vector<16xf32>,
        %get3A_622 = arith.index_cast %add3A_615 : i32 to index
        %get3A_623 = arith.constant 32 : index
        %get3A_624 = tpu.vector_load %arg12[%get3A_622, %get3A_623] {strides = array<i32>} : memref<256x64xf32, #tpu.memory_space<vmem>>, vector<16xf32>,
        %get3A_625 = arith.index_cast %add3A_615 : i32 to index
        %get3A_626 = arith.constant 48 : index
        %get3A_627 = tpu.vector_load %arg12[%get3A_625, %get3A_626] {strides = array<i32>} : memref<256x64xf32, #tpu.memory_space<vmem>>, vector<16xf32>,
        %pack3A_628 = tpu.pack_subelements %get3A_618, %get3A_621 {pack_format = #tpu.pack_format<interleaved>, positions = array<i32: 0, 1>} : vector<16xf32>, vector<16xf32> -> vector<32xbf16>
        %unpack3A_629 = tpu.unpack_subelements %pack3A_628, 0 {pack_format = #tpu.pack_format<interleaved>} : vector<32xbf16> -> vector<16xf32>
        %unpack3A_630 = tpu.unpack_subelements %pack3A_628, 1 {pack_format = #tpu.pack_format<interleaved>} : vector<32xbf16> -> vector<16xf32>
        %pack3A_631 = tpu.pack_subelements %get3A_624, %get3A_627 {pack_format = #tpu.pack_format<interleaved>, positions = array<i32: 0, 1>} : vector<16xf32>, vector<16xf32> -> vector<32xbf16>
        %unpack3A_632 = tpu.unpack_subelements %pack3A_631, 0 {pack_format = #tpu.pack_format<interleaved>} : vector<32xbf16> -> vector<16xf32>
        %unpack3A_633 = tpu.unpack_subelements %pack3A_631, 1 {pack_format = #tpu.pack_format<interleaved>} : vector<32xbf16> -> vector<16xf32>
        %mul3A_634 = arith.mulf %unpack3A_629, %get3A_207 : vector<16xf32>
        %mul3A_635 = arith.mulf %unpack3A_630, %get3A_210 : vector<16xf32>
        %add3A_636 = arith.addf %mul3A_634, %mul3A_635 : vector<16xf32>
        %mul3A_637 = arith.mulf %unpack3A_632, %get3A_213 : vector<16xf32>
        %mul3A_638 = arith.mulf %unpack3A_633, %get3A_216 : vector<16xf32>
        %add3A_639 = arith.addf %mul3A_637, %mul3A_638 : vector<16xf32>
        %add3A_640 = arith.addf %add3A_636, %add3A_639 : vector<16xf32>
        %reduce_sum3A_641 = arith.constant true
        %reduce_sum3A_642 = vector.broadcast %reduce_sum3A_641 : i1 to vector<16xi1>
        %reduce_sum3A_643 = tpu.scan <sum>, %add3A_640 masked %reduce_sum3A_642 : vector<16xf32>, vector<16xi1> -> vector<16xf32>
        %reduce_sum3A_644 = vector.extract %reduce_sum3A_643[15] : f32 from vector<16xf32>
        %mul3A_645 = arith.constant 16 : i32
        %mul3A_646 = arith.muli %scan3A_349, %mul3A_645 : i32
        %add3A_647 = arith.constant 9 : i32
        %add3A_648 = arith.addi %mul3A_646, %add3A_647 : i32
        %get3A_649 = arith.index_cast %add3A_648 : i32 to index
        %get3A_650 = arith.constant 0 : index
        %get3A_651 = tpu.vector_load %arg12[%get3A_649, %get3A_650] {strides = array<i32>} : memref<256x64xf32, #tpu.memory_space<vmem>>, vector<16xf32>,
        %get3A_652 = arith.index_cast %add3A_648 : i32 to index
        %get3A_653 = arith.constant 16 : index
        %get3A_654 = tpu.vector_load %arg12[%get3A_652, %get3A_653] {strides = array<i32>} : memref<256x64xf32, #tpu.memory_space<vmem>>, vector<16xf32>,
        %get3A_655 = arith.index_cast %add3A_648 : i32 to index
        %get3A_656 = arith.constant 32 : index
        %get3A_657 = tpu.vector_load %arg12[%get3A_655, %get3A_656] {strides = array<i32>} : memref<256x64xf32, #tpu.memory_space<vmem>>, vector<16xf32>,
        %get3A_658 = arith.index_cast %add3A_648 : i32 to index
        %get3A_659 = arith.constant 48 : index
        %get3A_660 = tpu.vector_load %arg12[%get3A_658, %get3A_659] {strides = array<i32>} : memref<256x64xf32, #tpu.memory_space<vmem>>, vector<16xf32>,
        %pack3A_661 = tpu.pack_subelements %get3A_651, %get3A_654 {pack_format = #tpu.pack_format<interleaved>, positions = array<i32: 0, 1>} : vector<16xf32>, vector<16xf32> -> vector<32xbf16>
        %unpack3A_662 = tpu.unpack_subelements %pack3A_661, 0 {pack_format = #tpu.pack_format<interleaved>} : vector<32xbf16> -> vector<16xf32>
        %unpack3A_663 = tpu.unpack_subelements %pack3A_661, 1 {pack_format = #tpu.pack_format<interleaved>} : vector<32xbf16> -> vector<16xf32>
        %pack3A_664 = tpu.pack_subelements %get3A_657, %get3A_660 {pack_format = #tpu.pack_format<interleaved>, positions = array<i32: 0, 1>} : vector<16xf32>, vector<16xf32> -> vector<32xbf16>
        %unpack3A_665 = tpu.unpack_subelements %pack3A_664, 0 {pack_format = #tpu.pack_format<interleaved>} : vector<32xbf16> -> vector<16xf32>
        %unpack3A_666 = tpu.unpack_subelements %pack3A_664, 1 {pack_format = #tpu.pack_format<interleaved>} : vector<32xbf16> -> vector<16xf32>
        %mul3A_667 = arith.mulf %unpack3A_662, %get3A_207 : vector<16xf32>
        %mul3A_668 = arith.mulf %unpack3A_663, %get3A_210 : vector<16xf32>
        %add3A_669 = arith.addf %mul3A_667, %mul3A_668 : vector<16xf32>
        %mul3A_670 = arith.mulf %unpack3A_665, %get3A_213 : vector<16xf32>
        %mul3A_671 = arith.mulf %unpack3A_666, %get3A_216 : vector<16xf32>
        %add3A_672 = arith.addf %mul3A_670, %mul3A_671 : vector<16xf32>
        %add3A_673 = arith.addf %add3A_669, %add3A_672 : vector<16xf32>
        %reduce_sum3A_674 = arith.constant true
        %reduce_sum3A_675 = vector.broadcast %reduce_sum3A_674 : i1 to vector<16xi1>
        %reduce_sum3A_676 = tpu.scan <sum>, %add3A_673 masked %reduce_sum3A_675 : vector<16xf32>, vector<16xi1> -> vector<16xf32>
        %reduce_sum3A_677 = vector.extract %reduce_sum3A_676[15] : f32 from vector<16xf32>
        %mul3A_678 = arith.constant 16 : i32
        %mul3A_679 = arith.muli %scan3A_349, %mul3A_678 : i32
        %add3A_680 = arith.constant 10 : i32
        %add3A_681 = arith.addi %mul3A_679, %add3A_680 : i32
        %get3A_682 = arith.index_cast %add3A_681 : i32 to index
        %get3A_683 = arith.constant 0 : index
        %get3A_684 = tpu.vector_load %arg12[%get3A_682, %get3A_683] {strides = array<i32>} : memref<256x64xf32, #tpu.memory_space<vmem>>, vector<16xf32>,
        %get3A_685 = arith.index_cast %add3A_681 : i32 to index
        %get3A_686 = arith.constant 16 : index
        %get3A_687 = tpu.vector_load %arg12[%get3A_685, %get3A_686] {strides = array<i32>} : memref<256x64xf32, #tpu.memory_space<vmem>>, vector<16xf32>,
        %get3A_688 = arith.index_cast %add3A_681 : i32 to index
        %get3A_689 = arith.constant 32 : index
        %get3A_690 = tpu.vector_load %arg12[%get3A_688, %get3A_689] {strides = array<i32>} : memref<256x64xf32, #tpu.memory_space<vmem>>, vector<16xf32>,
        %get3A_691 = arith.index_cast %add3A_681 : i32 to index
        %get3A_692 = arith.constant 48 : index
        %get3A_693 = tpu.vector_load %arg12[%get3A_691, %get3A_692] {strides = array<i32>} : memref<256x64xf32, #tpu.memory_space<vmem>>, vector<16xf32>,
        %pack3A_694 = tpu.pack_subelements %get3A_684, %get3A_687 {pack_format = #tpu.pack_format<interleaved>, positions = array<i32: 0, 1>} : vector<16xf32>, vector<16xf32> -> vector<32xbf16>
        %unpack3A_695 = tpu.unpack_subelements %pack3A_694, 0 {pack_format = #tpu.pack_format<interleaved>} : vector<32xbf16> -> vector<16xf32>
        %unpack3A_696 = tpu.unpack_subelements %pack3A_694, 1 {pack_format = #tpu.pack_format<interleaved>} : vector<32xbf16> -> vector<16xf32>
        %pack3A_697 = tpu.pack_subelements %get3A_690, %get3A_693 {pack_format = #tpu.pack_format<interleaved>, positions = array<i32: 0, 1>} : vector<16xf32>, vector<16xf32> -> vector<32xbf16>
        %unpack3A_698 = tpu.unpack_subelements %pack3A_697, 0 {pack_format = #tpu.pack_format<interleaved>} : vector<32xbf16> -> vector<16xf32>
        %unpack3A_699 = tpu.unpack_subelements %pack3A_697, 1 {pack_format = #tpu.pack_format<interleaved>} : vector<32xbf16> -> vector<16xf32>
        %mul3A_700 = arith.mulf %unpack3A_695, %get3A_207 : vector<16xf32>
        %mul3A_701 = arith.mulf %unpack3A_696, %get3A_210 : vector<16xf32>
        %add3A_702 = arith.addf %mul3A_700, %mul3A_701 : vector<16xf32>
        %mul3A_703 = arith.mulf %unpack3A_698, %get3A_213 : vector<16xf32>
        %mul3A_704 = arith.mulf %unpack3A_699, %get3A_216 : vector<16xf32>
        %add3A_705 = arith.addf %mul3A_703, %mul3A_704 : vector<16xf32>
        %add3A_706 = arith.addf %add3A_702, %add3A_705 : vector<16xf32>
        %reduce_sum3A_707 = arith.constant true
        %reduce_sum3A_708 = vector.broadcast %reduce_sum3A_707 : i1 to vector<16xi1>
        %reduce_sum3A_709 = tpu.scan <sum>, %add3A_706 masked %reduce_sum3A_708 : vector<16xf32>, vector<16xi1> -> vector<16xf32>
        %reduce_sum3A_710 = vector.extract %reduce_sum3A_709[15] : f32 from vector<16xf32>
        %mul3A_711 = arith.constant 16 : i32
        %mul3A_712 = arith.muli %scan3A_349, %mul3A_711 : i32
        %add3A_713 = arith.constant 11 : i32
        %add3A_714 = arith.addi %mul3A_712, %add3A_713 : i32
        %get3A_715 = arith.index_cast %add3A_714 : i32 to index
        %get3A_716 = arith.constant 0 : index
        %get3A_717 = tpu.vector_load %arg12[%get3A_715, %get3A_716] {strides = array<i32>} : memref<256x64xf32, #tpu.memory_space<vmem>>, vector<16xf32>,
        %get3A_718 = arith.index_cast %add3A_714 : i32 to index
        %get3A_719 = arith.constant 16 : index
        %get3A_720 = tpu.vector_load %arg12[%get3A_718, %get3A_719] {strides = array<i32>} : memref<256x64xf32, #tpu.memory_space<vmem>>, vector<16xf32>,
        %get3A_721 = arith.index_cast %add3A_714 : i32 to index
        %get3A_722 = arith.constant 32 : index
        %get3A_723 = tpu.vector_load %arg12[%get3A_721, %get3A_722] {strides = array<i32>} : memref<256x64xf32, #tpu.memory_space<vmem>>, vector<16xf32>,
        %get3A_724 = arith.index_cast %add3A_714 : i32 to index
        %get3A_725 = arith.constant 48 : index
        %get3A_726 = tpu.vector_load %arg12[%get3A_724, %get3A_725] {strides = array<i32>} : memref<256x64xf32, #tpu.memory_space<vmem>>, vector<16xf32>,
        %pack3A_727 = tpu.pack_subelements %get3A_717, %get3A_720 {pack_format = #tpu.pack_format<interleaved>, positions = array<i32: 0, 1>} : vector<16xf32>, vector<16xf32> -> vector<32xbf16>
        %unpack3A_728 = tpu.unpack_subelements %pack3A_727, 0 {pack_format = #tpu.pack_format<interleaved>} : vector<32xbf16> -> vector<16xf32>
        %unpack3A_729 = tpu.unpack_subelements %pack3A_727, 1 {pack_format = #tpu.pack_format<interleaved>} : vector<32xbf16> -> vector<16xf32>
        %pack3A_730 = tpu.pack_subelements %get3A_723, %get3A_726 {pack_format = #tpu.pack_format<interleaved>, positions = array<i32: 0, 1>} : vector<16xf32>, vector<16xf32> -> vector<32xbf16>
        %unpack3A_731 = tpu.unpack_subelements %pack3A_730, 0 {pack_format = #tpu.pack_format<interleaved>} : vector<32xbf16> -> vector<16xf32>
        %unpack3A_732 = tpu.unpack_subelements %pack3A_730, 1 {pack_format = #tpu.pack_format<interleaved>} : vector<32xbf16> -> vector<16xf32>
        %mul3A_733 = arith.mulf %unpack3A_728, %get3A_207 : vector<16xf32>
        %mul3A_734 = arith.mulf %unpack3A_729, %get3A_210 : vector<16xf32>
        %add3A_735 = arith.addf %mul3A_733, %mul3A_734 : vector<16xf32>
        %mul3A_736 = arith.mulf %unpack3A_731, %get3A_213 : vector<16xf32>
        %mul3A_737 = arith.mulf %unpack3A_732, %get3A_216 : vector<16xf32>
        %add3A_738 = arith.addf %mul3A_736, %mul3A_737 : vector<16xf32>
        %add3A_739 = arith.addf %add3A_735, %add3A_738 : vector<16xf32>
        %reduce_sum3A_740 = arith.constant true
        %reduce_sum3A_741 = vector.broadcast %reduce_sum3A_740 : i1 to vector<16xi1>
        %reduce_sum3A_742 = tpu.scan <sum>, %add3A_739 masked %reduce_sum3A_741 : vector<16xf32>, vector<16xi1> -> vector<16xf32>
        %reduce_sum3A_743 = vector.extract %reduce_sum3A_742[15] : f32 from vector<16xf32>
        %mul3A_744 = arith.constant 16 : i32
        %mul3A_745 = arith.muli %scan3A_349, %mul3A_744 : i32
        %add3A_746 = arith.constant 12 : i32
        %add3A_747 = arith.addi %mul3A_745, %add3A_746 : i32
        %get3A_748 = arith.index_cast %add3A_747 : i32 to index
        %get3A_749 = arith.constant 0 : index
        %get3A_750 = tpu.vector_load %arg12[%get3A_748, %get3A_749] {strides = array<i32>} : memref<256x64xf32, #tpu.memory_space<vmem>>, vector<16xf32>,
        %get3A_751 = arith.index_cast %add3A_747 : i32 to index
        %get3A_752 = arith.constant 16 : index
        %get3A_753 = tpu.vector_load %arg12[%get3A_751, %get3A_752] {strides = array<i32>} : memref<256x64xf32, #tpu.memory_space<vmem>>, vector<16xf32>,
        %get3A_754 = arith.index_cast %add3A_747 : i32 to index
        %get3A_755 = arith.constant 32 : index
        %get3A_756 = tpu.vector_load %arg12[%get3A_754, %get3A_755] {strides = array<i32>} : memref<256x64xf32, #tpu.memory_space<vmem>>, vector<16xf32>,
        %get3A_757 = arith.index_cast %add3A_747 : i32 to index
        %get3A_758 = arith.constant 48 : index
        %get3A_759 = tpu.vector_load %arg12[%get3A_757, %get3A_758] {strides = array<i32>} : memref<256x64xf32, #tpu.memory_space<vmem>>, vector<16xf32>,
        %pack3A_760 = tpu.pack_subelements %get3A_750, %get3A_753 {pack_format = #tpu.pack_format<interleaved>, positions = array<i32: 0, 1>} : vector<16xf32>, vector<16xf32> -> vector<32xbf16>
        %unpack3A_761 = tpu.unpack_subelements %pack3A_760, 0 {pack_format = #tpu.pack_format<interleaved>} : vector<32xbf16> -> vector<16xf32>
        %unpack3A_762 = tpu.unpack_subelements %pack3A_760, 1 {pack_format = #tpu.pack_format<interleaved>} : vector<32xbf16> -> vector<16xf32>
        %pack3A_763 = tpu.pack_subelements %get3A_756, %get3A_759 {pack_format = #tpu.pack_format<interleaved>, positions = array<i32: 0, 1>} : vector<16xf32>, vector<16xf32> -> vector<32xbf16>
        %unpack3A_764 = tpu.unpack_subelements %pack3A_763, 0 {pack_format = #tpu.pack_format<interleaved>} : vector<32xbf16> -> vector<16xf32>
        %unpack3A_765 = tpu.unpack_subelements %pack3A_763, 1 {pack_format = #tpu.pack_format<interleaved>} : vector<32xbf16> -> vector<16xf32>
        %mul3A_766 = arith.mulf %unpack3A_761, %get3A_207 : vector<16xf32>
        %mul3A_767 = arith.mulf %unpack3A_762, %get3A_210 : vector<16xf32>
        %add3A_768 = arith.addf %mul3A_766, %mul3A_767 : vector<16xf32>
        %mul3A_769 = arith.mulf %unpack3A_764, %get3A_213 : vector<16xf32>
        %mul3A_770 = arith.mulf %unpack3A_765, %get3A_216 : vector<16xf32>
        %add3A_771 = arith.addf %mul3A_769, %mul3A_770 : vector<16xf32>
        %add3A_772 = arith.addf %add3A_768, %add3A_771 : vector<16xf32>
        %reduce_sum3A_773 = arith.constant true
        %reduce_sum3A_774 = vector.broadcast %reduce_sum3A_773 : i1 to vector<16xi1>
        %reduce_sum3A_775 = tpu.scan <sum>, %add3A_772 masked %reduce_sum3A_774 : vector<16xf32>, vector<16xi1> -> vector<16xf32>
        %reduce_sum3A_776 = vector.extract %reduce_sum3A_775[15] : f32 from vector<16xf32>
        %mul3A_777 = arith.constant 16 : i32
        %mul3A_778 = arith.muli %scan3A_349, %mul3A_777 : i32
        %add3A_779 = arith.constant 13 : i32
        %add3A_780 = arith.addi %mul3A_778, %add3A_779 : i32
        %get3A_781 = arith.index_cast %add3A_780 : i32 to index
        %get3A_782 = arith.constant 0 : index
        %get3A_783 = tpu.vector_load %arg12[%get3A_781, %get3A_782] {strides = array<i32>} : memref<256x64xf32, #tpu.memory_space<vmem>>, vector<16xf32>,
        %get3A_784 = arith.index_cast %add3A_780 : i32 to index
        %get3A_785 = arith.constant 16 : index
        %get3A_786 = tpu.vector_load %arg12[%get3A_784, %get3A_785] {strides = array<i32>} : memref<256x64xf32, #tpu.memory_space<vmem>>, vector<16xf32>,
        %get3A_787 = arith.index_cast %add3A_780 : i32 to index
        %get3A_788 = arith.constant 32 : index
        %get3A_789 = tpu.vector_load %arg12[%get3A_787, %get3A_788] {strides = array<i32>} : memref<256x64xf32, #tpu.memory_space<vmem>>, vector<16xf32>,
        %get3A_790 = arith.index_cast %add3A_780 : i32 to index
        %get3A_791 = arith.constant 48 : index
        %get3A_792 = tpu.vector_load %arg12[%get3A_790, %get3A_791] {strides = array<i32>} : memref<256x64xf32, #tpu.memory_space<vmem>>, vector<16xf32>,
        %pack3A_793 = tpu.pack_subelements %get3A_783, %get3A_786 {pack_format = #tpu.pack_format<interleaved>, positions = array<i32: 0, 1>} : vector<16xf32>, vector<16xf32> -> vector<32xbf16>
        %unpack3A_794 = tpu.unpack_subelements %pack3A_793, 0 {pack_format = #tpu.pack_format<interleaved>} : vector<32xbf16> -> vector<16xf32>
        %unpack3A_795 = tpu.unpack_subelements %pack3A_793, 1 {pack_format = #tpu.pack_format<interleaved>} : vector<32xbf16> -> vector<16xf32>
        %pack3A_796 = tpu.pack_subelements %get3A_789, %get3A_792 {pack_format = #tpu.pack_format<interleaved>, positions = array<i32: 0, 1>} : vector<16xf32>, vector<16xf32> -> vector<32xbf16>
        %unpack3A_797 = tpu.unpack_subelements %pack3A_796, 0 {pack_format = #tpu.pack_format<interleaved>} : vector<32xbf16> -> vector<16xf32>
        %unpack3A_798 = tpu.unpack_subelements %pack3A_796, 1 {pack_format = #tpu.pack_format<interleaved>} : vector<32xbf16> -> vector<16xf32>
        %mul3A_799 = arith.mulf %unpack3A_794, %get3A_207 : vector<16xf32>
        %mul3A_800 = arith.mulf %unpack3A_795, %get3A_210 : vector<16xf32>
        %add3A_801 = arith.addf %mul3A_799, %mul3A_800 : vector<16xf32>
        %mul3A_802 = arith.mulf %unpack3A_797, %get3A_213 : vector<16xf32>
        %mul3A_803 = arith.mulf %unpack3A_798, %get3A_216 : vector<16xf32>
        %add3A_804 = arith.addf %mul3A_802, %mul3A_803 : vector<16xf32>
        %add3A_805 = arith.addf %add3A_801, %add3A_804 : vector<16xf32>
        %reduce_sum3A_806 = arith.constant true
        %reduce_sum3A_807 = vector.broadcast %reduce_sum3A_806 : i1 to vector<16xi1>
        %reduce_sum3A_808 = tpu.scan <sum>, %add3A_805 masked %reduce_sum3A_807 : vector<16xf32>, vector<16xi1> -> vector<16xf32>
        %reduce_sum3A_809 = vector.extract %reduce_sum3A_808[15] : f32 from vector<16xf32>
        %mul3A_810 = arith.constant 16 : i32
        %mul3A_811 = arith.muli %scan3A_349, %mul3A_810 : i32
        %add3A_812 = arith.constant 14 : i32
        %add3A_813 = arith.addi %mul3A_811, %add3A_812 : i32
        %get3A_814 = arith.index_cast %add3A_813 : i32 to index
        %get3A_815 = arith.constant 0 : index
        %get3A_816 = tpu.vector_load %arg12[%get3A_814, %get3A_815] {strides = array<i32>} : memref<256x64xf32, #tpu.memory_space<vmem>>, vector<16xf32>,
        %get3A_817 = arith.index_cast %add3A_813 : i32 to index
        %get3A_818 = arith.constant 16 : index
        %get3A_819 = tpu.vector_load %arg12[%get3A_817, %get3A_818] {strides = array<i32>} : memref<256x64xf32, #tpu.memory_space<vmem>>, vector<16xf32>,
        %get3A_820 = arith.index_cast %add3A_813 : i32 to index
        %get3A_821 = arith.constant 32 : index
        %get3A_822 = tpu.vector_load %arg12[%get3A_820, %get3A_821] {strides = array<i32>} : memref<256x64xf32, #tpu.memory_space<vmem>>, vector<16xf32>,
        %get3A_823 = arith.index_cast %add3A_813 : i32 to index
        %get3A_824 = arith.constant 48 : index
        %get3A_825 = tpu.vector_load %arg12[%get3A_823, %get3A_824] {strides = array<i32>} : memref<256x64xf32, #tpu.memory_space<vmem>>, vector<16xf32>,
        %pack3A_826 = tpu.pack_subelements %get3A_816, %get3A_819 {pack_format = #tpu.pack_format<interleaved>, positions = array<i32: 0, 1>} : vector<16xf32>, vector<16xf32> -> vector<32xbf16>
        %unpack3A_827 = tpu.unpack_subelements %pack3A_826, 0 {pack_format = #tpu.pack_format<interleaved>} : vector<32xbf16> -> vector<16xf32>
        %unpack3A_828 = tpu.unpack_subelements %pack3A_826, 1 {pack_format = #tpu.pack_format<interleaved>} : vector<32xbf16> -> vector<16xf32>
        %pack3A_829 = tpu.pack_subelements %get3A_822, %get3A_825 {pack_format = #tpu.pack_format<interleaved>, positions = array<i32: 0, 1>} : vector<16xf32>, vector<16xf32> -> vector<32xbf16>
        %unpack3A_830 = tpu.unpack_subelements %pack3A_829, 0 {pack_format = #tpu.pack_format<interleaved>} : vector<32xbf16> -> vector<16xf32>
        %unpack3A_831 = tpu.unpack_subelements %pack3A_829, 1 {pack_format = #tpu.pack_format<interleaved>} : vector<32xbf16> -> vector<16xf32>
        %mul3A_832 = arith.mulf %unpack3A_827, %get3A_207 : vector<16xf32>
        %mul3A_833 = arith.mulf %unpack3A_828, %get3A_210 : vector<16xf32>
        %add3A_834 = arith.addf %mul3A_832, %mul3A_833 : vector<16xf32>
        %mul3A_835 = arith.mulf %unpack3A_830, %get3A_213 : vector<16xf32>
        %mul3A_836 = arith.mulf %unpack3A_831, %get3A_216 : vector<16xf32>
        %add3A_837 = arith.addf %mul3A_835, %mul3A_836 : vector<16xf32>
        %add3A_838 = arith.addf %add3A_834, %add3A_837 : vector<16xf32>
        %reduce_sum3A_839 = arith.constant true
        %reduce_sum3A_840 = vector.broadcast %reduce_sum3A_839 : i1 to vector<16xi1>
        %reduce_sum3A_841 = tpu.scan <sum>, %add3A_838 masked %reduce_sum3A_840 : vector<16xf32>, vector<16xi1> -> vector<16xf32>
        %reduce_sum3A_842 = vector.extract %reduce_sum3A_841[15] : f32 from vector<16xf32>
        %mul3A_843 = arith.constant 16 : i32
        %mul3A_844 = arith.muli %scan3A_349, %mul3A_843 : i32
        %add3A_845 = arith.constant 15 : i32
        %add3A_846 = arith.addi %mul3A_844, %add3A_845 : i32
        %get3A_847 = arith.index_cast %add3A_846 : i32 to index
        %get3A_848 = arith.constant 0 : index
        %get3A_849 = tpu.vector_load %arg12[%get3A_847, %get3A_848] {strides = array<i32>} : memref<256x64xf32, #tpu.memory_space<vmem>>, vector<16xf32>,
        %get3A_850 = arith.index_cast %add3A_846 : i32 to index
        %get3A_851 = arith.constant 16 : index
        %get3A_852 = tpu.vector_load %arg12[%get3A_850, %get3A_851] {strides = array<i32>} : memref<256x64xf32, #tpu.memory_space<vmem>>, vector<16xf32>,
        %get3A_853 = arith.index_cast %add3A_846 : i32 to index
        %get3A_854 = arith.constant 32 : index
        %get3A_855 = tpu.vector_load %arg12[%get3A_853, %get3A_854] {strides = array<i32>} : memref<256x64xf32, #tpu.memory_space<vmem>>, vector<16xf32>,
        %get3A_856 = arith.index_cast %add3A_846 : i32 to index
        %get3A_857 = arith.constant 48 : index
        %get3A_858 = tpu.vector_load %arg12[%get3A_856, %get3A_857] {strides = array<i32>} : memref<256x64xf32, #tpu.memory_space<vmem>>, vector<16xf32>,
        %pack3A_859 = tpu.pack_subelements %get3A_849, %get3A_852 {pack_format = #tpu.pack_format<interleaved>, positions = array<i32: 0, 1>} : vector<16xf32>, vector<16xf32> -> vector<32xbf16>
        %unpack3A_860 = tpu.unpack_subelements %pack3A_859, 0 {pack_format = #tpu.pack_format<interleaved>} : vector<32xbf16> -> vector<16xf32>
        %unpack3A_861 = tpu.unpack_subelements %pack3A_859, 1 {pack_format = #tpu.pack_format<interleaved>} : vector<32xbf16> -> vector<16xf32>
        %pack3A_862 = tpu.pack_subelements %get3A_855, %get3A_858 {pack_format = #tpu.pack_format<interleaved>, positions = array<i32: 0, 1>} : vector<16xf32>, vector<16xf32> -> vector<32xbf16>
        %unpack3A_863 = tpu.unpack_subelements %pack3A_862, 0 {pack_format = #tpu.pack_format<interleaved>} : vector<32xbf16> -> vector<16xf32>
        %unpack3A_864 = tpu.unpack_subelements %pack3A_862, 1 {pack_format = #tpu.pack_format<interleaved>} : vector<32xbf16> -> vector<16xf32>
        %mul3A_865 = arith.mulf %unpack3A_860, %get3A_207 : vector<16xf32>
        %mul3A_866 = arith.mulf %unpack3A_861, %get3A_210 : vector<16xf32>
        %add3A_867 = arith.addf %mul3A_865, %mul3A_866 : vector<16xf32>
        %mul3A_868 = arith.mulf %unpack3A_863, %get3A_213 : vector<16xf32>
        %mul3A_869 = arith.mulf %unpack3A_864, %get3A_216 : vector<16xf32>
        %add3A_870 = arith.addf %mul3A_868, %mul3A_869 : vector<16xf32>
        %add3A_871 = arith.addf %add3A_867, %add3A_870 : vector<16xf32>
        %reduce_sum3A_872 = arith.constant true
        %reduce_sum3A_873 = vector.broadcast %reduce_sum3A_872 : i1 to vector<16xi1>
        %reduce_sum3A_874 = tpu.scan <sum>, %add3A_871 masked %reduce_sum3A_873 : vector<16xf32>, vector<16xi1> -> vector<16xf32>
        %reduce_sum3A_875 = vector.extract %reduce_sum3A_874[15] : f32 from vector<16xf32>
        %broadcast_in_dim3A_876 = arith.constant 0.000000e+00 : f32
        %broadcast_in_dim3A_877 = vector.broadcast %broadcast_in_dim3A_876 : f32 to vector<16xf32>
        %eq3A = arith.constant 0 : i32
        %eq3A_878 = vector.broadcast %eq3A : i32 to vector<16xi32>
        %eq3A_879 = arith.cmpi eq, %iota3A, %eq3A_878 : vector<16xi32>
        %broadcast_in_dim3A_880 = vector.broadcast %reduce_sum3A_380 : f32 to vector<16xf32>
        %select_n3A = arith.select %eq3A_879, %broadcast_in_dim3A_880, %broadcast_in_dim3A_877 : vector<16xi1>, vector<16xf32>
        %eq3A_881 = arith.constant 1 : i32
        %eq3A_882 = vector.broadcast %eq3A_881 : i32 to vector<16xi32>
        %eq3A_883 = arith.cmpi eq, %iota3A, %eq3A_882 : vector<16xi32>
        %broadcast_in_dim3A_884 = vector.broadcast %reduce_sum3A_413 : f32 to vector<16xf32>
        %select_n3A_885 = arith.select %eq3A_883, %broadcast_in_dim3A_884, %select_n3A : vector<16xi1>, vector<16xf32>
        %eq3A_886 = arith.constant 2 : i32
        %eq3A_887 = vector.broadcast %eq3A_886 : i32 to vector<16xi32>
        %eq3A_888 = arith.cmpi eq, %iota3A, %eq3A_887 : vector<16xi32>
        %broadcast_in_dim3A_889 = vector.broadcast %reduce_sum3A_446 : f32 to vector<16xf32>
        %select_n3A_890 = arith.select %eq3A_888, %broadcast_in_dim3A_889, %select_n3A_885 : vector<16xi1>, vector<16xf32>
        %eq3A_891 = arith.constant 3 : i32
        %eq3A_892 = vector.broadcast %eq3A_891 : i32 to vector<16xi32>
        %eq3A_893 = arith.cmpi eq, %iota3A, %eq3A_892 : vector<16xi32>
        %broadcast_in_dim3A_894 = vector.broadcast %reduce_sum3A_479 : f32 to vector<16xf32>
        %select_n3A_895 = arith.select %eq3A_893, %broadcast_in_dim3A_894, %select_n3A_890 : vector<16xi1>, vector<16xf32>
        %eq3A_896 = arith.constant 4 : i32
        %eq3A_897 = vector.broadcast %eq3A_896 : i32 to vector<16xi32>
        %eq3A_898 = arith.cmpi eq, %iota3A, %eq3A_897 : vector<16xi32>
        %broadcast_in_dim3A_899 = vector.broadcast %reduce_sum3A_512 : f32 to vector<16xf32>
        %select_n3A_900 = arith.select %eq3A_898, %broadcast_in_dim3A_899, %select_n3A_895 : vector<16xi1>, vector<16xf32>
        %eq3A_901 = arith.constant 5 : i32
        %eq3A_902 = vector.broadcast %eq3A_901 : i32 to vector<16xi32>
        %eq3A_903 = arith.cmpi eq, %iota3A, %eq3A_902 : vector<16xi32>
        %broadcast_in_dim3A_904 = vector.broadcast %reduce_sum3A_545 : f32 to vector<16xf32>
        %select_n3A_905 = arith.select %eq3A_903, %broadcast_in_dim3A_904, %select_n3A_900 : vector<16xi1>, vector<16xf32>
        %eq3A_906 = arith.constant 6 : i32
        %eq3A_907 = vector.broadcast %eq3A_906 : i32 to vector<16xi32>
        %eq3A_908 = arith.cmpi eq, %iota3A, %eq3A_907 : vector<16xi32>
        %broadcast_in_dim3A_909 = vector.broadcast %reduce_sum3A_578 : f32 to vector<16xf32>
        %select_n3A_910 = arith.select %eq3A_908, %broadcast_in_dim3A_909, %select_n3A_905 : vector<16xi1>, vector<16xf32>
        %eq3A_911 = arith.constant 7 : i32
        %eq3A_912 = vector.broadcast %eq3A_911 : i32 to vector<16xi32>
        %eq3A_913 = arith.cmpi eq, %iota3A, %eq3A_912 : vector<16xi32>
        %broadcast_in_dim3A_914 = vector.broadcast %reduce_sum3A_611 : f32 to vector<16xf32>
        %select_n3A_915 = arith.select %eq3A_913, %broadcast_in_dim3A_914, %select_n3A_910 : vector<16xi1>, vector<16xf32>
        %eq3A_916 = arith.constant 8 : i32
        %eq3A_917 = vector.broadcast %eq3A_916 : i32 to vector<16xi32>
        %eq3A_918 = arith.cmpi eq, %iota3A, %eq3A_917 : vector<16xi32>
        %broadcast_in_dim3A_919 = vector.broadcast %reduce_sum3A_644 : f32 to vector<16xf32>
        %select_n3A_920 = arith.select %eq3A_918, %broadcast_in_dim3A_919, %select_n3A_915 : vector<16xi1>, vector<16xf32>
        %eq3A_921 = arith.constant 9 : i32
        %eq3A_922 = vector.broadcast %eq3A_921 : i32 to vector<16xi32>
        %eq3A_923 = arith.cmpi eq, %iota3A, %eq3A_922 : vector<16xi32>
        %broadcast_in_dim3A_924 = vector.broadcast %reduce_sum3A_677 : f32 to vector<16xf32>
        %select_n3A_925 = arith.select %eq3A_923, %broadcast_in_dim3A_924, %select_n3A_920 : vector<16xi1>, vector<16xf32>
        %eq3A_926 = arith.constant 10 : i32
        %eq3A_927 = vector.broadcast %eq3A_926 : i32 to vector<16xi32>
        %eq3A_928 = arith.cmpi eq, %iota3A, %eq3A_927 : vector<16xi32>
        %broadcast_in_dim3A_929 = vector.broadcast %reduce_sum3A_710 : f32 to vector<16xf32>
        %select_n3A_930 = arith.select %eq3A_928, %broadcast_in_dim3A_929, %select_n3A_925 : vector<16xi1>, vector<16xf32>
        %eq3A_931 = arith.constant 11 : i32
        %eq3A_932 = vector.broadcast %eq3A_931 : i32 to vector<16xi32>
        %eq3A_933 = arith.cmpi eq, %iota3A, %eq3A_932 : vector<16xi32>
        %broadcast_in_dim3A_934 = vector.broadcast %reduce_sum3A_743 : f32 to vector<16xf32>
        %select_n3A_935 = arith.select %eq3A_933, %broadcast_in_dim3A_934, %select_n3A_930 : vector<16xi1>, vector<16xf32>
        %eq3A_936 = arith.constant 12 : i32
        %eq3A_937 = vector.broadcast %eq3A_936 : i32 to vector<16xi32>
        %eq3A_938 = arith.cmpi eq, %iota3A, %eq3A_937 : vector<16xi32>
        %broadcast_in_dim3A_939 = vector.broadcast %reduce_sum3A_776 : f32 to vector<16xf32>
        %select_n3A_940 = arith.select %eq3A_938, %broadcast_in_dim3A_939, %select_n3A_935 : vector<16xi1>, vector<16xf32>
        %eq3A_941 = arith.constant 13 : i32
        %eq3A_942 = vector.broadcast %eq3A_941 : i32 to vector<16xi32>
        %eq3A_943 = arith.cmpi eq, %iota3A, %eq3A_942 : vector<16xi32>
        %broadcast_in_dim3A_944 = vector.broadcast %reduce_sum3A_809 : f32 to vector<16xf32>
        %select_n3A_945 = arith.select %eq3A_943, %broadcast_in_dim3A_944, %select_n3A_940 : vector<16xi1>, vector<16xf32>
        %eq3A_946 = arith.constant 14 : i32
        %eq3A_947 = vector.broadcast %eq3A_946 : i32 to vector<16xi32>
        %eq3A_948 = arith.cmpi eq, %iota3A, %eq3A_947 : vector<16xi32>
        %broadcast_in_dim3A_949 = vector.broadcast %reduce_sum3A_842 : f32 to vector<16xf32>
        %select_n3A_950 = arith.select %eq3A_948, %broadcast_in_dim3A_949, %select_n3A_945 : vector<16xi1>, vector<16xf32>
        %eq3A_951 = arith.constant 15 : i32
        %eq3A_952 = vector.broadcast %eq3A_951 : i32 to vector<16xi32>
        %eq3A_953 = arith.cmpi eq, %iota3A, %eq3A_952 : vector<16xi32>
        %broadcast_in_dim3A_954 = vector.broadcast %reduce_sum3A_875 : f32 to vector<16xf32>
        %select_n3A_955 = arith.select %eq3A_953, %broadcast_in_dim3A_954, %select_n3A_950 : vector<16xi1>, vector<16xf32>
        %mul3A_956 = vector.broadcast %scan3A : f32 to vector<16xf32>
        %mul3A_957 = arith.mulf %select_n3A_955, %mul3A_956 : vector<16xf32>
        %exp3A = math.exp %mul3A_957 : vector<16xf32>
        %mul3A_958 = arith.constant 16 : i32
        %mul3A_959 = arith.muli %scan3A_349, %mul3A_958 : i32
        %add3A_960 = arith.addi %mul3A_204, %mul3A_959 : i32
        %swap3A_961 = arith.index_cast %shift_right_arithmetic3A_200 : i32 to index
        %swap3A_962 = arith.index_cast %add3A_960 : i32 to index
        %swap3A_963 = tpu.vector_load %arg15[%swap3A_961, %swap3A_962] {strides = array<i32>} : memref<32x512xf32, #tpu.memory_space<vmem>>, vector<16xf32>,
        tpu.vector_store %arg15[%swap3A_961, %swap3A_962], %exp3A {strides = array<i32>} : memref<32x512xf32, #tpu.memory_space<vmem>>, vector<16xf32>,
        %add3A_964 = arith.addf %scan3A_350, %exp3A : vector<16xf32>
        scf.yield %add3A_964 : vector<16xf32>
      }
      %scan3A_222 = arith.constant 16 : i32
      %mul3A_223 = arith.constant 4 : i32
      %mul3A_224 = arith.muli %mul3A_223, %scan3A_81 : i32
      %add3A_225 = arith.constant 2 : i32
      %add3A_226 = arith.addi %mul3A_224, %add3A_225 : i32
      %add3A_227 = arith.constant 4 : i32
      %add3A_228 = arith.addi %add3A_226, %add3A_227 : i32
      %sub3A_229 = arith.constant 1 : i32
      %sub3A_230 = arith.subi %add3A_228, %sub3A_229 : i32
      %lt3A_231 = arith.constant 15 : i32
      %lt3A_232 = arith.cmpi slt, %scan3A_81, %lt3A_231 : i32
      %convert_element_type3A_233 = arith.extui %lt3A_232 : i1 to i32
      %cond3A_234 = arith.constant 0 : i32
      %cond3A_235 = arith.cmpi ne, %convert_element_type3A_233, %cond3A_234 : i32
      scf.if %cond3A_235 {
        %shift_right_arithmetic3A_349 = arith.constant 1 : i32
        %shift_right_arithmetic3A_350 = arith.shrsi %sub3A_230, %shift_right_arithmetic3A_349 : i32
        %and3A_351 = arith.constant 1 : i32
        %and3A_352 = arith.andi %sub3A_230, %and3A_351 : i32
        %mul3A_353 = arith.constant 256 : i32
        %mul3A_354 = arith.muli %and3A_352, %mul3A_353 : i32
        %add3A_355 = arith.constant 0 : i32
        %add3A_356 = arith.addi %mul3A_354, %add3A_355 : i32
        %dma_start3A_357 = arith.constant 0 : i32
        %dma_start3A_358 = arith.constant 0 : i32
        %dma_start3A_359 = tpu.memref_slice %arg12[%dma_start3A_357, %dma_start3A_358] : memref<256x64xf32, #tpu.memory_space<vmem>> -> memref<128x64xf32, #tpu.memory_space<vmem>>
        %dma_start3A_360 = tpu.memref_slice %arg10[%shift_right_arithmetic3A_350, %add3A_356] : memref<32x512xi32, #tpu.memory_space<vmem>> -> memref<1x128xi32, #tpu.memory_space<vmem>>
        %dma_start3A_361 = tpu.memref_squeeze %dma_start3A_360 : memref<1x128xi32, #tpu.memory_space<vmem>> -> memref<128xi32, #tpu.memory_space<vmem>>
        %dma_start3A_362 = arith.constant 0 : i32
        %dma_start3A_363 = arith.constant 0 : i32
        %dma_start3A_364 = tpu.memref_slice %arg4[%dma_start3A_362, %dma_start3A_363] : memref<1000000x64xf32, #tpu.memory_space<hbm>> -> memref<1000000x64xf32, #tpu.memory_space<hbm>>
        tpu.enqueue_indirect_dma source(%dma_start3A_364 : memref<1000000x64xf32, #tpu.memory_space<hbm>>) target(%dma_start3A_359 : memref<128x64xf32, #tpu.memory_space<vmem>>) offsets(%dma_start3A_361 : memref<128xi32, #tpu.memory_space<vmem>>) semaphore(%arg18 : memref<!tpu.dma_semaphore, #tpu.memory_space<semaphore_mem>>)
        %add3A_365 = arith.constant 128 : i32
        %add3A_366 = arith.addi %mul3A_354, %add3A_365 : i32
        %dma_start3A_367 = arith.constant 128 : i32
        %dma_start3A_368 = arith.constant 0 : i32
        %dma_start3A_369 = tpu.memref_slice %arg12[%dma_start3A_367, %dma_start3A_368] : memref<256x64xf32, #tpu.memory_space<vmem>> -> memref<128x64xf32, #tpu.memory_space<vmem>>
        %dma_start3A_370 = tpu.memref_slice %arg10[%shift_right_arithmetic3A_350, %add3A_366] : memref<32x512xi32, #tpu.memory_space<vmem>> -> memref<1x128xi32, #tpu.memory_space<vmem>>
        %dma_start3A_371 = tpu.memref_squeeze %dma_start3A_370 : memref<1x128xi32, #tpu.memory_space<vmem>> -> memref<128xi32, #tpu.memory_space<vmem>>
        %dma_start3A_372 = arith.constant 0 : i32
        %dma_start3A_373 = arith.constant 0 : i32
        %dma_start3A_374 = tpu.memref_slice %arg4[%dma_start3A_372, %dma_start3A_373] : memref<1000000x64xf32, #tpu.memory_space<hbm>> -> memref<1000000x64xf32, #tpu.memory_space<hbm>>
        tpu.enqueue_indirect_dma source(%dma_start3A_374 : memref<1000000x64xf32, #tpu.memory_space<hbm>>) target(%dma_start3A_369 : memref<128x64xf32, #tpu.memory_space<vmem>>) offsets(%dma_start3A_371 : memref<128xi32, #tpu.memory_space<vmem>>) semaphore(%arg18 : memref<!tpu.dma_semaphore, #tpu.memory_space<semaphore_mem>>)
      } else {
      }
      %shift_right_arithmetic3A_236 = arith.constant 1 : i32
      %shift_right_arithmetic3A_237 = arith.shrsi %add3A_226, %shift_right_arithmetic3A_236 : i32
      %and3A_238 = arith.constant 1 : i32
      %and3A_239 = arith.andi %add3A_226, %and3A_238 : i32
      %mul3A_240 = arith.constant 256 : i32
      %mul3A_241 = arith.muli %and3A_239, %mul3A_240 : i32
      %add3A_242 = arith.constant 0 : i32
      %add3A_243 = arith.addi %mul3A_241, %add3A_242 : i32
      %dma_wait3A_244 = arith.constant 0 : i32
      %dma_wait3A_245 = arith.constant 0 : i32
      %dma_wait3A_246 = tpu.memref_slice %arg13[%dma_wait3A_244, %dma_wait3A_245] : memref<256x64xf32, #tpu.memory_space<vmem>> -> memref<128x64xf32, #tpu.memory_space<vmem>>
      %dma_wait3A_247 = tpu.memref_slice %arg10[%shift_right_arithmetic3A_237, %add3A_243] : memref<32x512xi32, #tpu.memory_space<vmem>> -> memref<1x128xi32, #tpu.memory_space<vmem>>
      %dma_wait3A_248 = tpu.memref_squeeze %dma_wait3A_247 : memref<1x128xi32, #tpu.memory_space<vmem>> -> memref<128xi32, #tpu.memory_space<vmem>>
      %dma_wait3A_249 = arith.constant 0 : i32
      %dma_wait3A_250 = arith.constant 0 : i32
      %dma_wait3A_251 = tpu.memref_slice %arg4[%dma_wait3A_249, %dma_wait3A_250] : memref<1000000x64xf32, #tpu.memory_space<hbm>> -> memref<1000000x64xf32, #tpu.memory_space<hbm>>
      tpu.wait_indirect_dma semaphore(%arg19 : memref<!tpu.dma_semaphore, #tpu.memory_space<semaphore_mem>>) src(%dma_wait3A_251 : memref<1000000x64xf32, #tpu.memory_space<hbm>>) dst(%dma_wait3A_246 : memref<128x64xf32, #tpu.memory_space<vmem>>)
      %add3A_252 = arith.constant 128 : i32
      %add3A_253 = arith.addi %mul3A_241, %add3A_252 : i32
      %dma_wait3A_254 = arith.constant 128 : i32
      %dma_wait3A_255 = arith.constant 0 : i32
      %dma_wait3A_256 = tpu.memref_slice %arg13[%dma_wait3A_254, %dma_wait3A_255] : memref<256x64xf32, #tpu.memory_space<vmem>> -> memref<128x64xf32, #tpu.memory_space<vmem>>
      %dma_wait3A_257 = tpu.memref_slice %arg10[%shift_right_arithmetic3A_237, %add3A_253] : memref<32x512xi32, #tpu.memory_space<vmem>> -> memref<1x128xi32, #tpu.memory_space<vmem>>
      %dma_wait3A_258 = tpu.memref_squeeze %dma_wait3A_257 : memref<1x128xi32, #tpu.memory_space<vmem>> -> memref<128xi32, #tpu.memory_space<vmem>>
      %dma_wait3A_259 = arith.constant 0 : i32
      %dma_wait3A_260 = arith.constant 0 : i32
      %dma_wait3A_261 = tpu.memref_slice %arg4[%dma_wait3A_259, %dma_wait3A_260] : memref<1000000x64xf32, #tpu.memory_space<hbm>> -> memref<1000000x64xf32, #tpu.memory_space<hbm>>
      tpu.wait_indirect_dma semaphore(%arg19 : memref<!tpu.dma_semaphore, #tpu.memory_space<semaphore_mem>>) src(%dma_wait3A_261 : memref<1000000x64xf32, #tpu.memory_space<hbm>>) dst(%dma_wait3A_256 : memref<128x64xf32, #tpu.memory_space<vmem>>)
      %shift_right_arithmetic3A_262 = arith.constant 1 : i32
      %shift_right_arithmetic3A_263 = arith.shrsi %add3A_226, %shift_right_arithmetic3A_262 : i32
      %and3A_264 = arith.constant 1 : i32
      %and3A_265 = arith.andi %add3A_226, %and3A_264 : i32
      %mul3A_266 = arith.constant 256 : i32
      %mul3A_267 = arith.muli %and3A_265, %mul3A_266 : i32
      %get3A_268 = arith.index_cast %shift_right_arithmetic3A_263 : i32 to index
      %get3A_269 = arith.constant 0 : index
      %get3A_270 = tpu.vector_load %arg8[%get3A_268, %get3A_269] {strides = array<i32>} : memref<32x64xf32, #tpu.memory_space<vmem>>, vector<16xf32>,
      %get3A_271 = arith.index_cast %shift_right_arithmetic3A_263 : i32 to index
      %get3A_272 = arith.constant 16 : index
      %get3A_273 = tpu.vector_load %arg8[%get3A_271, %get3A_272] {strides = array<i32>} : memref<32x64xf32, #tpu.memory_space<vmem>>, vector<16xf32>,
      %get3A_274 = arith.index_cast %shift_right_arithmetic3A_263 : i32 to index
      %get3A_275 = arith.constant 32 : index
      %get3A_276 = tpu.vector_load %arg8[%get3A_274, %get3A_275] {strides = array<i32>} : memref<32x64xf32, #tpu.memory_space<vmem>>, vector<16xf32>,
      %get3A_277 = arith.index_cast %shift_right_arithmetic3A_263 : i32 to index
      %get3A_278 = arith.constant 48 : index
      %get3A_279 = tpu.vector_load %arg8[%get3A_277, %get3A_278] {strides = array<i32>} : memref<32x64xf32, #tpu.memory_space<vmem>>, vector<16xf32>,
      %scan3A_280 = arith.constant 0 : i32
      %scan3A_281 = arith.constant 16 : i32
      %scan3A_282 = arith.addi %scan3A_280, %scan3A_281 : i32
      %scan3A_283 = arith.constant 1 : i32
      %scan3A_284 = scf.for %scan3A_349 = %scan3A_280 to %scan3A_282 step %scan3A_283 iter_args(%scan3A_350 = %scan3A_221) -> (vector<16xf32>)  : i32 {
        %mul3A_351 = arith.constant 16 : i32
        %mul3A_352 = arith.muli %scan3A_349, %mul3A_351 : i32
        %add3A_353 = arith.constant 0 : i32
        %add3A_354 = arith.addi %mul3A_352, %add3A_353 : i32
        %get3A_355 = arith.index_cast %add3A_354 : i32 to index
        %get3A_356 = arith.constant 0 : index
        %get3A_357 = tpu.vector_load %arg13[%get3A_355, %get3A_356] {strides = array<i32>} : memref<256x64xf32, #tpu.memory_space<vmem>>, vector<16xf32>,
        %get3A_358 = arith.index_cast %add3A_354 : i32 to index
        %get3A_359 = arith.constant 16 : index
        %get3A_360 = tpu.vector_load %arg13[%get3A_358, %get3A_359] {strides = array<i32>} : memref<256x64xf32, #tpu.memory_space<vmem>>, vector<16xf32>,
        %get3A_361 = arith.index_cast %add3A_354 : i32 to index
        %get3A_362 = arith.constant 32 : index
        %get3A_363 = tpu.vector_load %arg13[%get3A_361, %get3A_362] {strides = array<i32>} : memref<256x64xf32, #tpu.memory_space<vmem>>, vector<16xf32>,
        %get3A_364 = arith.index_cast %add3A_354 : i32 to index
        %get3A_365 = arith.constant 48 : index
        %get3A_366 = tpu.vector_load %arg13[%get3A_364, %get3A_365] {strides = array<i32>} : memref<256x64xf32, #tpu.memory_space<vmem>>, vector<16xf32>,
        %pack3A = tpu.pack_subelements %get3A_357, %get3A_360 {pack_format = #tpu.pack_format<interleaved>, positions = array<i32: 0, 1>} : vector<16xf32>, vector<16xf32> -> vector<32xbf16>
        %unpack3A = tpu.unpack_subelements %pack3A, 0 {pack_format = #tpu.pack_format<interleaved>} : vector<32xbf16> -> vector<16xf32>
        %unpack3A_367 = tpu.unpack_subelements %pack3A, 1 {pack_format = #tpu.pack_format<interleaved>} : vector<32xbf16> -> vector<16xf32>
        %pack3A_368 = tpu.pack_subelements %get3A_363, %get3A_366 {pack_format = #tpu.pack_format<interleaved>, positions = array<i32: 0, 1>} : vector<16xf32>, vector<16xf32> -> vector<32xbf16>
        %unpack3A_369 = tpu.unpack_subelements %pack3A_368, 0 {pack_format = #tpu.pack_format<interleaved>} : vector<32xbf16> -> vector<16xf32>
        %unpack3A_370 = tpu.unpack_subelements %pack3A_368, 1 {pack_format = #tpu.pack_format<interleaved>} : vector<32xbf16> -> vector<16xf32>
        %mul3A_371 = arith.mulf %unpack3A, %get3A_270 : vector<16xf32>
        %mul3A_372 = arith.mulf %unpack3A_367, %get3A_273 : vector<16xf32>
        %add3A_373 = arith.addf %mul3A_371, %mul3A_372 : vector<16xf32>
        %mul3A_374 = arith.mulf %unpack3A_369, %get3A_276 : vector<16xf32>
        %mul3A_375 = arith.mulf %unpack3A_370, %get3A_279 : vector<16xf32>
        %add3A_376 = arith.addf %mul3A_374, %mul3A_375 : vector<16xf32>
        %add3A_377 = arith.addf %add3A_373, %add3A_376 : vector<16xf32>
        %reduce_sum3A = arith.constant true
        %reduce_sum3A_378 = vector.broadcast %reduce_sum3A : i1 to vector<16xi1>
        %reduce_sum3A_379 = tpu.scan <sum>, %add3A_377 masked %reduce_sum3A_378 : vector<16xf32>, vector<16xi1> -> vector<16xf32>
        %reduce_sum3A_380 = vector.extract %reduce_sum3A_379[15] : f32 from vector<16xf32>
        %mul3A_381 = arith.constant 16 : i32
        %mul3A_382 = arith.muli %scan3A_349, %mul3A_381 : i32
        %add3A_383 = arith.constant 1 : i32
        %add3A_384 = arith.addi %mul3A_382, %add3A_383 : i32
        %get3A_385 = arith.index_cast %add3A_384 : i32 to index
        %get3A_386 = arith.constant 0 : index
        %get3A_387 = tpu.vector_load %arg13[%get3A_385, %get3A_386] {strides = array<i32>} : memref<256x64xf32, #tpu.memory_space<vmem>>, vector<16xf32>,
        %get3A_388 = arith.index_cast %add3A_384 : i32 to index
        %get3A_389 = arith.constant 16 : index
        %get3A_390 = tpu.vector_load %arg13[%get3A_388, %get3A_389] {strides = array<i32>} : memref<256x64xf32, #tpu.memory_space<vmem>>, vector<16xf32>,
        %get3A_391 = arith.index_cast %add3A_384 : i32 to index
        %get3A_392 = arith.constant 32 : index
        %get3A_393 = tpu.vector_load %arg13[%get3A_391, %get3A_392] {strides = array<i32>} : memref<256x64xf32, #tpu.memory_space<vmem>>, vector<16xf32>,
        %get3A_394 = arith.index_cast %add3A_384 : i32 to index
        %get3A_395 = arith.constant 48 : index
        %get3A_396 = tpu.vector_load %arg13[%get3A_394, %get3A_395] {strides = array<i32>} : memref<256x64xf32, #tpu.memory_space<vmem>>, vector<16xf32>,
        %pack3A_397 = tpu.pack_subelements %get3A_387, %get3A_390 {pack_format = #tpu.pack_format<interleaved>, positions = array<i32: 0, 1>} : vector<16xf32>, vector<16xf32> -> vector<32xbf16>
        %unpack3A_398 = tpu.unpack_subelements %pack3A_397, 0 {pack_format = #tpu.pack_format<interleaved>} : vector<32xbf16> -> vector<16xf32>
        %unpack3A_399 = tpu.unpack_subelements %pack3A_397, 1 {pack_format = #tpu.pack_format<interleaved>} : vector<32xbf16> -> vector<16xf32>
        %pack3A_400 = tpu.pack_subelements %get3A_393, %get3A_396 {pack_format = #tpu.pack_format<interleaved>, positions = array<i32: 0, 1>} : vector<16xf32>, vector<16xf32> -> vector<32xbf16>
        %unpack3A_401 = tpu.unpack_subelements %pack3A_400, 0 {pack_format = #tpu.pack_format<interleaved>} : vector<32xbf16> -> vector<16xf32>
        %unpack3A_402 = tpu.unpack_subelements %pack3A_400, 1 {pack_format = #tpu.pack_format<interleaved>} : vector<32xbf16> -> vector<16xf32>
        %mul3A_403 = arith.mulf %unpack3A_398, %get3A_270 : vector<16xf32>
        %mul3A_404 = arith.mulf %unpack3A_399, %get3A_273 : vector<16xf32>
        %add3A_405 = arith.addf %mul3A_403, %mul3A_404 : vector<16xf32>
        %mul3A_406 = arith.mulf %unpack3A_401, %get3A_276 : vector<16xf32>
        %mul3A_407 = arith.mulf %unpack3A_402, %get3A_279 : vector<16xf32>
        %add3A_408 = arith.addf %mul3A_406, %mul3A_407 : vector<16xf32>
        %add3A_409 = arith.addf %add3A_405, %add3A_408 : vector<16xf32>
        %reduce_sum3A_410 = arith.constant true
        %reduce_sum3A_411 = vector.broadcast %reduce_sum3A_410 : i1 to vector<16xi1>
        %reduce_sum3A_412 = tpu.scan <sum>, %add3A_409 masked %reduce_sum3A_411 : vector<16xf32>, vector<16xi1> -> vector<16xf32>
        %reduce_sum3A_413 = vector.extract %reduce_sum3A_412[15] : f32 from vector<16xf32>
        %mul3A_414 = arith.constant 16 : i32
        %mul3A_415 = arith.muli %scan3A_349, %mul3A_414 : i32
        %add3A_416 = arith.constant 2 : i32
        %add3A_417 = arith.addi %mul3A_415, %add3A_416 : i32
        %get3A_418 = arith.index_cast %add3A_417 : i32 to index
        %get3A_419 = arith.constant 0 : index
        %get3A_420 = tpu.vector_load %arg13[%get3A_418, %get3A_419] {strides = array<i32>} : memref<256x64xf32, #tpu.memory_space<vmem>>, vector<16xf32>,
        %get3A_421 = arith.index_cast %add3A_417 : i32 to index
        %get3A_422 = arith.constant 16 : index
        %get3A_423 = tpu.vector_load %arg13[%get3A_421, %get3A_422] {strides = array<i32>} : memref<256x64xf32, #tpu.memory_space<vmem>>, vector<16xf32>,
        %get3A_424 = arith.index_cast %add3A_417 : i32 to index
        %get3A_425 = arith.constant 32 : index
        %get3A_426 = tpu.vector_load %arg13[%get3A_424, %get3A_425] {strides = array<i32>} : memref<256x64xf32, #tpu.memory_space<vmem>>, vector<16xf32>,
        %get3A_427 = arith.index_cast %add3A_417 : i32 to index
        %get3A_428 = arith.constant 48 : index
        %get3A_429 = tpu.vector_load %arg13[%get3A_427, %get3A_428] {strides = array<i32>} : memref<256x64xf32, #tpu.memory_space<vmem>>, vector<16xf32>,
        %pack3A_430 = tpu.pack_subelements %get3A_420, %get3A_423 {pack_format = #tpu.pack_format<interleaved>, positions = array<i32: 0, 1>} : vector<16xf32>, vector<16xf32> -> vector<32xbf16>
        %unpack3A_431 = tpu.unpack_subelements %pack3A_430, 0 {pack_format = #tpu.pack_format<interleaved>} : vector<32xbf16> -> vector<16xf32>
        %unpack3A_432 = tpu.unpack_subelements %pack3A_430, 1 {pack_format = #tpu.pack_format<interleaved>} : vector<32xbf16> -> vector<16xf32>
        %pack3A_433 = tpu.pack_subelements %get3A_426, %get3A_429 {pack_format = #tpu.pack_format<interleaved>, positions = array<i32: 0, 1>} : vector<16xf32>, vector<16xf32> -> vector<32xbf16>
        %unpack3A_434 = tpu.unpack_subelements %pack3A_433, 0 {pack_format = #tpu.pack_format<interleaved>} : vector<32xbf16> -> vector<16xf32>
        %unpack3A_435 = tpu.unpack_subelements %pack3A_433, 1 {pack_format = #tpu.pack_format<interleaved>} : vector<32xbf16> -> vector<16xf32>
        %mul3A_436 = arith.mulf %unpack3A_431, %get3A_270 : vector<16xf32>
        %mul3A_437 = arith.mulf %unpack3A_432, %get3A_273 : vector<16xf32>
        %add3A_438 = arith.addf %mul3A_436, %mul3A_437 : vector<16xf32>
        %mul3A_439 = arith.mulf %unpack3A_434, %get3A_276 : vector<16xf32>
        %mul3A_440 = arith.mulf %unpack3A_435, %get3A_279 : vector<16xf32>
        %add3A_441 = arith.addf %mul3A_439, %mul3A_440 : vector<16xf32>
        %add3A_442 = arith.addf %add3A_438, %add3A_441 : vector<16xf32>
        %reduce_sum3A_443 = arith.constant true
        %reduce_sum3A_444 = vector.broadcast %reduce_sum3A_443 : i1 to vector<16xi1>
        %reduce_sum3A_445 = tpu.scan <sum>, %add3A_442 masked %reduce_sum3A_444 : vector<16xf32>, vector<16xi1> -> vector<16xf32>
        %reduce_sum3A_446 = vector.extract %reduce_sum3A_445[15] : f32 from vector<16xf32>
        %mul3A_447 = arith.constant 16 : i32
        %mul3A_448 = arith.muli %scan3A_349, %mul3A_447 : i32
        %add3A_449 = arith.constant 3 : i32
        %add3A_450 = arith.addi %mul3A_448, %add3A_449 : i32
        %get3A_451 = arith.index_cast %add3A_450 : i32 to index
        %get3A_452 = arith.constant 0 : index
        %get3A_453 = tpu.vector_load %arg13[%get3A_451, %get3A_452] {strides = array<i32>} : memref<256x64xf32, #tpu.memory_space<vmem>>, vector<16xf32>,
        %get3A_454 = arith.index_cast %add3A_450 : i32 to index
        %get3A_455 = arith.constant 16 : index
        %get3A_456 = tpu.vector_load %arg13[%get3A_454, %get3A_455] {strides = array<i32>} : memref<256x64xf32, #tpu.memory_space<vmem>>, vector<16xf32>,
        %get3A_457 = arith.index_cast %add3A_450 : i32 to index
        %get3A_458 = arith.constant 32 : index
        %get3A_459 = tpu.vector_load %arg13[%get3A_457, %get3A_458] {strides = array<i32>} : memref<256x64xf32, #tpu.memory_space<vmem>>, vector<16xf32>,
        %get3A_460 = arith.index_cast %add3A_450 : i32 to index
        %get3A_461 = arith.constant 48 : index
        %get3A_462 = tpu.vector_load %arg13[%get3A_460, %get3A_461] {strides = array<i32>} : memref<256x64xf32, #tpu.memory_space<vmem>>, vector<16xf32>,
        %pack3A_463 = tpu.pack_subelements %get3A_453, %get3A_456 {pack_format = #tpu.pack_format<interleaved>, positions = array<i32: 0, 1>} : vector<16xf32>, vector<16xf32> -> vector<32xbf16>
        %unpack3A_464 = tpu.unpack_subelements %pack3A_463, 0 {pack_format = #tpu.pack_format<interleaved>} : vector<32xbf16> -> vector<16xf32>
        %unpack3A_465 = tpu.unpack_subelements %pack3A_463, 1 {pack_format = #tpu.pack_format<interleaved>} : vector<32xbf16> -> vector<16xf32>
        %pack3A_466 = tpu.pack_subelements %get3A_459, %get3A_462 {pack_format = #tpu.pack_format<interleaved>, positions = array<i32: 0, 1>} : vector<16xf32>, vector<16xf32> -> vector<32xbf16>
        %unpack3A_467 = tpu.unpack_subelements %pack3A_466, 0 {pack_format = #tpu.pack_format<interleaved>} : vector<32xbf16> -> vector<16xf32>
        %unpack3A_468 = tpu.unpack_subelements %pack3A_466, 1 {pack_format = #tpu.pack_format<interleaved>} : vector<32xbf16> -> vector<16xf32>
        %mul3A_469 = arith.mulf %unpack3A_464, %get3A_270 : vector<16xf32>
        %mul3A_470 = arith.mulf %unpack3A_465, %get3A_273 : vector<16xf32>
        %add3A_471 = arith.addf %mul3A_469, %mul3A_470 : vector<16xf32>
        %mul3A_472 = arith.mulf %unpack3A_467, %get3A_276 : vector<16xf32>
        %mul3A_473 = arith.mulf %unpack3A_468, %get3A_279 : vector<16xf32>
        %add3A_474 = arith.addf %mul3A_472, %mul3A_473 : vector<16xf32>
        %add3A_475 = arith.addf %add3A_471, %add3A_474 : vector<16xf32>
        %reduce_sum3A_476 = arith.constant true
        %reduce_sum3A_477 = vector.broadcast %reduce_sum3A_476 : i1 to vector<16xi1>
        %reduce_sum3A_478 = tpu.scan <sum>, %add3A_475 masked %reduce_sum3A_477 : vector<16xf32>, vector<16xi1> -> vector<16xf32>
        %reduce_sum3A_479 = vector.extract %reduce_sum3A_478[15] : f32 from vector<16xf32>
        %mul3A_480 = arith.constant 16 : i32
        %mul3A_481 = arith.muli %scan3A_349, %mul3A_480 : i32
        %add3A_482 = arith.constant 4 : i32
        %add3A_483 = arith.addi %mul3A_481, %add3A_482 : i32
        %get3A_484 = arith.index_cast %add3A_483 : i32 to index
        %get3A_485 = arith.constant 0 : index
        %get3A_486 = tpu.vector_load %arg13[%get3A_484, %get3A_485] {strides = array<i32>} : memref<256x64xf32, #tpu.memory_space<vmem>>, vector<16xf32>,
        %get3A_487 = arith.index_cast %add3A_483 : i32 to index
        %get3A_488 = arith.constant 16 : index
        %get3A_489 = tpu.vector_load %arg13[%get3A_487, %get3A_488] {strides = array<i32>} : memref<256x64xf32, #tpu.memory_space<vmem>>, vector<16xf32>,
        %get3A_490 = arith.index_cast %add3A_483 : i32 to index
        %get3A_491 = arith.constant 32 : index
        %get3A_492 = tpu.vector_load %arg13[%get3A_490, %get3A_491] {strides = array<i32>} : memref<256x64xf32, #tpu.memory_space<vmem>>, vector<16xf32>,
        %get3A_493 = arith.index_cast %add3A_483 : i32 to index
        %get3A_494 = arith.constant 48 : index
        %get3A_495 = tpu.vector_load %arg13[%get3A_493, %get3A_494] {strides = array<i32>} : memref<256x64xf32, #tpu.memory_space<vmem>>, vector<16xf32>,
        %pack3A_496 = tpu.pack_subelements %get3A_486, %get3A_489 {pack_format = #tpu.pack_format<interleaved>, positions = array<i32: 0, 1>} : vector<16xf32>, vector<16xf32> -> vector<32xbf16>
        %unpack3A_497 = tpu.unpack_subelements %pack3A_496, 0 {pack_format = #tpu.pack_format<interleaved>} : vector<32xbf16> -> vector<16xf32>
        %unpack3A_498 = tpu.unpack_subelements %pack3A_496, 1 {pack_format = #tpu.pack_format<interleaved>} : vector<32xbf16> -> vector<16xf32>
        %pack3A_499 = tpu.pack_subelements %get3A_492, %get3A_495 {pack_format = #tpu.pack_format<interleaved>, positions = array<i32: 0, 1>} : vector<16xf32>, vector<16xf32> -> vector<32xbf16>
        %unpack3A_500 = tpu.unpack_subelements %pack3A_499, 0 {pack_format = #tpu.pack_format<interleaved>} : vector<32xbf16> -> vector<16xf32>
        %unpack3A_501 = tpu.unpack_subelements %pack3A_499, 1 {pack_format = #tpu.pack_format<interleaved>} : vector<32xbf16> -> vector<16xf32>
        %mul3A_502 = arith.mulf %unpack3A_497, %get3A_270 : vector<16xf32>
        %mul3A_503 = arith.mulf %unpack3A_498, %get3A_273 : vector<16xf32>
        %add3A_504 = arith.addf %mul3A_502, %mul3A_503 : vector<16xf32>
        %mul3A_505 = arith.mulf %unpack3A_500, %get3A_276 : vector<16xf32>
        %mul3A_506 = arith.mulf %unpack3A_501, %get3A_279 : vector<16xf32>
        %add3A_507 = arith.addf %mul3A_505, %mul3A_506 : vector<16xf32>
        %add3A_508 = arith.addf %add3A_504, %add3A_507 : vector<16xf32>
        %reduce_sum3A_509 = arith.constant true
        %reduce_sum3A_510 = vector.broadcast %reduce_sum3A_509 : i1 to vector<16xi1>
        %reduce_sum3A_511 = tpu.scan <sum>, %add3A_508 masked %reduce_sum3A_510 : vector<16xf32>, vector<16xi1> -> vector<16xf32>
        %reduce_sum3A_512 = vector.extract %reduce_sum3A_511[15] : f32 from vector<16xf32>
        %mul3A_513 = arith.constant 16 : i32
        %mul3A_514 = arith.muli %scan3A_349, %mul3A_513 : i32
        %add3A_515 = arith.constant 5 : i32
        %add3A_516 = arith.addi %mul3A_514, %add3A_515 : i32
        %get3A_517 = arith.index_cast %add3A_516 : i32 to index
        %get3A_518 = arith.constant 0 : index
        %get3A_519 = tpu.vector_load %arg13[%get3A_517, %get3A_518] {strides = array<i32>} : memref<256x64xf32, #tpu.memory_space<vmem>>, vector<16xf32>,
        %get3A_520 = arith.index_cast %add3A_516 : i32 to index
        %get3A_521 = arith.constant 16 : index
        %get3A_522 = tpu.vector_load %arg13[%get3A_520, %get3A_521] {strides = array<i32>} : memref<256x64xf32, #tpu.memory_space<vmem>>, vector<16xf32>,
        %get3A_523 = arith.index_cast %add3A_516 : i32 to index
        %get3A_524 = arith.constant 32 : index
        %get3A_525 = tpu.vector_load %arg13[%get3A_523, %get3A_524] {strides = array<i32>} : memref<256x64xf32, #tpu.memory_space<vmem>>, vector<16xf32>,
        %get3A_526 = arith.index_cast %add3A_516 : i32 to index
        %get3A_527 = arith.constant 48 : index
        %get3A_528 = tpu.vector_load %arg13[%get3A_526, %get3A_527] {strides = array<i32>} : memref<256x64xf32, #tpu.memory_space<vmem>>, vector<16xf32>,
        %pack3A_529 = tpu.pack_subelements %get3A_519, %get3A_522 {pack_format = #tpu.pack_format<interleaved>, positions = array<i32: 0, 1>} : vector<16xf32>, vector<16xf32> -> vector<32xbf16>
        %unpack3A_530 = tpu.unpack_subelements %pack3A_529, 0 {pack_format = #tpu.pack_format<interleaved>} : vector<32xbf16> -> vector<16xf32>
        %unpack3A_531 = tpu.unpack_subelements %pack3A_529, 1 {pack_format = #tpu.pack_format<interleaved>} : vector<32xbf16> -> vector<16xf32>
        %pack3A_532 = tpu.pack_subelements %get3A_525, %get3A_528 {pack_format = #tpu.pack_format<interleaved>, positions = array<i32: 0, 1>} : vector<16xf32>, vector<16xf32> -> vector<32xbf16>
        %unpack3A_533 = tpu.unpack_subelements %pack3A_532, 0 {pack_format = #tpu.pack_format<interleaved>} : vector<32xbf16> -> vector<16xf32>
        %unpack3A_534 = tpu.unpack_subelements %pack3A_532, 1 {pack_format = #tpu.pack_format<interleaved>} : vector<32xbf16> -> vector<16xf32>
        %mul3A_535 = arith.mulf %unpack3A_530, %get3A_270 : vector<16xf32>
        %mul3A_536 = arith.mulf %unpack3A_531, %get3A_273 : vector<16xf32>
        %add3A_537 = arith.addf %mul3A_535, %mul3A_536 : vector<16xf32>
        %mul3A_538 = arith.mulf %unpack3A_533, %get3A_276 : vector<16xf32>
        %mul3A_539 = arith.mulf %unpack3A_534, %get3A_279 : vector<16xf32>
        %add3A_540 = arith.addf %mul3A_538, %mul3A_539 : vector<16xf32>
        %add3A_541 = arith.addf %add3A_537, %add3A_540 : vector<16xf32>
        %reduce_sum3A_542 = arith.constant true
        %reduce_sum3A_543 = vector.broadcast %reduce_sum3A_542 : i1 to vector<16xi1>
        %reduce_sum3A_544 = tpu.scan <sum>, %add3A_541 masked %reduce_sum3A_543 : vector<16xf32>, vector<16xi1> -> vector<16xf32>
        %reduce_sum3A_545 = vector.extract %reduce_sum3A_544[15] : f32 from vector<16xf32>
        %mul3A_546 = arith.constant 16 : i32
        %mul3A_547 = arith.muli %scan3A_349, %mul3A_546 : i32
        %add3A_548 = arith.constant 6 : i32
        %add3A_549 = arith.addi %mul3A_547, %add3A_548 : i32
        %get3A_550 = arith.index_cast %add3A_549 : i32 to index
        %get3A_551 = arith.constant 0 : index
        %get3A_552 = tpu.vector_load %arg13[%get3A_550, %get3A_551] {strides = array<i32>} : memref<256x64xf32, #tpu.memory_space<vmem>>, vector<16xf32>,
        %get3A_553 = arith.index_cast %add3A_549 : i32 to index
        %get3A_554 = arith.constant 16 : index
        %get3A_555 = tpu.vector_load %arg13[%get3A_553, %get3A_554] {strides = array<i32>} : memref<256x64xf32, #tpu.memory_space<vmem>>, vector<16xf32>,
        %get3A_556 = arith.index_cast %add3A_549 : i32 to index
        %get3A_557 = arith.constant 32 : index
        %get3A_558 = tpu.vector_load %arg13[%get3A_556, %get3A_557] {strides = array<i32>} : memref<256x64xf32, #tpu.memory_space<vmem>>, vector<16xf32>,
        %get3A_559 = arith.index_cast %add3A_549 : i32 to index
        %get3A_560 = arith.constant 48 : index
        %get3A_561 = tpu.vector_load %arg13[%get3A_559, %get3A_560] {strides = array<i32>} : memref<256x64xf32, #tpu.memory_space<vmem>>, vector<16xf32>,
        %pack3A_562 = tpu.pack_subelements %get3A_552, %get3A_555 {pack_format = #tpu.pack_format<interleaved>, positions = array<i32: 0, 1>} : vector<16xf32>, vector<16xf32> -> vector<32xbf16>
        %unpack3A_563 = tpu.unpack_subelements %pack3A_562, 0 {pack_format = #tpu.pack_format<interleaved>} : vector<32xbf16> -> vector<16xf32>
        %unpack3A_564 = tpu.unpack_subelements %pack3A_562, 1 {pack_format = #tpu.pack_format<interleaved>} : vector<32xbf16> -> vector<16xf32>
        %pack3A_565 = tpu.pack_subelements %get3A_558, %get3A_561 {pack_format = #tpu.pack_format<interleaved>, positions = array<i32: 0, 1>} : vector<16xf32>, vector<16xf32> -> vector<32xbf16>
        %unpack3A_566 = tpu.unpack_subelements %pack3A_565, 0 {pack_format = #tpu.pack_format<interleaved>} : vector<32xbf16> -> vector<16xf32>
        %unpack3A_567 = tpu.unpack_subelements %pack3A_565, 1 {pack_format = #tpu.pack_format<interleaved>} : vector<32xbf16> -> vector<16xf32>
        %mul3A_568 = arith.mulf %unpack3A_563, %get3A_270 : vector<16xf32>
        %mul3A_569 = arith.mulf %unpack3A_564, %get3A_273 : vector<16xf32>
        %add3A_570 = arith.addf %mul3A_568, %mul3A_569 : vector<16xf32>
        %mul3A_571 = arith.mulf %unpack3A_566, %get3A_276 : vector<16xf32>
        %mul3A_572 = arith.mulf %unpack3A_567, %get3A_279 : vector<16xf32>
        %add3A_573 = arith.addf %mul3A_571, %mul3A_572 : vector<16xf32>
        %add3A_574 = arith.addf %add3A_570, %add3A_573 : vector<16xf32>
        %reduce_sum3A_575 = arith.constant true
        %reduce_sum3A_576 = vector.broadcast %reduce_sum3A_575 : i1 to vector<16xi1>
        %reduce_sum3A_577 = tpu.scan <sum>, %add3A_574 masked %reduce_sum3A_576 : vector<16xf32>, vector<16xi1> -> vector<16xf32>
        %reduce_sum3A_578 = vector.extract %reduce_sum3A_577[15] : f32 from vector<16xf32>
        %mul3A_579 = arith.constant 16 : i32
        %mul3A_580 = arith.muli %scan3A_349, %mul3A_579 : i32
        %add3A_581 = arith.constant 7 : i32
        %add3A_582 = arith.addi %mul3A_580, %add3A_581 : i32
        %get3A_583 = arith.index_cast %add3A_582 : i32 to index
        %get3A_584 = arith.constant 0 : index
        %get3A_585 = tpu.vector_load %arg13[%get3A_583, %get3A_584] {strides = array<i32>} : memref<256x64xf32, #tpu.memory_space<vmem>>, vector<16xf32>,
        %get3A_586 = arith.index_cast %add3A_582 : i32 to index
        %get3A_587 = arith.constant 16 : index
        %get3A_588 = tpu.vector_load %arg13[%get3A_586, %get3A_587] {strides = array<i32>} : memref<256x64xf32, #tpu.memory_space<vmem>>, vector<16xf32>,
        %get3A_589 = arith.index_cast %add3A_582 : i32 to index
        %get3A_590 = arith.constant 32 : index
        %get3A_591 = tpu.vector_load %arg13[%get3A_589, %get3A_590] {strides = array<i32>} : memref<256x64xf32, #tpu.memory_space<vmem>>, vector<16xf32>,
        %get3A_592 = arith.index_cast %add3A_582 : i32 to index
        %get3A_593 = arith.constant 48 : index
        %get3A_594 = tpu.vector_load %arg13[%get3A_592, %get3A_593] {strides = array<i32>} : memref<256x64xf32, #tpu.memory_space<vmem>>, vector<16xf32>,
        %pack3A_595 = tpu.pack_subelements %get3A_585, %get3A_588 {pack_format = #tpu.pack_format<interleaved>, positions = array<i32: 0, 1>} : vector<16xf32>, vector<16xf32> -> vector<32xbf16>
        %unpack3A_596 = tpu.unpack_subelements %pack3A_595, 0 {pack_format = #tpu.pack_format<interleaved>} : vector<32xbf16> -> vector<16xf32>
        %unpack3A_597 = tpu.unpack_subelements %pack3A_595, 1 {pack_format = #tpu.pack_format<interleaved>} : vector<32xbf16> -> vector<16xf32>
        %pack3A_598 = tpu.pack_subelements %get3A_591, %get3A_594 {pack_format = #tpu.pack_format<interleaved>, positions = array<i32: 0, 1>} : vector<16xf32>, vector<16xf32> -> vector<32xbf16>
        %unpack3A_599 = tpu.unpack_subelements %pack3A_598, 0 {pack_format = #tpu.pack_format<interleaved>} : vector<32xbf16> -> vector<16xf32>
        %unpack3A_600 = tpu.unpack_subelements %pack3A_598, 1 {pack_format = #tpu.pack_format<interleaved>} : vector<32xbf16> -> vector<16xf32>
        %mul3A_601 = arith.mulf %unpack3A_596, %get3A_270 : vector<16xf32>
        %mul3A_602 = arith.mulf %unpack3A_597, %get3A_273 : vector<16xf32>
        %add3A_603 = arith.addf %mul3A_601, %mul3A_602 : vector<16xf32>
        %mul3A_604 = arith.mulf %unpack3A_599, %get3A_276 : vector<16xf32>
        %mul3A_605 = arith.mulf %unpack3A_600, %get3A_279 : vector<16xf32>
        %add3A_606 = arith.addf %mul3A_604, %mul3A_605 : vector<16xf32>
        %add3A_607 = arith.addf %add3A_603, %add3A_606 : vector<16xf32>
        %reduce_sum3A_608 = arith.constant true
        %reduce_sum3A_609 = vector.broadcast %reduce_sum3A_608 : i1 to vector<16xi1>
        %reduce_sum3A_610 = tpu.scan <sum>, %add3A_607 masked %reduce_sum3A_609 : vector<16xf32>, vector<16xi1> -> vector<16xf32>
        %reduce_sum3A_611 = vector.extract %reduce_sum3A_610[15] : f32 from vector<16xf32>
        %mul3A_612 = arith.constant 16 : i32
        %mul3A_613 = arith.muli %scan3A_349, %mul3A_612 : i32
        %add3A_614 = arith.constant 8 : i32
        %add3A_615 = arith.addi %mul3A_613, %add3A_614 : i32
        %get3A_616 = arith.index_cast %add3A_615 : i32 to index
        %get3A_617 = arith.constant 0 : index
        %get3A_618 = tpu.vector_load %arg13[%get3A_616, %get3A_617] {strides = array<i32>} : memref<256x64xf32, #tpu.memory_space<vmem>>, vector<16xf32>,
        %get3A_619 = arith.index_cast %add3A_615 : i32 to index
        %get3A_620 = arith.constant 16 : index
        %get3A_621 = tpu.vector_load %arg13[%get3A_619, %get3A_620] {strides = array<i32>} : memref<256x64xf32, #tpu.memory_space<vmem>>, vector<16xf32>,
        %get3A_622 = arith.index_cast %add3A_615 : i32 to index
        %get3A_623 = arith.constant 32 : index
        %get3A_624 = tpu.vector_load %arg13[%get3A_622, %get3A_623] {strides = array<i32>} : memref<256x64xf32, #tpu.memory_space<vmem>>, vector<16xf32>,
        %get3A_625 = arith.index_cast %add3A_615 : i32 to index
        %get3A_626 = arith.constant 48 : index
        %get3A_627 = tpu.vector_load %arg13[%get3A_625, %get3A_626] {strides = array<i32>} : memref<256x64xf32, #tpu.memory_space<vmem>>, vector<16xf32>,
        %pack3A_628 = tpu.pack_subelements %get3A_618, %get3A_621 {pack_format = #tpu.pack_format<interleaved>, positions = array<i32: 0, 1>} : vector<16xf32>, vector<16xf32> -> vector<32xbf16>
        %unpack3A_629 = tpu.unpack_subelements %pack3A_628, 0 {pack_format = #tpu.pack_format<interleaved>} : vector<32xbf16> -> vector<16xf32>
        %unpack3A_630 = tpu.unpack_subelements %pack3A_628, 1 {pack_format = #tpu.pack_format<interleaved>} : vector<32xbf16> -> vector<16xf32>
        %pack3A_631 = tpu.pack_subelements %get3A_624, %get3A_627 {pack_format = #tpu.pack_format<interleaved>, positions = array<i32: 0, 1>} : vector<16xf32>, vector<16xf32> -> vector<32xbf16>
        %unpack3A_632 = tpu.unpack_subelements %pack3A_631, 0 {pack_format = #tpu.pack_format<interleaved>} : vector<32xbf16> -> vector<16xf32>
        %unpack3A_633 = tpu.unpack_subelements %pack3A_631, 1 {pack_format = #tpu.pack_format<interleaved>} : vector<32xbf16> -> vector<16xf32>
        %mul3A_634 = arith.mulf %unpack3A_629, %get3A_270 : vector<16xf32>
        %mul3A_635 = arith.mulf %unpack3A_630, %get3A_273 : vector<16xf32>
        %add3A_636 = arith.addf %mul3A_634, %mul3A_635 : vector<16xf32>
        %mul3A_637 = arith.mulf %unpack3A_632, %get3A_276 : vector<16xf32>
        %mul3A_638 = arith.mulf %unpack3A_633, %get3A_279 : vector<16xf32>
        %add3A_639 = arith.addf %mul3A_637, %mul3A_638 : vector<16xf32>
        %add3A_640 = arith.addf %add3A_636, %add3A_639 : vector<16xf32>
        %reduce_sum3A_641 = arith.constant true
        %reduce_sum3A_642 = vector.broadcast %reduce_sum3A_641 : i1 to vector<16xi1>
        %reduce_sum3A_643 = tpu.scan <sum>, %add3A_640 masked %reduce_sum3A_642 : vector<16xf32>, vector<16xi1> -> vector<16xf32>
        %reduce_sum3A_644 = vector.extract %reduce_sum3A_643[15] : f32 from vector<16xf32>
        %mul3A_645 = arith.constant 16 : i32
        %mul3A_646 = arith.muli %scan3A_349, %mul3A_645 : i32
        %add3A_647 = arith.constant 9 : i32
        %add3A_648 = arith.addi %mul3A_646, %add3A_647 : i32
        %get3A_649 = arith.index_cast %add3A_648 : i32 to index
        %get3A_650 = arith.constant 0 : index
        %get3A_651 = tpu.vector_load %arg13[%get3A_649, %get3A_650] {strides = array<i32>} : memref<256x64xf32, #tpu.memory_space<vmem>>, vector<16xf32>,
        %get3A_652 = arith.index_cast %add3A_648 : i32 to index
        %get3A_653 = arith.constant 16 : index
        %get3A_654 = tpu.vector_load %arg13[%get3A_652, %get3A_653] {strides = array<i32>} : memref<256x64xf32, #tpu.memory_space<vmem>>, vector<16xf32>,
        %get3A_655 = arith.index_cast %add3A_648 : i32 to index
        %get3A_656 = arith.constant 32 : index
        %get3A_657 = tpu.vector_load %arg13[%get3A_655, %get3A_656] {strides = array<i32>} : memref<256x64xf32, #tpu.memory_space<vmem>>, vector<16xf32>,
        %get3A_658 = arith.index_cast %add3A_648 : i32 to index
        %get3A_659 = arith.constant 48 : index
        %get3A_660 = tpu.vector_load %arg13[%get3A_658, %get3A_659] {strides = array<i32>} : memref<256x64xf32, #tpu.memory_space<vmem>>, vector<16xf32>,
        %pack3A_661 = tpu.pack_subelements %get3A_651, %get3A_654 {pack_format = #tpu.pack_format<interleaved>, positions = array<i32: 0, 1>} : vector<16xf32>, vector<16xf32> -> vector<32xbf16>
        %unpack3A_662 = tpu.unpack_subelements %pack3A_661, 0 {pack_format = #tpu.pack_format<interleaved>} : vector<32xbf16> -> vector<16xf32>
        %unpack3A_663 = tpu.unpack_subelements %pack3A_661, 1 {pack_format = #tpu.pack_format<interleaved>} : vector<32xbf16> -> vector<16xf32>
        %pack3A_664 = tpu.pack_subelements %get3A_657, %get3A_660 {pack_format = #tpu.pack_format<interleaved>, positions = array<i32: 0, 1>} : vector<16xf32>, vector<16xf32> -> vector<32xbf16>
        %unpack3A_665 = tpu.unpack_subelements %pack3A_664, 0 {pack_format = #tpu.pack_format<interleaved>} : vector<32xbf16> -> vector<16xf32>
        %unpack3A_666 = tpu.unpack_subelements %pack3A_664, 1 {pack_format = #tpu.pack_format<interleaved>} : vector<32xbf16> -> vector<16xf32>
        %mul3A_667 = arith.mulf %unpack3A_662, %get3A_270 : vector<16xf32>
        %mul3A_668 = arith.mulf %unpack3A_663, %get3A_273 : vector<16xf32>
        %add3A_669 = arith.addf %mul3A_667, %mul3A_668 : vector<16xf32>
        %mul3A_670 = arith.mulf %unpack3A_665, %get3A_276 : vector<16xf32>
        %mul3A_671 = arith.mulf %unpack3A_666, %get3A_279 : vector<16xf32>
        %add3A_672 = arith.addf %mul3A_670, %mul3A_671 : vector<16xf32>
        %add3A_673 = arith.addf %add3A_669, %add3A_672 : vector<16xf32>
        %reduce_sum3A_674 = arith.constant true
        %reduce_sum3A_675 = vector.broadcast %reduce_sum3A_674 : i1 to vector<16xi1>
        %reduce_sum3A_676 = tpu.scan <sum>, %add3A_673 masked %reduce_sum3A_675 : vector<16xf32>, vector<16xi1> -> vector<16xf32>
        %reduce_sum3A_677 = vector.extract %reduce_sum3A_676[15] : f32 from vector<16xf32>
        %mul3A_678 = arith.constant 16 : i32
        %mul3A_679 = arith.muli %scan3A_349, %mul3A_678 : i32
        %add3A_680 = arith.constant 10 : i32
        %add3A_681 = arith.addi %mul3A_679, %add3A_680 : i32
        %get3A_682 = arith.index_cast %add3A_681 : i32 to index
        %get3A_683 = arith.constant 0 : index
        %get3A_684 = tpu.vector_load %arg13[%get3A_682, %get3A_683] {strides = array<i32>} : memref<256x64xf32, #tpu.memory_space<vmem>>, vector<16xf32>,
        %get3A_685 = arith.index_cast %add3A_681 : i32 to index
        %get3A_686 = arith.constant 16 : index
        %get3A_687 = tpu.vector_load %arg13[%get3A_685, %get3A_686] {strides = array<i32>} : memref<256x64xf32, #tpu.memory_space<vmem>>, vector<16xf32>,
        %get3A_688 = arith.index_cast %add3A_681 : i32 to index
        %get3A_689 = arith.constant 32 : index
        %get3A_690 = tpu.vector_load %arg13[%get3A_688, %get3A_689] {strides = array<i32>} : memref<256x64xf32, #tpu.memory_space<vmem>>, vector<16xf32>,
        %get3A_691 = arith.index_cast %add3A_681 : i32 to index
        %get3A_692 = arith.constant 48 : index
        %get3A_693 = tpu.vector_load %arg13[%get3A_691, %get3A_692] {strides = array<i32>} : memref<256x64xf32, #tpu.memory_space<vmem>>, vector<16xf32>,
        %pack3A_694 = tpu.pack_subelements %get3A_684, %get3A_687 {pack_format = #tpu.pack_format<interleaved>, positions = array<i32: 0, 1>} : vector<16xf32>, vector<16xf32> -> vector<32xbf16>
        %unpack3A_695 = tpu.unpack_subelements %pack3A_694, 0 {pack_format = #tpu.pack_format<interleaved>} : vector<32xbf16> -> vector<16xf32>
        %unpack3A_696 = tpu.unpack_subelements %pack3A_694, 1 {pack_format = #tpu.pack_format<interleaved>} : vector<32xbf16> -> vector<16xf32>
        %pack3A_697 = tpu.pack_subelements %get3A_690, %get3A_693 {pack_format = #tpu.pack_format<interleaved>, positions = array<i32: 0, 1>} : vector<16xf32>, vector<16xf32> -> vector<32xbf16>
        %unpack3A_698 = tpu.unpack_subelements %pack3A_697, 0 {pack_format = #tpu.pack_format<interleaved>} : vector<32xbf16> -> vector<16xf32>
        %unpack3A_699 = tpu.unpack_subelements %pack3A_697, 1 {pack_format = #tpu.pack_format<interleaved>} : vector<32xbf16> -> vector<16xf32>
        %mul3A_700 = arith.mulf %unpack3A_695, %get3A_270 : vector<16xf32>
        %mul3A_701 = arith.mulf %unpack3A_696, %get3A_273 : vector<16xf32>
        %add3A_702 = arith.addf %mul3A_700, %mul3A_701 : vector<16xf32>
        %mul3A_703 = arith.mulf %unpack3A_698, %get3A_276 : vector<16xf32>
        %mul3A_704 = arith.mulf %unpack3A_699, %get3A_279 : vector<16xf32>
        %add3A_705 = arith.addf %mul3A_703, %mul3A_704 : vector<16xf32>
        %add3A_706 = arith.addf %add3A_702, %add3A_705 : vector<16xf32>
        %reduce_sum3A_707 = arith.constant true
        %reduce_sum3A_708 = vector.broadcast %reduce_sum3A_707 : i1 to vector<16xi1>
        %reduce_sum3A_709 = tpu.scan <sum>, %add3A_706 masked %reduce_sum3A_708 : vector<16xf32>, vector<16xi1> -> vector<16xf32>
        %reduce_sum3A_710 = vector.extract %reduce_sum3A_709[15] : f32 from vector<16xf32>
        %mul3A_711 = arith.constant 16 : i32
        %mul3A_712 = arith.muli %scan3A_349, %mul3A_711 : i32
        %add3A_713 = arith.constant 11 : i32
        %add3A_714 = arith.addi %mul3A_712, %add3A_713 : i32
        %get3A_715 = arith.index_cast %add3A_714 : i32 to index
        %get3A_716 = arith.constant 0 : index
        %get3A_717 = tpu.vector_load %arg13[%get3A_715, %get3A_716] {strides = array<i32>} : memref<256x64xf32, #tpu.memory_space<vmem>>, vector<16xf32>,
        %get3A_718 = arith.index_cast %add3A_714 : i32 to index
        %get3A_719 = arith.constant 16 : index
        %get3A_720 = tpu.vector_load %arg13[%get3A_718, %get3A_719] {strides = array<i32>} : memref<256x64xf32, #tpu.memory_space<vmem>>, vector<16xf32>,
        %get3A_721 = arith.index_cast %add3A_714 : i32 to index
        %get3A_722 = arith.constant 32 : index
        %get3A_723 = tpu.vector_load %arg13[%get3A_721, %get3A_722] {strides = array<i32>} : memref<256x64xf32, #tpu.memory_space<vmem>>, vector<16xf32>,
        %get3A_724 = arith.index_cast %add3A_714 : i32 to index
        %get3A_725 = arith.constant 48 : index
        %get3A_726 = tpu.vector_load %arg13[%get3A_724, %get3A_725] {strides = array<i32>} : memref<256x64xf32, #tpu.memory_space<vmem>>, vector<16xf32>,
        %pack3A_727 = tpu.pack_subelements %get3A_717, %get3A_720 {pack_format = #tpu.pack_format<interleaved>, positions = array<i32: 0, 1>} : vector<16xf32>, vector<16xf32> -> vector<32xbf16>
        %unpack3A_728 = tpu.unpack_subelements %pack3A_727, 0 {pack_format = #tpu.pack_format<interleaved>} : vector<32xbf16> -> vector<16xf32>
        %unpack3A_729 = tpu.unpack_subelements %pack3A_727, 1 {pack_format = #tpu.pack_format<interleaved>} : vector<32xbf16> -> vector<16xf32>
        %pack3A_730 = tpu.pack_subelements %get3A_723, %get3A_726 {pack_format = #tpu.pack_format<interleaved>, positions = array<i32: 0, 1>} : vector<16xf32>, vector<16xf32> -> vector<32xbf16>
        %unpack3A_731 = tpu.unpack_subelements %pack3A_730, 0 {pack_format = #tpu.pack_format<interleaved>} : vector<32xbf16> -> vector<16xf32>
        %unpack3A_732 = tpu.unpack_subelements %pack3A_730, 1 {pack_format = #tpu.pack_format<interleaved>} : vector<32xbf16> -> vector<16xf32>
        %mul3A_733 = arith.mulf %unpack3A_728, %get3A_270 : vector<16xf32>
        %mul3A_734 = arith.mulf %unpack3A_729, %get3A_273 : vector<16xf32>
        %add3A_735 = arith.addf %mul3A_733, %mul3A_734 : vector<16xf32>
        %mul3A_736 = arith.mulf %unpack3A_731, %get3A_276 : vector<16xf32>
        %mul3A_737 = arith.mulf %unpack3A_732, %get3A_279 : vector<16xf32>
        %add3A_738 = arith.addf %mul3A_736, %mul3A_737 : vector<16xf32>
        %add3A_739 = arith.addf %add3A_735, %add3A_738 : vector<16xf32>
        %reduce_sum3A_740 = arith.constant true
        %reduce_sum3A_741 = vector.broadcast %reduce_sum3A_740 : i1 to vector<16xi1>
        %reduce_sum3A_742 = tpu.scan <sum>, %add3A_739 masked %reduce_sum3A_741 : vector<16xf32>, vector<16xi1> -> vector<16xf32>
        %reduce_sum3A_743 = vector.extract %reduce_sum3A_742[15] : f32 from vector<16xf32>
        %mul3A_744 = arith.constant 16 : i32
        %mul3A_745 = arith.muli %scan3A_349, %mul3A_744 : i32
        %add3A_746 = arith.constant 12 : i32
        %add3A_747 = arith.addi %mul3A_745, %add3A_746 : i32
        %get3A_748 = arith.index_cast %add3A_747 : i32 to index
        %get3A_749 = arith.constant 0 : index
        %get3A_750 = tpu.vector_load %arg13[%get3A_748, %get3A_749] {strides = array<i32>} : memref<256x64xf32, #tpu.memory_space<vmem>>, vector<16xf32>,
        %get3A_751 = arith.index_cast %add3A_747 : i32 to index
        %get3A_752 = arith.constant 16 : index
        %get3A_753 = tpu.vector_load %arg13[%get3A_751, %get3A_752] {strides = array<i32>} : memref<256x64xf32, #tpu.memory_space<vmem>>, vector<16xf32>,
        %get3A_754 = arith.index_cast %add3A_747 : i32 to index
        %get3A_755 = arith.constant 32 : index
        %get3A_756 = tpu.vector_load %arg13[%get3A_754, %get3A_755] {strides = array<i32>} : memref<256x64xf32, #tpu.memory_space<vmem>>, vector<16xf32>,
        %get3A_757 = arith.index_cast %add3A_747 : i32 to index
        %get3A_758 = arith.constant 48 : index
        %get3A_759 = tpu.vector_load %arg13[%get3A_757, %get3A_758] {strides = array<i32>} : memref<256x64xf32, #tpu.memory_space<vmem>>, vector<16xf32>,
        %pack3A_760 = tpu.pack_subelements %get3A_750, %get3A_753 {pack_format = #tpu.pack_format<interleaved>, positions = array<i32: 0, 1>} : vector<16xf32>, vector<16xf32> -> vector<32xbf16>
        %unpack3A_761 = tpu.unpack_subelements %pack3A_760, 0 {pack_format = #tpu.pack_format<interleaved>} : vector<32xbf16> -> vector<16xf32>
        %unpack3A_762 = tpu.unpack_subelements %pack3A_760, 1 {pack_format = #tpu.pack_format<interleaved>} : vector<32xbf16> -> vector<16xf32>
        %pack3A_763 = tpu.pack_subelements %get3A_756, %get3A_759 {pack_format = #tpu.pack_format<interleaved>, positions = array<i32: 0, 1>} : vector<16xf32>, vector<16xf32> -> vector<32xbf16>
        %unpack3A_764 = tpu.unpack_subelements %pack3A_763, 0 {pack_format = #tpu.pack_format<interleaved>} : vector<32xbf16> -> vector<16xf32>
        %unpack3A_765 = tpu.unpack_subelements %pack3A_763, 1 {pack_format = #tpu.pack_format<interleaved>} : vector<32xbf16> -> vector<16xf32>
        %mul3A_766 = arith.mulf %unpack3A_761, %get3A_270 : vector<16xf32>
        %mul3A_767 = arith.mulf %unpack3A_762, %get3A_273 : vector<16xf32>
        %add3A_768 = arith.addf %mul3A_766, %mul3A_767 : vector<16xf32>
        %mul3A_769 = arith.mulf %unpack3A_764, %get3A_276 : vector<16xf32>
        %mul3A_770 = arith.mulf %unpack3A_765, %get3A_279 : vector<16xf32>
        %add3A_771 = arith.addf %mul3A_769, %mul3A_770 : vector<16xf32>
        %add3A_772 = arith.addf %add3A_768, %add3A_771 : vector<16xf32>
        %reduce_sum3A_773 = arith.constant true
        %reduce_sum3A_774 = vector.broadcast %reduce_sum3A_773 : i1 to vector<16xi1>
        %reduce_sum3A_775 = tpu.scan <sum>, %add3A_772 masked %reduce_sum3A_774 : vector<16xf32>, vector<16xi1> -> vector<16xf32>
        %reduce_sum3A_776 = vector.extract %reduce_sum3A_775[15] : f32 from vector<16xf32>
        %mul3A_777 = arith.constant 16 : i32
        %mul3A_778 = arith.muli %scan3A_349, %mul3A_777 : i32
        %add3A_779 = arith.constant 13 : i32
        %add3A_780 = arith.addi %mul3A_778, %add3A_779 : i32
        %get3A_781 = arith.index_cast %add3A_780 : i32 to index
        %get3A_782 = arith.constant 0 : index
        %get3A_783 = tpu.vector_load %arg13[%get3A_781, %get3A_782] {strides = array<i32>} : memref<256x64xf32, #tpu.memory_space<vmem>>, vector<16xf32>,
        %get3A_784 = arith.index_cast %add3A_780 : i32 to index
        %get3A_785 = arith.constant 16 : index
        %get3A_786 = tpu.vector_load %arg13[%get3A_784, %get3A_785] {strides = array<i32>} : memref<256x64xf32, #tpu.memory_space<vmem>>, vector<16xf32>,
        %get3A_787 = arith.index_cast %add3A_780 : i32 to index
        %get3A_788 = arith.constant 32 : index
        %get3A_789 = tpu.vector_load %arg13[%get3A_787, %get3A_788] {strides = array<i32>} : memref<256x64xf32, #tpu.memory_space<vmem>>, vector<16xf32>,
        %get3A_790 = arith.index_cast %add3A_780 : i32 to index
        %get3A_791 = arith.constant 48 : index
        %get3A_792 = tpu.vector_load %arg13[%get3A_790, %get3A_791] {strides = array<i32>} : memref<256x64xf32, #tpu.memory_space<vmem>>, vector<16xf32>,
        %pack3A_793 = tpu.pack_subelements %get3A_783, %get3A_786 {pack_format = #tpu.pack_format<interleaved>, positions = array<i32: 0, 1>} : vector<16xf32>, vector<16xf32> -> vector<32xbf16>
        %unpack3A_794 = tpu.unpack_subelements %pack3A_793, 0 {pack_format = #tpu.pack_format<interleaved>} : vector<32xbf16> -> vector<16xf32>
        %unpack3A_795 = tpu.unpack_subelements %pack3A_793, 1 {pack_format = #tpu.pack_format<interleaved>} : vector<32xbf16> -> vector<16xf32>
        %pack3A_796 = tpu.pack_subelements %get3A_789, %get3A_792 {pack_format = #tpu.pack_format<interleaved>, positions = array<i32: 0, 1>} : vector<16xf32>, vector<16xf32> -> vector<32xbf16>
        %unpack3A_797 = tpu.unpack_subelements %pack3A_796, 0 {pack_format = #tpu.pack_format<interleaved>} : vector<32xbf16> -> vector<16xf32>
        %unpack3A_798 = tpu.unpack_subelements %pack3A_796, 1 {pack_format = #tpu.pack_format<interleaved>} : vector<32xbf16> -> vector<16xf32>
        %mul3A_799 = arith.mulf %unpack3A_794, %get3A_270 : vector<16xf32>
        %mul3A_800 = arith.mulf %unpack3A_795, %get3A_273 : vector<16xf32>
        %add3A_801 = arith.addf %mul3A_799, %mul3A_800 : vector<16xf32>
        %mul3A_802 = arith.mulf %unpack3A_797, %get3A_276 : vector<16xf32>
        %mul3A_803 = arith.mulf %unpack3A_798, %get3A_279 : vector<16xf32>
        %add3A_804 = arith.addf %mul3A_802, %mul3A_803 : vector<16xf32>
        %add3A_805 = arith.addf %add3A_801, %add3A_804 : vector<16xf32>
        %reduce_sum3A_806 = arith.constant true
        %reduce_sum3A_807 = vector.broadcast %reduce_sum3A_806 : i1 to vector<16xi1>
        %reduce_sum3A_808 = tpu.scan <sum>, %add3A_805 masked %reduce_sum3A_807 : vector<16xf32>, vector<16xi1> -> vector<16xf32>
        %reduce_sum3A_809 = vector.extract %reduce_sum3A_808[15] : f32 from vector<16xf32>
        %mul3A_810 = arith.constant 16 : i32
        %mul3A_811 = arith.muli %scan3A_349, %mul3A_810 : i32
        %add3A_812 = arith.constant 14 : i32
        %add3A_813 = arith.addi %mul3A_811, %add3A_812 : i32
        %get3A_814 = arith.index_cast %add3A_813 : i32 to index
        %get3A_815 = arith.constant 0 : index
        %get3A_816 = tpu.vector_load %arg13[%get3A_814, %get3A_815] {strides = array<i32>} : memref<256x64xf32, #tpu.memory_space<vmem>>, vector<16xf32>,
        %get3A_817 = arith.index_cast %add3A_813 : i32 to index
        %get3A_818 = arith.constant 16 : index
        %get3A_819 = tpu.vector_load %arg13[%get3A_817, %get3A_818] {strides = array<i32>} : memref<256x64xf32, #tpu.memory_space<vmem>>, vector<16xf32>,
        %get3A_820 = arith.index_cast %add3A_813 : i32 to index
        %get3A_821 = arith.constant 32 : index
        %get3A_822 = tpu.vector_load %arg13[%get3A_820, %get3A_821] {strides = array<i32>} : memref<256x64xf32, #tpu.memory_space<vmem>>, vector<16xf32>,
        %get3A_823 = arith.index_cast %add3A_813 : i32 to index
        %get3A_824 = arith.constant 48 : index
        %get3A_825 = tpu.vector_load %arg13[%get3A_823, %get3A_824] {strides = array<i32>} : memref<256x64xf32, #tpu.memory_space<vmem>>, vector<16xf32>,
        %pack3A_826 = tpu.pack_subelements %get3A_816, %get3A_819 {pack_format = #tpu.pack_format<interleaved>, positions = array<i32: 0, 1>} : vector<16xf32>, vector<16xf32> -> vector<32xbf16>
        %unpack3A_827 = tpu.unpack_subelements %pack3A_826, 0 {pack_format = #tpu.pack_format<interleaved>} : vector<32xbf16> -> vector<16xf32>
        %unpack3A_828 = tpu.unpack_subelements %pack3A_826, 1 {pack_format = #tpu.pack_format<interleaved>} : vector<32xbf16> -> vector<16xf32>
        %pack3A_829 = tpu.pack_subelements %get3A_822, %get3A_825 {pack_format = #tpu.pack_format<interleaved>, positions = array<i32: 0, 1>} : vector<16xf32>, vector<16xf32> -> vector<32xbf16>
        %unpack3A_830 = tpu.unpack_subelements %pack3A_829, 0 {pack_format = #tpu.pack_format<interleaved>} : vector<32xbf16> -> vector<16xf32>
        %unpack3A_831 = tpu.unpack_subelements %pack3A_829, 1 {pack_format = #tpu.pack_format<interleaved>} : vector<32xbf16> -> vector<16xf32>
        %mul3A_832 = arith.mulf %unpack3A_827, %get3A_270 : vector<16xf32>
        %mul3A_833 = arith.mulf %unpack3A_828, %get3A_273 : vector<16xf32>
        %add3A_834 = arith.addf %mul3A_832, %mul3A_833 : vector<16xf32>
        %mul3A_835 = arith.mulf %unpack3A_830, %get3A_276 : vector<16xf32>
        %mul3A_836 = arith.mulf %unpack3A_831, %get3A_279 : vector<16xf32>
        %add3A_837 = arith.addf %mul3A_835, %mul3A_836 : vector<16xf32>
        %add3A_838 = arith.addf %add3A_834, %add3A_837 : vector<16xf32>
        %reduce_sum3A_839 = arith.constant true
        %reduce_sum3A_840 = vector.broadcast %reduce_sum3A_839 : i1 to vector<16xi1>
        %reduce_sum3A_841 = tpu.scan <sum>, %add3A_838 masked %reduce_sum3A_840 : vector<16xf32>, vector<16xi1> -> vector<16xf32>
        %reduce_sum3A_842 = vector.extract %reduce_sum3A_841[15] : f32 from vector<16xf32>
        %mul3A_843 = arith.constant 16 : i32
        %mul3A_844 = arith.muli %scan3A_349, %mul3A_843 : i32
        %add3A_845 = arith.constant 15 : i32
        %add3A_846 = arith.addi %mul3A_844, %add3A_845 : i32
        %get3A_847 = arith.index_cast %add3A_846 : i32 to index
        %get3A_848 = arith.constant 0 : index
        %get3A_849 = tpu.vector_load %arg13[%get3A_847, %get3A_848] {strides = array<i32>} : memref<256x64xf32, #tpu.memory_space<vmem>>, vector<16xf32>,
        %get3A_850 = arith.index_cast %add3A_846 : i32 to index
        %get3A_851 = arith.constant 16 : index
        %get3A_852 = tpu.vector_load %arg13[%get3A_850, %get3A_851] {strides = array<i32>} : memref<256x64xf32, #tpu.memory_space<vmem>>, vector<16xf32>,
        %get3A_853 = arith.index_cast %add3A_846 : i32 to index
        %get3A_854 = arith.constant 32 : index
        %get3A_855 = tpu.vector_load %arg13[%get3A_853, %get3A_854] {strides = array<i32>} : memref<256x64xf32, #tpu.memory_space<vmem>>, vector<16xf32>,
        %get3A_856 = arith.index_cast %add3A_846 : i32 to index
        %get3A_857 = arith.constant 48 : index
        %get3A_858 = tpu.vector_load %arg13[%get3A_856, %get3A_857] {strides = array<i32>} : memref<256x64xf32, #tpu.memory_space<vmem>>, vector<16xf32>,
        %pack3A_859 = tpu.pack_subelements %get3A_849, %get3A_852 {pack_format = #tpu.pack_format<interleaved>, positions = array<i32: 0, 1>} : vector<16xf32>, vector<16xf32> -> vector<32xbf16>
        %unpack3A_860 = tpu.unpack_subelements %pack3A_859, 0 {pack_format = #tpu.pack_format<interleaved>} : vector<32xbf16> -> vector<16xf32>
        %unpack3A_861 = tpu.unpack_subelements %pack3A_859, 1 {pack_format = #tpu.pack_format<interleaved>} : vector<32xbf16> -> vector<16xf32>
        %pack3A_862 = tpu.pack_subelements %get3A_855, %get3A_858 {pack_format = #tpu.pack_format<interleaved>, positions = array<i32: 0, 1>} : vector<16xf32>, vector<16xf32> -> vector<32xbf16>
        %unpack3A_863 = tpu.unpack_subelements %pack3A_862, 0 {pack_format = #tpu.pack_format<interleaved>} : vector<32xbf16> -> vector<16xf32>
        %unpack3A_864 = tpu.unpack_subelements %pack3A_862, 1 {pack_format = #tpu.pack_format<interleaved>} : vector<32xbf16> -> vector<16xf32>
        %mul3A_865 = arith.mulf %unpack3A_860, %get3A_270 : vector<16xf32>
        %mul3A_866 = arith.mulf %unpack3A_861, %get3A_273 : vector<16xf32>
        %add3A_867 = arith.addf %mul3A_865, %mul3A_866 : vector<16xf32>
        %mul3A_868 = arith.mulf %unpack3A_863, %get3A_276 : vector<16xf32>
        %mul3A_869 = arith.mulf %unpack3A_864, %get3A_279 : vector<16xf32>
        %add3A_870 = arith.addf %mul3A_868, %mul3A_869 : vector<16xf32>
        %add3A_871 = arith.addf %add3A_867, %add3A_870 : vector<16xf32>
        %reduce_sum3A_872 = arith.constant true
        %reduce_sum3A_873 = vector.broadcast %reduce_sum3A_872 : i1 to vector<16xi1>
        %reduce_sum3A_874 = tpu.scan <sum>, %add3A_871 masked %reduce_sum3A_873 : vector<16xf32>, vector<16xi1> -> vector<16xf32>
        %reduce_sum3A_875 = vector.extract %reduce_sum3A_874[15] : f32 from vector<16xf32>
        %broadcast_in_dim3A_876 = arith.constant 0.000000e+00 : f32
        %broadcast_in_dim3A_877 = vector.broadcast %broadcast_in_dim3A_876 : f32 to vector<16xf32>
        %eq3A = arith.constant 0 : i32
        %eq3A_878 = vector.broadcast %eq3A : i32 to vector<16xi32>
        %eq3A_879 = arith.cmpi eq, %iota3A, %eq3A_878 : vector<16xi32>
        %broadcast_in_dim3A_880 = vector.broadcast %reduce_sum3A_380 : f32 to vector<16xf32>
        %select_n3A = arith.select %eq3A_879, %broadcast_in_dim3A_880, %broadcast_in_dim3A_877 : vector<16xi1>, vector<16xf32>
        %eq3A_881 = arith.constant 1 : i32
        %eq3A_882 = vector.broadcast %eq3A_881 : i32 to vector<16xi32>
        %eq3A_883 = arith.cmpi eq, %iota3A, %eq3A_882 : vector<16xi32>
        %broadcast_in_dim3A_884 = vector.broadcast %reduce_sum3A_413 : f32 to vector<16xf32>
        %select_n3A_885 = arith.select %eq3A_883, %broadcast_in_dim3A_884, %select_n3A : vector<16xi1>, vector<16xf32>
        %eq3A_886 = arith.constant 2 : i32
        %eq3A_887 = vector.broadcast %eq3A_886 : i32 to vector<16xi32>
        %eq3A_888 = arith.cmpi eq, %iota3A, %eq3A_887 : vector<16xi32>
        %broadcast_in_dim3A_889 = vector.broadcast %reduce_sum3A_446 : f32 to vector<16xf32>
        %select_n3A_890 = arith.select %eq3A_888, %broadcast_in_dim3A_889, %select_n3A_885 : vector<16xi1>, vector<16xf32>
        %eq3A_891 = arith.constant 3 : i32
        %eq3A_892 = vector.broadcast %eq3A_891 : i32 to vector<16xi32>
        %eq3A_893 = arith.cmpi eq, %iota3A, %eq3A_892 : vector<16xi32>
        %broadcast_in_dim3A_894 = vector.broadcast %reduce_sum3A_479 : f32 to vector<16xf32>
        %select_n3A_895 = arith.select %eq3A_893, %broadcast_in_dim3A_894, %select_n3A_890 : vector<16xi1>, vector<16xf32>
        %eq3A_896 = arith.constant 4 : i32
        %eq3A_897 = vector.broadcast %eq3A_896 : i32 to vector<16xi32>
        %eq3A_898 = arith.cmpi eq, %iota3A, %eq3A_897 : vector<16xi32>
        %broadcast_in_dim3A_899 = vector.broadcast %reduce_sum3A_512 : f32 to vector<16xf32>
        %select_n3A_900 = arith.select %eq3A_898, %broadcast_in_dim3A_899, %select_n3A_895 : vector<16xi1>, vector<16xf32>
        %eq3A_901 = arith.constant 5 : i32
        %eq3A_902 = vector.broadcast %eq3A_901 : i32 to vector<16xi32>
        %eq3A_903 = arith.cmpi eq, %iota3A, %eq3A_902 : vector<16xi32>
        %broadcast_in_dim3A_904 = vector.broadcast %reduce_sum3A_545 : f32 to vector<16xf32>
        %select_n3A_905 = arith.select %eq3A_903, %broadcast_in_dim3A_904, %select_n3A_900 : vector<16xi1>, vector<16xf32>
        %eq3A_906 = arith.constant 6 : i32
        %eq3A_907 = vector.broadcast %eq3A_906 : i32 to vector<16xi32>
        %eq3A_908 = arith.cmpi eq, %iota3A, %eq3A_907 : vector<16xi32>
        %broadcast_in_dim3A_909 = vector.broadcast %reduce_sum3A_578 : f32 to vector<16xf32>
        %select_n3A_910 = arith.select %eq3A_908, %broadcast_in_dim3A_909, %select_n3A_905 : vector<16xi1>, vector<16xf32>
        %eq3A_911 = arith.constant 7 : i32
        %eq3A_912 = vector.broadcast %eq3A_911 : i32 to vector<16xi32>
        %eq3A_913 = arith.cmpi eq, %iota3A, %eq3A_912 : vector<16xi32>
        %broadcast_in_dim3A_914 = vector.broadcast %reduce_sum3A_611 : f32 to vector<16xf32>
        %select_n3A_915 = arith.select %eq3A_913, %broadcast_in_dim3A_914, %select_n3A_910 : vector<16xi1>, vector<16xf32>
        %eq3A_916 = arith.constant 8 : i32
        %eq3A_917 = vector.broadcast %eq3A_916 : i32 to vector<16xi32>
        %eq3A_918 = arith.cmpi eq, %iota3A, %eq3A_917 : vector<16xi32>
        %broadcast_in_dim3A_919 = vector.broadcast %reduce_sum3A_644 : f32 to vector<16xf32>
        %select_n3A_920 = arith.select %eq3A_918, %broadcast_in_dim3A_919, %select_n3A_915 : vector<16xi1>, vector<16xf32>
        %eq3A_921 = arith.constant 9 : i32
        %eq3A_922 = vector.broadcast %eq3A_921 : i32 to vector<16xi32>
        %eq3A_923 = arith.cmpi eq, %iota3A, %eq3A_922 : vector<16xi32>
        %broadcast_in_dim3A_924 = vector.broadcast %reduce_sum3A_677 : f32 to vector<16xf32>
        %select_n3A_925 = arith.select %eq3A_923, %broadcast_in_dim3A_924, %select_n3A_920 : vector<16xi1>, vector<16xf32>
        %eq3A_926 = arith.constant 10 : i32
        %eq3A_927 = vector.broadcast %eq3A_926 : i32 to vector<16xi32>
        %eq3A_928 = arith.cmpi eq, %iota3A, %eq3A_927 : vector<16xi32>
        %broadcast_in_dim3A_929 = vector.broadcast %reduce_sum3A_710 : f32 to vector<16xf32>
        %select_n3A_930 = arith.select %eq3A_928, %broadcast_in_dim3A_929, %select_n3A_925 : vector<16xi1>, vector<16xf32>
        %eq3A_931 = arith.constant 11 : i32
        %eq3A_932 = vector.broadcast %eq3A_931 : i32 to vector<16xi32>
        %eq3A_933 = arith.cmpi eq, %iota3A, %eq3A_932 : vector<16xi32>
        %broadcast_in_dim3A_934 = vector.broadcast %reduce_sum3A_743 : f32 to vector<16xf32>
        %select_n3A_935 = arith.select %eq3A_933, %broadcast_in_dim3A_934, %select_n3A_930 : vector<16xi1>, vector<16xf32>
        %eq3A_936 = arith.constant 12 : i32
        %eq3A_937 = vector.broadcast %eq3A_936 : i32 to vector<16xi32>
        %eq3A_938 = arith.cmpi eq, %iota3A, %eq3A_937 : vector<16xi32>
        %broadcast_in_dim3A_939 = vector.broadcast %reduce_sum3A_776 : f32 to vector<16xf32>
        %select_n3A_940 = arith.select %eq3A_938, %broadcast_in_dim3A_939, %select_n3A_935 : vector<16xi1>, vector<16xf32>
        %eq3A_941 = arith.constant 13 : i32
        %eq3A_942 = vector.broadcast %eq3A_941 : i32 to vector<16xi32>
        %eq3A_943 = arith.cmpi eq, %iota3A, %eq3A_942 : vector<16xi32>
        %broadcast_in_dim3A_944 = vector.broadcast %reduce_sum3A_809 : f32 to vector<16xf32>
        %select_n3A_945 = arith.select %eq3A_943, %broadcast_in_dim3A_944, %select_n3A_940 : vector<16xi1>, vector<16xf32>
        %eq3A_946 = arith.constant 14 : i32
        %eq3A_947 = vector.broadcast %eq3A_946 : i32 to vector<16xi32>
        %eq3A_948 = arith.cmpi eq, %iota3A, %eq3A_947 : vector<16xi32>
        %broadcast_in_dim3A_949 = vector.broadcast %reduce_sum3A_842 : f32 to vector<16xf32>
        %select_n3A_950 = arith.select %eq3A_948, %broadcast_in_dim3A_949, %select_n3A_945 : vector<16xi1>, vector<16xf32>
        %eq3A_951 = arith.constant 15 : i32
        %eq3A_952 = vector.broadcast %eq3A_951 : i32 to vector<16xi32>
        %eq3A_953 = arith.cmpi eq, %iota3A, %eq3A_952 : vector<16xi32>
        %broadcast_in_dim3A_954 = vector.broadcast %reduce_sum3A_875 : f32 to vector<16xf32>
        %select_n3A_955 = arith.select %eq3A_953, %broadcast_in_dim3A_954, %select_n3A_950 : vector<16xi1>, vector<16xf32>
        %mul3A_956 = vector.broadcast %scan3A : f32 to vector<16xf32>
        %mul3A_957 = arith.mulf %select_n3A_955, %mul3A_956 : vector<16xf32>
        %exp3A = math.exp %mul3A_957 : vector<16xf32>
        %mul3A_958 = arith.constant 16 : i32
        %mul3A_959 = arith.muli %scan3A_349, %mul3A_958 : i32
        %add3A_960 = arith.addi %mul3A_267, %mul3A_959 : i32
        %swap3A_961 = arith.index_cast %shift_right_arithmetic3A_263 : i32 to index
        %swap3A_962 = arith.index_cast %add3A_960 : i32 to index
        %swap3A_963 = tpu.vector_load %arg15[%swap3A_961, %swap3A_962] {strides = array<i32>} : memref<32x512xf32, #tpu.memory_space<vmem>>, vector<16xf32>,
        tpu.vector_store %arg15[%swap3A_961, %swap3A_962], %exp3A {strides = array<i32>} : memref<32x512xf32, #tpu.memory_space<vmem>>, vector<16xf32>,
        %add3A_964 = arith.addf %scan3A_350, %exp3A : vector<16xf32>
        scf.yield %add3A_964 : vector<16xf32>
      }
      %scan3A_285 = arith.constant 16 : i32
      %mul3A_286 = arith.constant 4 : i32
      %mul3A_287 = arith.muli %mul3A_286, %scan3A_81 : i32
      %add3A_288 = arith.constant 3 : i32
      %add3A_289 = arith.addi %mul3A_287, %add3A_288 : i32
      %add3A_290 = arith.constant 4 : i32
      %add3A_291 = arith.addi %add3A_289, %add3A_290 : i32
      %sub3A_292 = arith.constant 1 : i32
      %sub3A_293 = arith.subi %add3A_291, %sub3A_292 : i32
      %lt3A_294 = arith.constant 15 : i32
      %lt3A_295 = arith.cmpi slt, %scan3A_81, %lt3A_294 : i32
      %convert_element_type3A_296 = arith.extui %lt3A_295 : i1 to i32
      %cond3A_297 = arith.constant 0 : i32
      %cond3A_298 = arith.cmpi ne, %convert_element_type3A_296, %cond3A_297 : i32
      scf.if %cond3A_298 {
        %shift_right_arithmetic3A_349 = arith.constant 1 : i32
        %shift_right_arithmetic3A_350 = arith.shrsi %sub3A_293, %shift_right_arithmetic3A_349 : i32
        %and3A_351 = arith.constant 1 : i32
        %and3A_352 = arith.andi %sub3A_293, %and3A_351 : i32
        %mul3A_353 = arith.constant 256 : i32
        %mul3A_354 = arith.muli %and3A_352, %mul3A_353 : i32
        %add3A_355 = arith.constant 0 : i32
        %add3A_356 = arith.addi %mul3A_354, %add3A_355 : i32
        %dma_start3A_357 = arith.constant 0 : i32
        %dma_start3A_358 = arith.constant 0 : i32
        %dma_start3A_359 = tpu.memref_slice %arg13[%dma_start3A_357, %dma_start3A_358] : memref<256x64xf32, #tpu.memory_space<vmem>> -> memref<128x64xf32, #tpu.memory_space<vmem>>
        %dma_start3A_360 = tpu.memref_slice %arg10[%shift_right_arithmetic3A_350, %add3A_356] : memref<32x512xi32, #tpu.memory_space<vmem>> -> memref<1x128xi32, #tpu.memory_space<vmem>>
        %dma_start3A_361 = tpu.memref_squeeze %dma_start3A_360 : memref<1x128xi32, #tpu.memory_space<vmem>> -> memref<128xi32, #tpu.memory_space<vmem>>
        %dma_start3A_362 = arith.constant 0 : i32
        %dma_start3A_363 = arith.constant 0 : i32
        %dma_start3A_364 = tpu.memref_slice %arg4[%dma_start3A_362, %dma_start3A_363] : memref<1000000x64xf32, #tpu.memory_space<hbm>> -> memref<1000000x64xf32, #tpu.memory_space<hbm>>
        tpu.enqueue_indirect_dma source(%dma_start3A_364 : memref<1000000x64xf32, #tpu.memory_space<hbm>>) target(%dma_start3A_359 : memref<128x64xf32, #tpu.memory_space<vmem>>) offsets(%dma_start3A_361 : memref<128xi32, #tpu.memory_space<vmem>>) semaphore(%arg19 : memref<!tpu.dma_semaphore, #tpu.memory_space<semaphore_mem>>)
        %add3A_365 = arith.constant 128 : i32
        %add3A_366 = arith.addi %mul3A_354, %add3A_365 : i32
        %dma_start3A_367 = arith.constant 128 : i32
        %dma_start3A_368 = arith.constant 0 : i32
        %dma_start3A_369 = tpu.memref_slice %arg13[%dma_start3A_367, %dma_start3A_368] : memref<256x64xf32, #tpu.memory_space<vmem>> -> memref<128x64xf32, #tpu.memory_space<vmem>>
        %dma_start3A_370 = tpu.memref_slice %arg10[%shift_right_arithmetic3A_350, %add3A_366] : memref<32x512xi32, #tpu.memory_space<vmem>> -> memref<1x128xi32, #tpu.memory_space<vmem>>
        %dma_start3A_371 = tpu.memref_squeeze %dma_start3A_370 : memref<1x128xi32, #tpu.memory_space<vmem>> -> memref<128xi32, #tpu.memory_space<vmem>>
        %dma_start3A_372 = arith.constant 0 : i32
        %dma_start3A_373 = arith.constant 0 : i32
        %dma_start3A_374 = tpu.memref_slice %arg4[%dma_start3A_372, %dma_start3A_373] : memref<1000000x64xf32, #tpu.memory_space<hbm>> -> memref<1000000x64xf32, #tpu.memory_space<hbm>>
        tpu.enqueue_indirect_dma source(%dma_start3A_374 : memref<1000000x64xf32, #tpu.memory_space<hbm>>) target(%dma_start3A_369 : memref<128x64xf32, #tpu.memory_space<vmem>>) offsets(%dma_start3A_371 : memref<128xi32, #tpu.memory_space<vmem>>) semaphore(%arg19 : memref<!tpu.dma_semaphore, #tpu.memory_space<semaphore_mem>>)
      } else {
      }
      %shift_right_arithmetic3A_299 = arith.constant 1 : i32
      %shift_right_arithmetic3A_300 = arith.shrsi %add3A_289, %shift_right_arithmetic3A_299 : i32
      %and3A_301 = arith.constant 1 : i32
      %and3A_302 = arith.andi %add3A_289, %and3A_301 : i32
      %mul3A_303 = arith.constant 256 : i32
      %mul3A_304 = arith.muli %and3A_302, %mul3A_303 : i32
      %add3A_305 = arith.constant 0 : i32
      %add3A_306 = arith.addi %mul3A_304, %add3A_305 : i32
      %dma_wait3A_307 = arith.constant 0 : i32
      %dma_wait3A_308 = arith.constant 0 : i32
      %dma_wait3A_309 = tpu.memref_slice %arg14[%dma_wait3A_307, %dma_wait3A_308] : memref<256x64xf32, #tpu.memory_space<vmem>> -> memref<128x64xf32, #tpu.memory_space<vmem>>
      %dma_wait3A_310 = tpu.memref_slice %arg10[%shift_right_arithmetic3A_300, %add3A_306] : memref<32x512xi32, #tpu.memory_space<vmem>> -> memref<1x128xi32, #tpu.memory_space<vmem>>
      %dma_wait3A_311 = tpu.memref_squeeze %dma_wait3A_310 : memref<1x128xi32, #tpu.memory_space<vmem>> -> memref<128xi32, #tpu.memory_space<vmem>>
      %dma_wait3A_312 = arith.constant 0 : i32
      %dma_wait3A_313 = arith.constant 0 : i32
      %dma_wait3A_314 = tpu.memref_slice %arg4[%dma_wait3A_312, %dma_wait3A_313] : memref<1000000x64xf32, #tpu.memory_space<hbm>> -> memref<1000000x64xf32, #tpu.memory_space<hbm>>
      tpu.wait_indirect_dma semaphore(%arg20 : memref<!tpu.dma_semaphore, #tpu.memory_space<semaphore_mem>>) src(%dma_wait3A_314 : memref<1000000x64xf32, #tpu.memory_space<hbm>>) dst(%dma_wait3A_309 : memref<128x64xf32, #tpu.memory_space<vmem>>)
      %add3A_315 = arith.constant 128 : i32
      %add3A_316 = arith.addi %mul3A_304, %add3A_315 : i32
      %dma_wait3A_317 = arith.constant 128 : i32
      %dma_wait3A_318 = arith.constant 0 : i32
      %dma_wait3A_319 = tpu.memref_slice %arg14[%dma_wait3A_317, %dma_wait3A_318] : memref<256x64xf32, #tpu.memory_space<vmem>> -> memref<128x64xf32, #tpu.memory_space<vmem>>
      %dma_wait3A_320 = tpu.memref_slice %arg10[%shift_right_arithmetic3A_300, %add3A_316] : memref<32x512xi32, #tpu.memory_space<vmem>> -> memref<1x128xi32, #tpu.memory_space<vmem>>
      %dma_wait3A_321 = tpu.memref_squeeze %dma_wait3A_320 : memref<1x128xi32, #tpu.memory_space<vmem>> -> memref<128xi32, #tpu.memory_space<vmem>>
      %dma_wait3A_322 = arith.constant 0 : i32
      %dma_wait3A_323 = arith.constant 0 : i32
      %dma_wait3A_324 = tpu.memref_slice %arg4[%dma_wait3A_322, %dma_wait3A_323] : memref<1000000x64xf32, #tpu.memory_space<hbm>> -> memref<1000000x64xf32, #tpu.memory_space<hbm>>
      tpu.wait_indirect_dma semaphore(%arg20 : memref<!tpu.dma_semaphore, #tpu.memory_space<semaphore_mem>>) src(%dma_wait3A_324 : memref<1000000x64xf32, #tpu.memory_space<hbm>>) dst(%dma_wait3A_319 : memref<128x64xf32, #tpu.memory_space<vmem>>)
      %shift_right_arithmetic3A_325 = arith.constant 1 : i32
      %shift_right_arithmetic3A_326 = arith.shrsi %add3A_289, %shift_right_arithmetic3A_325 : i32
      %and3A_327 = arith.constant 1 : i32
      %and3A_328 = arith.andi %add3A_289, %and3A_327 : i32
      %mul3A_329 = arith.constant 256 : i32
      %mul3A_330 = arith.muli %and3A_328, %mul3A_329 : i32
      %get3A_331 = arith.index_cast %shift_right_arithmetic3A_326 : i32 to index
      %get3A_332 = arith.constant 0 : index
      %get3A_333 = tpu.vector_load %arg8[%get3A_331, %get3A_332] {strides = array<i32>} : memref<32x64xf32, #tpu.memory_space<vmem>>, vector<16xf32>,
      %get3A_334 = arith.index_cast %shift_right_arithmetic3A_326 : i32 to index
      %get3A_335 = arith.constant 16 : index
      %get3A_336 = tpu.vector_load %arg8[%get3A_334, %get3A_335] {strides = array<i32>} : memref<32x64xf32, #tpu.memory_space<vmem>>, vector<16xf32>,
      %get3A_337 = arith.index_cast %shift_right_arithmetic3A_326 : i32 to index
      %get3A_338 = arith.constant 32 : index
      %get3A_339 = tpu.vector_load %arg8[%get3A_337, %get3A_338] {strides = array<i32>} : memref<32x64xf32, #tpu.memory_space<vmem>>, vector<16xf32>,
      %get3A_340 = arith.index_cast %shift_right_arithmetic3A_326 : i32 to index
      %get3A_341 = arith.constant 48 : index
      %get3A_342 = tpu.vector_load %arg8[%get3A_340, %get3A_341] {strides = array<i32>} : memref<32x64xf32, #tpu.memory_space<vmem>>, vector<16xf32>,
      %scan3A_343 = arith.constant 0 : i32
      %scan3A_344 = arith.constant 16 : i32
      %scan3A_345 = arith.addi %scan3A_343, %scan3A_344 : i32
      %scan3A_346 = arith.constant 1 : i32
      %scan3A_347 = scf.for %scan3A_349 = %scan3A_343 to %scan3A_345 step %scan3A_346 iter_args(%scan3A_350 = %scan3A_284) -> (vector<16xf32>)  : i32 {
        %mul3A_351 = arith.constant 16 : i32
        %mul3A_352 = arith.muli %scan3A_349, %mul3A_351 : i32
        %add3A_353 = arith.constant 0 : i32
        %add3A_354 = arith.addi %mul3A_352, %add3A_353 : i32
        %get3A_355 = arith.index_cast %add3A_354 : i32 to index
        %get3A_356 = arith.constant 0 : index
        %get3A_357 = tpu.vector_load %arg14[%get3A_355, %get3A_356] {strides = array<i32>} : memref<256x64xf32, #tpu.memory_space<vmem>>, vector<16xf32>,
        %get3A_358 = arith.index_cast %add3A_354 : i32 to index
        %get3A_359 = arith.constant 16 : index
        %get3A_360 = tpu.vector_load %arg14[%get3A_358, %get3A_359] {strides = array<i32>} : memref<256x64xf32, #tpu.memory_space<vmem>>, vector<16xf32>,
        %get3A_361 = arith.index_cast %add3A_354 : i32 to index
        %get3A_362 = arith.constant 32 : index
        %get3A_363 = tpu.vector_load %arg14[%get3A_361, %get3A_362] {strides = array<i32>} : memref<256x64xf32, #tpu.memory_space<vmem>>, vector<16xf32>,
        %get3A_364 = arith.index_cast %add3A_354 : i32 to index
        %get3A_365 = arith.constant 48 : index
        %get3A_366 = tpu.vector_load %arg14[%get3A_364, %get3A_365] {strides = array<i32>} : memref<256x64xf32, #tpu.memory_space<vmem>>, vector<16xf32>,
        %pack3A = tpu.pack_subelements %get3A_357, %get3A_360 {pack_format = #tpu.pack_format<interleaved>, positions = array<i32: 0, 1>} : vector<16xf32>, vector<16xf32> -> vector<32xbf16>
        %unpack3A = tpu.unpack_subelements %pack3A, 0 {pack_format = #tpu.pack_format<interleaved>} : vector<32xbf16> -> vector<16xf32>
        %unpack3A_367 = tpu.unpack_subelements %pack3A, 1 {pack_format = #tpu.pack_format<interleaved>} : vector<32xbf16> -> vector<16xf32>
        %pack3A_368 = tpu.pack_subelements %get3A_363, %get3A_366 {pack_format = #tpu.pack_format<interleaved>, positions = array<i32: 0, 1>} : vector<16xf32>, vector<16xf32> -> vector<32xbf16>
        %unpack3A_369 = tpu.unpack_subelements %pack3A_368, 0 {pack_format = #tpu.pack_format<interleaved>} : vector<32xbf16> -> vector<16xf32>
        %unpack3A_370 = tpu.unpack_subelements %pack3A_368, 1 {pack_format = #tpu.pack_format<interleaved>} : vector<32xbf16> -> vector<16xf32>
        %mul3A_371 = arith.mulf %unpack3A, %get3A_333 : vector<16xf32>
        %mul3A_372 = arith.mulf %unpack3A_367, %get3A_336 : vector<16xf32>
        %add3A_373 = arith.addf %mul3A_371, %mul3A_372 : vector<16xf32>
        %mul3A_374 = arith.mulf %unpack3A_369, %get3A_339 : vector<16xf32>
        %mul3A_375 = arith.mulf %unpack3A_370, %get3A_342 : vector<16xf32>
        %add3A_376 = arith.addf %mul3A_374, %mul3A_375 : vector<16xf32>
        %add3A_377 = arith.addf %add3A_373, %add3A_376 : vector<16xf32>
        %reduce_sum3A = arith.constant true
        %reduce_sum3A_378 = vector.broadcast %reduce_sum3A : i1 to vector<16xi1>
        %reduce_sum3A_379 = tpu.scan <sum>, %add3A_377 masked %reduce_sum3A_378 : vector<16xf32>, vector<16xi1> -> vector<16xf32>
        %reduce_sum3A_380 = vector.extract %reduce_sum3A_379[15] : f32 from vector<16xf32>
        %mul3A_381 = arith.constant 16 : i32
        %mul3A_382 = arith.muli %scan3A_349, %mul3A_381 : i32
        %add3A_383 = arith.constant 1 : i32
        %add3A_384 = arith.addi %mul3A_382, %add3A_383 : i32
        %get3A_385 = arith.index_cast %add3A_384 : i32 to index
        %get3A_386 = arith.constant 0 : index
        %get3A_387 = tpu.vector_load %arg14[%get3A_385, %get3A_386] {strides = array<i32>} : memref<256x64xf32, #tpu.memory_space<vmem>>, vector<16xf32>,
        %get3A_388 = arith.index_cast %add3A_384 : i32 to index
        %get3A_389 = arith.constant 16 : index
        %get3A_390 = tpu.vector_load %arg14[%get3A_388, %get3A_389] {strides = array<i32>} : memref<256x64xf32, #tpu.memory_space<vmem>>, vector<16xf32>,
        %get3A_391 = arith.index_cast %add3A_384 : i32 to index
        %get3A_392 = arith.constant 32 : index
        %get3A_393 = tpu.vector_load %arg14[%get3A_391, %get3A_392] {strides = array<i32>} : memref<256x64xf32, #tpu.memory_space<vmem>>, vector<16xf32>,
        %get3A_394 = arith.index_cast %add3A_384 : i32 to index
        %get3A_395 = arith.constant 48 : index
        %get3A_396 = tpu.vector_load %arg14[%get3A_394, %get3A_395] {strides = array<i32>} : memref<256x64xf32, #tpu.memory_space<vmem>>, vector<16xf32>,
        %pack3A_397 = tpu.pack_subelements %get3A_387, %get3A_390 {pack_format = #tpu.pack_format<interleaved>, positions = array<i32: 0, 1>} : vector<16xf32>, vector<16xf32> -> vector<32xbf16>
        %unpack3A_398 = tpu.unpack_subelements %pack3A_397, 0 {pack_format = #tpu.pack_format<interleaved>} : vector<32xbf16> -> vector<16xf32>
        %unpack3A_399 = tpu.unpack_subelements %pack3A_397, 1 {pack_format = #tpu.pack_format<interleaved>} : vector<32xbf16> -> vector<16xf32>
        %pack3A_400 = tpu.pack_subelements %get3A_393, %get3A_396 {pack_format = #tpu.pack_format<interleaved>, positions = array<i32: 0, 1>} : vector<16xf32>, vector<16xf32> -> vector<32xbf16>
        %unpack3A_401 = tpu.unpack_subelements %pack3A_400, 0 {pack_format = #tpu.pack_format<interleaved>} : vector<32xbf16> -> vector<16xf32>
        %unpack3A_402 = tpu.unpack_subelements %pack3A_400, 1 {pack_format = #tpu.pack_format<interleaved>} : vector<32xbf16> -> vector<16xf32>
        %mul3A_403 = arith.mulf %unpack3A_398, %get3A_333 : vector<16xf32>
        %mul3A_404 = arith.mulf %unpack3A_399, %get3A_336 : vector<16xf32>
        %add3A_405 = arith.addf %mul3A_403, %mul3A_404 : vector<16xf32>
        %mul3A_406 = arith.mulf %unpack3A_401, %get3A_339 : vector<16xf32>
        %mul3A_407 = arith.mulf %unpack3A_402, %get3A_342 : vector<16xf32>
        %add3A_408 = arith.addf %mul3A_406, %mul3A_407 : vector<16xf32>
        %add3A_409 = arith.addf %add3A_405, %add3A_408 : vector<16xf32>
        %reduce_sum3A_410 = arith.constant true
        %reduce_sum3A_411 = vector.broadcast %reduce_sum3A_410 : i1 to vector<16xi1>
        %reduce_sum3A_412 = tpu.scan <sum>, %add3A_409 masked %reduce_sum3A_411 : vector<16xf32>, vector<16xi1> -> vector<16xf32>
        %reduce_sum3A_413 = vector.extract %reduce_sum3A_412[15] : f32 from vector<16xf32>
        %mul3A_414 = arith.constant 16 : i32
        %mul3A_415 = arith.muli %scan3A_349, %mul3A_414 : i32
        %add3A_416 = arith.constant 2 : i32
        %add3A_417 = arith.addi %mul3A_415, %add3A_416 : i32
        %get3A_418 = arith.index_cast %add3A_417 : i32 to index
        %get3A_419 = arith.constant 0 : index
        %get3A_420 = tpu.vector_load %arg14[%get3A_418, %get3A_419] {strides = array<i32>} : memref<256x64xf32, #tpu.memory_space<vmem>>, vector<16xf32>,
        %get3A_421 = arith.index_cast %add3A_417 : i32 to index
        %get3A_422 = arith.constant 16 : index
        %get3A_423 = tpu.vector_load %arg14[%get3A_421, %get3A_422] {strides = array<i32>} : memref<256x64xf32, #tpu.memory_space<vmem>>, vector<16xf32>,
        %get3A_424 = arith.index_cast %add3A_417 : i32 to index
        %get3A_425 = arith.constant 32 : index
        %get3A_426 = tpu.vector_load %arg14[%get3A_424, %get3A_425] {strides = array<i32>} : memref<256x64xf32, #tpu.memory_space<vmem>>, vector<16xf32>,
        %get3A_427 = arith.index_cast %add3A_417 : i32 to index
        %get3A_428 = arith.constant 48 : index
        %get3A_429 = tpu.vector_load %arg14[%get3A_427, %get3A_428] {strides = array<i32>} : memref<256x64xf32, #tpu.memory_space<vmem>>, vector<16xf32>,
        %pack3A_430 = tpu.pack_subelements %get3A_420, %get3A_423 {pack_format = #tpu.pack_format<interleaved>, positions = array<i32: 0, 1>} : vector<16xf32>, vector<16xf32> -> vector<32xbf16>
        %unpack3A_431 = tpu.unpack_subelements %pack3A_430, 0 {pack_format = #tpu.pack_format<interleaved>} : vector<32xbf16> -> vector<16xf32>
        %unpack3A_432 = tpu.unpack_subelements %pack3A_430, 1 {pack_format = #tpu.pack_format<interleaved>} : vector<32xbf16> -> vector<16xf32>
        %pack3A_433 = tpu.pack_subelements %get3A_426, %get3A_429 {pack_format = #tpu.pack_format<interleaved>, positions = array<i32: 0, 1>} : vector<16xf32>, vector<16xf32> -> vector<32xbf16>
        %unpack3A_434 = tpu.unpack_subelements %pack3A_433, 0 {pack_format = #tpu.pack_format<interleaved>} : vector<32xbf16> -> vector<16xf32>
        %unpack3A_435 = tpu.unpack_subelements %pack3A_433, 1 {pack_format = #tpu.pack_format<interleaved>} : vector<32xbf16> -> vector<16xf32>
        %mul3A_436 = arith.mulf %unpack3A_431, %get3A_333 : vector<16xf32>
        %mul3A_437 = arith.mulf %unpack3A_432, %get3A_336 : vector<16xf32>
        %add3A_438 = arith.addf %mul3A_436, %mul3A_437 : vector<16xf32>
        %mul3A_439 = arith.mulf %unpack3A_434, %get3A_339 : vector<16xf32>
        %mul3A_440 = arith.mulf %unpack3A_435, %get3A_342 : vector<16xf32>
        %add3A_441 = arith.addf %mul3A_439, %mul3A_440 : vector<16xf32>
        %add3A_442 = arith.addf %add3A_438, %add3A_441 : vector<16xf32>
        %reduce_sum3A_443 = arith.constant true
        %reduce_sum3A_444 = vector.broadcast %reduce_sum3A_443 : i1 to vector<16xi1>
        %reduce_sum3A_445 = tpu.scan <sum>, %add3A_442 masked %reduce_sum3A_444 : vector<16xf32>, vector<16xi1> -> vector<16xf32>
        %reduce_sum3A_446 = vector.extract %reduce_sum3A_445[15] : f32 from vector<16xf32>
        %mul3A_447 = arith.constant 16 : i32
        %mul3A_448 = arith.muli %scan3A_349, %mul3A_447 : i32
        %add3A_449 = arith.constant 3 : i32
        %add3A_450 = arith.addi %mul3A_448, %add3A_449 : i32
        %get3A_451 = arith.index_cast %add3A_450 : i32 to index
        %get3A_452 = arith.constant 0 : index
        %get3A_453 = tpu.vector_load %arg14[%get3A_451, %get3A_452] {strides = array<i32>} : memref<256x64xf32, #tpu.memory_space<vmem>>, vector<16xf32>,
        %get3A_454 = arith.index_cast %add3A_450 : i32 to index
        %get3A_455 = arith.constant 16 : index
        %get3A_456 = tpu.vector_load %arg14[%get3A_454, %get3A_455] {strides = array<i32>} : memref<256x64xf32, #tpu.memory_space<vmem>>, vector<16xf32>,
        %get3A_457 = arith.index_cast %add3A_450 : i32 to index
        %get3A_458 = arith.constant 32 : index
        %get3A_459 = tpu.vector_load %arg14[%get3A_457, %get3A_458] {strides = array<i32>} : memref<256x64xf32, #tpu.memory_space<vmem>>, vector<16xf32>,
        %get3A_460 = arith.index_cast %add3A_450 : i32 to index
        %get3A_461 = arith.constant 48 : index
        %get3A_462 = tpu.vector_load %arg14[%get3A_460, %get3A_461] {strides = array<i32>} : memref<256x64xf32, #tpu.memory_space<vmem>>, vector<16xf32>,
        %pack3A_463 = tpu.pack_subelements %get3A_453, %get3A_456 {pack_format = #tpu.pack_format<interleaved>, positions = array<i32: 0, 1>} : vector<16xf32>, vector<16xf32> -> vector<32xbf16>
        %unpack3A_464 = tpu.unpack_subelements %pack3A_463, 0 {pack_format = #tpu.pack_format<interleaved>} : vector<32xbf16> -> vector<16xf32>
        %unpack3A_465 = tpu.unpack_subelements %pack3A_463, 1 {pack_format = #tpu.pack_format<interleaved>} : vector<32xbf16> -> vector<16xf32>
        %pack3A_466 = tpu.pack_subelements %get3A_459, %get3A_462 {pack_format = #tpu.pack_format<interleaved>, positions = array<i32: 0, 1>} : vector<16xf32>, vector<16xf32> -> vector<32xbf16>
        %unpack3A_467 = tpu.unpack_subelements %pack3A_466, 0 {pack_format = #tpu.pack_format<interleaved>} : vector<32xbf16> -> vector<16xf32>
        %unpack3A_468 = tpu.unpack_subelements %pack3A_466, 1 {pack_format = #tpu.pack_format<interleaved>} : vector<32xbf16> -> vector<16xf32>
        %mul3A_469 = arith.mulf %unpack3A_464, %get3A_333 : vector<16xf32>
        %mul3A_470 = arith.mulf %unpack3A_465, %get3A_336 : vector<16xf32>
        %add3A_471 = arith.addf %mul3A_469, %mul3A_470 : vector<16xf32>
        %mul3A_472 = arith.mulf %unpack3A_467, %get3A_339 : vector<16xf32>
        %mul3A_473 = arith.mulf %unpack3A_468, %get3A_342 : vector<16xf32>
        %add3A_474 = arith.addf %mul3A_472, %mul3A_473 : vector<16xf32>
        %add3A_475 = arith.addf %add3A_471, %add3A_474 : vector<16xf32>
        %reduce_sum3A_476 = arith.constant true
        %reduce_sum3A_477 = vector.broadcast %reduce_sum3A_476 : i1 to vector<16xi1>
        %reduce_sum3A_478 = tpu.scan <sum>, %add3A_475 masked %reduce_sum3A_477 : vector<16xf32>, vector<16xi1> -> vector<16xf32>
        %reduce_sum3A_479 = vector.extract %reduce_sum3A_478[15] : f32 from vector<16xf32>
        %mul3A_480 = arith.constant 16 : i32
        %mul3A_481 = arith.muli %scan3A_349, %mul3A_480 : i32
        %add3A_482 = arith.constant 4 : i32
        %add3A_483 = arith.addi %mul3A_481, %add3A_482 : i32
        %get3A_484 = arith.index_cast %add3A_483 : i32 to index
        %get3A_485 = arith.constant 0 : index
        %get3A_486 = tpu.vector_load %arg14[%get3A_484, %get3A_485] {strides = array<i32>} : memref<256x64xf32, #tpu.memory_space<vmem>>, vector<16xf32>,
        %get3A_487 = arith.index_cast %add3A_483 : i32 to index
        %get3A_488 = arith.constant 16 : index
        %get3A_489 = tpu.vector_load %arg14[%get3A_487, %get3A_488] {strides = array<i32>} : memref<256x64xf32, #tpu.memory_space<vmem>>, vector<16xf32>,
        %get3A_490 = arith.index_cast %add3A_483 : i32 to index
        %get3A_491 = arith.constant 32 : index
        %get3A_492 = tpu.vector_load %arg14[%get3A_490, %get3A_491] {strides = array<i32>} : memref<256x64xf32, #tpu.memory_space<vmem>>, vector<16xf32>,
        %get3A_493 = arith.index_cast %add3A_483 : i32 to index
        %get3A_494 = arith.constant 48 : index
        %get3A_495 = tpu.vector_load %arg14[%get3A_493, %get3A_494] {strides = array<i32>} : memref<256x64xf32, #tpu.memory_space<vmem>>, vector<16xf32>,
        %pack3A_496 = tpu.pack_subelements %get3A_486, %get3A_489 {pack_format = #tpu.pack_format<interleaved>, positions = array<i32: 0, 1>} : vector<16xf32>, vector<16xf32> -> vector<32xbf16>
        %unpack3A_497 = tpu.unpack_subelements %pack3A_496, 0 {pack_format = #tpu.pack_format<interleaved>} : vector<32xbf16> -> vector<16xf32>
        %unpack3A_498 = tpu.unpack_subelements %pack3A_496, 1 {pack_format = #tpu.pack_format<interleaved>} : vector<32xbf16> -> vector<16xf32>
        %pack3A_499 = tpu.pack_subelements %get3A_492, %get3A_495 {pack_format = #tpu.pack_format<interleaved>, positions = array<i32: 0, 1>} : vector<16xf32>, vector<16xf32> -> vector<32xbf16>
        %unpack3A_500 = tpu.unpack_subelements %pack3A_499, 0 {pack_format = #tpu.pack_format<interleaved>} : vector<32xbf16> -> vector<16xf32>
        %unpack3A_501 = tpu.unpack_subelements %pack3A_499, 1 {pack_format = #tpu.pack_format<interleaved>} : vector<32xbf16> -> vector<16xf32>
        %mul3A_502 = arith.mulf %unpack3A_497, %get3A_333 : vector<16xf32>
        %mul3A_503 = arith.mulf %unpack3A_498, %get3A_336 : vector<16xf32>
        %add3A_504 = arith.addf %mul3A_502, %mul3A_503 : vector<16xf32>
        %mul3A_505 = arith.mulf %unpack3A_500, %get3A_339 : vector<16xf32>
        %mul3A_506 = arith.mulf %unpack3A_501, %get3A_342 : vector<16xf32>
        %add3A_507 = arith.addf %mul3A_505, %mul3A_506 : vector<16xf32>
        %add3A_508 = arith.addf %add3A_504, %add3A_507 : vector<16xf32>
        %reduce_sum3A_509 = arith.constant true
        %reduce_sum3A_510 = vector.broadcast %reduce_sum3A_509 : i1 to vector<16xi1>
        %reduce_sum3A_511 = tpu.scan <sum>, %add3A_508 masked %reduce_sum3A_510 : vector<16xf32>, vector<16xi1> -> vector<16xf32>
        %reduce_sum3A_512 = vector.extract %reduce_sum3A_511[15] : f32 from vector<16xf32>
        %mul3A_513 = arith.constant 16 : i32
        %mul3A_514 = arith.muli %scan3A_349, %mul3A_513 : i32
        %add3A_515 = arith.constant 5 : i32
        %add3A_516 = arith.addi %mul3A_514, %add3A_515 : i32
        %get3A_517 = arith.index_cast %add3A_516 : i32 to index
        %get3A_518 = arith.constant 0 : index
        %get3A_519 = tpu.vector_load %arg14[%get3A_517, %get3A_518] {strides = array<i32>} : memref<256x64xf32, #tpu.memory_space<vmem>>, vector<16xf32>,
        %get3A_520 = arith.index_cast %add3A_516 : i32 to index
        %get3A_521 = arith.constant 16 : index
        %get3A_522 = tpu.vector_load %arg14[%get3A_520, %get3A_521] {strides = array<i32>} : memref<256x64xf32, #tpu.memory_space<vmem>>, vector<16xf32>,
        %get3A_523 = arith.index_cast %add3A_516 : i32 to index
        %get3A_524 = arith.constant 32 : index
        %get3A_525 = tpu.vector_load %arg14[%get3A_523, %get3A_524] {strides = array<i32>} : memref<256x64xf32, #tpu.memory_space<vmem>>, vector<16xf32>,
        %get3A_526 = arith.index_cast %add3A_516 : i32 to index
        %get3A_527 = arith.constant 48 : index
        %get3A_528 = tpu.vector_load %arg14[%get3A_526, %get3A_527] {strides = array<i32>} : memref<256x64xf32, #tpu.memory_space<vmem>>, vector<16xf32>,
        %pack3A_529 = tpu.pack_subelements %get3A_519, %get3A_522 {pack_format = #tpu.pack_format<interleaved>, positions = array<i32: 0, 1>} : vector<16xf32>, vector<16xf32> -> vector<32xbf16>
        %unpack3A_530 = tpu.unpack_subelements %pack3A_529, 0 {pack_format = #tpu.pack_format<interleaved>} : vector<32xbf16> -> vector<16xf32>
        %unpack3A_531 = tpu.unpack_subelements %pack3A_529, 1 {pack_format = #tpu.pack_format<interleaved>} : vector<32xbf16> -> vector<16xf32>
        %pack3A_532 = tpu.pack_subelements %get3A_525, %get3A_528 {pack_format = #tpu.pack_format<interleaved>, positions = array<i32: 0, 1>} : vector<16xf32>, vector<16xf32> -> vector<32xbf16>
        %unpack3A_533 = tpu.unpack_subelements %pack3A_532, 0 {pack_format = #tpu.pack_format<interleaved>} : vector<32xbf16> -> vector<16xf32>
        %unpack3A_534 = tpu.unpack_subelements %pack3A_532, 1 {pack_format = #tpu.pack_format<interleaved>} : vector<32xbf16> -> vector<16xf32>
        %mul3A_535 = arith.mulf %unpack3A_530, %get3A_333 : vector<16xf32>
        %mul3A_536 = arith.mulf %unpack3A_531, %get3A_336 : vector<16xf32>
        %add3A_537 = arith.addf %mul3A_535, %mul3A_536 : vector<16xf32>
        %mul3A_538 = arith.mulf %unpack3A_533, %get3A_339 : vector<16xf32>
        %mul3A_539 = arith.mulf %unpack3A_534, %get3A_342 : vector<16xf32>
        %add3A_540 = arith.addf %mul3A_538, %mul3A_539 : vector<16xf32>
        %add3A_541 = arith.addf %add3A_537, %add3A_540 : vector<16xf32>
        %reduce_sum3A_542 = arith.constant true
        %reduce_sum3A_543 = vector.broadcast %reduce_sum3A_542 : i1 to vector<16xi1>
        %reduce_sum3A_544 = tpu.scan <sum>, %add3A_541 masked %reduce_sum3A_543 : vector<16xf32>, vector<16xi1> -> vector<16xf32>
        %reduce_sum3A_545 = vector.extract %reduce_sum3A_544[15] : f32 from vector<16xf32>
        %mul3A_546 = arith.constant 16 : i32
        %mul3A_547 = arith.muli %scan3A_349, %mul3A_546 : i32
        %add3A_548 = arith.constant 6 : i32
        %add3A_549 = arith.addi %mul3A_547, %add3A_548 : i32
        %get3A_550 = arith.index_cast %add3A_549 : i32 to index
        %get3A_551 = arith.constant 0 : index
        %get3A_552 = tpu.vector_load %arg14[%get3A_550, %get3A_551] {strides = array<i32>} : memref<256x64xf32, #tpu.memory_space<vmem>>, vector<16xf32>,
        %get3A_553 = arith.index_cast %add3A_549 : i32 to index
        %get3A_554 = arith.constant 16 : index
        %get3A_555 = tpu.vector_load %arg14[%get3A_553, %get3A_554] {strides = array<i32>} : memref<256x64xf32, #tpu.memory_space<vmem>>, vector<16xf32>,
        %get3A_556 = arith.index_cast %add3A_549 : i32 to index
        %get3A_557 = arith.constant 32 : index
        %get3A_558 = tpu.vector_load %arg14[%get3A_556, %get3A_557] {strides = array<i32>} : memref<256x64xf32, #tpu.memory_space<vmem>>, vector<16xf32>,
        %get3A_559 = arith.index_cast %add3A_549 : i32 to index
        %get3A_560 = arith.constant 48 : index
        %get3A_561 = tpu.vector_load %arg14[%get3A_559, %get3A_560] {strides = array<i32>} : memref<256x64xf32, #tpu.memory_space<vmem>>, vector<16xf32>,
        %pack3A_562 = tpu.pack_subelements %get3A_552, %get3A_555 {pack_format = #tpu.pack_format<interleaved>, positions = array<i32: 0, 1>} : vector<16xf32>, vector<16xf32> -> vector<32xbf16>
        %unpack3A_563 = tpu.unpack_subelements %pack3A_562, 0 {pack_format = #tpu.pack_format<interleaved>} : vector<32xbf16> -> vector<16xf32>
        %unpack3A_564 = tpu.unpack_subelements %pack3A_562, 1 {pack_format = #tpu.pack_format<interleaved>} : vector<32xbf16> -> vector<16xf32>
        %pack3A_565 = tpu.pack_subelements %get3A_558, %get3A_561 {pack_format = #tpu.pack_format<interleaved>, positions = array<i32: 0, 1>} : vector<16xf32>, vector<16xf32> -> vector<32xbf16>
        %unpack3A_566 = tpu.unpack_subelements %pack3A_565, 0 {pack_format = #tpu.pack_format<interleaved>} : vector<32xbf16> -> vector<16xf32>
        %unpack3A_567 = tpu.unpack_subelements %pack3A_565, 1 {pack_format = #tpu.pack_format<interleaved>} : vector<32xbf16> -> vector<16xf32>
        %mul3A_568 = arith.mulf %unpack3A_563, %get3A_333 : vector<16xf32>
        %mul3A_569 = arith.mulf %unpack3A_564, %get3A_336 : vector<16xf32>
        %add3A_570 = arith.addf %mul3A_568, %mul3A_569 : vector<16xf32>
        %mul3A_571 = arith.mulf %unpack3A_566, %get3A_339 : vector<16xf32>
        %mul3A_572 = arith.mulf %unpack3A_567, %get3A_342 : vector<16xf32>
        %add3A_573 = arith.addf %mul3A_571, %mul3A_572 : vector<16xf32>
        %add3A_574 = arith.addf %add3A_570, %add3A_573 : vector<16xf32>
        %reduce_sum3A_575 = arith.constant true
        %reduce_sum3A_576 = vector.broadcast %reduce_sum3A_575 : i1 to vector<16xi1>
        %reduce_sum3A_577 = tpu.scan <sum>, %add3A_574 masked %reduce_sum3A_576 : vector<16xf32>, vector<16xi1> -> vector<16xf32>
        %reduce_sum3A_578 = vector.extract %reduce_sum3A_577[15] : f32 from vector<16xf32>
        %mul3A_579 = arith.constant 16 : i32
        %mul3A_580 = arith.muli %scan3A_349, %mul3A_579 : i32
        %add3A_581 = arith.constant 7 : i32
        %add3A_582 = arith.addi %mul3A_580, %add3A_581 : i32
        %get3A_583 = arith.index_cast %add3A_582 : i32 to index
        %get3A_584 = arith.constant 0 : index
        %get3A_585 = tpu.vector_load %arg14[%get3A_583, %get3A_584] {strides = array<i32>} : memref<256x64xf32, #tpu.memory_space<vmem>>, vector<16xf32>,
        %get3A_586 = arith.index_cast %add3A_582 : i32 to index
        %get3A_587 = arith.constant 16 : index
        %get3A_588 = tpu.vector_load %arg14[%get3A_586, %get3A_587] {strides = array<i32>} : memref<256x64xf32, #tpu.memory_space<vmem>>, vector<16xf32>,
        %get3A_589 = arith.index_cast %add3A_582 : i32 to index
        %get3A_590 = arith.constant 32 : index
        %get3A_591 = tpu.vector_load %arg14[%get3A_589, %get3A_590] {strides = array<i32>} : memref<256x64xf32, #tpu.memory_space<vmem>>, vector<16xf32>,
        %get3A_592 = arith.index_cast %add3A_582 : i32 to index
        %get3A_593 = arith.constant 48 : index
        %get3A_594 = tpu.vector_load %arg14[%get3A_592, %get3A_593] {strides = array<i32>} : memref<256x64xf32, #tpu.memory_space<vmem>>, vector<16xf32>,
        %pack3A_595 = tpu.pack_subelements %get3A_585, %get3A_588 {pack_format = #tpu.pack_format<interleaved>, positions = array<i32: 0, 1>} : vector<16xf32>, vector<16xf32> -> vector<32xbf16>
        %unpack3A_596 = tpu.unpack_subelements %pack3A_595, 0 {pack_format = #tpu.pack_format<interleaved>} : vector<32xbf16> -> vector<16xf32>
        %unpack3A_597 = tpu.unpack_subelements %pack3A_595, 1 {pack_format = #tpu.pack_format<interleaved>} : vector<32xbf16> -> vector<16xf32>
        %pack3A_598 = tpu.pack_subelements %get3A_591, %get3A_594 {pack_format = #tpu.pack_format<interleaved>, positions = array<i32: 0, 1>} : vector<16xf32>, vector<16xf32> -> vector<32xbf16>
        %unpack3A_599 = tpu.unpack_subelements %pack3A_598, 0 {pack_format = #tpu.pack_format<interleaved>} : vector<32xbf16> -> vector<16xf32>
        %unpack3A_600 = tpu.unpack_subelements %pack3A_598, 1 {pack_format = #tpu.pack_format<interleaved>} : vector<32xbf16> -> vector<16xf32>
        %mul3A_601 = arith.mulf %unpack3A_596, %get3A_333 : vector<16xf32>
        %mul3A_602 = arith.mulf %unpack3A_597, %get3A_336 : vector<16xf32>
        %add3A_603 = arith.addf %mul3A_601, %mul3A_602 : vector<16xf32>
        %mul3A_604 = arith.mulf %unpack3A_599, %get3A_339 : vector<16xf32>
        %mul3A_605 = arith.mulf %unpack3A_600, %get3A_342 : vector<16xf32>
        %add3A_606 = arith.addf %mul3A_604, %mul3A_605 : vector<16xf32>
        %add3A_607 = arith.addf %add3A_603, %add3A_606 : vector<16xf32>
        %reduce_sum3A_608 = arith.constant true
        %reduce_sum3A_609 = vector.broadcast %reduce_sum3A_608 : i1 to vector<16xi1>
        %reduce_sum3A_610 = tpu.scan <sum>, %add3A_607 masked %reduce_sum3A_609 : vector<16xf32>, vector<16xi1> -> vector<16xf32>
        %reduce_sum3A_611 = vector.extract %reduce_sum3A_610[15] : f32 from vector<16xf32>
        %mul3A_612 = arith.constant 16 : i32
        %mul3A_613 = arith.muli %scan3A_349, %mul3A_612 : i32
        %add3A_614 = arith.constant 8 : i32
        %add3A_615 = arith.addi %mul3A_613, %add3A_614 : i32
        %get3A_616 = arith.index_cast %add3A_615 : i32 to index
        %get3A_617 = arith.constant 0 : index
        %get3A_618 = tpu.vector_load %arg14[%get3A_616, %get3A_617] {strides = array<i32>} : memref<256x64xf32, #tpu.memory_space<vmem>>, vector<16xf32>,
        %get3A_619 = arith.index_cast %add3A_615 : i32 to index
        %get3A_620 = arith.constant 16 : index
        %get3A_621 = tpu.vector_load %arg14[%get3A_619, %get3A_620] {strides = array<i32>} : memref<256x64xf32, #tpu.memory_space<vmem>>, vector<16xf32>,
        %get3A_622 = arith.index_cast %add3A_615 : i32 to index
        %get3A_623 = arith.constant 32 : index
        %get3A_624 = tpu.vector_load %arg14[%get3A_622, %get3A_623] {strides = array<i32>} : memref<256x64xf32, #tpu.memory_space<vmem>>, vector<16xf32>,
        %get3A_625 = arith.index_cast %add3A_615 : i32 to index
        %get3A_626 = arith.constant 48 : index
        %get3A_627 = tpu.vector_load %arg14[%get3A_625, %get3A_626] {strides = array<i32>} : memref<256x64xf32, #tpu.memory_space<vmem>>, vector<16xf32>,
        %pack3A_628 = tpu.pack_subelements %get3A_618, %get3A_621 {pack_format = #tpu.pack_format<interleaved>, positions = array<i32: 0, 1>} : vector<16xf32>, vector<16xf32> -> vector<32xbf16>
        %unpack3A_629 = tpu.unpack_subelements %pack3A_628, 0 {pack_format = #tpu.pack_format<interleaved>} : vector<32xbf16> -> vector<16xf32>
        %unpack3A_630 = tpu.unpack_subelements %pack3A_628, 1 {pack_format = #tpu.pack_format<interleaved>} : vector<32xbf16> -> vector<16xf32>
        %pack3A_631 = tpu.pack_subelements %get3A_624, %get3A_627 {pack_format = #tpu.pack_format<interleaved>, positions = array<i32: 0, 1>} : vector<16xf32>, vector<16xf32> -> vector<32xbf16>
        %unpack3A_632 = tpu.unpack_subelements %pack3A_631, 0 {pack_format = #tpu.pack_format<interleaved>} : vector<32xbf16> -> vector<16xf32>
        %unpack3A_633 = tpu.unpack_subelements %pack3A_631, 1 {pack_format = #tpu.pack_format<interleaved>} : vector<32xbf16> -> vector<16xf32>
        %mul3A_634 = arith.mulf %unpack3A_629, %get3A_333 : vector<16xf32>
        %mul3A_635 = arith.mulf %unpack3A_630, %get3A_336 : vector<16xf32>
        %add3A_636 = arith.addf %mul3A_634, %mul3A_635 : vector<16xf32>
        %mul3A_637 = arith.mulf %unpack3A_632, %get3A_339 : vector<16xf32>
        %mul3A_638 = arith.mulf %unpack3A_633, %get3A_342 : vector<16xf32>
        %add3A_639 = arith.addf %mul3A_637, %mul3A_638 : vector<16xf32>
        %add3A_640 = arith.addf %add3A_636, %add3A_639 : vector<16xf32>
        %reduce_sum3A_641 = arith.constant true
        %reduce_sum3A_642 = vector.broadcast %reduce_sum3A_641 : i1 to vector<16xi1>
        %reduce_sum3A_643 = tpu.scan <sum>, %add3A_640 masked %reduce_sum3A_642 : vector<16xf32>, vector<16xi1> -> vector<16xf32>
        %reduce_sum3A_644 = vector.extract %reduce_sum3A_643[15] : f32 from vector<16xf32>
        %mul3A_645 = arith.constant 16 : i32
        %mul3A_646 = arith.muli %scan3A_349, %mul3A_645 : i32
        %add3A_647 = arith.constant 9 : i32
        %add3A_648 = arith.addi %mul3A_646, %add3A_647 : i32
        %get3A_649 = arith.index_cast %add3A_648 : i32 to index
        %get3A_650 = arith.constant 0 : index
        %get3A_651 = tpu.vector_load %arg14[%get3A_649, %get3A_650] {strides = array<i32>} : memref<256x64xf32, #tpu.memory_space<vmem>>, vector<16xf32>,
        %get3A_652 = arith.index_cast %add3A_648 : i32 to index
        %get3A_653 = arith.constant 16 : index
        %get3A_654 = tpu.vector_load %arg14[%get3A_652, %get3A_653] {strides = array<i32>} : memref<256x64xf32, #tpu.memory_space<vmem>>, vector<16xf32>,
        %get3A_655 = arith.index_cast %add3A_648 : i32 to index
        %get3A_656 = arith.constant 32 : index
        %get3A_657 = tpu.vector_load %arg14[%get3A_655, %get3A_656] {strides = array<i32>} : memref<256x64xf32, #tpu.memory_space<vmem>>, vector<16xf32>,
        %get3A_658 = arith.index_cast %add3A_648 : i32 to index
        %get3A_659 = arith.constant 48 : index
        %get3A_660 = tpu.vector_load %arg14[%get3A_658, %get3A_659] {strides = array<i32>} : memref<256x64xf32, #tpu.memory_space<vmem>>, vector<16xf32>,
        %pack3A_661 = tpu.pack_subelements %get3A_651, %get3A_654 {pack_format = #tpu.pack_format<interleaved>, positions = array<i32: 0, 1>} : vector<16xf32>, vector<16xf32> -> vector<32xbf16>
        %unpack3A_662 = tpu.unpack_subelements %pack3A_661, 0 {pack_format = #tpu.pack_format<interleaved>} : vector<32xbf16> -> vector<16xf32>
        %unpack3A_663 = tpu.unpack_subelements %pack3A_661, 1 {pack_format = #tpu.pack_format<interleaved>} : vector<32xbf16> -> vector<16xf32>
        %pack3A_664 = tpu.pack_subelements %get3A_657, %get3A_660 {pack_format = #tpu.pack_format<interleaved>, positions = array<i32: 0, 1>} : vector<16xf32>, vector<16xf32> -> vector<32xbf16>
        %unpack3A_665 = tpu.unpack_subelements %pack3A_664, 0 {pack_format = #tpu.pack_format<interleaved>} : vector<32xbf16> -> vector<16xf32>
        %unpack3A_666 = tpu.unpack_subelements %pack3A_664, 1 {pack_format = #tpu.pack_format<interleaved>} : vector<32xbf16> -> vector<16xf32>
        %mul3A_667 = arith.mulf %unpack3A_662, %get3A_333 : vector<16xf32>
        %mul3A_668 = arith.mulf %unpack3A_663, %get3A_336 : vector<16xf32>
        %add3A_669 = arith.addf %mul3A_667, %mul3A_668 : vector<16xf32>
        %mul3A_670 = arith.mulf %unpack3A_665, %get3A_339 : vector<16xf32>
        %mul3A_671 = arith.mulf %unpack3A_666, %get3A_342 : vector<16xf32>
        %add3A_672 = arith.addf %mul3A_670, %mul3A_671 : vector<16xf32>
        %add3A_673 = arith.addf %add3A_669, %add3A_672 : vector<16xf32>
        %reduce_sum3A_674 = arith.constant true
        %reduce_sum3A_675 = vector.broadcast %reduce_sum3A_674 : i1 to vector<16xi1>
        %reduce_sum3A_676 = tpu.scan <sum>, %add3A_673 masked %reduce_sum3A_675 : vector<16xf32>, vector<16xi1> -> vector<16xf32>
        %reduce_sum3A_677 = vector.extract %reduce_sum3A_676[15] : f32 from vector<16xf32>
        %mul3A_678 = arith.constant 16 : i32
        %mul3A_679 = arith.muli %scan3A_349, %mul3A_678 : i32
        %add3A_680 = arith.constant 10 : i32
        %add3A_681 = arith.addi %mul3A_679, %add3A_680 : i32
        %get3A_682 = arith.index_cast %add3A_681 : i32 to index
        %get3A_683 = arith.constant 0 : index
        %get3A_684 = tpu.vector_load %arg14[%get3A_682, %get3A_683] {strides = array<i32>} : memref<256x64xf32, #tpu.memory_space<vmem>>, vector<16xf32>,
        %get3A_685 = arith.index_cast %add3A_681 : i32 to index
        %get3A_686 = arith.constant 16 : index
        %get3A_687 = tpu.vector_load %arg14[%get3A_685, %get3A_686] {strides = array<i32>} : memref<256x64xf32, #tpu.memory_space<vmem>>, vector<16xf32>,
        %get3A_688 = arith.index_cast %add3A_681 : i32 to index
        %get3A_689 = arith.constant 32 : index
        %get3A_690 = tpu.vector_load %arg14[%get3A_688, %get3A_689] {strides = array<i32>} : memref<256x64xf32, #tpu.memory_space<vmem>>, vector<16xf32>,
        %get3A_691 = arith.index_cast %add3A_681 : i32 to index
        %get3A_692 = arith.constant 48 : index
        %get3A_693 = tpu.vector_load %arg14[%get3A_691, %get3A_692] {strides = array<i32>} : memref<256x64xf32, #tpu.memory_space<vmem>>, vector<16xf32>,
        %pack3A_694 = tpu.pack_subelements %get3A_684, %get3A_687 {pack_format = #tpu.pack_format<interleaved>, positions = array<i32: 0, 1>} : vector<16xf32>, vector<16xf32> -> vector<32xbf16>
        %unpack3A_695 = tpu.unpack_subelements %pack3A_694, 0 {pack_format = #tpu.pack_format<interleaved>} : vector<32xbf16> -> vector<16xf32>
        %unpack3A_696 = tpu.unpack_subelements %pack3A_694, 1 {pack_format = #tpu.pack_format<interleaved>} : vector<32xbf16> -> vector<16xf32>
        %pack3A_697 = tpu.pack_subelements %get3A_690, %get3A_693 {pack_format = #tpu.pack_format<interleaved>, positions = array<i32: 0, 1>} : vector<16xf32>, vector<16xf32> -> vector<32xbf16>
        %unpack3A_698 = tpu.unpack_subelements %pack3A_697, 0 {pack_format = #tpu.pack_format<interleaved>} : vector<32xbf16> -> vector<16xf32>
        %unpack3A_699 = tpu.unpack_subelements %pack3A_697, 1 {pack_format = #tpu.pack_format<interleaved>} : vector<32xbf16> -> vector<16xf32>
        %mul3A_700 = arith.mulf %unpack3A_695, %get3A_333 : vector<16xf32>
        %mul3A_701 = arith.mulf %unpack3A_696, %get3A_336 : vector<16xf32>
        %add3A_702 = arith.addf %mul3A_700, %mul3A_701 : vector<16xf32>
        %mul3A_703 = arith.mulf %unpack3A_698, %get3A_339 : vector<16xf32>
        %mul3A_704 = arith.mulf %unpack3A_699, %get3A_342 : vector<16xf32>
        %add3A_705 = arith.addf %mul3A_703, %mul3A_704 : vector<16xf32>
        %add3A_706 = arith.addf %add3A_702, %add3A_705 : vector<16xf32>
        %reduce_sum3A_707 = arith.constant true
        %reduce_sum3A_708 = vector.broadcast %reduce_sum3A_707 : i1 to vector<16xi1>
        %reduce_sum3A_709 = tpu.scan <sum>, %add3A_706 masked %reduce_sum3A_708 : vector<16xf32>, vector<16xi1> -> vector<16xf32>
        %reduce_sum3A_710 = vector.extract %reduce_sum3A_709[15] : f32 from vector<16xf32>
        %mul3A_711 = arith.constant 16 : i32
        %mul3A_712 = arith.muli %scan3A_349, %mul3A_711 : i32
        %add3A_713 = arith.constant 11 : i32
        %add3A_714 = arith.addi %mul3A_712, %add3A_713 : i32
        %get3A_715 = arith.index_cast %add3A_714 : i32 to index
        %get3A_716 = arith.constant 0 : index
        %get3A_717 = tpu.vector_load %arg14[%get3A_715, %get3A_716] {strides = array<i32>} : memref<256x64xf32, #tpu.memory_space<vmem>>, vector<16xf32>,
        %get3A_718 = arith.index_cast %add3A_714 : i32 to index
        %get3A_719 = arith.constant 16 : index
        %get3A_720 = tpu.vector_load %arg14[%get3A_718, %get3A_719] {strides = array<i32>} : memref<256x64xf32, #tpu.memory_space<vmem>>, vector<16xf32>,
        %get3A_721 = arith.index_cast %add3A_714 : i32 to index
        %get3A_722 = arith.constant 32 : index
        %get3A_723 = tpu.vector_load %arg14[%get3A_721, %get3A_722] {strides = array<i32>} : memref<256x64xf32, #tpu.memory_space<vmem>>, vector<16xf32>,
        %get3A_724 = arith.index_cast %add3A_714 : i32 to index
        %get3A_725 = arith.constant 48 : index
        %get3A_726 = tpu.vector_load %arg14[%get3A_724, %get3A_725] {strides = array<i32>} : memref<256x64xf32, #tpu.memory_space<vmem>>, vector<16xf32>,
        %pack3A_727 = tpu.pack_subelements %get3A_717, %get3A_720 {pack_format = #tpu.pack_format<interleaved>, positions = array<i32: 0, 1>} : vector<16xf32>, vector<16xf32> -> vector<32xbf16>
        %unpack3A_728 = tpu.unpack_subelements %pack3A_727, 0 {pack_format = #tpu.pack_format<interleaved>} : vector<32xbf16> -> vector<16xf32>
        %unpack3A_729 = tpu.unpack_subelements %pack3A_727, 1 {pack_format = #tpu.pack_format<interleaved>} : vector<32xbf16> -> vector<16xf32>
        %pack3A_730 = tpu.pack_subelements %get3A_723, %get3A_726 {pack_format = #tpu.pack_format<interleaved>, positions = array<i32: 0, 1>} : vector<16xf32>, vector<16xf32> -> vector<32xbf16>
        %unpack3A_731 = tpu.unpack_subelements %pack3A_730, 0 {pack_format = #tpu.pack_format<interleaved>} : vector<32xbf16> -> vector<16xf32>
        %unpack3A_732 = tpu.unpack_subelements %pack3A_730, 1 {pack_format = #tpu.pack_format<interleaved>} : vector<32xbf16> -> vector<16xf32>
        %mul3A_733 = arith.mulf %unpack3A_728, %get3A_333 : vector<16xf32>
        %mul3A_734 = arith.mulf %unpack3A_729, %get3A_336 : vector<16xf32>
        %add3A_735 = arith.addf %mul3A_733, %mul3A_734 : vector<16xf32>
        %mul3A_736 = arith.mulf %unpack3A_731, %get3A_339 : vector<16xf32>
        %mul3A_737 = arith.mulf %unpack3A_732, %get3A_342 : vector<16xf32>
        %add3A_738 = arith.addf %mul3A_736, %mul3A_737 : vector<16xf32>
        %add3A_739 = arith.addf %add3A_735, %add3A_738 : vector<16xf32>
        %reduce_sum3A_740 = arith.constant true
        %reduce_sum3A_741 = vector.broadcast %reduce_sum3A_740 : i1 to vector<16xi1>
        %reduce_sum3A_742 = tpu.scan <sum>, %add3A_739 masked %reduce_sum3A_741 : vector<16xf32>, vector<16xi1> -> vector<16xf32>
        %reduce_sum3A_743 = vector.extract %reduce_sum3A_742[15] : f32 from vector<16xf32>
        %mul3A_744 = arith.constant 16 : i32
        %mul3A_745 = arith.muli %scan3A_349, %mul3A_744 : i32
        %add3A_746 = arith.constant 12 : i32
        %add3A_747 = arith.addi %mul3A_745, %add3A_746 : i32
        %get3A_748 = arith.index_cast %add3A_747 : i32 to index
        %get3A_749 = arith.constant 0 : index
        %get3A_750 = tpu.vector_load %arg14[%get3A_748, %get3A_749] {strides = array<i32>} : memref<256x64xf32, #tpu.memory_space<vmem>>, vector<16xf32>,
        %get3A_751 = arith.index_cast %add3A_747 : i32 to index
        %get3A_752 = arith.constant 16 : index
        %get3A_753 = tpu.vector_load %arg14[%get3A_751, %get3A_752] {strides = array<i32>} : memref<256x64xf32, #tpu.memory_space<vmem>>, vector<16xf32>,
        %get3A_754 = arith.index_cast %add3A_747 : i32 to index
        %get3A_755 = arith.constant 32 : index
        %get3A_756 = tpu.vector_load %arg14[%get3A_754, %get3A_755] {strides = array<i32>} : memref<256x64xf32, #tpu.memory_space<vmem>>, vector<16xf32>,
        %get3A_757 = arith.index_cast %add3A_747 : i32 to index
        %get3A_758 = arith.constant 48 : index
        %get3A_759 = tpu.vector_load %arg14[%get3A_757, %get3A_758] {strides = array<i32>} : memref<256x64xf32, #tpu.memory_space<vmem>>, vector<16xf32>,
        %pack3A_760 = tpu.pack_subelements %get3A_750, %get3A_753 {pack_format = #tpu.pack_format<interleaved>, positions = array<i32: 0, 1>} : vector<16xf32>, vector<16xf32> -> vector<32xbf16>
        %unpack3A_761 = tpu.unpack_subelements %pack3A_760, 0 {pack_format = #tpu.pack_format<interleaved>} : vector<32xbf16> -> vector<16xf32>
        %unpack3A_762 = tpu.unpack_subelements %pack3A_760, 1 {pack_format = #tpu.pack_format<interleaved>} : vector<32xbf16> -> vector<16xf32>
        %pack3A_763 = tpu.pack_subelements %get3A_756, %get3A_759 {pack_format = #tpu.pack_format<interleaved>, positions = array<i32: 0, 1>} : vector<16xf32>, vector<16xf32> -> vector<32xbf16>
        %unpack3A_764 = tpu.unpack_subelements %pack3A_763, 0 {pack_format = #tpu.pack_format<interleaved>} : vector<32xbf16> -> vector<16xf32>
        %unpack3A_765 = tpu.unpack_subelements %pack3A_763, 1 {pack_format = #tpu.pack_format<interleaved>} : vector<32xbf16> -> vector<16xf32>
        %mul3A_766 = arith.mulf %unpack3A_761, %get3A_333 : vector<16xf32>
        %mul3A_767 = arith.mulf %unpack3A_762, %get3A_336 : vector<16xf32>
        %add3A_768 = arith.addf %mul3A_766, %mul3A_767 : vector<16xf32>
        %mul3A_769 = arith.mulf %unpack3A_764, %get3A_339 : vector<16xf32>
        %mul3A_770 = arith.mulf %unpack3A_765, %get3A_342 : vector<16xf32>
        %add3A_771 = arith.addf %mul3A_769, %mul3A_770 : vector<16xf32>
        %add3A_772 = arith.addf %add3A_768, %add3A_771 : vector<16xf32>
        %reduce_sum3A_773 = arith.constant true
        %reduce_sum3A_774 = vector.broadcast %reduce_sum3A_773 : i1 to vector<16xi1>
        %reduce_sum3A_775 = tpu.scan <sum>, %add3A_772 masked %reduce_sum3A_774 : vector<16xf32>, vector<16xi1> -> vector<16xf32>
        %reduce_sum3A_776 = vector.extract %reduce_sum3A_775[15] : f32 from vector<16xf32>
        %mul3A_777 = arith.constant 16 : i32
        %mul3A_778 = arith.muli %scan3A_349, %mul3A_777 : i32
        %add3A_779 = arith.constant 13 : i32
        %add3A_780 = arith.addi %mul3A_778, %add3A_779 : i32
        %get3A_781 = arith.index_cast %add3A_780 : i32 to index
        %get3A_782 = arith.constant 0 : index
        %get3A_783 = tpu.vector_load %arg14[%get3A_781, %get3A_782] {strides = array<i32>} : memref<256x64xf32, #tpu.memory_space<vmem>>, vector<16xf32>,
        %get3A_784 = arith.index_cast %add3A_780 : i32 to index
        %get3A_785 = arith.constant 16 : index
        %get3A_786 = tpu.vector_load %arg14[%get3A_784, %get3A_785] {strides = array<i32>} : memref<256x64xf32, #tpu.memory_space<vmem>>, vector<16xf32>,
        %get3A_787 = arith.index_cast %add3A_780 : i32 to index
        %get3A_788 = arith.constant 32 : index
        %get3A_789 = tpu.vector_load %arg14[%get3A_787, %get3A_788] {strides = array<i32>} : memref<256x64xf32, #tpu.memory_space<vmem>>, vector<16xf32>,
        %get3A_790 = arith.index_cast %add3A_780 : i32 to index
        %get3A_791 = arith.constant 48 : index
        %get3A_792 = tpu.vector_load %arg14[%get3A_790, %get3A_791] {strides = array<i32>} : memref<256x64xf32, #tpu.memory_space<vmem>>, vector<16xf32>,
        %pack3A_793 = tpu.pack_subelements %get3A_783, %get3A_786 {pack_format = #tpu.pack_format<interleaved>, positions = array<i32: 0, 1>} : vector<16xf32>, vector<16xf32> -> vector<32xbf16>
        %unpack3A_794 = tpu.unpack_subelements %pack3A_793, 0 {pack_format = #tpu.pack_format<interleaved>} : vector<32xbf16> -> vector<16xf32>
        %unpack3A_795 = tpu.unpack_subelements %pack3A_793, 1 {pack_format = #tpu.pack_format<interleaved>} : vector<32xbf16> -> vector<16xf32>
        %pack3A_796 = tpu.pack_subelements %get3A_789, %get3A_792 {pack_format = #tpu.pack_format<interleaved>, positions = array<i32: 0, 1>} : vector<16xf32>, vector<16xf32> -> vector<32xbf16>
        %unpack3A_797 = tpu.unpack_subelements %pack3A_796, 0 {pack_format = #tpu.pack_format<interleaved>} : vector<32xbf16> -> vector<16xf32>
        %unpack3A_798 = tpu.unpack_subelements %pack3A_796, 1 {pack_format = #tpu.pack_format<interleaved>} : vector<32xbf16> -> vector<16xf32>
        %mul3A_799 = arith.mulf %unpack3A_794, %get3A_333 : vector<16xf32>
        %mul3A_800 = arith.mulf %unpack3A_795, %get3A_336 : vector<16xf32>
        %add3A_801 = arith.addf %mul3A_799, %mul3A_800 : vector<16xf32>
        %mul3A_802 = arith.mulf %unpack3A_797, %get3A_339 : vector<16xf32>
        %mul3A_803 = arith.mulf %unpack3A_798, %get3A_342 : vector<16xf32>
        %add3A_804 = arith.addf %mul3A_802, %mul3A_803 : vector<16xf32>
        %add3A_805 = arith.addf %add3A_801, %add3A_804 : vector<16xf32>
        %reduce_sum3A_806 = arith.constant true
        %reduce_sum3A_807 = vector.broadcast %reduce_sum3A_806 : i1 to vector<16xi1>
        %reduce_sum3A_808 = tpu.scan <sum>, %add3A_805 masked %reduce_sum3A_807 : vector<16xf32>, vector<16xi1> -> vector<16xf32>
        %reduce_sum3A_809 = vector.extract %reduce_sum3A_808[15] : f32 from vector<16xf32>
        %mul3A_810 = arith.constant 16 : i32
        %mul3A_811 = arith.muli %scan3A_349, %mul3A_810 : i32
        %add3A_812 = arith.constant 14 : i32
        %add3A_813 = arith.addi %mul3A_811, %add3A_812 : i32
        %get3A_814 = arith.index_cast %add3A_813 : i32 to index
        %get3A_815 = arith.constant 0 : index
        %get3A_816 = tpu.vector_load %arg14[%get3A_814, %get3A_815] {strides = array<i32>} : memref<256x64xf32, #tpu.memory_space<vmem>>, vector<16xf32>,
        %get3A_817 = arith.index_cast %add3A_813 : i32 to index
        %get3A_818 = arith.constant 16 : index
        %get3A_819 = tpu.vector_load %arg14[%get3A_817, %get3A_818] {strides = array<i32>} : memref<256x64xf32, #tpu.memory_space<vmem>>, vector<16xf32>,
        %get3A_820 = arith.index_cast %add3A_813 : i32 to index
        %get3A_821 = arith.constant 32 : index
        %get3A_822 = tpu.vector_load %arg14[%get3A_820, %get3A_821] {strides = array<i32>} : memref<256x64xf32, #tpu.memory_space<vmem>>, vector<16xf32>,
        %get3A_823 = arith.index_cast %add3A_813 : i32 to index
        %get3A_824 = arith.constant 48 : index
        %get3A_825 = tpu.vector_load %arg14[%get3A_823, %get3A_824] {strides = array<i32>} : memref<256x64xf32, #tpu.memory_space<vmem>>, vector<16xf32>,
        %pack3A_826 = tpu.pack_subelements %get3A_816, %get3A_819 {pack_format = #tpu.pack_format<interleaved>, positions = array<i32: 0, 1>} : vector<16xf32>, vector<16xf32> -> vector<32xbf16>
        %unpack3A_827 = tpu.unpack_subelements %pack3A_826, 0 {pack_format = #tpu.pack_format<interleaved>} : vector<32xbf16> -> vector<16xf32>
        %unpack3A_828 = tpu.unpack_subelements %pack3A_826, 1 {pack_format = #tpu.pack_format<interleaved>} : vector<32xbf16> -> vector<16xf32>
        %pack3A_829 = tpu.pack_subelements %get3A_822, %get3A_825 {pack_format = #tpu.pack_format<interleaved>, positions = array<i32: 0, 1>} : vector<16xf32>, vector<16xf32> -> vector<32xbf16>
        %unpack3A_830 = tpu.unpack_subelements %pack3A_829, 0 {pack_format = #tpu.pack_format<interleaved>} : vector<32xbf16> -> vector<16xf32>
        %unpack3A_831 = tpu.unpack_subelements %pack3A_829, 1 {pack_format = #tpu.pack_format<interleaved>} : vector<32xbf16> -> vector<16xf32>
        %mul3A_832 = arith.mulf %unpack3A_827, %get3A_333 : vector<16xf32>
        %mul3A_833 = arith.mulf %unpack3A_828, %get3A_336 : vector<16xf32>
        %add3A_834 = arith.addf %mul3A_832, %mul3A_833 : vector<16xf32>
        %mul3A_835 = arith.mulf %unpack3A_830, %get3A_339 : vector<16xf32>
        %mul3A_836 = arith.mulf %unpack3A_831, %get3A_342 : vector<16xf32>
        %add3A_837 = arith.addf %mul3A_835, %mul3A_836 : vector<16xf32>
        %add3A_838 = arith.addf %add3A_834, %add3A_837 : vector<16xf32>
        %reduce_sum3A_839 = arith.constant true
        %reduce_sum3A_840 = vector.broadcast %reduce_sum3A_839 : i1 to vector<16xi1>
        %reduce_sum3A_841 = tpu.scan <sum>, %add3A_838 masked %reduce_sum3A_840 : vector<16xf32>, vector<16xi1> -> vector<16xf32>
        %reduce_sum3A_842 = vector.extract %reduce_sum3A_841[15] : f32 from vector<16xf32>
        %mul3A_843 = arith.constant 16 : i32
        %mul3A_844 = arith.muli %scan3A_349, %mul3A_843 : i32
        %add3A_845 = arith.constant 15 : i32
        %add3A_846 = arith.addi %mul3A_844, %add3A_845 : i32
        %get3A_847 = arith.index_cast %add3A_846 : i32 to index
        %get3A_848 = arith.constant 0 : index
        %get3A_849 = tpu.vector_load %arg14[%get3A_847, %get3A_848] {strides = array<i32>} : memref<256x64xf32, #tpu.memory_space<vmem>>, vector<16xf32>,
        %get3A_850 = arith.index_cast %add3A_846 : i32 to index
        %get3A_851 = arith.constant 16 : index
        %get3A_852 = tpu.vector_load %arg14[%get3A_850, %get3A_851] {strides = array<i32>} : memref<256x64xf32, #tpu.memory_space<vmem>>, vector<16xf32>,
        %get3A_853 = arith.index_cast %add3A_846 : i32 to index
        %get3A_854 = arith.constant 32 : index
        %get3A_855 = tpu.vector_load %arg14[%get3A_853, %get3A_854] {strides = array<i32>} : memref<256x64xf32, #tpu.memory_space<vmem>>, vector<16xf32>,
        %get3A_856 = arith.index_cast %add3A_846 : i32 to index
        %get3A_857 = arith.constant 48 : index
        %get3A_858 = tpu.vector_load %arg14[%get3A_856, %get3A_857] {strides = array<i32>} : memref<256x64xf32, #tpu.memory_space<vmem>>, vector<16xf32>,
        %pack3A_859 = tpu.pack_subelements %get3A_849, %get3A_852 {pack_format = #tpu.pack_format<interleaved>, positions = array<i32: 0, 1>} : vector<16xf32>, vector<16xf32> -> vector<32xbf16>
        %unpack3A_860 = tpu.unpack_subelements %pack3A_859, 0 {pack_format = #tpu.pack_format<interleaved>} : vector<32xbf16> -> vector<16xf32>
        %unpack3A_861 = tpu.unpack_subelements %pack3A_859, 1 {pack_format = #tpu.pack_format<interleaved>} : vector<32xbf16> -> vector<16xf32>
        %pack3A_862 = tpu.pack_subelements %get3A_855, %get3A_858 {pack_format = #tpu.pack_format<interleaved>, positions = array<i32: 0, 1>} : vector<16xf32>, vector<16xf32> -> vector<32xbf16>
        %unpack3A_863 = tpu.unpack_subelements %pack3A_862, 0 {pack_format = #tpu.pack_format<interleaved>} : vector<32xbf16> -> vector<16xf32>
        %unpack3A_864 = tpu.unpack_subelements %pack3A_862, 1 {pack_format = #tpu.pack_format<interleaved>} : vector<32xbf16> -> vector<16xf32>
        %mul3A_865 = arith.mulf %unpack3A_860, %get3A_333 : vector<16xf32>
        %mul3A_866 = arith.mulf %unpack3A_861, %get3A_336 : vector<16xf32>
        %add3A_867 = arith.addf %mul3A_865, %mul3A_866 : vector<16xf32>
        %mul3A_868 = arith.mulf %unpack3A_863, %get3A_339 : vector<16xf32>
        %mul3A_869 = arith.mulf %unpack3A_864, %get3A_342 : vector<16xf32>
        %add3A_870 = arith.addf %mul3A_868, %mul3A_869 : vector<16xf32>
        %add3A_871 = arith.addf %add3A_867, %add3A_870 : vector<16xf32>
        %reduce_sum3A_872 = arith.constant true
        %reduce_sum3A_873 = vector.broadcast %reduce_sum3A_872 : i1 to vector<16xi1>
        %reduce_sum3A_874 = tpu.scan <sum>, %add3A_871 masked %reduce_sum3A_873 : vector<16xf32>, vector<16xi1> -> vector<16xf32>
        %reduce_sum3A_875 = vector.extract %reduce_sum3A_874[15] : f32 from vector<16xf32>
        %broadcast_in_dim3A_876 = arith.constant 0.000000e+00 : f32
        %broadcast_in_dim3A_877 = vector.broadcast %broadcast_in_dim3A_876 : f32 to vector<16xf32>
        %eq3A = arith.constant 0 : i32
        %eq3A_878 = vector.broadcast %eq3A : i32 to vector<16xi32>
        %eq3A_879 = arith.cmpi eq, %iota3A, %eq3A_878 : vector<16xi32>
        %broadcast_in_dim3A_880 = vector.broadcast %reduce_sum3A_380 : f32 to vector<16xf32>
        %select_n3A = arith.select %eq3A_879, %broadcast_in_dim3A_880, %broadcast_in_dim3A_877 : vector<16xi1>, vector<16xf32>
        %eq3A_881 = arith.constant 1 : i32
        %eq3A_882 = vector.broadcast %eq3A_881 : i32 to vector<16xi32>
        %eq3A_883 = arith.cmpi eq, %iota3A, %eq3A_882 : vector<16xi32>
        %broadcast_in_dim3A_884 = vector.broadcast %reduce_sum3A_413 : f32 to vector<16xf32>
        %select_n3A_885 = arith.select %eq3A_883, %broadcast_in_dim3A_884, %select_n3A : vector<16xi1>, vector<16xf32>
        %eq3A_886 = arith.constant 2 : i32
        %eq3A_887 = vector.broadcast %eq3A_886 : i32 to vector<16xi32>
        %eq3A_888 = arith.cmpi eq, %iota3A, %eq3A_887 : vector<16xi32>
        %broadcast_in_dim3A_889 = vector.broadcast %reduce_sum3A_446 : f32 to vector<16xf32>
        %select_n3A_890 = arith.select %eq3A_888, %broadcast_in_dim3A_889, %select_n3A_885 : vector<16xi1>, vector<16xf32>
        %eq3A_891 = arith.constant 3 : i32
        %eq3A_892 = vector.broadcast %eq3A_891 : i32 to vector<16xi32>
        %eq3A_893 = arith.cmpi eq, %iota3A, %eq3A_892 : vector<16xi32>
        %broadcast_in_dim3A_894 = vector.broadcast %reduce_sum3A_479 : f32 to vector<16xf32>
        %select_n3A_895 = arith.select %eq3A_893, %broadcast_in_dim3A_894, %select_n3A_890 : vector<16xi1>, vector<16xf32>
        %eq3A_896 = arith.constant 4 : i32
        %eq3A_897 = vector.broadcast %eq3A_896 : i32 to vector<16xi32>
        %eq3A_898 = arith.cmpi eq, %iota3A, %eq3A_897 : vector<16xi32>
        %broadcast_in_dim3A_899 = vector.broadcast %reduce_sum3A_512 : f32 to vector<16xf32>
        %select_n3A_900 = arith.select %eq3A_898, %broadcast_in_dim3A_899, %select_n3A_895 : vector<16xi1>, vector<16xf32>
        %eq3A_901 = arith.constant 5 : i32
        %eq3A_902 = vector.broadcast %eq3A_901 : i32 to vector<16xi32>
        %eq3A_903 = arith.cmpi eq, %iota3A, %eq3A_902 : vector<16xi32>
        %broadcast_in_dim3A_904 = vector.broadcast %reduce_sum3A_545 : f32 to vector<16xf32>
        %select_n3A_905 = arith.select %eq3A_903, %broadcast_in_dim3A_904, %select_n3A_900 : vector<16xi1>, vector<16xf32>
        %eq3A_906 = arith.constant 6 : i32
        %eq3A_907 = vector.broadcast %eq3A_906 : i32 to vector<16xi32>
        %eq3A_908 = arith.cmpi eq, %iota3A, %eq3A_907 : vector<16xi32>
        %broadcast_in_dim3A_909 = vector.broadcast %reduce_sum3A_578 : f32 to vector<16xf32>
        %select_n3A_910 = arith.select %eq3A_908, %broadcast_in_dim3A_909, %select_n3A_905 : vector<16xi1>, vector<16xf32>
        %eq3A_911 = arith.constant 7 : i32
        %eq3A_912 = vector.broadcast %eq3A_911 : i32 to vector<16xi32>
        %eq3A_913 = arith.cmpi eq, %iota3A, %eq3A_912 : vector<16xi32>
        %broadcast_in_dim3A_914 = vector.broadcast %reduce_sum3A_611 : f32 to vector<16xf32>
        %select_n3A_915 = arith.select %eq3A_913, %broadcast_in_dim3A_914, %select_n3A_910 : vector<16xi1>, vector<16xf32>
        %eq3A_916 = arith.constant 8 : i32
        %eq3A_917 = vector.broadcast %eq3A_916 : i32 to vector<16xi32>
        %eq3A_918 = arith.cmpi eq, %iota3A, %eq3A_917 : vector<16xi32>
        %broadcast_in_dim3A_919 = vector.broadcast %reduce_sum3A_644 : f32 to vector<16xf32>
        %select_n3A_920 = arith.select %eq3A_918, %broadcast_in_dim3A_919, %select_n3A_915 : vector<16xi1>, vector<16xf32>
        %eq3A_921 = arith.constant 9 : i32
        %eq3A_922 = vector.broadcast %eq3A_921 : i32 to vector<16xi32>
        %eq3A_923 = arith.cmpi eq, %iota3A, %eq3A_922 : vector<16xi32>
        %broadcast_in_dim3A_924 = vector.broadcast %reduce_sum3A_677 : f32 to vector<16xf32>
        %select_n3A_925 = arith.select %eq3A_923, %broadcast_in_dim3A_924, %select_n3A_920 : vector<16xi1>, vector<16xf32>
        %eq3A_926 = arith.constant 10 : i32
        %eq3A_927 = vector.broadcast %eq3A_926 : i32 to vector<16xi32>
        %eq3A_928 = arith.cmpi eq, %iota3A, %eq3A_927 : vector<16xi32>
        %broadcast_in_dim3A_929 = vector.broadcast %reduce_sum3A_710 : f32 to vector<16xf32>
        %select_n3A_930 = arith.select %eq3A_928, %broadcast_in_dim3A_929, %select_n3A_925 : vector<16xi1>, vector<16xf32>
        %eq3A_931 = arith.constant 11 : i32
        %eq3A_932 = vector.broadcast %eq3A_931 : i32 to vector<16xi32>
        %eq3A_933 = arith.cmpi eq, %iota3A, %eq3A_932 : vector<16xi32>
        %broadcast_in_dim3A_934 = vector.broadcast %reduce_sum3A_743 : f32 to vector<16xf32>
        %select_n3A_935 = arith.select %eq3A_933, %broadcast_in_dim3A_934, %select_n3A_930 : vector<16xi1>, vector<16xf32>
        %eq3A_936 = arith.constant 12 : i32
        %eq3A_937 = vector.broadcast %eq3A_936 : i32 to vector<16xi32>
        %eq3A_938 = arith.cmpi eq, %iota3A, %eq3A_937 : vector<16xi32>
        %broadcast_in_dim3A_939 = vector.broadcast %reduce_sum3A_776 : f32 to vector<16xf32>
        %select_n3A_940 = arith.select %eq3A_938, %broadcast_in_dim3A_939, %select_n3A_935 : vector<16xi1>, vector<16xf32>
        %eq3A_941 = arith.constant 13 : i32
        %eq3A_942 = vector.broadcast %eq3A_941 : i32 to vector<16xi32>
        %eq3A_943 = arith.cmpi eq, %iota3A, %eq3A_942 : vector<16xi32>
        %broadcast_in_dim3A_944 = vector.broadcast %reduce_sum3A_809 : f32 to vector<16xf32>
        %select_n3A_945 = arith.select %eq3A_943, %broadcast_in_dim3A_944, %select_n3A_940 : vector<16xi1>, vector<16xf32>
        %eq3A_946 = arith.constant 14 : i32
        %eq3A_947 = vector.broadcast %eq3A_946 : i32 to vector<16xi32>
        %eq3A_948 = arith.cmpi eq, %iota3A, %eq3A_947 : vector<16xi32>
        %broadcast_in_dim3A_949 = vector.broadcast %reduce_sum3A_842 : f32 to vector<16xf32>
        %select_n3A_950 = arith.select %eq3A_948, %broadcast_in_dim3A_949, %select_n3A_945 : vector<16xi1>, vector<16xf32>
        %eq3A_951 = arith.constant 15 : i32
        %eq3A_952 = vector.broadcast %eq3A_951 : i32 to vector<16xi32>
        %eq3A_953 = arith.cmpi eq, %iota3A, %eq3A_952 : vector<16xi32>
        %broadcast_in_dim3A_954 = vector.broadcast %reduce_sum3A_875 : f32 to vector<16xf32>
        %select_n3A_955 = arith.select %eq3A_953, %broadcast_in_dim3A_954, %select_n3A_950 : vector<16xi1>, vector<16xf32>
        %mul3A_956 = vector.broadcast %scan3A : f32 to vector<16xf32>
        %mul3A_957 = arith.mulf %select_n3A_955, %mul3A_956 : vector<16xf32>
        %exp3A = math.exp %mul3A_957 : vector<16xf32>
        %mul3A_958 = arith.constant 16 : i32
        %mul3A_959 = arith.muli %scan3A_349, %mul3A_958 : i32
        %add3A_960 = arith.addi %mul3A_330, %mul3A_959 : i32
        %swap3A_961 = arith.index_cast %shift_right_arithmetic3A_326 : i32 to index
        %swap3A_962 = arith.index_cast %add3A_960 : i32 to index
        %swap3A_963 = tpu.vector_load %arg15[%swap3A_961, %swap3A_962] {strides = array<i32>} : memref<32x512xf32, #tpu.memory_space<vmem>>, vector<16xf32>,
        tpu.vector_store %arg15[%swap3A_961, %swap3A_962], %exp3A {strides = array<i32>} : memref<32x512xf32, #tpu.memory_space<vmem>>, vector<16xf32>,
        %add3A_964 = arith.addf %scan3A_350, %exp3A : vector<16xf32>
        scf.yield %add3A_964 : vector<16xf32>
      }
      %scan3A_348 = arith.constant 16 : i32
      scf.yield %scan3A_347 : vector<16xf32>
    }
    %scan3A_79 = arith.constant 16 : i32
    %swap3A = arith.constant 0 : index
    %swap3A_80 = tpu.vector_load %arg16[%swap3A] {strides = array<i32>} : memref<16xf32, #tpu.memory_space<vmem>>, vector<16xf32>,
    tpu.vector_store %arg16[%swap3A], %scan3A_78 {strides = array<i32>} : memref<16xf32, #tpu.memory_space<vmem>>, vector<16xf32>,
    "tpu.region"() ({
      %run_scoped3A = tpu.sem_alloc : memref<!tpu.dma_semaphore, #tpu.memory_space<semaphore_mem>>
      %dma_start3A_81 = arith.constant 0 : i32
      %dma_start3A_82 = tpu.memref_slice %arg6[%mul3A_2, %dma_start3A_81] : memref<1024x512xf32, #tpu.memory_space<hbm>> -> memref<32x512xf32, #tpu.memory_space<hbm>>
      %dma_start3A_83 = arith.constant 0 : i32
      %dma_start3A_84 = tpu.memref_slice %arg6[%mul3A_2, %dma_start3A_83] : memref<1024x512xf32, #tpu.memory_space<hbm>> -> memref<32x512xf32, #tpu.memory_space<hbm>>
      tpu.enqueue_dma source(%arg15 : memref<32x512xf32, #tpu.memory_space<vmem>>) target(%dma_start3A_84 : memref<32x512xf32, #tpu.memory_space<hbm>>) target_semaphore(%run_scoped3A : memref<!tpu.dma_semaphore, #tpu.memory_space<semaphore_mem>>)
      %dma_wait3A = arith.constant 0 : i32
      %dma_wait3A_85 = tpu.memref_slice %arg6[%mul3A_2, %dma_wait3A] : memref<1024x512xf32, #tpu.memory_space<hbm>> -> memref<32x512xf32, #tpu.memory_space<hbm>>
      %dma_wait3A_86 = arith.constant 0 : i32
      %dma_wait3A_87 = tpu.memref_slice %arg6[%mul3A_2, %dma_wait3A_86] : memref<1024x512xf32, #tpu.memory_space<hbm>> -> memref<32x512xf32, #tpu.memory_space<hbm>>
      tpu.wait_dma2 semaphore(%run_scoped3A : memref<!tpu.dma_semaphore, #tpu.memory_space<semaphore_mem>>) src(%arg15 : memref<32x512xf32, #tpu.memory_space<vmem>>) dst(%dma_wait3A_87 : memref<32x512xf32, #tpu.memory_space<hbm>>)
      tpu.yield
    }) : () -> ()
    "tpu.region"() ({
      %run_scoped3A = tpu.sem_alloc : memref<!tpu.dma_semaphore, #tpu.memory_space<semaphore_mem>>
      %dma_start3A_81 = arith.constant 0 : i32
      %dma_start3A_82 = tpu.memref_slice %arg7[%add3A, %dma_start3A_81] : memref<32x16xf32, #tpu.memory_space<hbm>> -> memref<1x16xf32, #tpu.memory_space<hbm>>
      %dma_start3A_83 = tpu.memref_squeeze %dma_start3A_82 : memref<1x16xf32, #tpu.memory_space<hbm>> -> memref<16xf32, #tpu.memory_space<hbm>>
      %dma_start3A_84 = arith.constant 0 : i32
      %dma_start3A_85 = tpu.memref_slice %arg7[%add3A, %dma_start3A_84] : memref<32x16xf32, #tpu.memory_space<hbm>> -> memref<1x16xf32, #tpu.memory_space<hbm>>
      %dma_start3A_86 = tpu.memref_squeeze %dma_start3A_85 : memref<1x16xf32, #tpu.memory_space<hbm>> -> memref<16xf32, #tpu.memory_space<hbm>>
      tpu.enqueue_dma source(%arg16 : memref<16xf32, #tpu.memory_space<vmem>>) target(%dma_start3A_86 : memref<16xf32, #tpu.memory_space<hbm>>) target_semaphore(%run_scoped3A : memref<!tpu.dma_semaphore, #tpu.memory_space<semaphore_mem>>)
      %dma_wait3A = arith.constant 0 : i32
      %dma_wait3A_87 = tpu.memref_slice %arg7[%add3A, %dma_wait3A] : memref<32x16xf32, #tpu.memory_space<hbm>> -> memref<1x16xf32, #tpu.memory_space<hbm>>
      %dma_wait3A_88 = tpu.memref_squeeze %dma_wait3A_87 : memref<1x16xf32, #tpu.memory_space<hbm>> -> memref<16xf32, #tpu.memory_space<hbm>>
      %dma_wait3A_89 = arith.constant 0 : i32
      %dma_wait3A_90 = tpu.memref_slice %arg7[%add3A, %dma_wait3A_89] : memref<32x16xf32, #tpu.memory_space<hbm>> -> memref<1x16xf32, #tpu.memory_space<hbm>>
      %dma_wait3A_91 = tpu.memref_squeeze %dma_wait3A_90 : memref<1x16xf32, #tpu.memory_space<hbm>> -> memref<16xf32, #tpu.memory_space<hbm>>
      tpu.wait_dma2 semaphore(%run_scoped3A : memref<!tpu.dma_semaphore, #tpu.memory_space<semaphore_mem>>) src(%arg16 : memref<16xf32, #tpu.memory_space<vmem>>) dst(%dma_wait3A_91 : memref<16xf32, #tpu.memory_space<hbm>>)
      tpu.yield
    }) : () -> ()
    return
  }
}

module attributes {stable_mosaic.version = 14 : i64} {
  func.func @_normalize_body(%arg0: memref<1024x512xf32, #tpu.memory_space<vmem>>, %arg1: memref<32x16xf32, #tpu.memory_space<vmem>>, %arg2: memref<1024x512xf32, #tpu.memory_space<vmem>>) attributes {dimension_semantics = [], scalar_prefetch = 0 : i64, scratch_operands = 0 : i64, tpu.core_type = #tpu.core_type<tc>} {
    %get3A = arith.constant 0 : index
    %get3A_0 = arith.constant 0 : index
    %get3A_1 = vector.load %arg1[%get3A, %get3A_0] : memref<32x16xf32, #tpu.memory_space<vmem>>, vector<32x16xf32>
    %reduce_sum3A = vector.shape_cast %get3A_1 : vector<32x16xf32> to vector<1x32x16xf32>
    %reduce_sum3A_2 = arith.constant dense<0.000000e+00> : vector<1xf32>
    %reduce_sum3A_3 = vector.multi_reduction <add>, %reduce_sum3A, %reduce_sum3A_2 [1, 2] : vector<1x32x16xf32> to vector<1xf32>
    %reduce_sum3A_4 = vector.shape_cast %reduce_sum3A_3 : vector<1xf32> to vector<1x1x1xf32>
    %reduce_sum3A_5 = vector.extract %reduce_sum3A_4[0, 0, 0] : f32 from vector<1x1x1xf32>
    %div3A = arith.constant 5.242880e-01 : f32
    %div3A_6 = arith.divf %div3A, %reduce_sum3A_5 : f32
    %get3A_7 = arith.constant 0 : index
    %get3A_8 = arith.constant 0 : index
    %get3A_9 = vector.load %arg0[%get3A_7, %get3A_8] : memref<1024x512xf32, #tpu.memory_space<vmem>>, vector<1024x512xf32>
    %mul3A = vector.broadcast %div3A_6 : f32 to vector<1024x512xf32>
    %mul3A_10 = arith.mulf %get3A_9, %mul3A : vector<1024x512xf32>
    %swap3A = arith.constant 0 : index
    %swap3A_11 = arith.constant 0 : index
    %swap3A_12 = vector.load %arg2[%swap3A, %swap3A_11] : memref<1024x512xf32, #tpu.memory_space<vmem>>, vector<1024x512xf32>
    tpu.vector_store %arg2[%swap3A, %swap3A_11], %mul3A_10 {strides = array<i32>} : memref<1024x512xf32, #tpu.memory_space<vmem>>, vector<1024x512xf32>,
    return
  }
}

</mosaic_0001>

<sc_bundles>
// kernel: kernel.4.cloned.1.call-start
scs
__scs_entry_jumppad:
0x0: {  	(pc) =	sbr.rel $0x88, $3  }
0x1: {  	(tag) =	ssettag $0x0;
	lr =	simm.s32 $0x1  }
0x2: {  	[smem:$0x3F9D] =	sst lr;
	_ =	strace $0xD0000000  }
0x3: {  	_ = 	snop  }
0x4: {  	_ = 	snop  }
0x5: {  	_ = 	snop  }
0x6: {  	_ = 	snop  }
0x7: {  	_ = 	snop  }
__scs_overlays_trampoline_lowered:
0x8: {  	[smem:$0x3FAC] =	sst s0  }
0x9: {  	[smem:$0x3FAD] =	sst s1  }
0xa: {  	[smem:$0x3FAE] =	sst s2  }
0xb: {  	[smem:$0x3FAF] =	sst s3  }
0xc: {  	[smem:$0x3FB0] =	sst s4  }
0xd: {  	[smem:$0x3FB1] =	sst s5  }
0xe: {  	[smem:$0x3FB2] =	sst s6  }
0xf: {  	[smem:$0x3FB3] =	sst s7  }
0x10: {  	[smem:$0x3FB4] =	sst s8  }
0x11: {  	[smem:$0x3FB5] =	sst s9;
	s0 =	simm.s32 @!p0 $0x0  }
0x12: {  	s1 =	sld [smem:$0x3F9B];
	s0 =	simm.s32 @p0 $0x1  }
0x13: {  	[smem:$0x3FB6] =	sst s0;
	s0 =	simm.s32 @!p1 $0x0  }
0x14: {  	s2 =	sld [smem:$0x3F9A];
	s0 =	simm.s32 @p1 $0x1  }
0x15: {  	[smem:$0x3FB7] =	sst s0;
	s0 =	simm.s32 @!p2 $0x0  }
0x16: {  	s3 =	sld [smem:$0x3FDB];
	s0 =	simm.s32 @p2 $0x1  }
0x17: {  	s4 =	simm.s32 $0x1BF5;
	[smem:$0x3FB9] =	sst s0  }
0x18: {  	s0 =	sld [smem:$0x3F9C];
	_ =	swait.ge [sflag:s4], $0x0  }
0x19: {  	s7 =	sld [smem:$0x3F9D]  }
0x1a: {  	s8 =	sadd.s32 $0xFFFFE003, lr  }
0x1b: {  	s9 =	sadd.s32 $0xFFFFFEF7, lr;
	s5 =	simm.s32 $0xFFFFFFFF;
	p2 =	slt.u32 s8, $0xFFFFF086  }
0x1c: {  	p1 =	slt.u32 s9, $0xF7A;
	s5 =	simm.s32 @!p2 $0x0  }
0x1d: {  	s5 =	simm.s32 @p1 $0x1;
	p0 =	seq.s32 s7, s2  }
0x1e: {  	s7 =	smul.u32 @!p0 $0xF7A, s2;
	p2 =	seq.s32 @!p0 s5, $0x0  }
0x1f: {  	s9 =	smul.u32 $0xF7A, s1;
	s8 =	simm.s32 @!p0 $0x1BF5;
	p2 =	por !p2, p0  }
0x20: {  	[sflag:s8] =	ssyncset.s32 @!p0 $0xFFFFF086;
	s6 =	sadd.s32 @!p0 s3, s7;
	s7 =	simm.s32 @!p0 $0x108  }
0x21: {  	s3 =	sadd.s32 s3, s9;
	s6 =	sadd.s32 @!p0 $0x88, s6;
	s7 =	simm.s32 @p2 $0x1082  }
0x22: {  	[simem:s7], [sflag:s8] =	dma.local @!p0 [hbm:s6], $0xF7A  }
0x23: {  	s9 =	sor.u32 $0xD0000000, s2;
	s6 =	simm.s32 $0x108;
	_ =	swait.ge @!p0 [sflag:s8], $0x0  }
0x24: {  	s3 =	sadd.s32 $0x88, s3;
	s6 =	simm.s32 @!p1 $0x1082;
	[sflag:s4] =	ssyncset.s32 $0xFFFFF086  }
0x25: {  	[simem:s6], [sflag:s4] =	dma.local [hbm:s3], $0xF7A  }
0x26: {  	[smem:$0x3F9D] =	sst s1;
	(tag) =	ssettag s2;
	_ =	strace s9  }
0x27: {  	s1 =	sld [smem:$0x3FAD]  }
0x28: {  	s2 =	sld [smem:$0x3FAE]  }
0x29: {  	s4 =	sld [smem:$0x3FB0]  }
0x2a: {  	p0 =	seq.s32 s5, $0x0;
	s5 =	sld [smem:$0x3FB1]  }
0x2b: {  	s6 =	sld [smem:$0x3FB2]  }
0x2c: {  	s7 =	sld [smem:$0x3FB3]  }
0x2d: {  	s3 =	simm.s32 $0x108;
	s8 =	sld [smem:$0x3FB4]  }
0x2e: {  	s3 =	simm.s32 @!p0 $0x1082;
	s9 =	sld [smem:$0x3FB5]  }
0x2f: {  	lr =	sadd.s32 s0, s3;
	s0 =	sld [smem:$0x3FAC]  }
0x30: {  	s3 =	sld [smem:$0x3FAF]  }
0x31: {  	[smem:$0x3FB8] =	sst s10  }
0x32: {  	s10 =	sld [smem:$0x3FB6];
	_ =	sdelay $0x3  }
0x33: {  	p0 =	seq.s32 s10, $0x1;
	s10 =	sld [smem:$0x3FB8];
	_ =	sdelay $0x3  }
0x34: {  	[smem:$0x3FB8] =	sst s10  }
0x35: {  	s10 =	sld [smem:$0x3FB7];
	_ =	sdelay $0x3  }
0x36: {  	p1 =	seq.s32 s10, $0x1;
	s10 =	sld [smem:$0x3FB8];
	_ =	sdelay $0x3  }
0x37: {  	[smem:$0x3FB8] =	sst s10  }
0x38: {  	s10 =	sld [smem:$0x3FB9]  }
0x39: {  	_ = 	snop;
	(pc) =	sbr.ind lr, $3  }
0x3a: {  	_ = 	snop  }
0x3b: {  	_ = 	snop  }
0x3c: {  	p2 =	seq.s32 s10, $0x1;
	s10 =	sld [smem:$0x3FB8]  }
0x3d: {  	_ =	shalt  }
0x3e: {  	_ =	shalt  }
0x3f: {  	_ =	shalt  }
0x40: {  	_ =	shalt  }
0x41: {  	_ =	shalt  }
0x42: {  	_ =	shalt  }
0x43: {  	_ =	shalt  }
0x44: {  	_ =	shalt  }
0x45: {  	_ =	shalt  }
0x46: {  	_ =	shalt  }
0x47: {  	_ =	shalt  }
0x48: {  	_ =	shalt  }
0x49: {  	_ =	shalt  }
0x4a: {  	_ =	shalt  }
0x4b: {  	_ =	shalt  }
0x4c: {  	_ =	shalt  }
0x4d: {  	_ =	shalt  }
0x4e: {  	_ =	shalt  }
0x4f: {  	_ =	shalt  }
0x50: {  	_ =	shalt  }
0x51: {  	_ =	shalt  }
0x52: {  	_ =	shalt  }
0x53: {  	_ =	shalt  }
0x54: {  	_ =	shalt  }
0x55: {  	_ =	shalt  }
0x56: {  	_ =	shalt  }
0x57: {  	_ =	shalt  }
0x58: {  	_ =	shalt  }
0x59: {  	_ =	shalt  }
0x5a: {  	_ =	shalt  }
0x5b: {  	_ =	shalt  }
0x5c: {  	_ =	shalt  }
0x5d: {  	_ =	shalt  }
0x5e: {  	_ =	shalt  }
0x5f: {  	_ =	shalt  }
0x60: {  	_ =	shalt  }
0x61: {  	_ =	shalt  }
0x62: {  	_ =	shalt  }
0x63: {  	_ =	shalt  }
0x64: {  	_ =	shalt  }
0x65: {  	_ =	shalt  }
0x66: {  	_ =	shalt  }
0x67: {  	_ =	shalt  }
0x68: {  	_ =	shalt  }
0x69: {  	_ =	shalt  }
0x6a: {  	_ =	shalt  }
0x6b: {  	_ =	shalt  }
0x6c: {  	_ =	shalt  }
0x6d: {  	_ =	shalt  }
0x6e: {  	_ =	shalt  }
0x6f: {  	_ =	shalt  }
0x70: {  	_ =	shalt  }
0x71: {  	_ =	shalt  }
0x72: {  	_ =	shalt  }
0x73: {  	_ =	shalt  }
0x74: {  	_ =	shalt  }
0x75: {  	_ =	shalt  }
0x76: {  	_ =	shalt  }
0x77: {  	_ =	shalt  }
0x78: {  	_ =	shalt  }
0x79: {  	_ =	shalt  }
0x7a: {  	_ =	shalt  }
0x7b: {  	_ =	shalt  }
0x7c: {  	_ =	shalt  }
0x7d: {  	_ =	shalt  }
0x7e: {  	_ =	shalt  }
0x7f: {  	_ =	shalt  }
0x80: {  	_ =	shalt  }
0x81: {  	_ =	shalt  }
0x82: {  	_ =	shalt  }
0x83: {  	_ =	shalt  }
0x84: {  	_ =	shalt  }
0x85: {  	_ =	shalt  }
0x86: {  	_ =	shalt  }
0x87: {  	_ =	shalt  }
.Lfunc_end0:
.L_simem_size_0:
called_computation_lowered:
.L_overlay_start_0:
0x88: {  	s2 =	sld [smem:$0x3FD9]  }
0x89: {  	s3 =	sld [smem:$0x3FFE];
	_ =	sdelay $0x1  }
0x8a: {  	s1 =	srdreg.scid  }
0x8b: {  	s0 =	sand.u32 $0x1, s1  }
0x8c: {  	s17 =	sshll.u32 s0, $0xA;
	s2 =	sadd.s32 s3, s2  }
0x8d: {  	s2 =	sadd.s32 s2, s17  }
0x8e: {  	[smem:$0x3FC4] =	sst s2  }
0x8f: {  	_ = 	snop  }
0x90: {  	s2 =	sld [smem:$0x3FC8]  }
0x91: {  	s18 =	sld [smem:$0x3FD0];
	(tm) =	ssettm $0x1  }
0x92: {  	s4 =	sld [smem:$0x3FFB];
	_ =	sdelay $0x3  }
0x93: {  	_ =	strace s4  }
0x94: {  	s4 =	sld [smem:$0x3FFC];
	_ =	sdelay $0x3  }
0x95: {  	_ =	strace s4  }
0x96: {  	s4 =	sld [smem:$0x3FFD];
	_ =	sdelay $0x3  }
0x97: {  	_ =	strace s4  }
0x98: {  	_ =	strace $0x8FFFFFFF  }
0x99: {  	s19 =	sld [smem:$0x3FDB];
	_ =	sdelay $0x1  }
0x9a: {  	s5 =	simm.s32 $_scs_section_size  }
0x9b: {  	s6 =	simm.s32 $_size__tile_overlayer_lowered;
	s7 =	simm.s32 $_tile_overlayer_lowered  }
0x9c: {  	s22 =	simm.s32 $0x1BFF;
	s21 =	sshll.u32 s7, $0x1;
	s4 =	sadd.s32 s5, s19  }
0x9d: {  	s8 =	simm.s32 $0x0;
	s20 =	sshll.u32 s6, $0x1;
	s6 =	sadd.s32 s21, s4  }
0x9e: {  	[timem:s8], [sflag:s22] =	dma.local [hbm:s6], s20  }
0x9f: {  	_ =	swait.ge [sflag:s22], s20  }
0xa0: {  	s5 =	ssub.s32 $0x0, s20;
	[sflag:s22] =	ssyncset.done $0x0  }
0xa1: {  	[sflag:s22] =	ssyncadd.s32 s5;
	_ =	sdelay $0x1  }
0xa2: {  	s23 =	simm.s32 $0x1B8B  }
0xa3: {  	_ =	swait.ge [sflag:s23], $0x1  }
0xa4: {  	[sflag:s23] =	ssyncset.done $0x0  }
0xa5: {  	s25 =	simm.s32 $0x1B8E;
	s24 =	sld [smem:$0x3FFE];
	[sflag:s23] =	ssyncadd.s32 $0xFFFFFFFF  }
0xa6: {  	s26 =	simm.s32 $execute0_lowered;
	[smem:$0x3FD2] =	sst s25  }
0xa7: {  	s6 =	sshll.u32 s26, $0x1;
	_ =	strace $0x80000046;
	[dreg:$0x1] =	wrdreg $0xFFFFFFFF  }
0xa8: {  	s28 =	simm.s32 $_size_execute0_lowered;
	s4 =	sadd.s32 s4, s6;
	[dreg:$0x0] =	wrdreg $0x0  }
0xa9: {  	s6 =	sshll.u32 s28, $0x1;
	[dreg:$0x2] =	wrdreg s4  }
0xaa: {  	[dreg:$0x3] =	wrdreg s6  }
0xab: {  	[dreg:$0x4] =	wrdreg $0xC0  }
0xac: {  	_ =	task [dreg:s8], $0x5FFFF  }
0xad: {  	[dreg:$0x1] =	wrdreg $0xFFFFFFFF  }
0xae: {  	[dreg:$0x0] =	wrdreg $0x60  }
0xaf: {  	[dreg:$0x2] =	wrdreg s24  }
0xb0: {  	[dreg:$0x3] =	wrdreg s2  }
0xb1: {  	[dreg:$0x4] =	wrdreg s18  }
0xb2: {  	[dreg:$0x5] =	wrdreg $0x9  }
0xb3: {  	_ =	task.clear_ibuf [dreg:s8], $0x6FFFF;
	_ =	strace $0x90000046  }
0xb4: {  	s29 =	simm.s32 $0x9;
	_ =	strace $0x80000048  }
0xb5: {  	_ =	swait.ge [sflag:s29], $0x1  }
0xb6: {  	[sflag:s29] =	ssyncadd.s32 $0xFFFFFFFF  }
0xb7: {  	_ =	strace $0x90000048  }
0xb8: {  	_ =	sfence  }
0xb9: {  	s30 =	sld [smem:$0x0];
	_ =	sdelay $0x2  }
0xba: {  	s31 =	sshll.u32 s1, $0xD;
	s1 =	sshrl.u32 s1, $0x2  }
0xbb: {  	s3 =	sand.u32 $0x4000, s31;
	s1 =	sadd.s32 s1, s30  }
0xbc: {  	s0 =	sor.u32 s3, s0;
	s1 =	sshll.u32 s1, $0x11  }
0xbd: {  	s0 =	sor.u32 s1, s0  }
0xbe: {  	s0 =	sadd.s32 $0x8F2B, s0  }
0xbf: {  	[sflag:s0] =	ssyncadd.remote.s32 $0x1  }
0xc0: {  	_ =	sfence.sel $0xFFFF  }
0xc1: {  	[dreg:$0x0] =	wrdreg $0xFFFFFFFF;
	(pc) =	sbr.abs _section_cstart, $3  }
0xc2: {  	[dreg:$0x1] =	wrdreg $0xFFFFFFFF  }
0xc3: {  	_ =	task.clear_ibuf [dreg:s8], $0x2FFFF;
	_ =	strace $0x9FFFFFFF  }
0xc4: {  	(tm) =	ssettm $0x7FFFFFFF  }
0xc5: {  	_ =	shalt  }
tec
execute0_lowered:
.L_overlay_start_1:
0x0: {  	(tag) =	ssettag $0x1  }
0x1: {  	s0 =	rddreg [dreg:$0x0]  }
0x2: {  	s1 =	rddreg [dreg:$0x1];
	s2 =	srdreg.scid  }
0x3: {  	s3 =	stileid.u32;
	s6 =	rddreg [dreg:$0x2];
	s12 =	simm.s32 $0x820  }
0x4: {  	s13 =	simm.s32 $0x80;
	s25 =	simm.s32 $0x10820;
	s28 =	simm.s32 $0x1  }
0x5: {  	s29 =	simm.s32 $0x2;
	s30 =	simm.s32 $0x3;
	s31 =	simm.s32 $0x4  }
0x6: {  	s4 =	sand.u32 $0x1, s2;
	s3 =	sshll.u32 s3, $0x1;
	s2 =	simm.s32 $0x0  }
0x7: {  	s5 =	sor.u32 s4, s3;
	[smem:$0x7FF] =	sst s2;
	s4 =	ssub.s32 $0x2, s4  }
0x8: {  	s3 =	sshll.u32 s5, $0x8;
	_ =	strace $0x80000047;
	s8 =	sshll.u32 s5, $0xB  }
0x9: {  	v0 =	vlaneseq.u32;
	vm0 =	vmmov $0x1;
	vm1 =	vmmov $0x3;
	s10 =	sshll.u32 s5, $0x1;
	s11 =	sshrl.u32 s4, $0x1;
	s5 =	sshll.u32 s5, $0x2  }
0xa: {  	vm2 =	vmmov $0x7;
	vm3 =	vmmov $0xf;
	vm4 =	vmmov $0x1f;
	s7 =	sadd.s32 s3, s0;
	s3 =	sadd.s32 $0xF43200, s0;
	s9 =	sadd.s32 s8, s0  }
0xb: {  	vm5 =	vmmov $0x3f;
	vm6 =	vmmov $0x7f;
	vm7 =	vmmov $0xff;
	s0 =	sadd.s32 s10, s0;
	s26 =	ssub.s32 s4, s11;
	s5 =	sadd.s32 s1, s5  }
0xc: {  	vm8 =	vmmov $0x1ff;
	vm9 =	vmmov $0x3ff;
	v0 =	vmul.u32 $0x200, v0;
	s6 =	sadd.s32 s6, s8;
	s10 =	simm.s32 $0x5;
	s11 =	simm.s32 $0x0  }
0xd: {  	vm10 =	vmmov $0x7ff;
	vm11 =	vmmov $0xfff;
	vm12 =	vmmov $0x1fff;
	s4 =	sadd.s32 $0xE00, s7;
	s7 =	sadd.s32 $0x2E00, s9;
	s8 =	sadd.s32 $0x12E00, s0  }
0xe: {  	vm13 =	vmmov $0x3fff;
	vm14 =	vmmov $0x7fff;
	v1 =	vor.u32 $0x2000, v0;
	s9 =	smax.u32 s26, $0x1;
	s26 =	simm.s32 $0x12820;
	s0 =	simm.s32 $0x18820  }
.LBB2_1:
0xf: {  	[tilespmem:s2], [sflag:$0x5] =	stream.linear.gather [hbm4b:s4+s2], $0x800, $0x38;
	[tilespmem:$0x18830] =	vst v63  }
0x10: {  	_ =	swait.ge [sflag:s10], $0x800  }
0x11: {  	[sflag:s10] =	ssyncset.done $0x0  }
0x12: {  	s1 =	simm.s32 $0x800;
	[sflag:s10] =	ssyncadd.s32 $0xFFFFF800  }
0x13: {  	[tilespmem:s1], [sflag:$0x5] =	stream.linear.gather [hbm4b:s5+s2], $0x20, $0x38;
	[tilespmem:$0x18830] =	vst v63  }
0x14: {  	_ =	swait.ge [sflag:s10], $0x20  }
0x15: {  	[sflag:s10] =	ssyncset.done $0x0  }
0x16: {  	[sflag:s10] =	ssyncadd.s32 $0xFFFFFFE0  }
0x17: {  	[tilespmem:s12], [sflag:$0x5] =	stream.linear.gather [hbm4b:s6+s2], $0x4000, $0x38;
	[tilespmem:$0x18830] =	vst v63  }
0x18: {  	_ =	swait.ge [sflag:s10], $0x4000  }
0x19: {  	[sflag:s10] =	ssyncset.done $0x0  }
0x1a: {  	[sflag:s10] =	ssyncadd.s32 $0xFFFFC000  }
0x1b: {  	v2 =	vld [tilespmem:$0x800];
	_ =	sdelay $0x4  }
0x1c: {  	[tilespmem:v0+s12+$0x0] =	vst.idx.msk $0xffff, v2  }
0x1d: {  	v2 =	vld [tilespmem:$0x810];
	_ =	sdelay $0x4  }
0x1e: {  	s15 =	simm.s32 $0x4820;
	[tilespmem:v1+s12+$0x0] =	vst.idx.msk $0xffff, v2  }
0x1f: {  	[tilespmem:s15], [sflag:$0x1] =	stream.indirect.gather [hbm4b:s3+s13], $0x40, s12, s13, $0xb8;
	[tilespmem:$0x18830] =	vst v63  }
0x20: {  	s16 =	simm.s32 $0x8A0;
	s14 =	simm.s32 $0x6820;
	s17 =	simm.s32 $0x920  }
0x21: {  	[tilespmem:s14], [sflag:$0x1] =	stream.indirect.gather [hbm4b:s3+s13], $0x40, s16, s13, $0xb8;
	[tilespmem:$0x18830] =	vst v63  }
0x22: {  	s18 =	simm.s32 $0x8820;
	s19 =	simm.s32 $0x9A0;
	s20 =	simm.s32 $0xA820  }
0x23: {  	[tilespmem:s18], [sflag:$0x2] =	stream.indirect.gather [hbm4b:s3+s13], $0x40, s17, s13, $0xb8;
	[tilespmem:$0x18830] =	vst v63  }
0x24: {  	s21 =	simm.s32 $0xA20;
	s22 =	simm.s32 $0xC820;
	s23 =	simm.s32 $0xAA0  }
0x25: {  	[tilespmem:s20], [sflag:$0x2] =	stream.indirect.gather [hbm4b:s3+s13], $0x40, s19, s13, $0xb8;
	[tilespmem:$0x18830] =	vst v63  }
0x26: {  	s24 =	simm.s32 $0xE820;
	s15 =	simm.s32 $0x14A20;
	s14 =	simm.s32 $0x14920  }
0x27: {  	[tilespmem:s22], [sflag:$0x3] =	stream.indirect.gather [hbm4b:s3+s13], $0x40, s21, s13, $0xb8;
	[tilespmem:$0x18830] =	vst v63  }
0x28: {  	s16 =	simm.s32 $0x14B20;
	s17 =	simm.s32 $0x14820;
	s18 =	simm.s32 $0x0  }
0x29: {  	v2 =	vimm.f32 $0.0e+00;
	[tilespmem:s24], [sflag:$0x3] =	stream.indirect.gather [hbm4b:s3+s13], $0x40, s23, s13, $0xb8;
	[tilespmem:$0x18830] =	vst v63  }
.LBB2_2:
0x2a: {  	s19 =	sshllo.u32 s18, $0x1  }
0x2b: {  	s20 =	sshll.u32 s19, $0x9  }
0x2c: {  	s21 =	sadd.s32 $0x920, s20  }
0x2d: {  	[tilespmem:s25], [sflag:$0x4] =	stream.indirect.gather [hbm4b:s3+s13], $0x40, s21, s13, $0xb8;
	[tilespmem:$0x18830] =	vst v63  }
0x2e: {  	s20 =	sadd.s32 $0x9A0, s20  }
0x2f: {  	[tilespmem:s26], [sflag:$0x4] =	stream.indirect.gather [hbm4b:s3+s13], $0x40, s20, s13, $0xb8;
	[tilespmem:$0x18830] =	vst v63  }
0x30: {  	_ =	swait.ge [sflag:s28], $0x2000  }
0x31: {  	[sflag:s28] =	ssyncset.done $0x0  }
0x32: {  	[sflag:s28] =	ssyncadd.s32 $0xFFFFE000  }
0x33: {  	_ =	swait.ge [sflag:s28], $0x2000  }
0x34: {  	s24 =	sshll.u32 s18, $0x7;
	[sflag:s28] =	ssyncset.done $0x0  }
0x35: {  	s21 =	sand.u32 $0x3FFFFF80, s24;
	[sflag:s28] =	ssyncadd.s32 $0xFFFFE000  }
0x36: {  	v5 =	vld [tilespmem:s21+$0x0]  }
0x37: {  	v6 =	vld [tilespmem:s21+$0x10]  }
0x38: {  	v3 =	vld [tilespmem:s21+$0x20]  }
0x39: {  	s20 =	simm.s32 $0x4A20;
	v4 =	vld [tilespmem:s21+$0x30]  }
0x3a: {  	v7 =	vld [tilespmem:s20+$0x180]  }
0x3b: {  	v10 =	vld [tilespmem:s20+$0x190]  }
0x3c: {  	v11 =	vld [tilespmem:s20+$0x1A0]  }
0x3d: {  	v13 =	vld [tilespmem:s20+$0x1B0]  }
0x3e: {  	v8 =	vld [tilespmem:s20+$0x140]  }
0x3f: {  	v14 =	vld [tilespmem:s20+$0x100]  }
0x40: {  	v15 =	vld [tilespmem:s20+$0x110]  }
0x41: {  	v16 =	vld [tilespmem:s20+$0x120]  }
0x42: {  	v17 =	vld [tilespmem:s20+$0x130]  }
0x43: {  	v18 =	vld [tilespmem:s20+$0xC0]  }
0x44: {  	v19 =	vld [tilespmem:s20+$0xD0]  }
0x45: {  	v20 =	vld [tilespmem:s20+$0xE0]  }
0x46: {  	v21 =	vld [tilespmem:s20+$0xF0]  }
0x47: {  	v9 =	vld [tilespmem:s20+$0x80]  }
0x48: {  	v22 =	vld [tilespmem:s20+$0x40]  }
0x49: {  	v23 =	vld [tilespmem:s20+$0x50]  }
0x4a: {  	v24 =	vld [tilespmem:s20+$0x60]  }
0x4b: {  	v25 =	vld [tilespmem:s20+$0x70]  }
0x4c: {  	v26 =	vld [tilespmem:s20+$0x0]  }
0x4d: {  	v27 =	vld [tilespmem:s20+$0x10]  }
0x4e: {  	v28 =	vld [tilespmem:s20+$0x20];
	v7 =	vmul.f32 v7, v5  }
0x4f: {  	v29 =	vld [tilespmem:s20+$0x30];
	v10 =	vmul.f32 v10, v6;
	v11 =	vmul.f32 v11, v3  }
0x50: {  	v12 =	vld [tilespmem:s20+$0xFFFFFFC0];
	v13 =	vmul.f32 v13, v4;
	v22 =	vmul.f32 v22, v5  }
0x51: {  	v30 =	vld [tilespmem:s20+$0xFFFFFF80];
	v23 =	vmul.f32 v23, v6;
	v7 =	vadd.f32 v10, v7;
	v10 =	vmul.f32 v14, v5  }
0x52: {  	v31 =	vld [tilespmem:s20+$0xFFFFFF90];
	v14 =	vmul.f32 v15, v6;
	v11 =	vadd.f32 v13, v11;
	v13 =	vmul.f32 v16, v3  }
0x53: {  	v32 =	vld [tilespmem:s20+$0xFFFFFFA0];
	v15 =	vmul.f32 v17, v4;
	v17 =	vmul.f32 v19, v6  }
0x54: {  	v33 =	vld [tilespmem:s20+$0xFFFFFFB0];
	v19 =	vmul.f32 v21, v4;
	v10 =	vadd.f32 v14, v10;
	v14 =	vmul.f32 v18, v5  }
0x55: {  	v16 =	vld [tilespmem:s20+$0xFFFFFF40];
	v7 =	vadd.f32 v11, v7;
	v11 =	vmul.f32 v20, v3;
	v13 =	vadd.f32 v15, v13  }
0x56: {  	v21 =	vld [tilespmem:s20+$0xFFFFFF70];
	v14 =	vadd.f32 v17, v14;
	v17 =	vmul.f32 v24, v3;
	v24 =	vmul.f32 v25, v4  }
0x57: {  	v18 =	vld [tilespmem:s20+$0xFFFFFF50];
	v10 =	vadd.f32 v13, v10;
	v11 =	vadd.f32 v19, v11  }
0x58: {  	v20 =	vld [tilespmem:s20+$0xFFFFFF60];
	v19 =	vadd.f32 v23, v22;
	(xrf2) =	vadd.scan.msk.f32 $0xffff, v7;
	v17 =	vadd.f32 v24, v17  }
0x59: {  	v15 =	vld [tilespmem:s20+$0xFFFFFF00];
	v7 =	vadd.f32 v11, v14;
	(xrf2) =	vadd.scan.msk.f32 $0xffff, v10;
	v10 =	vmul.f32 v26, v5;
	v14 =	vmul.f32 v27, v6  }
0x5a: {  	v13 =	vld [tilespmem:s20+$0xFFFFFEC0];
	v24 =	vmul.f32 v29, v4;
	v17 =	vadd.f32 v17, v19;
	v19 =	vmul.f32 v28, v3  }
0x5b: {  	v22 =	vld [tilespmem:s20+$0xFFFFFED0];
	(xrf2) =	vadd.scan.msk.f32 $0xffff, v7  }
0x5c: {  	v23 =	vld [tilespmem:s20+$0xFFFFFEF0];
	v10 =	vadd.f32 v14, v10;
	(xrf2) =	vadd.scan.msk.f32 $0xffff, v17;
	v17 =	vadd.f32 v24, v19  }
0x5d: {  	v25 =	vmul.f32 v31, v6;
	v11 =	vld [tilespmem:s20+$0xFFFFFEE0];
	v14 =	vmul.f32 v30, v5  }
0x5e: {  	v26 =	vld [tilespmem:s20+$0xFFFFFE90];
	v28 =	vmul.f32 v16, v5;
	v29 =	vadd.f32 v17, v10;
	v10 =	vmul.f32 v20, v3  }
0x5f: {  	v27 =	vld [tilespmem:s20+$0xFFFFFEA0];
	v19 =	vmul.f32 v32, v3;
	v24 =	vmul.f32 v33, v4  }
0x60: {  	v7 =	vld [tilespmem:s20+$0xFFFFFE80];
	v13 =	vmul.f32 v13, v5;
	v20 =	vmul.f32 v21, v4  }
0x61: {  	v16 =	vld [tilespmem:s20+$0xFFFFFE00];
	v22 =	vmul.f32 v22, v6;
	v14 =	vadd.f32 v25, v14;
	v19 =	vadd.f32 v24, v19  }
0x62: {  	v18 =	vmul.f32 v18, v6;
	v25 =	vld [tilespmem:s20+$0xFFFFFEB0];
	v24 =	vadd.f32 v20, v10;
	v10, _, _ =	vpop (xrf2);
	(xrf2) =	vadd.scan.msk.f32 $0xffff, v29  }
0x63: {  	v62 =	vadd.f32 v22, v13;
	v22 =	vld [tilespmem:s20+$0xFFFFFE60];
	v14 =	vadd.f32 v19, v14  }
0x64: {  	v17 =	vld [tilespmem:s20+$0xFFFFFE10];
	v21 =	vadd.f32 v18, v28  }
0x65: {  	v23 =	vmul.f32 v23, v4;
	v18 =	vld [tilespmem:s20+$0xFFFFFE20];
	v28 =	vmul.f32 v11, v3;
	v11, _, _ =	vpop (xrf2);
	(xrf2) =	vadd.scan.msk.f32 $0xffff, v14  }
0x66: {  	v20 =	vld [tilespmem:s20+$0xFFFFFE30];
	v24 =	vadd.f32 v24, v21  }
0x67: {  	v63 =	vmul.f32 v26, v6;
	v19 =	vld [tilespmem:s20+$0xFFFFFE40];
	v28 =	vadd.f32 v23, v28;
	v29 =	vmul.f32 v7, v5  }
0x68: {  	v26 =	vmul.f32 v27, v3;
	v27 =	vmul.f32 v25, v4;
	v21 =	vld [tilespmem:s20+$0xFFFFFE50];
	v13, _, _ =	vpop (xrf2);
	(xrf2) =	vadd.scan.msk.f32 $0xffff, v24  }
0x69: {  	s22 =	sshll.u32 s18, $0xC;
	s23 =	simm.s32 $0x0;
	s24 =	simm.s32 $0x40;
	v23 =	vld [tilespmem:s20+$0xFFFFFE70];
	v7 =	vmov s17;
	v25 =	vadd.f32 v63, v29;
	v24 =	vadd.f32 v28, v62;
	v14, _, _ =	vpop (xrf2)  }
.LBB2_3:
0x6a: {  	p0 =	sne.s32 s24, $0x3C0;
	v16 =	vmul.f32 v16, v5;
	v17 =	vmul.f32 v17, v6;
	v26 =	vadd.f32 v27, v26;
	v27 =	vld [tilespmem:s20+$0xFFFFFF10]  }
0x6b: {  	v18 =	vmul.f32 v18, v3;
	v20 =	vmul.f32 v20, v4;
	v28 =	vld [tilespmem:s20+$0xFFFFFF20];
	(xrf2) =	vadd.scan.msk.f32 $0xffff, v24  }
0x6c: {  	v16 =	vadd.f32 v17, v16;
	v17 =	vadd.f32 v26, v25;
	v24 =	vld [tilespmem:s20+$0xFFFFFF30];
	v25, _, _ =	vpop (xrf2)  }
0x6d: {  	v19 =	vmul.f32 v19, v5;
	v29 =	vadd.f32 v20, v18;
	v20 =	vmul.f32 v21, v6;
	v21 =	vld [tilespmem:s20+$0xFFFFFFD0]  }
0x6e: {  	v22 =	vmul.f32 v22, v3;
	v23 =	vmul.f32 v23, v4;
	v26 =	vld [tilespmem:s20+$0xFFFFFFE0];
	(xrf2) =	vadd.scan.msk.f32 $0xffff, v17  }
0x6f: {  	v15 =	vmul.f32 v15, v5;
	v16 =	vadd.f32 v29, v16;
	v17 =	vld [tilespmem:s20+$0xFFFFFFF0];
	v18, _, _ =	vpop (xrf2)  }
0x70: {  	v19 =	vadd.f32 v20, v19;
	v29 =	vadd.f32 v23, v22;
	v22 =	vmul.f32 v27, v6;
	v23 =	vld [tilespmem:s20+$0x90]  }
0x71: {  	v27 =	vmul.f32 v28, v3;
	v24 =	vmul.f32 v24, v4;
	v28 =	vld [tilespmem:s20+$0xA0];
	(xrf2) =	vadd.scan.msk.f32 $0xffff, v16  }
0x72: {  	v12 =	vmul.f32 v12, v5;
	v16 =	vadd.f32 v29, v19;
	v19 =	vld [tilespmem:s20+$0xB0];
	v20, _, _ =	vpop (xrf2)  }
0x73: {  	v15 =	vadd.f32 v22, v15;
	v21 =	vmul.f32 v21, v6;
	v29 =	vadd.f32 v24, v27;
	v24 =	vld [tilespmem:s20+$0x150]  }
0x74: {  	v26 =	vmul.f32 v26, v3;
	v17 =	vmul.f32 v17, v4;
	v27 =	vld [tilespmem:s20+$0x160];
	(xrf2) =	vadd.scan.msk.f32 $0xffff, v16  }
0x75: {  	v9 =	vmul.f32 v9, v5;
	v15 =	vadd.f32 v29, v15;
	v16 =	vld [tilespmem:s20+$0x170];
	v22, _, _ =	vpop (xrf2)  }
0x76: {  	v12 =	vadd.f32 v21, v12;
	v21 =	vmul.f32 v23, v6;
	v29 =	vadd.f32 v17, v26;
	v23 =	vld [tilespmem:s20+$0x1C0]  }
0x77: {  	v26 =	vmul.f32 v28, v3;
	v19 =	vmul.f32 v19, v4;
	v28 =	vld [tilespmem:s20+$0x1D0];
	(xrf2) =	vadd.scan.msk.f32 $0xffff, v15  }
0x78: {  	v8 =	vmul.f32 v8, v5;
	v29 =	vadd.f32 v29, v12;
	v15 =	vld [tilespmem:s20+$0x1E0];
	v17, _, _ =	vpop (xrf2)  }
0x79: {  	v9 =	vadd.f32 v21, v9;
	v21 =	vmul.f32 v24, v6;
	v19 =	vadd.f32 v19, v26;
	v24 =	vld [tilespmem:s20+$0x1F0]  }
0x7a: {  	v26 =	vmul.f32 v27, v3;
	v16 =	vmul.f32 v16, v4;
	(xrf2) =	vadd.scan.msk.f32 $0xffff, v29  }
0x7b: {  	v9 =	vadd.f32 v19, v9;
	v12, _, _ =	vpop (xrf2)  }
0x7c: {  	v8 =	vadd.f32 v21, v8;
	v26 =	vadd.f32 v16, v26  }
0x7d: {  	v19 =	vmul.f32 v23, v5;
	v21 =	vmul.f32 v28, v6;
	(xrf2) =	vadd.scan.msk.f32 $0xffff, v9  }
0x7e: {  	v9 =	vmul.f32 v15, v3;
	v8 =	vadd.f32 v26, v8;
	v15 =	vmul.f32 v24, v4;
	v16, _, _ =	vpop (xrf2)  }
0x7f: {  	v12 =	vbroadcast v12, $0xF;
	v23 =	vbroadcast v16, $0xF  }
0x80: {  	v19 =	vadd.f32 v21, v19;
	v9 =	vadd.f32 v15, v9;
	v15 =	vbroadcast v17, $0xF;
	(xrf2) =	vadd.scan.msk.f32 $0xffff, v8  }
0x81: {  	v8 =	vsel vm0, v12, v23;
	v12 =	vbroadcast v22, $0xF;
	v16, _, _ =	vpop (xrf2)  }
0x82: {  	v9 =	vadd.f32 v9, v19;
	v8 =	vsel vm1, v8, v15;
	v15 =	vbroadcast v16, $0xF  }
0x83: {  	v8 =	vsel vm2, v8, v12;
	v12 =	vbroadcast v20, $0xF  }
0x84: {  	v8 =	vsel vm3, v8, v15;
	v15 =	vbroadcast v18, $0xF;
	v16, _, _ =	vpop (xrf2);
	(xrf2) =	vadd.scan.msk.f32 $0xffff, v9  }
0x85: {  	v8 =	vsel vm4, v8, v12;
	v9 =	vbroadcast v16, $0xF  }
0x86: {  	v12 =	vbroadcast v25, $0xF;
	v8 =	vsel vm5, v8, v15  }
0x87: {  	v8 =	vsel vm6, v8, v9;
	v9 =	vbroadcast v14, $0xF;
	v14, _, _ =	vpop (xrf2)  }
0x88: {  	v8 =	vsel vm7, v8, v12;
	v14 =	vbroadcast v14, $0xF  }
0x89: {  	v8 =	vsel vm8, v8, v9;
	v9 =	vbroadcast v13, $0xF  }
0x8a: {  	v11 =	vbroadcast v11, $0xF;
	v8 =	vsel vm9, v8, v14;
	v12, _, _ =	vpop (xrf2)  }
0x8b: {  	v8 =	vsel vm10, v8, v9;
	v12 =	vbroadcast v12, $0xF  }
0x8c: {  	v10 =	vbroadcast v10, $0xF;
	v8 =	vsel vm11, v8, v11  }
0x8d: {  	v8 =	vsel vm12, v8, v12  }
0x8e: {  	v8 =	vsel vm13, v8, v10;
	v9, _, _ =	vpop (xrf2)  }
0x8f: {  	v8 =	vsel vm14, v8, v9  }
0x90: {  	v8 =	vmul.f32 $1.428571410e+01, v8;
	_ =	sdelay $0x1  }
0x91: {  	v8 =	vmul.f32 $1.442695020e+00, v8;
	_ =	sdelay $0x1  }
0x92: {  	(erf) = vpow2.f32 v8;
	_ =	sdelay $0x8  }
0x93: {  	s1 =	sshra.s32 s23, $0x2;
	s23 =	smov.u32 s24;
	v8 =	vpop (erf)  }
0x94: {  	s20 =	sadd.s32 $0x400, s20;
	[tilespmem:v7+s1+$0x0 ss:$0x1] =	vst.idx.msk $0xffff, v8;
	v2 =	vadd.f32 v8, v2  }
0x95: {  	v10 =	vld [tilespmem:s20+$0x180]  }
0x96: {  	v11 =	vld [tilespmem:s20+$0x190]  }
0x97: {  	v13 =	vld [tilespmem:s20+$0x1A0]  }
0x98: {  	v14 =	vld [tilespmem:s20+$0x1B0]  }
0x99: {  	v8 =	vld [tilespmem:s20+$0x140]  }
0x9a: {  	v15 =	vld [tilespmem:s20+$0x100]  }
0x9b: {  	v16 =	vld [tilespmem:s20+$0x110]  }
0x9c: {  	v17 =	vld [tilespmem:s20+$0x120]  }
0x9d: {  	v18 =	vld [tilespmem:s20+$0x130]  }
0x9e: {  	v19 =	vld [tilespmem:s20+$0xC0]  }
0x9f: {  	v20 =	vld [tilespmem:s20+$0xD0]  }
0xa0: {  	v21 =	vld [tilespmem:s20+$0xE0]  }
0xa1: {  	v22 =	vld [tilespmem:s20+$0xF0]  }
0xa2: {  	v9 =	vld [tilespmem:s20+$0x80]  }
0xa3: {  	v23 =	vld [tilespmem:s20+$0x40]  }
0xa4: {  	v24 =	vld [tilespmem:s20+$0x50]  }
0xa5: {  	v25 =	vld [tilespmem:s20+$0x60]  }
0xa6: {  	v26 =	vld [tilespmem:s20+$0x70]  }
0xa7: {  	v27 =	vld [tilespmem:s20+$0x0]  }
0xa8: {  	v28 =	vld [tilespmem:s20+$0x10]  }
0xa9: {  	v29 =	vld [tilespmem:s20+$0x20]  }
0xaa: {  	v10 =	vmul.f32 v10, v5;
	v11 =	vmul.f32 v11, v6;
	v30 =	vld [tilespmem:s20+$0x30]  }
0xab: {  	v13 =	vmul.f32 v13, v3;
	v14 =	vmul.f32 v14, v4;
	v12 =	vld [tilespmem:s20+$0xFFFFFFC0]  }
0xac: {  	v10 =	vadd.f32 v11, v10;
	v31 =	vld [tilespmem:s20+$0xFFFFFF80]  }
0xad: {  	v15 =	vmul.f32 v15, v5;
	v13 =	vadd.f32 v14, v13;
	v16 =	vmul.f32 v16, v6;
	v11 =	vld [tilespmem:s20+$0xFFFFFF90]  }
0xae: {  	v17 =	vmul.f32 v17, v3;
	v18 =	vmul.f32 v18, v4;
	v14 =	vld [tilespmem:s20+$0xFFFFFFA0]  }
0xaf: {  	v10 =	vadd.f32 v13, v10;
	v15 =	vadd.f32 v16, v15;
	v32 =	vld [tilespmem:s20+$0xFFFFFFB0]  }
0xb0: {  	v16 =	vmul.f32 v19, v5;
	v19 =	vmul.f32 v20, v6;
	v17 =	vadd.f32 v18, v17;
	v13 =	vld [tilespmem:s20+$0xFFFFFF40]  }
0xb1: {  	v20 =	vmul.f32 v21, v3;
	v21 =	vmul.f32 v22, v4;
	v18 =	vld [tilespmem:s20+$0xFFFFFF50];
	(xrf2) =	vadd.scan.msk.f32 $0xffff, v10  }
0xb2: {  	v10 =	vadd.f32 v19, v16;
	v16 =	vadd.f32 v17, v15;
	v22 =	vld [tilespmem:s20+$0xFFFFFF60]  }
0xb3: {  	v20 =	vadd.f32 v21, v20;
	v19 =	vmul.f32 v23, v5;
	v23 =	vmul.f32 v24, v6;
	v17 =	vld [tilespmem:s20+$0xFFFFFF70]  }
0xb4: {  	v21 =	vmul.f32 v25, v3;
	v24 =	vmul.f32 v26, v4;
	v15 =	vld [tilespmem:s20+$0xFFFFFF00];
	(xrf2) =	vadd.scan.msk.f32 $0xffff, v16  }
0xb5: {  	v10 =	vadd.f32 v20, v10;
	v16 =	vadd.f32 v23, v19;
	v25 =	vld [tilespmem:s20+$0xFFFFFEC0]  }
0xb6: {  	v20 =	vmul.f32 v27, v5;
	v21 =	vadd.f32 v24, v21;
	v23 =	vmul.f32 v28, v6;
	v19 =	vld [tilespmem:s20+$0xFFFFFED0]  }
0xb7: {  	v26 =	vmul.f32 v29, v3;
	v27 =	vmul.f32 v30, v4;
	v24 =	vld [tilespmem:s20+$0xFFFFFEE0];
	(xrf2) =	vadd.scan.msk.f32 $0xffff, v10  }
0xb8: {  	v30 =	vadd.f32 v23, v20;
	v16 =	vadd.f32 v21, v16;
	v28 =	vld [tilespmem:s20+$0xFFFFFEF0]  }
0xb9: {  	v11 =	vmul.f32 v11, v6;
	v20 =	vmul.f32 v31, v5;
	v21 =	vadd.f32 v27, v26;
	v23 =	vld [tilespmem:s20+$0xFFFFFE80]  }
0xba: {  	v14 =	vmul.f32 v14, v3;
	v27 =	vmul.f32 v32, v4;
	v26 =	vld [tilespmem:s20+$0xFFFFFE90];
	(xrf2) =	vadd.scan.msk.f32 $0xffff, v16  }
0xbb: {  	v31 =	vadd.f32 v11, v20;
	v20 =	vadd.f32 v21, v30;
	v29 =	vld [tilespmem:s20+$0xFFFFFEA0];
	v10, _, _ =	vpop (xrf2)  }
0xbc: {  	v13 =	vmul.f32 v13, v5;
	v18 =	vmul.f32 v18, v6;
	v14 =	vadd.f32 v27, v14;
	v30 =	vld [tilespmem:s20+$0xFFFFFEB0]  }
0xbd: {  	v21 =	vmul.f32 v22, v3;
	v22 =	vmul.f32 v17, v4;
	v16 =	vld [tilespmem:s20+$0xFFFFFE00];
	(xrf2) =	vadd.scan.msk.f32 $0xffff, v20  }
0xbe: {  	v32 =	vadd.f32 v18, v13;
	v14 =	vadd.f32 v14, v31;
	v17 =	vld [tilespmem:s20+$0xFFFFFE10];
	v11, _, _ =	vpop (xrf2)  }
0xbf: {  	v25 =	vmul.f32 v25, v5;
	v21 =	vadd.f32 v22, v21;
	v27 =	vmul.f32 v19, v6;
	v18 =	vld [tilespmem:s20+$0xFFFFFE20]  }
.Ltmp0:
0xc0: {  	v22 =	vmul.f32 v24, v3;
	v24 =	vmul.f32 v28, v4;
	v20 =	vld [tilespmem:s20+$0xFFFFFE30];
	(xrf2) =	vadd.scan.msk.f32 $0xffff, v14;
	(pc) =	sbr.rel @p0 .LBB2_3-.Ltmp0, $4  }
0xc1: {  	v33 =	vadd.f32 v27, v25;
	v25 =	vadd.f32 v21, v32;
	v19 =	vld [tilespmem:s20+$0xFFFFFE40];
	v13, _, _ =	vpop (xrf2)  }
0xc2: {  	v28 =	vmul.f32 v23, v5;
	v31 =	vmul.f32 v26, v6;
	v24 =	vadd.f32 v24, v22;
	v21 =	vld [tilespmem:s20+$0xFFFFFE50]  }
0xc3: {  	v26 =	vmul.f32 v29, v3;
	v27 =	vmul.f32 v30, v4;
	v22 =	vld [tilespmem:s20+$0xFFFFFE60];
	(xrf2) =	vadd.scan.msk.f32 $0xffff, v25  }
0xc4: {  	s24 =	sadd.s32 $0x40, s24;
	v24 =	vadd.f32 v24, v33;
	v25 =	vadd.f32 v31, v28;
	v23 =	vld [tilespmem:s20+$0xFFFFFE70];
	v14, _, _ =	vpop (xrf2)  }
0xc5: {  	v28 =	vld [tilespmem:s20+$0xFFFFFF10]  }
0xc6: {  	v16 =	vmul.f32 v16, v5;
	v17 =	vmul.f32 v17, v6;
	v29 =	vld [tilespmem:s20+$0xFFFFFF20]  }
0xc7: {  	v18 =	vmul.f32 v18, v3;
	v20 =	vmul.f32 v20, v4;
	v30 =	vld [tilespmem:s20+$0xFFFFFF30];
	v26 =	vadd.f32 v27, v26  }
0xc8: {  	v27 =	vld [tilespmem:s20+$0xFFFFFFD0];
	v19 =	vmul.f32 v19, v5;
	v21 =	vmul.f32 v21, v6;
	v16 =	vadd.f32 v17, v16  }
0xc9: {  	v18 =	vadd.f32 v20, v18;
	v20 =	vld [tilespmem:s20+$0xFFFFFFF0];
	v17 =	vmul.f32 v22, v3;
	v22 =	vmul.f32 v23, v4  }
0xca: {  	v15 =	vmul.f32 v15, v5;
	v25 =	vadd.f32 v26, v25;
	v23 =	vld [tilespmem:s20+$0xFFFFFFE0]  }
0xcb: {  	v26 =	vld [tilespmem:s20+$0xA0];
	v19 =	vadd.f32 v21, v19;
	v21 =	vmul.f32 v28, v6;
	v17 =	vadd.f32 v22, v17  }
0xcc: {  	(xrf2) =	vadd.scan.msk.f32 $0xffff, v24;
	v16 =	vadd.f32 v18, v16;
	v18 =	vmul.f32 v29, v3;
	v24 =	vmul.f32 v30, v4;
	v22 =	vld [tilespmem:s20+$0x90]  }
0xcd: {  	v12 =	vmul.f32 v12, v5;
	(xrf2) =	vadd.scan.msk.f32 $0xffff, v25;
	v17 =	vadd.f32 v17, v19;
	v19 =	vld [tilespmem:s20+$0xB0]  }
0xce: {  	(xrf2) =	vadd.scan.msk.f32 $0xffff, v16;
	v15 =	vadd.f32 v21, v15;
	v16 =	vadd.f32 v24, v18;
	v18 =	vmul.f32 v27, v6  }
0xcf: {  	v20 =	vmul.f32 v20, v4;
	v23 =	vmul.f32 v23, v3  }
0xd0: {  	v9 =	vmul.f32 v9, v5;
	v21 =	vld [tilespmem:s20+$0x150];
	v15 =	vadd.f32 v16, v15;
	(xrf2) =	vadd.scan.msk.f32 $0xffff, v17  }
0xd1: {  	v12 =	vadd.f32 v18, v12;
	v17 =	vadd.f32 v20, v23;
	v18 =	vmul.f32 v22, v6  }
0xd2: {  	v24 =	vld [tilespmem:s20+$0x160];
	v22 =	vmul.f32 v26, v3;
	v19 =	vmul.f32 v19, v4  }
0xd3: {  	v16 =	vld [tilespmem:s20+$0x170];
	v12 =	vadd.f32 v17, v12  }
0xd4: {  	v20 =	vld [tilespmem:s20+$0x1C0];
	(xrf2) =	vadd.scan.msk.f32 $0xffff, v15;
	v15, _, _ =	vpop (xrf2);
	v9 =	vadd.f32 v18, v9;
	v18 =	vadd.f32 v19, v22  }
0xd5: {  	v23 =	vld [tilespmem:s20+$0x1D0];
	v25, _, _ =	vpop (xrf2);
	v19 =	vmul.f32 v21, v6  }
0xd6: {  	v17 =	vld [tilespmem:s20+$0x1E0];
	v22, _, _ =	vpop (xrf2);
	v9 =	vadd.f32 v18, v9  }
0xd7: {  	v8 =	vmul.f32 v8, v5;
	v21 =	vld [tilespmem:s20+$0x1F0];
	(xrf2) =	vadd.scan.msk.f32 $0xffff, v12;
	v12, _, _ =	vpop (xrf2)  }
0xd8: {  	v24 =	vmul.f32 v24, v3;
	v16 =	vmul.f32 v16, v4;
	v18, _, _ =	vpop (xrf2)  }
0xd9: {  	v8 =	vadd.f32 v19, v8;
	v19, _, _ =	vpop (xrf2)  }
0xda: {  	v16 =	vadd.f32 v16, v24;
	v5 =	vmul.f32 v20, v5;
	(xrf2) =	vadd.scan.msk.f32 $0xffff, v9;
	v9, _, _ =	vpop (xrf2)  }
0xdb: {  	v6 =	vmul.f32 v23, v6;
	v9 =	vbroadcast v9, $0xF  }
0xdc: {  	v3 =	vmul.f32 v17, v3;
	v8 =	vadd.f32 v16, v8;
	v4 =	vmul.f32 v21, v4  }
0xdd: {  	v5 =	vadd.f32 v6, v5;
	v16 =	vbroadcast v19, $0xF  }
0xde: {  	(xrf2) =	vadd.scan.msk.f32 $0xffff, v8;
	v8 =	vbroadcast v12, $0xF;
	v3 =	vadd.f32 v4, v3;
	v4 =	vbroadcast v18, $0xF  }
0xdf: {  	v6 =	vsel vm0, v16, v9;
	v9, _, _ =	vpop (xrf2)  }
0xe0: {  	v3 =	vadd.f32 v3, v5;
	v4 =	vsel vm1, v6, v4;
	v5 =	vbroadcast v9, $0xF  }
0xe1: {  	v6 =	vbroadcast v22, $0xF;
	v4 =	vsel vm2, v4, v8  }
0xe2: {  	v8, _, _ =	vpop (xrf2);
	v4 =	vsel vm3, v4, v5;
	v5 =	vbroadcast v25, $0xF  }
0xe3: {  	(xrf2) =	vadd.scan.msk.f32 $0xffff, v3;
	v3 =	vsel vm4, v4, v6;
	v4 =	vbroadcast v8, $0xF  }
0xe4: {  	v3 =	vsel vm5, v3, v5;
	v5 =	vbroadcast v15, $0xF  }
0xe5: {  	v6, _, _ =	vpop (xrf2);
	v3 =	vsel vm6, v3, v4;
	v4 =	vbroadcast v14, $0xF  }
0xe6: {  	v3 =	vsel vm7, v3, v5;
	v5 =	vbroadcast v6, $0xF  }
0xe7: {  	v3 =	vsel vm8, v3, v4;
	v4 =	vbroadcast v13, $0xF  }
0xe8: {  	v6, _, _ =	vpop (xrf2);
	v3 =	vsel vm9, v3, v5  }
0xe9: {  	v5 =	vbroadcast v11, $0xF;
	v3 =	vsel vm10, v3, v4;
	v4 =	vbroadcast v6, $0xF;
	_ =	sdelay $0x1  }
0xea: {  	v3 =	vsel vm11, v3, v5;
	v5 =	vbroadcast v10, $0xF  }
0xeb: {  	v3 =	vsel vm12, v3, v4  }
0xec: {  	v3 =	vsel vm13, v3, v5;
	v4, _, _ =	vpop (xrf2)  }
0xed: {  	v3 =	vsel vm14, v3, v4  }
0xee: {  	v3 =	vmul.f32 $1.428571410e+01, v3;
	_ =	sdelay $0x1  }
0xef: {  	v3 =	vmul.f32 $1.442695020e+00, v3;
	_ =	sdelay $0x1  }
0xf0: {  	(erf) = vpow2.f32 v3;
	_ =	sdelay $0x7  }
0xf1: {  	p0 =	seq.s32 s18, $0xF  }
0xf2: {  	s1 =	sshra.s32 s23, $0x2;
	s20 =	sshrl.u32 @!p0 s22, $0x2;
	v13 =	vpop (erf)  }
0xf3: {  	s23 =	simm.s32 @!p0 $0x4820;
	s22 =	simm.s32 @!p0 $0x80;
	[tilespmem:v7+s1+$0x0 ss:$0x1] =	vst.idx.msk $0xffff, v13;
	s1 =	sadd.s32 @!p0 $0xC20, s20  }
0xf4: {  	[tilespmem:s23], [sflag:$0x1] =	stream.indirect.gather @!p0 [hbm4b:s3+s22], $0x40, s1, s22, $0xb8;
	[tilespmem:$0x18830] =	vst v63  }
0xf5: {  	s1 =	sadd.s32 @!p0 $0xCA0, s20;
	s23 =	simm.s32 @!p0 $0x6820  }
0xf6: {  	[tilespmem:s23], [sflag:$0x1] =	stream.indirect.gather @!p0 [hbm4b:s3+s22], $0x40, s1, s22, $0xb8;
	[tilespmem:$0x18830] =	vst v63  }
0xf7: {  	_ =	swait.ge [sflag:s29], $0x2000  }
0xf8: {  	[sflag:s29] =	ssyncset.done $0x0  }
0xf9: {  	[sflag:s29] =	ssyncadd.s32 $0xFFFFE000  }
0xfa: {  	_ =	swait.ge [sflag:s29], $0x2000  }
0xfb: {  	[sflag:s29] =	ssyncset.done $0x0  }
0xfc: {  	[sflag:s29] =	ssyncadd.s32 $0xFFFFE000  }
0xfd: {  	v5 =	vld [tilespmem:s21+$0x0]  }
0xfe: {  	v6 =	vld [tilespmem:s21+$0x10]  }
0xff: {  	v3 =	vld [tilespmem:s21+$0x20]  }
0x100: {  	v4 =	vld [tilespmem:s21+$0x30];
	s21 =	simm.s32 $0x8A20  }
0x101: {  	v7 =	vld [tilespmem:s21+$0x180]  }
0x102: {  	v10 =	vld [tilespmem:s21+$0x190]  }
0x103: {  	v11 =	vld [tilespmem:s21+$0x1A0]  }
0x104: {  	v14 =	vld [tilespmem:s21+$0x1B0]  }
0x105: {  	v8 =	vld [tilespmem:s21+$0x140]  }
0x106: {  	v15 =	vld [tilespmem:s21+$0x100]  }
0x107: {  	v16 =	vld [tilespmem:s21+$0x110]  }
0x108: {  	v17 =	vld [tilespmem:s21+$0x120]  }
0x109: {  	v18 =	vld [tilespmem:s21+$0x130]  }
0x10a: {  	v19 =	vld [tilespmem:s21+$0xC0]  }
0x10b: {  	v20 =	vld [tilespmem:s21+$0xD0]  }
0x10c: {  	v21 =	vld [tilespmem:s21+$0xE0]  }
0x10d: {  	v22 =	vld [tilespmem:s21+$0xF0]  }
0x10e: {  	v9 =	vld [tilespmem:s21+$0x80]  }
0x10f: {  	v23 =	vld [tilespmem:s21+$0x40]  }
0x110: {  	v24 =	vld [tilespmem:s21+$0x50]  }
0x111: {  	v25 =	vld [tilespmem:s21+$0x60]  }
0x112: {  	v26 =	vld [tilespmem:s21+$0x70]  }
0x113: {  	v27 =	vld [tilespmem:s21+$0x0]  }
0x114: {  	v28 =	vld [tilespmem:s21+$0x10]  }
0x115: {  	v29 =	vld [tilespmem:s21+$0x20]  }
0x116: {  	v61 =	vld [tilespmem:s21+$0x30];
	v7 =	vmul.f32 v7, v5;
	v10 =	vmul.f32 v10, v6  }
0x117: {  	v12 =	vld [tilespmem:s21+$0xFFFFFFC0];
	v11 =	vmul.f32 v11, v3;
	v14 =	vmul.f32 v14, v4  }
0x118: {  	v31 =	vld [tilespmem:s21+$0xFFFFFF80];
	v7 =	vadd.f32 v10, v7;
	v10 =	vmul.f32 v15, v5;
	v15 =	vmul.f32 v16, v6  }
0x119: {  	v32 =	vld [tilespmem:s21+$0xFFFFFF90];
	v23 =	vmul.f32 v23, v5;
	v24 =	vmul.f32 v24, v6;
	v11 =	vadd.f32 v14, v11  }
0x11a: {  	v33 =	vld [tilespmem:s21+$0xFFFFFFA0];
	v14 =	vmul.f32 v17, v3;
	v17 =	vmul.f32 v18, v4;
	v10 =	vadd.f32 v15, v10  }
0x11b: {  	v16 =	vld [tilespmem:s21+$0xFFFFFFB0];
	v15 =	vmul.f32 v19, v5;
	v19 =	vmul.f32 v20, v6;
	v7 =	vadd.f32 v11, v7  }
0x11c: {  	v18 =	vld [tilespmem:s21+$0xFFFFFF40];
	v11 =	vmul.f32 v21, v3;
	v21 =	vmul.f32 v22, v4;
	v14 =	vadd.f32 v17, v14  }
0x11d: {  	v25 =	vmul.f32 v25, v3;
	v26 =	vmul.f32 v26, v4;
	v20 =	vld [tilespmem:s21+$0xFFFFFF50];
	v19 =	vadd.f32 v19, v15  }
0x11e: {  	v22 =	vld [tilespmem:s21+$0xFFFFFF60];
	v10 =	vadd.f32 v14, v10;
	v11 =	vadd.f32 v21, v11  }
0x11f: {  	v17 =	vld [tilespmem:s21+$0xFFFFFF70];
	v21 =	vadd.f32 v24, v23;
	v24 =	vadd.f32 v26, v25;
	(xrf2) =	vadd.scan.msk.f32 $0xffff, v7  }
0x120: {  	v15 =	vld [tilespmem:s21+$0xFFFFFF00];
	v26 =	vmul.f32 v61, v4;
	v7 =	vadd.f32 v11, v19;
	(xrf2) =	vadd.scan.msk.f32 $0xffff, v10;
	v10 =	vmul.f32 v27, v5  }
0x121: {  	v14 =	vld [tilespmem:s21+$0xFFFFFEC0];
	v19 =	vmul.f32 v28, v6;
	v21 =	vadd.f32 v24, v21;
	v24 =	vmul.f32 v29, v3  }
0x122: {  	v23 =	vld [tilespmem:s21+$0xFFFFFED0];
	(xrf2) =	vadd.scan.msk.f32 $0xffff, v7  }
0x123: {  	v25 =	vld [tilespmem:s21+$0xFFFFFEF0];
	v10 =	vadd.f32 v19, v10;
	(xrf2) =	vadd.scan.msk.f32 $0xffff, v21;
	v21 =	vadd.f32 v26, v24  }
0x124: {  	v11 =	vld [tilespmem:s21+$0xFFFFFEE0];
	v27 =	vmul.f32 v32, v6  }
0x125: {  	v28 =	vld [tilespmem:s21+$0xFFFFFE90];
	v19 =	vmul.f32 v31, v5;
	v21 =	vadd.f32 v21, v10;
	v10 =	vmul.f32 v22, v3  }
0x126: {  	v29 =	vld [tilespmem:s21+$0xFFFFFEA0];
	v24 =	vmul.f32 v33, v3;
	v26 =	vmul.f32 v16, v4  }
0x127: {  	v7 =	vld [tilespmem:s21+$0xFFFFFE80];
	v22 =	vmul.f32 v17, v4  }
0x128: {  	v16 =	vld [tilespmem:s21+$0xFFFFFE00];
	v19 =	vadd.f32 v27, v19;
	v24 =	vadd.f32 v26, v24  }
0x129: {  	v18 =	vmul.f32 v18, v5;
	v20 =	vmul.f32 v20, v6;
	v27 =	vld [tilespmem:s21+$0xFFFFFEB0];
	v22 =	vadd.f32 v22, v10;
	v10, _, _ =	vpop (xrf2);
	(xrf2) =	vadd.scan.msk.f32 $0xffff, v21  }
0x12a: {  	v14 =	vmul.f32 v14, v5;
	v23 =	vmul.f32 v23, v6;
	v17 =	vld [tilespmem:s21+$0xFFFFFE10];
	v24 =	vadd.f32 v24, v19  }
0x12b: {  	v26 =	vadd.f32 v20, v18;
	v18 =	vld [tilespmem:s21+$0xFFFFFE20]  }
0x12c: {  	v25 =	vmul.f32 v25, v4;
	v20 =	vld [tilespmem:s21+$0xFFFFFE30];
	v62 =	vmul.f32 v11, v3;
	v14 =	vadd.f32 v23, v14;
	v11, _, _ =	vpop (xrf2);
	(xrf2) =	vadd.scan.msk.f32 $0xffff, v24  }
0x12d: {  	v19 =	vld [tilespmem:s21+$0xFFFFFE40];
	v23 =	vadd.f32 v22, v26  }
0x12e: {  	v28 =	vmul.f32 v28, v6;
	v63 =	vmul.f32 v7, v5;
	v30 =	vadd.f32 v25, v62;
	v21 =	vld [tilespmem:s21+$0xFFFFFE50]  }
0x12f: {  	v2 =	vadd.f32 v13, v2;
	v22 =	vld [tilespmem:s21+$0xFFFFFE60];
	v26 =	vmul.f32 v29, v3;
	v27 =	vmul.f32 v27, v4;
	v13, _, _ =	vpop (xrf2);
	(xrf2) =	vadd.scan.msk.f32 $0xffff, v23  }
0x130: {  	s22 =	simm.s32 $0x0;
	s23 =	simm.s32 $0x40;
	v7 =	vmov s14;
	v25 =	vadd.f32 v28, v63;
	v24 =	vadd.f32 v30, v14;
	v23 =	vld [tilespmem:s21+$0xFFFFFE70];
	v14, _, _ =	vpop (xrf2)  }
.LBB2_5:
0x131: {  	p1 =	sne.s32 s23, $0x3C0;
	v16 =	vmul.f32 v16, v5;
	v17 =	vmul.f32 v17, v6;
	v26 =	vadd.f32 v27, v26;
	v27 =	vld [tilespmem:s21+$0xFFFFFF10]  }
0x132: {  	v18 =	vmul.f32 v18, v3;
	v20 =	vmul.f32 v20, v4;
	v28 =	vld [tilespmem:s21+$0xFFFFFF20];
	(xrf2) =	vadd.scan.msk.f32 $0xffff, v24  }
0x133: {  	v16 =	vadd.f32 v17, v16;
	v17 =	vadd.f32 v26, v25;
	v24 =	vld [tilespmem:s21+$0xFFFFFF30];
	v25, _, _ =	vpop (xrf2)  }
0x134: {  	v19 =	vmul.f32 v19, v5;
	v29 =	vadd.f32 v20, v18;
	v20 =	vmul.f32 v21, v6;
	v21 =	vld [tilespmem:s21+$0xFFFFFFD0]  }
0x135: {  	v22 =	vmul.f32 v22, v3;
	v23 =	vmul.f32 v23, v4;
	v26 =	vld [tilespmem:s21+$0xFFFFFFE0];
	(xrf2) =	vadd.scan.msk.f32 $0xffff, v17  }
0x136: {  	v15 =	vmul.f32 v15, v5;
	v16 =	vadd.f32 v29, v16;
	v17 =	vld [tilespmem:s21+$0xFFFFFFF0];
	v18, _, _ =	vpop (xrf2)  }
0x137: {  	v19 =	vadd.f32 v20, v19;
	v29 =	vadd.f32 v23, v22;
	v22 =	vmul.f32 v27, v6;
	v23 =	vld [tilespmem:s21+$0x90]  }
0x138: {  	v27 =	vmul.f32 v28, v3;
	v24 =	vmul.f32 v24, v4;
	v28 =	vld [tilespmem:s21+$0xA0];
	(xrf2) =	vadd.scan.msk.f32 $0xffff, v16  }
0x139: {  	v12 =	vmul.f32 v12, v5;
	v16 =	vadd.f32 v29, v19;
	v19 =	vld [tilespmem:s21+$0xB0];
	v20, _, _ =	vpop (xrf2)  }
0x13a: {  	v15 =	vadd.f32 v22, v15;
	v21 =	vmul.f32 v21, v6;
	v29 =	vadd.f32 v24, v27;
	v24 =	vld [tilespmem:s21+$0x150]  }
0x13b: {  	v26 =	vmul.f32 v26, v3;
	v17 =	vmul.f32 v17, v4;
	v27 =	vld [tilespmem:s21+$0x160];
	(xrf2) =	vadd.scan.msk.f32 $0xffff, v16  }
0x13c: {  	v9 =	vmul.f32 v9, v5;
	v15 =	vadd.f32 v29, v15;
	v16 =	vld [tilespmem:s21+$0x170];
	v22, _, _ =	vpop (xrf2)  }
0x13d: {  	v12 =	vadd.f32 v21, v12;
	v21 =	vmul.f32 v23, v6;
	v29 =	vadd.f32 v17, v26;
	v23 =	vld [tilespmem:s21+$0x1C0]  }
0x13e: {  	v26 =	vmul.f32 v28, v3;
	v19 =	vmul.f32 v19, v4;
	v28 =	vld [tilespmem:s21+$0x1D0];
	(xrf2) =	vadd.scan.msk.f32 $0xffff, v15  }
0x13f: {  	v8 =	vmul.f32 v8, v5;
	v29 =	vadd.f32 v29, v12;
	v15 =	vld [tilespmem:s21+$0x1E0];
	v17, _, _ =	vpop (xrf2)  }
0x140: {  	v9 =	vadd.f32 v21, v9;
	v21 =	vmul.f32 v24, v6;
	v19 =	vadd.f32 v19, v26;
	v24 =	vld [tilespmem:s21+$0x1F0]  }
0x141: {  	v26 =	vmul.f32 v27, v3;
	v16 =	vmul.f32 v16, v4;
	(xrf2) =	vadd.scan.msk.f32 $0xffff, v29  }
0x142: {  	v9 =	vadd.f32 v19, v9;
	v12, _, _ =	vpop (xrf2)  }
0x143: {  	v8 =	vadd.f32 v21, v8;
	v26 =	vadd.f32 v16, v26  }
0x144: {  	v19 =	vmul.f32 v23, v5;
	v21 =	vmul.f32 v28, v6;
	(xrf2) =	vadd.scan.msk.f32 $0xffff, v9  }
0x145: {  	v9 =	vmul.f32 v15, v3;
	v8 =	vadd.f32 v26, v8;
	v15 =	vmul.f32 v24, v4;
	v16, _, _ =	vpop (xrf2)  }
0x146: {  	v12 =	vbroadcast v12, $0xF;
	v23 =	vbroadcast v16, $0xF  }
0x147: {  	v19 =	vadd.f32 v21, v19;
	v9 =	vadd.f32 v15, v9;
	v15 =	vbroadcast v17, $0xF;
	(xrf2) =	vadd.scan.msk.f32 $0xffff, v8  }
0x148: {  	v8 =	vsel vm0, v12, v23;
	v12 =	vbroadcast v22, $0xF;
	v16, _, _ =	vpop (xrf2)  }
0x149: {  	v9 =	vadd.f32 v9, v19;
	v8 =	vsel vm1, v8, v15;
	v15 =	vbroadcast v16, $0xF  }
0x14a: {  	v8 =	vsel vm2, v8, v12;
	v12 =	vbroadcast v20, $0xF  }
0x14b: {  	v8 =	vsel vm3, v8, v15;
	v15 =	vbroadcast v18, $0xF;
	v16, _, _ =	vpop (xrf2);
	(xrf2) =	vadd.scan.msk.f32 $0xffff, v9  }
0x14c: {  	v8 =	vsel vm4, v8, v12;
	v9 =	vbroadcast v16, $0xF  }
0x14d: {  	v12 =	vbroadcast v25, $0xF;
	v8 =	vsel vm5, v8, v15  }
0x14e: {  	v8 =	vsel vm6, v8, v9;
	v9 =	vbroadcast v14, $0xF;
	v14, _, _ =	vpop (xrf2)  }
0x14f: {  	v8 =	vsel vm7, v8, v12;
	v14 =	vbroadcast v14, $0xF  }
0x150: {  	v8 =	vsel vm8, v8, v9;
	v9 =	vbroadcast v13, $0xF  }
0x151: {  	v11 =	vbroadcast v11, $0xF;
	v8 =	vsel vm9, v8, v14;
	v12, _, _ =	vpop (xrf2)  }
0x152: {  	v8 =	vsel vm10, v8, v9;
	v12 =	vbroadcast v12, $0xF  }
0x153: {  	v10 =	vbroadcast v10, $0xF;
	v8 =	vsel vm11, v8, v11  }
0x154: {  	v8 =	vsel vm12, v8, v12  }
0x155: {  	v8 =	vsel vm13, v8, v10;
	v9, _, _ =	vpop (xrf2)  }
0x156: {  	v8 =	vsel vm14, v8, v9  }
0x157: {  	v8 =	vmul.f32 $1.428571410e+01, v8;
	_ =	sdelay $0x1  }
0x158: {  	v8 =	vmul.f32 $1.442695020e+00, v8;
	_ =	sdelay $0x1  }
0x159: {  	(erf) = vpow2.f32 v8;
	_ =	sdelay $0x8  }
0x15a: {  	s1 =	sshra.s32 s22, $0x2;
	s22 =	smov.u32 s23;
	v8 =	vpop (erf)  }
0x15b: {  	s21 =	sadd.s32 $0x400, s21;
	[tilespmem:v7+s1+$0x0 ss:$0x1] =	vst.idx.msk $0xffff, v8;
	v2 =	vadd.f32 v8, v2  }
0x15c: {  	v10 =	vld [tilespmem:s21+$0x180]  }
0x15d: {  	v11 =	vld [tilespmem:s21+$0x190]  }
0x15e: {  	v13 =	vld [tilespmem:s21+$0x1A0]  }
0x15f: {  	v14 =	vld [tilespmem:s21+$0x1B0]  }
0x160: {  	v8 =	vld [tilespmem:s21+$0x140]  }
0x161: {  	v15 =	vld [tilespmem:s21+$0x100]  }
0x162: {  	v16 =	vld [tilespmem:s21+$0x110]  }
0x163: {  	v17 =	vld [tilespmem:s21+$0x120]  }
0x164: {  	v18 =	vld [tilespmem:s21+$0x130]  }
0x165: {  	v19 =	vld [tilespmem:s21+$0xC0]  }
0x166: {  	v20 =	vld [tilespmem:s21+$0xD0]  }
0x167: {  	v21 =	vld [tilespmem:s21+$0xE0]  }
0x168: {  	v22 =	vld [tilespmem:s21+$0xF0]  }
0x169: {  	v9 =	vld [tilespmem:s21+$0x80]  }
0x16a: {  	v23 =	vld [tilespmem:s21+$0x40]  }
0x16b: {  	v24 =	vld [tilespmem:s21+$0x50]  }
0x16c: {  	v25 =	vld [tilespmem:s21+$0x60]  }
0x16d: {  	v26 =	vld [tilespmem:s21+$0x70]  }
0x16e: {  	v27 =	vld [tilespmem:s21+$0x0]  }
0x16f: {  	v28 =	vld [tilespmem:s21+$0x10]  }
0x170: {  	v29 =	vld [tilespmem:s21+$0x20]  }
0x171: {  	v10 =	vmul.f32 v10, v5;
	v11 =	vmul.f32 v11, v6;
	v30 =	vld [tilespmem:s21+$0x30]  }
0x172: {  	v13 =	vmul.f32 v13, v3;
	v14 =	vmul.f32 v14, v4;
	v12 =	vld [tilespmem:s21+$0xFFFFFFC0]  }
0x173: {  	v10 =	vadd.f32 v11, v10;
	v31 =	vld [tilespmem:s21+$0xFFFFFF80]  }
0x174: {  	v15 =	vmul.f32 v15, v5;
	v13 =	vadd.f32 v14, v13;
	v16 =	vmul.f32 v16, v6;
	v11 =	vld [tilespmem:s21+$0xFFFFFF90]  }
0x175: {  	v17 =	vmul.f32 v17, v3;
	v18 =	vmul.f32 v18, v4;
	v14 =	vld [tilespmem:s21+$0xFFFFFFA0]  }
0x176: {  	v10 =	vadd.f32 v13, v10;
	v15 =	vadd.f32 v16, v15;
	v32 =	vld [tilespmem:s21+$0xFFFFFFB0]  }
0x177: {  	v16 =	vmul.f32 v19, v5;
	v19 =	vmul.f32 v20, v6;
	v17 =	vadd.f32 v18, v17;
	v13 =	vld [tilespmem:s21+$0xFFFFFF40]  }
0x178: {  	v20 =	vmul.f32 v21, v3;
	v21 =	vmul.f32 v22, v4;
	v18 =	vld [tilespmem:s21+$0xFFFFFF50];
	(xrf2) =	vadd.scan.msk.f32 $0xffff, v10  }
0x179: {  	v10 =	vadd.f32 v19, v16;
	v16 =	vadd.f32 v17, v15;
	v22 =	vld [tilespmem:s21+$0xFFFFFF60]  }
0x17a: {  	v20 =	vadd.f32 v21, v20;
	v19 =	vmul.f32 v23, v5;
	v23 =	vmul.f32 v24, v6;
	v17 =	vld [tilespmem:s21+$0xFFFFFF70]  }
0x17b: {  	v21 =	vmul.f32 v25, v3;
	v24 =	vmul.f32 v26, v4;
	v15 =	vld [tilespmem:s21+$0xFFFFFF00];
	(xrf2) =	vadd.scan.msk.f32 $0xffff, v16  }
0x17c: {  	v10 =	vadd.f32 v20, v10;
	v16 =	vadd.f32 v23, v19;
	v25 =	vld [tilespmem:s21+$0xFFFFFEC0]  }
0x17d: {  	v20 =	vmul.f32 v27, v5;
	v21 =	vadd.f32 v24, v21;
	v23 =	vmul.f32 v28, v6;
	v19 =	vld [tilespmem:s21+$0xFFFFFED0]  }
0x17e: {  	v26 =	vmul.f32 v29, v3;
	v27 =	vmul.f32 v30, v4;
	v24 =	vld [tilespmem:s21+$0xFFFFFEE0];
	(xrf2) =	vadd.scan.msk.f32 $0xffff, v10  }
0x17f: {  	v30 =	vadd.f32 v23, v20;
	v16 =	vadd.f32 v21, v16;
	v28 =	vld [tilespmem:s21+$0xFFFFFEF0]  }
0x180: {  	v11 =	vmul.f32 v11, v6;
	v20 =	vmul.f32 v31, v5;
	v21 =	vadd.f32 v27, v26;
	v23 =	vld [tilespmem:s21+$0xFFFFFE80]  }
0x181: {  	v14 =	vmul.f32 v14, v3;
	v27 =	vmul.f32 v32, v4;
	v26 =	vld [tilespmem:s21+$0xFFFFFE90];
	(xrf2) =	vadd.scan.msk.f32 $0xffff, v16  }
0x182: {  	v31 =	vadd.f32 v11, v20;
	v20 =	vadd.f32 v21, v30;
	v29 =	vld [tilespmem:s21+$0xFFFFFEA0];
	v10, _, _ =	vpop (xrf2)  }
0x183: {  	v13 =	vmul.f32 v13, v5;
	v18 =	vmul.f32 v18, v6;
	v14 =	vadd.f32 v27, v14;
	v30 =	vld [tilespmem:s21+$0xFFFFFEB0]  }
0x184: {  	v21 =	vmul.f32 v22, v3;
	v22 =	vmul.f32 v17, v4;
	v16 =	vld [tilespmem:s21+$0xFFFFFE00];
	(xrf2) =	vadd.scan.msk.f32 $0xffff, v20  }
0x185: {  	v32 =	vadd.f32 v18, v13;
	v14 =	vadd.f32 v14, v31;
	v17 =	vld [tilespmem:s21+$0xFFFFFE10];
	v11, _, _ =	vpop (xrf2)  }
0x186: {  	v25 =	vmul.f32 v25, v5;
	v21 =	vadd.f32 v22, v21;
	v27 =	vmul.f32 v19, v6;
	v18 =	vld [tilespmem:s21+$0xFFFFFE20]  }
.Ltmp1:
0x187: {  	v22 =	vmul.f32 v24, v3;
	v24 =	vmul.f32 v28, v4;
	v20 =	vld [tilespmem:s21+$0xFFFFFE30];
	(xrf2) =	vadd.scan.msk.f32 $0xffff, v14;
	(pc) =	sbr.rel @p1 .LBB2_5-.Ltmp1, $4  }
0x188: {  	v33 =	vadd.f32 v27, v25;
	v25 =	vadd.f32 v21, v32;
	v19 =	vld [tilespmem:s21+$0xFFFFFE40];
	v13, _, _ =	vpop (xrf2)  }
0x189: {  	v28 =	vmul.f32 v23, v5;
	v31 =	vmul.f32 v26, v6;
	v24 =	vadd.f32 v24, v22;
	v21 =	vld [tilespmem:s21+$0xFFFFFE50]  }
0x18a: {  	v26 =	vmul.f32 v29, v3;
	v27 =	vmul.f32 v30, v4;
	v22 =	vld [tilespmem:s21+$0xFFFFFE60];
	(xrf2) =	vadd.scan.msk.f32 $0xffff, v25  }
0x18b: {  	s23 =	sadd.s32 $0x40, s23;
	v24 =	vadd.f32 v24, v33;
	v25 =	vadd.f32 v31, v28;
	v23 =	vld [tilespmem:s21+$0xFFFFFE70];
	v14, _, _ =	vpop (xrf2)  }
0x18c: {  	v28 =	vld [tilespmem:s21+$0xFFFFFF10]  }
0x18d: {  	v16 =	vmul.f32 v16, v5;
	v17 =	vmul.f32 v17, v6;
	v29 =	vld [tilespmem:s21+$0xFFFFFF20]  }
0x18e: {  	v18 =	vmul.f32 v18, v3;
	v20 =	vmul.f32 v20, v4;
	v30 =	vld [tilespmem:s21+$0xFFFFFF30];
	v26 =	vadd.f32 v27, v26  }
0x18f: {  	v27 =	vld [tilespmem:s21+$0xFFFFFFD0];
	v19 =	vmul.f32 v19, v5;
	v21 =	vmul.f32 v21, v6;
	v16 =	vadd.f32 v17, v16  }
0x190: {  	v18 =	vadd.f32 v20, v18;
	v20 =	vld [tilespmem:s21+$0xFFFFFFF0];
	v17 =	vmul.f32 v22, v3;
	v22 =	vmul.f32 v23, v4  }
0x191: {  	v15 =	vmul.f32 v15, v5;
	v25 =	vadd.f32 v26, v25;
	v23 =	vld [tilespmem:s21+$0xFFFFFFE0]  }
0x192: {  	v26 =	vld [tilespmem:s21+$0xA0];
	v19 =	vadd.f32 v21, v19;
	v21 =	vmul.f32 v28, v6;
	v17 =	vadd.f32 v22, v17  }
0x193: {  	(xrf2) =	vadd.scan.msk.f32 $0xffff, v24;
	v16 =	vadd.f32 v18, v16;
	v18 =	vmul.f32 v29, v3;
	v24 =	vmul.f32 v30, v4;
	v22 =	vld [tilespmem:s21+$0x90]  }
0x194: {  	v12 =	vmul.f32 v12, v5;
	(xrf2) =	vadd.scan.msk.f32 $0xffff, v25;
	v17 =	vadd.f32 v17, v19;
	v19 =	vld [tilespmem:s21+$0xB0]  }
0x195: {  	(xrf2) =	vadd.scan.msk.f32 $0xffff, v16;
	v15 =	vadd.f32 v21, v15;
	v16 =	vadd.f32 v24, v18;
	v18 =	vmul.f32 v27, v6  }
0x196: {  	v20 =	vmul.f32 v20, v4;
	v23 =	vmul.f32 v23, v3  }
0x197: {  	v9 =	vmul.f32 v9, v5;
	v21 =	vld [tilespmem:s21+$0x150];
	v15 =	vadd.f32 v16, v15;
	(xrf2) =	vadd.scan.msk.f32 $0xffff, v17  }
0x198: {  	v12 =	vadd.f32 v18, v12;
	v17 =	vadd.f32 v20, v23;
	v18 =	vmul.f32 v22, v6  }
0x199: {  	v24 =	vld [tilespmem:s21+$0x160];
	v22 =	vmul.f32 v26, v3;
	v19 =	vmul.f32 v19, v4  }
0x19a: {  	v16 =	vld [tilespmem:s21+$0x170];
	v12 =	vadd.f32 v17, v12  }
0x19b: {  	v20 =	vld [tilespmem:s21+$0x1C0];
	(xrf2) =	vadd.scan.msk.f32 $0xffff, v15;
	v15, _, _ =	vpop (xrf2);
	v9 =	vadd.f32 v18, v9;
	v18 =	vadd.f32 v19, v22  }
0x19c: {  	v23 =	vld [tilespmem:s21+$0x1D0];
	v25, _, _ =	vpop (xrf2);
	v19 =	vmul.f32 v21, v6  }
0x19d: {  	v17 =	vld [tilespmem:s21+$0x1E0];
	v22, _, _ =	vpop (xrf2);
	v9 =	vadd.f32 v18, v9  }
0x19e: {  	v8 =	vmul.f32 v8, v5;
	v21 =	vld [tilespmem:s21+$0x1F0];
	(xrf2) =	vadd.scan.msk.f32 $0xffff, v12;
	v12, _, _ =	vpop (xrf2)  }
0x19f: {  	v24 =	vmul.f32 v24, v3;
	v16 =	vmul.f32 v16, v4;
	v18, _, _ =	vpop (xrf2)  }
0x1a0: {  	v8 =	vadd.f32 v19, v8;
	v19, _, _ =	vpop (xrf2)  }
0x1a1: {  	v16 =	vadd.f32 v16, v24;
	v5 =	vmul.f32 v20, v5;
	(xrf2) =	vadd.scan.msk.f32 $0xffff, v9;
	v9, _, _ =	vpop (xrf2)  }
0x1a2: {  	v6 =	vmul.f32 v23, v6;
	v9 =	vbroadcast v9, $0xF  }
0x1a3: {  	v3 =	vmul.f32 v17, v3;
	v8 =	vadd.f32 v16, v8;
	v4 =	vmul.f32 v21, v4  }
0x1a4: {  	v5 =	vadd.f32 v6, v5;
	v16 =	vbroadcast v19, $0xF  }
0x1a5: {  	(xrf2) =	vadd.scan.msk.f32 $0xffff, v8;
	v8 =	vbroadcast v12, $0xF;
	v3 =	vadd.f32 v4, v3;
	v4 =	vbroadcast v18, $0xF  }
0x1a6: {  	v6 =	vsel vm0, v16, v9;
	v9, _, _ =	vpop (xrf2)  }
0x1a7: {  	v3 =	vadd.f32 v3, v5;
	v4 =	vsel vm1, v6, v4;
	v5 =	vbroadcast v9, $0xF  }
0x1a8: {  	v6 =	vbroadcast v22, $0xF;
	v4 =	vsel vm2, v4, v8  }
0x1a9: {  	v8, _, _ =	vpop (xrf2);
	v4 =	vsel vm3, v4, v5;
	v5 =	vbroadcast v25, $0xF  }
0x1aa: {  	(xrf2) =	vadd.scan.msk.f32 $0xffff, v3;
	v3 =	vsel vm4, v4, v6;
	v4 =	vbroadcast v8, $0xF  }
0x1ab: {  	v3 =	vsel vm5, v3, v5;
	v5 =	vbroadcast v15, $0xF  }
0x1ac: {  	v6, _, _ =	vpop (xrf2);
	v3 =	vsel vm6, v3, v4;
	v4 =	vbroadcast v14, $0xF  }
0x1ad: {  	v3 =	vsel vm7, v3, v5;
	v5 =	vbroadcast v6, $0xF  }
0x1ae: {  	v3 =	vsel vm8, v3, v4;
	v4 =	vbroadcast v13, $0xF  }
0x1af: {  	v6, _, _ =	vpop (xrf2);
	v3 =	vsel vm9, v3, v5  }
0x1b0: {  	v5 =	vbroadcast v11, $0xF;
	v3 =	vsel vm10, v3, v4;
	v4 =	vbroadcast v6, $0xF;
	_ =	sdelay $0x1  }
0x1b1: {  	v3 =	vsel vm11, v3, v5;
	v5 =	vbroadcast v10, $0xF  }
0x1b2: {  	v3 =	vsel vm12, v3, v4  }
0x1b3: {  	v3 =	vsel vm13, v3, v5;
	v4, _, _ =	vpop (xrf2)  }
0x1b4: {  	v3 =	vsel vm14, v3, v4  }
0x1b5: {  	v3 =	vmul.f32 $1.428571410e+01, v3;
	_ =	sdelay $0x1  }
0x1b6: {  	v3 =	vmul.f32 $1.442695020e+00, v3;
	_ =	sdelay $0x1  }
0x1b7: {  	(erf) = vpow2.f32 v3;
	_ =	sdelay $0x8  }
0x1b8: {  	s1 =	sshra.s32 s22, $0x2;
	v13 =	vpop (erf)  }
0x1b9: {  	s22 =	simm.s32 @!p0 $0x8820;
	s21 =	simm.s32 @!p0 $0x80;
	[tilespmem:v7+s1+$0x0 ss:$0x1] =	vst.idx.msk $0xffff, v13;
	s1 =	sadd.s32 @!p0 $0xD20, s20  }
0x1ba: {  	[tilespmem:s22], [sflag:$0x2] =	stream.indirect.gather @!p0 [hbm4b:s3+s21], $0x40, s1, s21, $0xb8;
	[tilespmem:$0x18830] =	vst v63  }
0x1bb: {  	s1 =	sadd.s32 @!p0 $0xDA0, s20;
	s22 =	simm.s32 @!p0 $0xA820  }
0x1bc: {  	[tilespmem:s22], [sflag:$0x2] =	stream.indirect.gather @!p0 [hbm4b:s3+s21], $0x40, s1, s21, $0xb8;
	[tilespmem:$0x18830] =	vst v63  }
0x1bd: {  	_ =	swait.ge [sflag:s30], $0x2000  }
0x1be: {  	[sflag:s30] =	ssyncset.done $0x0  }
0x1bf: {  	[sflag:s30] =	ssyncadd.s32 $0xFFFFE000  }
0x1c0: {  	_ =	swait.ge [sflag:s30], $0x2000  }
0x1c1: {  	s24 =	sshll.u32 s19, $0x6;
	[sflag:s30] =	ssyncset.done $0x0  }
0x1c2: {  	s19 =	sand.u32 $0x3FFFFFC0, s24;
	[sflag:s30] =	ssyncadd.s32 $0xFFFFE000  }
0x1c3: {  	v5 =	vld [tilespmem:s19+$0x0]  }
0x1c4: {  	v6 =	vld [tilespmem:s19+$0x10]  }
0x1c5: {  	v3 =	vld [tilespmem:s19+$0x20]  }
0x1c6: {  	s21 =	simm.s32 $0xCA20;
	v4 =	vld [tilespmem:s19+$0x30]  }
0x1c7: {  	v7 =	vld [tilespmem:s21+$0x180]  }
0x1c8: {  	v10 =	vld [tilespmem:s21+$0x190]  }
0x1c9: {  	v11 =	vld [tilespmem:s21+$0x1A0]  }
0x1ca: {  	v14 =	vld [tilespmem:s21+$0x1B0]  }
0x1cb: {  	v8 =	vld [tilespmem:s21+$0x140]  }
0x1cc: {  	v15 =	vld [tilespmem:s21+$0x100]  }
0x1cd: {  	v16 =	vld [tilespmem:s21+$0x110]  }
0x1ce: {  	v17 =	vld [tilespmem:s21+$0x120]  }
0x1cf: {  	v18 =	vld [tilespmem:s21+$0x130]  }
0x1d0: {  	v19 =	vld [tilespmem:s21+$0xC0]  }
0x1d1: {  	v20 =	vld [tilespmem:s21+$0xD0]  }
0x1d2: {  	v21 =	vld [tilespmem:s21+$0xE0]  }
0x1d3: {  	v22 =	vld [tilespmem:s21+$0xF0]  }
0x1d4: {  	v9 =	vld [tilespmem:s21+$0x80]  }
0x1d5: {  	v23 =	vld [tilespmem:s21+$0x40]  }
0x1d6: {  	v24 =	vld [tilespmem:s21+$0x50]  }
0x1d7: {  	v25 =	vld [tilespmem:s21+$0x60]  }
0x1d8: {  	v26 =	vld [tilespmem:s21+$0x70]  }
0x1d9: {  	v27 =	vld [tilespmem:s21+$0x0]  }
0x1da: {  	v28 =	vld [tilespmem:s21+$0x10]  }
0x1db: {  	v29 =	vld [tilespmem:s21+$0x20]  }
0x1dc: {  	v61 =	vld [tilespmem:s21+$0x30];
	v7 =	vmul.f32 v7, v5;
	v10 =	vmul.f32 v10, v6  }
0x1dd: {  	v12 =	vld [tilespmem:s21+$0xFFFFFFC0];
	v11 =	vmul.f32 v11, v3;
	v14 =	vmul.f32 v14, v4  }
0x1de: {  	v31 =	vld [tilespmem:s21+$0xFFFFFF80];
	v7 =	vadd.f32 v10, v7;
	v10 =	vmul.f32 v15, v5;
	v15 =	vmul.f32 v16, v6  }
0x1df: {  	v32 =	vld [tilespmem:s21+$0xFFFFFF90];
	v23 =	vmul.f32 v23, v5;
	v24 =	vmul.f32 v24, v6;
	v11 =	vadd.f32 v14, v11  }
0x1e0: {  	v33 =	vld [tilespmem:s21+$0xFFFFFFA0];
	v14 =	vmul.f32 v17, v3;
	v17 =	vmul.f32 v18, v4;
	v10 =	vadd.f32 v15, v10  }
0x1e1: {  	v16 =	vld [tilespmem:s21+$0xFFFFFFB0];
	v15 =	vmul.f32 v19, v5;
	v19 =	vmul.f32 v20, v6;
	v7 =	vadd.f32 v11, v7  }
0x1e2: {  	v18 =	vld [tilespmem:s21+$0xFFFFFF40];
	v11 =	vmul.f32 v21, v3;
	v21 =	vmul.f32 v22, v4;
	v14 =	vadd.f32 v17, v14  }
0x1e3: {  	v25 =	vmul.f32 v25, v3;
	v26 =	vmul.f32 v26, v4;
	v20 =	vld [tilespmem:s21+$0xFFFFFF50];
	v19 =	vadd.f32 v19, v15  }
0x1e4: {  	v22 =	vld [tilespmem:s21+$0xFFFFFF60];
	v10 =	vadd.f32 v14, v10;
	v11 =	vadd.f32 v21, v11  }
0x1e5: {  	v17 =	vld [tilespmem:s21+$0xFFFFFF70];
	v21 =	vadd.f32 v24, v23;
	v24 =	vadd.f32 v26, v25;
	(xrf2) =	vadd.scan.msk.f32 $0xffff, v7  }
0x1e6: {  	v15 =	vld [tilespmem:s21+$0xFFFFFF00];
	v26 =	vmul.f32 v61, v4;
	v7 =	vadd.f32 v11, v19;
	(xrf2) =	vadd.scan.msk.f32 $0xffff, v10;
	v10 =	vmul.f32 v27, v5  }
0x1e7: {  	v14 =	vld [tilespmem:s21+$0xFFFFFEC0];
	v19 =	vmul.f32 v28, v6;
	v21 =	vadd.f32 v24, v21;
	v24 =	vmul.f32 v29, v3  }
0x1e8: {  	v23 =	vld [tilespmem:s21+$0xFFFFFED0];
	(xrf2) =	vadd.scan.msk.f32 $0xffff, v7  }
0x1e9: {  	v25 =	vld [tilespmem:s21+$0xFFFFFEF0];
	v10 =	vadd.f32 v19, v10;
	(xrf2) =	vadd.scan.msk.f32 $0xffff, v21;
	v21 =	vadd.f32 v26, v24  }
0x1ea: {  	v11 =	vld [tilespmem:s21+$0xFFFFFEE0];
	v27 =	vmul.f32 v32, v6  }
0x1eb: {  	v28 =	vld [tilespmem:s21+$0xFFFFFE90];
	v19 =	vmul.f32 v31, v5;
	v21 =	vadd.f32 v21, v10;
	v10 =	vmul.f32 v22, v3  }
0x1ec: {  	v29 =	vld [tilespmem:s21+$0xFFFFFEA0];
	v24 =	vmul.f32 v33, v3;
	v26 =	vmul.f32 v16, v4  }
0x1ed: {  	v7 =	vld [tilespmem:s21+$0xFFFFFE80];
	v22 =	vmul.f32 v17, v4  }
0x1ee: {  	v16 =	vld [tilespmem:s21+$0xFFFFFE00];
	v19 =	vadd.f32 v27, v19;
	v24 =	vadd.f32 v26, v24  }
0x1ef: {  	v18 =	vmul.f32 v18, v5;
	v20 =	vmul.f32 v20, v6;
	v27 =	vld [tilespmem:s21+$0xFFFFFEB0];
	v22 =	vadd.f32 v22, v10;
	v10, _, _ =	vpop (xrf2);
	(xrf2) =	vadd.scan.msk.f32 $0xffff, v21  }
0x1f0: {  	v14 =	vmul.f32 v14, v5;
	v23 =	vmul.f32 v23, v6;
	v17 =	vld [tilespmem:s21+$0xFFFFFE10];
	v24 =	vadd.f32 v24, v19  }
0x1f1: {  	v26 =	vadd.f32 v20, v18;
	v18 =	vld [tilespmem:s21+$0xFFFFFE20]  }
0x1f2: {  	v25 =	vmul.f32 v25, v4;
	v20 =	vld [tilespmem:s21+$0xFFFFFE30];
	v62 =	vmul.f32 v11, v3;
	v14 =	vadd.f32 v23, v14;
	v11, _, _ =	vpop (xrf2);
	(xrf2) =	vadd.scan.msk.f32 $0xffff, v24  }
0x1f3: {  	v19 =	vld [tilespmem:s21+$0xFFFFFE40];
	v23 =	vadd.f32 v22, v26  }
0x1f4: {  	v28 =	vmul.f32 v28, v6;
	v63 =	vmul.f32 v7, v5;
	v30 =	vadd.f32 v25, v62;
	v21 =	vld [tilespmem:s21+$0xFFFFFE50]  }
0x1f5: {  	v2 =	vadd.f32 v13, v2;
	v22 =	vld [tilespmem:s21+$0xFFFFFE60];
	v26 =	vmul.f32 v29, v3;
	v27 =	vmul.f32 v27, v4;
	v13, _, _ =	vpop (xrf2);
	(xrf2) =	vadd.scan.msk.f32 $0xffff, v23  }
0x1f6: {  	s23 =	simm.s32 $0x40;
	s22 =	simm.s32 $0x0;
	v7 =	vmov s15;
	v25 =	vadd.f32 v28, v63;
	v24 =	vadd.f32 v30, v14;
	v23 =	vld [tilespmem:s21+$0xFFFFFE70];
	v14, _, _ =	vpop (xrf2)  }
.LBB2_7:
0x1f7: {  	p1 =	sne.s32 s23, $0x3C0;
	v16 =	vmul.f32 v16, v5;
	v17 =	vmul.f32 v17, v6;
	v26 =	vadd.f32 v27, v26;
	v27 =	vld [tilespmem:s21+$0xFFFFFF10]  }
0x1f8: {  	v18 =	vmul.f32 v18, v3;
	v20 =	vmul.f32 v20, v4;
	v28 =	vld [tilespmem:s21+$0xFFFFFF20];
	(xrf2) =	vadd.scan.msk.f32 $0xffff, v24  }
0x1f9: {  	v16 =	vadd.f32 v17, v16;
	v17 =	vadd.f32 v26, v25;
	v24 =	vld [tilespmem:s21+$0xFFFFFF30];
	v25, _, _ =	vpop (xrf2)  }
0x1fa: {  	v19 =	vmul.f32 v19, v5;
	v29 =	vadd.f32 v20, v18;
	v20 =	vmul.f32 v21, v6;
	v21 =	vld [tilespmem:s21+$0xFFFFFFD0]  }
0x1fb: {  	v22 =	vmul.f32 v22, v3;
	v23 =	vmul.f32 v23, v4;
	v26 =	vld [tilespmem:s21+$0xFFFFFFE0];
	(xrf2) =	vadd.scan.msk.f32 $0xffff, v17  }
0x1fc: {  	v15 =	vmul.f32 v15, v5;
	v16 =	vadd.f32 v29, v16;
	v17 =	vld [tilespmem:s21+$0xFFFFFFF0];
	v18, _, _ =	vpop (xrf2)  }
0x1fd: {  	v19 =	vadd.f32 v20, v19;
	v29 =	vadd.f32 v23, v22;
	v22 =	vmul.f32 v27, v6;
	v23 =	vld [tilespmem:s21+$0x90]  }
0x1fe: {  	v27 =	vmul.f32 v28, v3;
	v24 =	vmul.f32 v24, v4;
	v28 =	vld [tilespmem:s21+$0xA0];
	(xrf2) =	vadd.scan.msk.f32 $0xffff, v16  }
0x1ff: {  	v12 =	vmul.f32 v12, v5;
	v16 =	vadd.f32 v29, v19;
	v19 =	vld [tilespmem:s21+$0xB0];
	v20, _, _ =	vpop (xrf2)  }
0x200: {  	v15 =	vadd.f32 v22, v15;
	v21 =	vmul.f32 v21, v6;
	v29 =	vadd.f32 v24, v27;
	v24 =	vld [tilespmem:s21+$0x150]  }
0x201: {  	v26 =	vmul.f32 v26, v3;
	v17 =	vmul.f32 v17, v4;
	v27 =	vld [tilespmem:s21+$0x160];
	(xrf2) =	vadd.scan.msk.f32 $0xffff, v16  }
0x202: {  	v9 =	vmul.f32 v9, v5;
	v15 =	vadd.f32 v29, v15;
	v16 =	vld [tilespmem:s21+$0x170];
	v22, _, _ =	vpop (xrf2)  }
0x203: {  	v12 =	vadd.f32 v21, v12;
	v21 =	vmul.f32 v23, v6;
	v29 =	vadd.f32 v17, v26;
	v23 =	vld [tilespmem:s21+$0x1C0]  }
0x204: {  	v26 =	vmul.f32 v28, v3;
	v19 =	vmul.f32 v19, v4;
	v28 =	vld [tilespmem:s21+$0x1D0];
	(xrf2) =	vadd.scan.msk.f32 $0xffff, v15  }
0x205: {  	v8 =	vmul.f32 v8, v5;
	v29 =	vadd.f32 v29, v12;
	v15 =	vld [tilespmem:s21+$0x1E0];
	v17, _, _ =	vpop (xrf2)  }
0x206: {  	v9 =	vadd.f32 v21, v9;
	v21 =	vmul.f32 v24, v6;
	v19 =	vadd.f32 v19, v26;
	v24 =	vld [tilespmem:s21+$0x1F0]  }
0x207: {  	v26 =	vmul.f32 v27, v3;
	v16 =	vmul.f32 v16, v4;
	(xrf2) =	vadd.scan.msk.f32 $0xffff, v29  }
0x208: {  	v9 =	vadd.f32 v19, v9;
	v12, _, _ =	vpop (xrf2)  }
0x209: {  	v8 =	vadd.f32 v21, v8;
	v26 =	vadd.f32 v16, v26  }
0x20a: {  	v19 =	vmul.f32 v23, v5;
	v21 =	vmul.f32 v28, v6;
	(xrf2) =	vadd.scan.msk.f32 $0xffff, v9  }
0x20b: {  	v9 =	vmul.f32 v15, v3;
	v8 =	vadd.f32 v26, v8;
	v15 =	vmul.f32 v24, v4;
	v16, _, _ =	vpop (xrf2)  }
0x20c: {  	v12 =	vbroadcast v12, $0xF;
	v23 =	vbroadcast v16, $0xF  }
0x20d: {  	v19 =	vadd.f32 v21, v19;
	v9 =	vadd.f32 v15, v9;
	v15 =	vbroadcast v17, $0xF;
	(xrf2) =	vadd.scan.msk.f32 $0xffff, v8  }
0x20e: {  	v8 =	vsel vm0, v12, v23;
	v12 =	vbroadcast v22, $0xF;
	v16, _, _ =	vpop (xrf2)  }
0x20f: {  	v9 =	vadd.f32 v9, v19;
	v8 =	vsel vm1, v8, v15;
	v15 =	vbroadcast v16, $0xF  }
0x210: {  	v8 =	vsel vm2, v8, v12;
	v12 =	vbroadcast v20, $0xF  }
0x211: {  	v8 =	vsel vm3, v8, v15;
	v15 =	vbroadcast v18, $0xF;
	v16, _, _ =	vpop (xrf2);
	(xrf2) =	vadd.scan.msk.f32 $0xffff, v9  }
0x212: {  	v8 =	vsel vm4, v8, v12;
	v9 =	vbroadcast v16, $0xF  }
0x213: {  	v12 =	vbroadcast v25, $0xF;
	v8 =	vsel vm5, v8, v15  }
0x214: {  	v8 =	vsel vm6, v8, v9;
	v9 =	vbroadcast v14, $0xF;
	v14, _, _ =	vpop (xrf2)  }
0x215: {  	v8 =	vsel vm7, v8, v12;
	v14 =	vbroadcast v14, $0xF  }
0x216: {  	v8 =	vsel vm8, v8, v9;
	v9 =	vbroadcast v13, $0xF  }
0x217: {  	v11 =	vbroadcast v11, $0xF;
	v8 =	vsel vm9, v8, v14;
	v12, _, _ =	vpop (xrf2)  }
0x218: {  	v8 =	vsel vm10, v8, v9;
	v12 =	vbroadcast v12, $0xF  }
0x219: {  	v10 =	vbroadcast v10, $0xF;
	v8 =	vsel vm11, v8, v11  }
0x21a: {  	v8 =	vsel vm12, v8, v12  }
0x21b: {  	v8 =	vsel vm13, v8, v10;
	v9, _, _ =	vpop (xrf2)  }
0x21c: {  	v8 =	vsel vm14, v8, v9  }
0x21d: {  	v8 =	vmul.f32 $1.428571410e+01, v8;
	_ =	sdelay $0x1  }
0x21e: {  	v8 =	vmul.f32 $1.442695020e+00, v8;
	_ =	sdelay $0x1  }
0x21f: {  	(erf) = vpow2.f32 v8;
	_ =	sdelay $0x8  }
0x220: {  	s1 =	sshra.s32 s22, $0x2;
	s22 =	smov.u32 s23;
	v8 =	vpop (erf)  }
0x221: {  	s21 =	sadd.s32 $0x400, s21;
	[tilespmem:v7+s1+$0x0 ss:$0x1] =	vst.idx.msk $0xffff, v8;
	v2 =	vadd.f32 v8, v2  }
0x222: {  	v10 =	vld [tilespmem:s21+$0x180]  }
0x223: {  	v11 =	vld [tilespmem:s21+$0x190]  }
0x224: {  	v13 =	vld [tilespmem:s21+$0x1A0]  }
0x225: {  	v14 =	vld [tilespmem:s21+$0x1B0]  }
0x226: {  	v8 =	vld [tilespmem:s21+$0x140]  }
0x227: {  	v15 =	vld [tilespmem:s21+$0x100]  }
0x228: {  	v16 =	vld [tilespmem:s21+$0x110]  }
0x229: {  	v17 =	vld [tilespmem:s21+$0x120]  }
0x22a: {  	v18 =	vld [tilespmem:s21+$0x130]  }
0x22b: {  	v19 =	vld [tilespmem:s21+$0xC0]  }
0x22c: {  	v20 =	vld [tilespmem:s21+$0xD0]  }
0x22d: {  	v21 =	vld [tilespmem:s21+$0xE0]  }
0x22e: {  	v22 =	vld [tilespmem:s21+$0xF0]  }
0x22f: {  	v9 =	vld [tilespmem:s21+$0x80]  }
0x230: {  	v23 =	vld [tilespmem:s21+$0x40]  }
0x231: {  	v24 =	vld [tilespmem:s21+$0x50]  }
0x232: {  	v25 =	vld [tilespmem:s21+$0x60]  }
0x233: {  	v26 =	vld [tilespmem:s21+$0x70]  }
0x234: {  	v27 =	vld [tilespmem:s21+$0x0]  }
0x235: {  	v28 =	vld [tilespmem:s21+$0x10]  }
0x236: {  	v29 =	vld [tilespmem:s21+$0x20]  }
0x237: {  	v10 =	vmul.f32 v10, v5;
	v11 =	vmul.f32 v11, v6;
	v30 =	vld [tilespmem:s21+$0x30]  }
0x238: {  	v13 =	vmul.f32 v13, v3;
	v14 =	vmul.f32 v14, v4;
	v12 =	vld [tilespmem:s21+$0xFFFFFFC0]  }
0x239: {  	v10 =	vadd.f32 v11, v10;
	v31 =	vld [tilespmem:s21+$0xFFFFFF80]  }
0x23a: {  	v15 =	vmul.f32 v15, v5;
	v13 =	vadd.f32 v14, v13;
	v16 =	vmul.f32 v16, v6;
	v11 =	vld [tilespmem:s21+$0xFFFFFF90]  }
0x23b: {  	v17 =	vmul.f32 v17, v3;
	v18 =	vmul.f32 v18, v4;
	v14 =	vld [tilespmem:s21+$0xFFFFFFA0]  }
0x23c: {  	v10 =	vadd.f32 v13, v10;
	v15 =	vadd.f32 v16, v15;
	v32 =	vld [tilespmem:s21+$0xFFFFFFB0]  }
0x23d: {  	v16 =	vmul.f32 v19, v5;
	v19 =	vmul.f32 v20, v6;
	v17 =	vadd.f32 v18, v17;
	v13 =	vld [tilespmem:s21+$0xFFFFFF40]  }
0x23e: {  	v20 =	vmul.f32 v21, v3;
	v21 =	vmul.f32 v22, v4;
	v18 =	vld [tilespmem:s21+$0xFFFFFF50];
	(xrf2) =	vadd.scan.msk.f32 $0xffff, v10  }
0x23f: {  	v10 =	vadd.f32 v19, v16;
	v16 =	vadd.f32 v17, v15;
	v22 =	vld [tilespmem:s21+$0xFFFFFF60]  }
0x240: {  	v20 =	vadd.f32 v21, v20;
	v19 =	vmul.f32 v23, v5;
	v23 =	vmul.f32 v24, v6;
	v17 =	vld [tilespmem:s21+$0xFFFFFF70]  }
0x241: {  	v21 =	vmul.f32 v25, v3;
	v24 =	vmul.f32 v26, v4;
	v15 =	vld [tilespmem:s21+$0xFFFFFF00];
	(xrf2) =	vadd.scan.msk.f32 $0xffff, v16  }
0x242: {  	v10 =	vadd.f32 v20, v10;
	v16 =	vadd.f32 v23, v19;
	v25 =	vld [tilespmem:s21+$0xFFFFFEC0]  }
0x243: {  	v20 =	vmul.f32 v27, v5;
	v21 =	vadd.f32 v24, v21;
	v23 =	vmul.f32 v28, v6;
	v19 =	vld [tilespmem:s21+$0xFFFFFED0]  }
0x244: {  	v26 =	vmul.f32 v29, v3;
	v27 =	vmul.f32 v30, v4;
	v24 =	vld [tilespmem:s21+$0xFFFFFEE0];
	(xrf2) =	vadd.scan.msk.f32 $0xffff, v10  }
0x245: {  	v30 =	vadd.f32 v23, v20;
	v16 =	vadd.f32 v21, v16;
	v28 =	vld [tilespmem:s21+$0xFFFFFEF0]  }
0x246: {  	v11 =	vmul.f32 v11, v6;
	v20 =	vmul.f32 v31, v5;
	v21 =	vadd.f32 v27, v26;
	v23 =	vld [tilespmem:s21+$0xFFFFFE80]  }
0x247: {  	v14 =	vmul.f32 v14, v3;
	v27 =	vmul.f32 v32, v4;
	v26 =	vld [tilespmem:s21+$0xFFFFFE90];
	(xrf2) =	vadd.scan.msk.f32 $0xffff, v16  }
0x248: {  	v31 =	vadd.f32 v11, v20;
	v20 =	vadd.f32 v21, v30;
	v29 =	vld [tilespmem:s21+$0xFFFFFEA0];
	v10, _, _ =	vpop (xrf2)  }
0x249: {  	v13 =	vmul.f32 v13, v5;
	v18 =	vmul.f32 v18, v6;
	v14 =	vadd.f32 v27, v14;
	v30 =	vld [tilespmem:s21+$0xFFFFFEB0]  }
0x24a: {  	v21 =	vmul.f32 v22, v3;
	v22 =	vmul.f32 v17, v4;
	v16 =	vld [tilespmem:s21+$0xFFFFFE00];
	(xrf2) =	vadd.scan.msk.f32 $0xffff, v20  }
0x24b: {  	v32 =	vadd.f32 v18, v13;
	v14 =	vadd.f32 v14, v31;
	v17 =	vld [tilespmem:s21+$0xFFFFFE10];
	v11, _, _ =	vpop (xrf2)  }
0x24c: {  	v25 =	vmul.f32 v25, v5;
	v21 =	vadd.f32 v22, v21;
	v27 =	vmul.f32 v19, v6;
	v18 =	vld [tilespmem:s21+$0xFFFFFE20]  }
.Ltmp2:
0x24d: {  	v22 =	vmul.f32 v24, v3;
	v24 =	vmul.f32 v28, v4;
	v20 =	vld [tilespmem:s21+$0xFFFFFE30];
	(xrf2) =	vadd.scan.msk.f32 $0xffff, v14;
	(pc) =	sbr.rel @p1 .LBB2_7-.Ltmp2, $4  }
0x24e: {  	v33 =	vadd.f32 v27, v25;
	v25 =	vadd.f32 v21, v32;
	v19 =	vld [tilespmem:s21+$0xFFFFFE40];
	v13, _, _ =	vpop (xrf2)  }
0x24f: {  	v28 =	vmul.f32 v23, v5;
	v31 =	vmul.f32 v26, v6;
	v24 =	vadd.f32 v24, v22;
	v21 =	vld [tilespmem:s21+$0xFFFFFE50]  }
0x250: {  	v26 =	vmul.f32 v29, v3;
	v27 =	vmul.f32 v30, v4;
	v22 =	vld [tilespmem:s21+$0xFFFFFE60];
	(xrf2) =	vadd.scan.msk.f32 $0xffff, v25  }
0x251: {  	s23 =	sadd.s32 $0x40, s23;
	v24 =	vadd.f32 v24, v33;
	v25 =	vadd.f32 v31, v28;
	v23 =	vld [tilespmem:s21+$0xFFFFFE70];
	v14, _, _ =	vpop (xrf2)  }
0x252: {  	v28 =	vld [tilespmem:s21+$0xFFFFFF10]  }
0x253: {  	v16 =	vmul.f32 v16, v5;
	v17 =	vmul.f32 v17, v6;
	v29 =	vld [tilespmem:s21+$0xFFFFFF20]  }
0x254: {  	v18 =	vmul.f32 v18, v3;
	v20 =	vmul.f32 v20, v4;
	v30 =	vld [tilespmem:s21+$0xFFFFFF30];
	v26 =	vadd.f32 v27, v26  }
0x255: {  	v27 =	vld [tilespmem:s21+$0xFFFFFFD0];
	v19 =	vmul.f32 v19, v5;
	v21 =	vmul.f32 v21, v6;
	v16 =	vadd.f32 v17, v16  }
0x256: {  	v18 =	vadd.f32 v20, v18;
	v20 =	vld [tilespmem:s21+$0xFFFFFFF0];
	v17 =	vmul.f32 v22, v3;
	v22 =	vmul.f32 v23, v4  }
0x257: {  	v15 =	vmul.f32 v15, v5;
	v25 =	vadd.f32 v26, v25;
	v23 =	vld [tilespmem:s21+$0xFFFFFFE0]  }
0x258: {  	v26 =	vld [tilespmem:s21+$0xA0];
	v19 =	vadd.f32 v21, v19;
	v21 =	vmul.f32 v28, v6;
	v17 =	vadd.f32 v22, v17  }
0x259: {  	(xrf2) =	vadd.scan.msk.f32 $0xffff, v24;
	v16 =	vadd.f32 v18, v16;
	v18 =	vmul.f32 v29, v3;
	v24 =	vmul.f32 v30, v4;
	v22 =	vld [tilespmem:s21+$0x90]  }
0x25a: {  	v12 =	vmul.f32 v12, v5;
	(xrf2) =	vadd.scan.msk.f32 $0xffff, v25;
	v17 =	vadd.f32 v17, v19;
	v19 =	vld [tilespmem:s21+$0xB0]  }
0x25b: {  	(xrf2) =	vadd.scan.msk.f32 $0xffff, v16;
	v15 =	vadd.f32 v21, v15;
	v16 =	vadd.f32 v24, v18;
	v18 =	vmul.f32 v27, v6  }
0x25c: {  	v20 =	vmul.f32 v20, v4;
	v23 =	vmul.f32 v23, v3  }
0x25d: {  	v9 =	vmul.f32 v9, v5;
	v21 =	vld [tilespmem:s21+$0x150];
	v15 =	vadd.f32 v16, v15;
	(xrf2) =	vadd.scan.msk.f32 $0xffff, v17  }
0x25e: {  	v12 =	vadd.f32 v18, v12;
	v17 =	vadd.f32 v20, v23;
	v18 =	vmul.f32 v22, v6  }
0x25f: {  	v24 =	vld [tilespmem:s21+$0x160];
	v22 =	vmul.f32 v26, v3;
	v19 =	vmul.f32 v19, v4  }
0x260: {  	v16 =	vld [tilespmem:s21+$0x170];
	v12 =	vadd.f32 v17, v12  }
0x261: {  	v20 =	vld [tilespmem:s21+$0x1C0];
	(xrf2) =	vadd.scan.msk.f32 $0xffff, v15;
	v15, _, _ =	vpop (xrf2);
	v9 =	vadd.f32 v18, v9;
	v18 =	vadd.f32 v19, v22  }
0x262: {  	v23 =	vld [tilespmem:s21+$0x1D0];
	v25, _, _ =	vpop (xrf2);
	v19 =	vmul.f32 v21, v6  }
0x263: {  	v17 =	vld [tilespmem:s21+$0x1E0];
	v22, _, _ =	vpop (xrf2);
	v9 =	vadd.f32 v18, v9  }
0x264: {  	v8 =	vmul.f32 v8, v5;
	v21 =	vld [tilespmem:s21+$0x1F0];
	(xrf2) =	vadd.scan.msk.f32 $0xffff, v12;
	v12, _, _ =	vpop (xrf2)  }
0x265: {  	v24 =	vmul.f32 v24, v3;
	v16 =	vmul.f32 v16, v4;
	v18, _, _ =	vpop (xrf2)  }
0x266: {  	v8 =	vadd.f32 v19, v8;
	v19, _, _ =	vpop (xrf2)  }
0x267: {  	v16 =	vadd.f32 v16, v24;
	v5 =	vmul.f32 v20, v5;
	(xrf2) =	vadd.scan.msk.f32 $0xffff, v9;
	v9, _, _ =	vpop (xrf2)  }
0x268: {  	v6 =	vmul.f32 v23, v6;
	v9 =	vbroadcast v9, $0xF  }
0x269: {  	v3 =	vmul.f32 v17, v3;
	v8 =	vadd.f32 v16, v8;
	v4 =	vmul.f32 v21, v4  }
0x26a: {  	v5 =	vadd.f32 v6, v5;
	v16 =	vbroadcast v19, $0xF  }
0x26b: {  	(xrf2) =	vadd.scan.msk.f32 $0xffff, v8;
	v8 =	vbroadcast v12, $0xF;
	v3 =	vadd.f32 v4, v3;
	v4 =	vbroadcast v18, $0xF  }
0x26c: {  	v6 =	vsel vm0, v16, v9;
	v9, _, _ =	vpop (xrf2)  }
0x26d: {  	v3 =	vadd.f32 v3, v5;
	v4 =	vsel vm1, v6, v4;
	v5 =	vbroadcast v9, $0xF  }
0x26e: {  	v6 =	vbroadcast v22, $0xF;
	v4 =	vsel vm2, v4, v8  }
0x26f: {  	v8, _, _ =	vpop (xrf2);
	v4 =	vsel vm3, v4, v5;
	v5 =	vbroadcast v25, $0xF  }
0x270: {  	(xrf2) =	vadd.scan.msk.f32 $0xffff, v3;
	v3 =	vsel vm4, v4, v6;
	v4 =	vbroadcast v8, $0xF  }
0x271: {  	v3 =	vsel vm5, v3, v5;
	v5 =	vbroadcast v15, $0xF  }
0x272: {  	v6, _, _ =	vpop (xrf2);
	v3 =	vsel vm6, v3, v4;
	v4 =	vbroadcast v14, $0xF  }
0x273: {  	v3 =	vsel vm7, v3, v5;
	v5 =	vbroadcast v6, $0xF  }
0x274: {  	v3 =	vsel vm8, v3, v4;
	v4 =	vbroadcast v13, $0xF  }
0x275: {  	v6, _, _ =	vpop (xrf2);
	v3 =	vsel vm9, v3, v5  }
0x276: {  	v5 =	vbroadcast v11, $0xF;
	v3 =	vsel vm10, v3, v4;
	v4 =	vbroadcast v6, $0xF;
	_ =	sdelay $0x1  }
0x277: {  	v3 =	vsel vm11, v3, v5;
	v5 =	vbroadcast v10, $0xF  }
0x278: {  	v3 =	vsel vm12, v3, v4  }
0x279: {  	v3 =	vsel vm13, v3, v5;
	v4, _, _ =	vpop (xrf2)  }
0x27a: {  	v3 =	vsel vm14, v3, v4  }
0x27b: {  	v3 =	vmul.f32 $1.428571410e+01, v3;
	_ =	sdelay $0x1  }
0x27c: {  	v3 =	vmul.f32 $1.442695020e+00, v3;
	_ =	sdelay $0x1  }
0x27d: {  	(erf) = vpow2.f32 v3;
	_ =	sdelay $0x8  }
0x27e: {  	s1 =	sshra.s32 s22, $0x2;
	v13 =	vpop (erf)  }
0x27f: {  	s22 =	simm.s32 @!p0 $0xC820;
	s21 =	simm.s32 @!p0 $0x80;
	[tilespmem:v7+s1+$0x0 ss:$0x1] =	vst.idx.msk $0xffff, v13;
	s1 =	sadd.s32 @!p0 $0xE20, s20  }
0x280: {  	[tilespmem:s22], [sflag:$0x3] =	stream.indirect.gather @!p0 [hbm4b:s3+s21], $0x40, s1, s21, $0xb8;
	[tilespmem:$0x18830] =	vst v63  }
0x281: {  	s1 =	sadd.s32 @!p0 $0xEA0, s20;
	s20 =	simm.s32 @!p0 $0xE820  }
0x282: {  	[tilespmem:s20], [sflag:$0x3] =	stream.indirect.gather @!p0 [hbm4b:s3+s21], $0x40, s1, s21, $0xb8;
	[tilespmem:$0x18830] =	vst v63  }
0x283: {  	_ =	swait.ge [sflag:s31], $0x2000  }
0x284: {  	[sflag:s31] =	ssyncset.done $0x0  }
0x285: {  	[sflag:s31] =	ssyncadd.s32 $0xFFFFE000  }
0x286: {  	_ =	swait.ge [sflag:s31], $0x2000  }
0x287: {  	[sflag:s31] =	ssyncset.done $0x0  }
0x288: {  	[sflag:s31] =	ssyncadd.s32 $0xFFFFE000  }
0x289: {  	v5 =	vld [tilespmem:s19+$0x0]  }
0x28a: {  	v6 =	vld [tilespmem:s19+$0x10]  }
0x28b: {  	v3 =	vld [tilespmem:s19+$0x20]  }
0x28c: {  	v4 =	vld [tilespmem:s19+$0x30];
	s19 =	simm.s32 $0x10A20  }
0x28d: {  	v7 =	vld [tilespmem:s19+$0x180]  }
0x28e: {  	v10 =	vld [tilespmem:s19+$0x190]  }
0x28f: {  	v11 =	vld [tilespmem:s19+$0x1A0]  }
0x290: {  	v14 =	vld [tilespmem:s19+$0x1B0]  }
0x291: {  	v8 =	vld [tilespmem:s19+$0x140]  }
0x292: {  	v15 =	vld [tilespmem:s19+$0x100]  }
0x293: {  	v16 =	vld [tilespmem:s19+$0x110]  }
0x294: {  	v17 =	vld [tilespmem:s19+$0x120]  }
0x295: {  	v18 =	vld [tilespmem:s19+$0x130]  }
0x296: {  	v19 =	vld [tilespmem:s19+$0xC0]  }
0x297: {  	v20 =	vld [tilespmem:s19+$0xD0]  }
0x298: {  	v21 =	vld [tilespmem:s19+$0xE0]  }
0x299: {  	v22 =	vld [tilespmem:s19+$0xF0]  }
0x29a: {  	v9 =	vld [tilespmem:s19+$0x80]  }
0x29b: {  	v23 =	vld [tilespmem:s19+$0x40]  }
0x29c: {  	v24 =	vld [tilespmem:s19+$0x50]  }
0x29d: {  	v25 =	vld [tilespmem:s19+$0x60]  }
0x29e: {  	v26 =	vld [tilespmem:s19+$0x70]  }
0x29f: {  	v27 =	vld [tilespmem:s19+$0x0]  }
0x2a0: {  	v28 =	vld [tilespmem:s19+$0x10]  }
0x2a1: {  	v29 =	vld [tilespmem:s19+$0x20]  }
0x2a2: {  	v61 =	vld [tilespmem:s19+$0x30];
	v7 =	vmul.f32 v7, v5;
	v10 =	vmul.f32 v10, v6  }
0x2a3: {  	v12 =	vld [tilespmem:s19+$0xFFFFFFC0];
	v11 =	vmul.f32 v11, v3;
	v14 =	vmul.f32 v14, v4  }
0x2a4: {  	v31 =	vld [tilespmem:s19+$0xFFFFFF80];
	v7 =	vadd.f32 v10, v7;
	v10 =	vmul.f32 v15, v5;
	v15 =	vmul.f32 v16, v6  }
0x2a5: {  	v32 =	vld [tilespmem:s19+$0xFFFFFF90];
	v23 =	vmul.f32 v23, v5;
	v24 =	vmul.f32 v24, v6;
	v11 =	vadd.f32 v14, v11  }
0x2a6: {  	v33 =	vld [tilespmem:s19+$0xFFFFFFA0];
	v14 =	vmul.f32 v17, v3;
	v17 =	vmul.f32 v18, v4;
	v10 =	vadd.f32 v15, v10  }
0x2a7: {  	v16 =	vld [tilespmem:s19+$0xFFFFFFB0];
	v15 =	vmul.f32 v19, v5;
	v19 =	vmul.f32 v20, v6;
	v7 =	vadd.f32 v11, v7  }
0x2a8: {  	v18 =	vld [tilespmem:s19+$0xFFFFFF40];
	v11 =	vmul.f32 v21, v3;
	v21 =	vmul.f32 v22, v4;
	v14 =	vadd.f32 v17, v14  }
0x2a9: {  	v25 =	vmul.f32 v25, v3;
	v26 =	vmul.f32 v26, v4;
	v20 =	vld [tilespmem:s19+$0xFFFFFF50];
	v19 =	vadd.f32 v19, v15  }
0x2aa: {  	v22 =	vld [tilespmem:s19+$0xFFFFFF60];
	v10 =	vadd.f32 v14, v10;
	v11 =	vadd.f32 v21, v11  }
0x2ab: {  	v17 =	vld [tilespmem:s19+$0xFFFFFF70];
	v21 =	vadd.f32 v24, v23;
	v24 =	vadd.f32 v26, v25;
	(xrf2) =	vadd.scan.msk.f32 $0xffff, v7  }
0x2ac: {  	v15 =	vld [tilespmem:s19+$0xFFFFFF00];
	v26 =	vmul.f32 v61, v4;
	v7 =	vadd.f32 v11, v19;
	(xrf2) =	vadd.scan.msk.f32 $0xffff, v10;
	v10 =	vmul.f32 v27, v5  }
0x2ad: {  	v14 =	vld [tilespmem:s19+$0xFFFFFEC0];
	v19 =	vmul.f32 v28, v6;
	v21 =	vadd.f32 v24, v21;
	v24 =	vmul.f32 v29, v3  }
0x2ae: {  	v23 =	vld [tilespmem:s19+$0xFFFFFED0];
	(xrf2) =	vadd.scan.msk.f32 $0xffff, v7  }
0x2af: {  	v25 =	vld [tilespmem:s19+$0xFFFFFEF0];
	v10 =	vadd.f32 v19, v10;
	(xrf2) =	vadd.scan.msk.f32 $0xffff, v21;
	v21 =	vadd.f32 v26, v24  }
0x2b0: {  	v11 =	vld [tilespmem:s19+$0xFFFFFEE0];
	v27 =	vmul.f32 v32, v6  }
0x2b1: {  	v28 =	vld [tilespmem:s19+$0xFFFFFE90];
	v19 =	vmul.f32 v31, v5;
	v21 =	vadd.f32 v21, v10;
	v10 =	vmul.f32 v22, v3  }
0x2b2: {  	v29 =	vld [tilespmem:s19+$0xFFFFFEA0];
	v24 =	vmul.f32 v33, v3;
	v26 =	vmul.f32 v16, v4  }
0x2b3: {  	v7 =	vld [tilespmem:s19+$0xFFFFFE80];
	v22 =	vmul.f32 v17, v4  }
0x2b4: {  	v16 =	vld [tilespmem:s19+$0xFFFFFE00];
	v19 =	vadd.f32 v27, v19;
	v24 =	vadd.f32 v26, v24  }
0x2b5: {  	v18 =	vmul.f32 v18, v5;
	v20 =	vmul.f32 v20, v6;
	v27 =	vld [tilespmem:s19+$0xFFFFFEB0];
	v22 =	vadd.f32 v22, v10;
	v10, _, _ =	vpop (xrf2);
	(xrf2) =	vadd.scan.msk.f32 $0xffff, v21  }
0x2b6: {  	v14 =	vmul.f32 v14, v5;
	v23 =	vmul.f32 v23, v6;
	v17 =	vld [tilespmem:s19+$0xFFFFFE10];
	v24 =	vadd.f32 v24, v19  }
0x2b7: {  	v26 =	vadd.f32 v20, v18;
	v18 =	vld [tilespmem:s19+$0xFFFFFE20]  }
0x2b8: {  	v25 =	vmul.f32 v25, v4;
	v20 =	vld [tilespmem:s19+$0xFFFFFE30];
	v62 =	vmul.f32 v11, v3;
	v14 =	vadd.f32 v23, v14;
	v11, _, _ =	vpop (xrf2);
	(xrf2) =	vadd.scan.msk.f32 $0xffff, v24  }
0x2b9: {  	v19 =	vld [tilespmem:s19+$0xFFFFFE40];
	v23 =	vadd.f32 v22, v26  }
0x2ba: {  	v28 =	vmul.f32 v28, v6;
	v63 =	vmul.f32 v7, v5;
	v30 =	vadd.f32 v25, v62;
	v21 =	vld [tilespmem:s19+$0xFFFFFE50]  }
0x2bb: {  	v2 =	vadd.f32 v13, v2;
	v22 =	vld [tilespmem:s19+$0xFFFFFE60];
	v26 =	vmul.f32 v29, v3;
	v27 =	vmul.f32 v27, v4;
	v13, _, _ =	vpop (xrf2);
	(xrf2) =	vadd.scan.msk.f32 $0xffff, v23  }
0x2bc: {  	s20 =	simm.s32 $0x0;
	s21 =	simm.s32 $0x40;
	v7 =	vmov s16;
	v25 =	vadd.f32 v28, v63;
	v24 =	vadd.f32 v30, v14;
	v23 =	vld [tilespmem:s19+$0xFFFFFE70];
	v14, _, _ =	vpop (xrf2)  }
.LBB2_9:
0x2bd: {  	p0 =	sne.s32 s21, $0x3C0;
	v16 =	vmul.f32 v16, v5;
	v17 =	vmul.f32 v17, v6;
	v26 =	vadd.f32 v27, v26;
	v27 =	vld [tilespmem:s19+$0xFFFFFF10]  }
0x2be: {  	v18 =	vmul.f32 v18, v3;
	v20 =	vmul.f32 v20, v4;
	v28 =	vld [tilespmem:s19+$0xFFFFFF20];
	(xrf2) =	vadd.scan.msk.f32 $0xffff, v24  }
0x2bf: {  	v16 =	vadd.f32 v17, v16;
	v17 =	vadd.f32 v26, v25;
	v24 =	vld [tilespmem:s19+$0xFFFFFF30];
	v25, _, _ =	vpop (xrf2)  }
0x2c0: {  	v19 =	vmul.f32 v19, v5;
	v29 =	vadd.f32 v20, v18;
	v20 =	vmul.f32 v21, v6;
	v21 =	vld [tilespmem:s19+$0xFFFFFFD0]  }
0x2c1: {  	v22 =	vmul.f32 v22, v3;
	v23 =	vmul.f32 v23, v4;
	v26 =	vld [tilespmem:s19+$0xFFFFFFE0];
	(xrf2) =	vadd.scan.msk.f32 $0xffff, v17  }
0x2c2: {  	v15 =	vmul.f32 v15, v5;
	v16 =	vadd.f32 v29, v16;
	v17 =	vld [tilespmem:s19+$0xFFFFFFF0];
	v18, _, _ =	vpop (xrf2)  }
0x2c3: {  	v19 =	vadd.f32 v20, v19;
	v29 =	vadd.f32 v23, v22;
	v22 =	vmul.f32 v27, v6;
	v23 =	vld [tilespmem:s19+$0x90]  }
0x2c4: {  	v27 =	vmul.f32 v28, v3;
	v24 =	vmul.f32 v24, v4;
	v28 =	vld [tilespmem:s19+$0xA0];
	(xrf2) =	vadd.scan.msk.f32 $0xffff, v16  }
0x2c5: {  	v12 =	vmul.f32 v12, v5;
	v16 =	vadd.f32 v29, v19;
	v19 =	vld [tilespmem:s19+$0xB0];
	v20, _, _ =	vpop (xrf2)  }
0x2c6: {  	v15 =	vadd.f32 v22, v15;
	v21 =	vmul.f32 v21, v6;
	v29 =	vadd.f32 v24, v27;
	v24 =	vld [tilespmem:s19+$0x150]  }
0x2c7: {  	v26 =	vmul.f32 v26, v3;
	v17 =	vmul.f32 v17, v4;
	v27 =	vld [tilespmem:s19+$0x160];
	(xrf2) =	vadd.scan.msk.f32 $0xffff, v16  }
0x2c8: {  	v9 =	vmul.f32 v9, v5;
	v15 =	vadd.f32 v29, v15;
	v16 =	vld [tilespmem:s19+$0x170];
	v22, _, _ =	vpop (xrf2)  }
0x2c9: {  	v12 =	vadd.f32 v21, v12;
	v21 =	vmul.f32 v23, v6;
	v29 =	vadd.f32 v17, v26;
	v23 =	vld [tilespmem:s19+$0x1C0]  }
0x2ca: {  	v26 =	vmul.f32 v28, v3;
	v19 =	vmul.f32 v19, v4;
	v28 =	vld [tilespmem:s19+$0x1D0];
	(xrf2) =	vadd.scan.msk.f32 $0xffff, v15  }
0x2cb: {  	v8 =	vmul.f32 v8, v5;
	v29 =	vadd.f32 v29, v12;
	v15 =	vld [tilespmem:s19+$0x1E0];
	v17, _, _ =	vpop (xrf2)  }
0x2cc: {  	v9 =	vadd.f32 v21, v9;
	v21 =	vmul.f32 v24, v6;
	v19 =	vadd.f32 v19, v26;
	v24 =	vld [tilespmem:s19+$0x1F0]  }
0x2cd: {  	v26 =	vmul.f32 v27, v3;
	v16 =	vmul.f32 v16, v4;
	(xrf2) =	vadd.scan.msk.f32 $0xffff, v29  }
0x2ce: {  	v9 =	vadd.f32 v19, v9;
	v12, _, _ =	vpop (xrf2)  }
0x2cf: {  	v8 =	vadd.f32 v21, v8;
	v26 =	vadd.f32 v16, v26  }
0x2d0: {  	v19 =	vmul.f32 v23, v5;
	v21 =	vmul.f32 v28, v6;
	(xrf2) =	vadd.scan.msk.f32 $0xffff, v9  }
0x2d1: {  	v9 =	vmul.f32 v15, v3;
	v8 =	vadd.f32 v26, v8;
	v15 =	vmul.f32 v24, v4;
	v16, _, _ =	vpop (xrf2)  }
0x2d2: {  	v12 =	vbroadcast v12, $0xF;
	v23 =	vbroadcast v16, $0xF  }
0x2d3: {  	v19 =	vadd.f32 v21, v19;
	v9 =	vadd.f32 v15, v9;
	v15 =	vbroadcast v17, $0xF;
	(xrf2) =	vadd.scan.msk.f32 $0xffff, v8  }
0x2d4: {  	v8 =	vsel vm0, v12, v23;
	v12 =	vbroadcast v22, $0xF;
	v16, _, _ =	vpop (xrf2)  }
0x2d5: {  	v9 =	vadd.f32 v9, v19;
	v8 =	vsel vm1, v8, v15;
	v15 =	vbroadcast v16, $0xF  }
0x2d6: {  	v8 =	vsel vm2, v8, v12;
	v12 =	vbroadcast v20, $0xF  }
0x2d7: {  	v8 =	vsel vm3, v8, v15;
	v15 =	vbroadcast v18, $0xF;
	v16, _, _ =	vpop (xrf2);
	(xrf2) =	vadd.scan.msk.f32 $0xffff, v9  }
0x2d8: {  	v8 =	vsel vm4, v8, v12;
	v9 =	vbroadcast v16, $0xF  }
0x2d9: {  	v12 =	vbroadcast v25, $0xF;
	v8 =	vsel vm5, v8, v15  }
0x2da: {  	v8 =	vsel vm6, v8, v9;
	v9 =	vbroadcast v14, $0xF;
	v14, _, _ =	vpop (xrf2)  }
0x2db: {  	v8 =	vsel vm7, v8, v12;
	v14 =	vbroadcast v14, $0xF  }
0x2dc: {  	v8 =	vsel vm8, v8, v9;
	v9 =	vbroadcast v13, $0xF  }
0x2dd: {  	v11 =	vbroadcast v11, $0xF;
	v8 =	vsel vm9, v8, v14;
	v12, _, _ =	vpop (xrf2)  }
0x2de: {  	v8 =	vsel vm10, v8, v9;
	v12 =	vbroadcast v12, $0xF  }
0x2df: {  	v10 =	vbroadcast v10, $0xF;
	v8 =	vsel vm11, v8, v11  }
0x2e0: {  	v8 =	vsel vm12, v8, v12  }
0x2e1: {  	v8 =	vsel vm13, v8, v10;
	v9, _, _ =	vpop (xrf2)  }
0x2e2: {  	v8 =	vsel vm14, v8, v9  }
0x2e3: {  	v8 =	vmul.f32 $1.428571410e+01, v8;
	_ =	sdelay $0x1  }
0x2e4: {  	v8 =	vmul.f32 $1.442695020e+00, v8;
	_ =	sdelay $0x1  }
0x2e5: {  	(erf) = vpow2.f32 v8;
	_ =	sdelay $0x8  }
0x2e6: {  	s1 =	sshra.s32 s20, $0x2;
	s20 =	smov.u32 s21;
	v8 =	vpop (erf)  }
0x2e7: {  	s19 =	sadd.s32 $0x400, s19;
	[tilespmem:v7+s1+$0x0 ss:$0x1] =	vst.idx.msk $0xffff, v8;
	v2 =	vadd.f32 v8, v2  }
0x2e8: {  	v10 =	vld [tilespmem:s19+$0x180]  }
0x2e9: {  	v11 =	vld [tilespmem:s19+$0x190]  }
0x2ea: {  	v13 =	vld [tilespmem:s19+$0x1A0]  }
0x2eb: {  	v14 =	vld [tilespmem:s19+$0x1B0]  }
0x2ec: {  	v8 =	vld [tilespmem:s19+$0x140]  }
0x2ed: {  	v15 =	vld [tilespmem:s19+$0x100]  }
0x2ee: {  	v16 =	vld [tilespmem:s19+$0x110]  }
0x2ef: {  	v17 =	vld [tilespmem:s19+$0x120]  }
0x2f0: {  	v18 =	vld [tilespmem:s19+$0x130]  }
0x2f1: {  	v19 =	vld [tilespmem:s19+$0xC0]  }
0x2f2: {  	v20 =	vld [tilespmem:s19+$0xD0]  }
0x2f3: {  	v21 =	vld [tilespmem:s19+$0xE0]  }
0x2f4: {  	v22 =	vld [tilespmem:s19+$0xF0]  }
0x2f5: {  	v9 =	vld [tilespmem:s19+$0x80]  }
0x2f6: {  	v23 =	vld [tilespmem:s19+$0x40]  }
0x2f7: {  	v24 =	vld [tilespmem:s19+$0x50]  }
0x2f8: {  	v25 =	vld [tilespmem:s19+$0x60]  }
0x2f9: {  	v26 =	vld [tilespmem:s19+$0x70]  }
0x2fa: {  	v27 =	vld [tilespmem:s19+$0x0]  }
0x2fb: {  	v28 =	vld [tilespmem:s19+$0x10]  }
0x2fc: {  	v29 =	vld [tilespmem:s19+$0x20]  }
0x2fd: {  	v10 =	vmul.f32 v10, v5;
	v11 =	vmul.f32 v11, v6;
	v30 =	vld [tilespmem:s19+$0x30]  }
0x2fe: {  	v13 =	vmul.f32 v13, v3;
	v14 =	vmul.f32 v14, v4;
	v12 =	vld [tilespmem:s19+$0xFFFFFFC0]  }
0x2ff: {  	v10 =	vadd.f32 v11, v10;
	v31 =	vld [tilespmem:s19+$0xFFFFFF80]  }
0x300: {  	v15 =	vmul.f32 v15, v5;
	v13 =	vadd.f32 v14, v13;
	v16 =	vmul.f32 v16, v6;
	v11 =	vld [tilespmem:s19+$0xFFFFFF90]  }
0x301: {  	v17 =	vmul.f32 v17, v3;
	v18 =	vmul.f32 v18, v4;
	v14 =	vld [tilespmem:s19+$0xFFFFFFA0]  }
0x302: {  	v10 =	vadd.f32 v13, v10;
	v15 =	vadd.f32 v16, v15;
	v32 =	vld [tilespmem:s19+$0xFFFFFFB0]  }
0x303: {  	v16 =	vmul.f32 v19, v5;
	v19 =	vmul.f32 v20, v6;
	v17 =	vadd.f32 v18, v17;
	v13 =	vld [tilespmem:s19+$0xFFFFFF40]  }
0x304: {  	v20 =	vmul.f32 v21, v3;
	v21 =	vmul.f32 v22, v4;
	v18 =	vld [tilespmem:s19+$0xFFFFFF50];
	(xrf2) =	vadd.scan.msk.f32 $0xffff, v10  }
0x305: {  	v10 =	vadd.f32 v19, v16;
	v16 =	vadd.f32 v17, v15;
	v22 =	vld [tilespmem:s19+$0xFFFFFF60]  }
0x306: {  	v20 =	vadd.f32 v21, v20;
	v19 =	vmul.f32 v23, v5;
	v23 =	vmul.f32 v24, v6;
	v17 =	vld [tilespmem:s19+$0xFFFFFF70]  }
0x307: {  	v21 =	vmul.f32 v25, v3;
	v24 =	vmul.f32 v26, v4;
	v15 =	vld [tilespmem:s19+$0xFFFFFF00];
	(xrf2) =	vadd.scan.msk.f32 $0xffff, v16  }
0x308: {  	v10 =	vadd.f32 v20, v10;
	v16 =	vadd.f32 v23, v19;
	v25 =	vld [tilespmem:s19+$0xFFFFFEC0]  }
0x309: {  	v20 =	vmul.f32 v27, v5;
	v21 =	vadd.f32 v24, v21;
	v23 =	vmul.f32 v28, v6;
	v19 =	vld [tilespmem:s19+$0xFFFFFED0]  }
0x30a: {  	v26 =	vmul.f32 v29, v3;
	v27 =	vmul.f32 v30, v4;
	v24 =	vld [tilespmem:s19+$0xFFFFFEE0];
	(xrf2) =	vadd.scan.msk.f32 $0xffff, v10  }
0x30b: {  	v30 =	vadd.f32 v23, v20;
	v16 =	vadd.f32 v21, v16;
	v28 =	vld [tilespmem:s19+$0xFFFFFEF0]  }
0x30c: {  	v11 =	vmul.f32 v11, v6;
	v20 =	vmul.f32 v31, v5;
	v21 =	vadd.f32 v27, v26;
	v23 =	vld [tilespmem:s19+$0xFFFFFE80]  }
0x30d: {  	v14 =	vmul.f32 v14, v3;
	v27 =	vmul.f32 v32, v4;
	v26 =	vld [tilespmem:s19+$0xFFFFFE90];
	(xrf2) =	vadd.scan.msk.f32 $0xffff, v16  }
0x30e: {  	v31 =	vadd.f32 v11, v20;
	v20 =	vadd.f32 v21, v30;
	v29 =	vld [tilespmem:s19+$0xFFFFFEA0];
	v10, _, _ =	vpop (xrf2)  }
0x30f: {  	v13 =	vmul.f32 v13, v5;
	v18 =	vmul.f32 v18, v6;
	v14 =	vadd.f32 v27, v14;
	v30 =	vld [tilespmem:s19+$0xFFFFFEB0]  }
0x310: {  	v21 =	vmul.f32 v22, v3;
	v22 =	vmul.f32 v17, v4;
	v16 =	vld [tilespmem:s19+$0xFFFFFE00];
	(xrf2) =	vadd.scan.msk.f32 $0xffff, v20  }
0x311: {  	v32 =	vadd.f32 v18, v13;
	v14 =	vadd.f32 v14, v31;
	v17 =	vld [tilespmem:s19+$0xFFFFFE10];
	v11, _, _ =	vpop (xrf2)  }
0x312: {  	v25 =	vmul.f32 v25, v5;
	v21 =	vadd.f32 v22, v21;
	v27 =	vmul.f32 v19, v6;
	v18 =	vld [tilespmem:s19+$0xFFFFFE20]  }
.Ltmp3:
0x313: {  	v22 =	vmul.f32 v24, v3;
	v24 =	vmul.f32 v28, v4;
	v20 =	vld [tilespmem:s19+$0xFFFFFE30];
	(xrf2) =	vadd.scan.msk.f32 $0xffff, v14;
	(pc) =	sbr.rel @p0 .LBB2_9-.Ltmp3, $4  }
0x314: {  	v33 =	vadd.f32 v27, v25;
	v25 =	vadd.f32 v21, v32;
	v19 =	vld [tilespmem:s19+$0xFFFFFE40];
	v13, _, _ =	vpop (xrf2)  }
0x315: {  	v28 =	vmul.f32 v23, v5;
	v31 =	vmul.f32 v26, v6;
	v24 =	vadd.f32 v24, v22;
	v21 =	vld [tilespmem:s19+$0xFFFFFE50]  }
0x316: {  	v26 =	vmul.f32 v29, v3;
	v27 =	vmul.f32 v30, v4;
	v22 =	vld [tilespmem:s19+$0xFFFFFE60];
	(xrf2) =	vadd.scan.msk.f32 $0xffff, v25  }
0x317: {  	s21 =	sadd.s32 $0x40, s21;
	v24 =	vadd.f32 v24, v33;
	v25 =	vadd.f32 v31, v28;
	v23 =	vld [tilespmem:s19+$0xFFFFFE70];
	v14, _, _ =	vpop (xrf2)  }
0x318: {  	v28 =	vld [tilespmem:s19+$0xFFFFFF10]  }
0x319: {  	v16 =	vmul.f32 v16, v5;
	v17 =	vmul.f32 v17, v6;
	v29 =	vld [tilespmem:s19+$0xFFFFFF20]  }
0x31a: {  	v18 =	vmul.f32 v18, v3;
	v20 =	vmul.f32 v20, v4;
	v42 =	vld [tilespmem:s19+$0xFFFFFF30]  }
0x31b: {  	v26 =	vadd.f32 v27, v26;
	v45 =	vld [tilespmem:s19+$0xFFFFFFD0];
	v43 =	vmul.f32 v19, v5;
	v44 =	vmul.f32 v21, v6  }
0x31c: {  	v46 =	vld [tilespmem:s19+$0xFFFFFFE0];
	v16 =	vadd.f32 v17, v16;
	v22 =	vmul.f32 v22, v3;
	v23 =	vmul.f32 v23, v4  }
0x31d: {  	v47 =	vld [tilespmem:s19+$0xFFFFFFF0];
	v15 =	vmul.f32 v15, v5;
	v25 =	vadd.f32 v26, v25;
	v18 =	vadd.f32 v20, v18  }
0x31e: {  	v50 =	vld [tilespmem:s19+$0x90];
	v17 =	vadd.f32 v44, v43;
	v49 =	vmul.f32 v28, v6;
	v48 =	vadd.f32 v23, v22  }
0x31f: {  	v53 =	vld [tilespmem:s19+$0xA0];
	(xrf2) =	vadd.scan.msk.f32 $0xffff, v24;
	v16 =	vadd.f32 v18, v16;
	v51 =	vmul.f32 v29, v3;
	v52 =	vmul.f32 v42, v4  }
0x320: {  	v12 =	vmul.f32 v12, v5;
	v54 =	vld [tilespmem:s19+$0xB0];
	(xrf2) =	vadd.scan.msk.f32 $0xffff, v25;
	v17 =	vadd.f32 v48, v17  }
0x321: {  	v57 =	vld [tilespmem:s19+$0x150];
	v56 =	vmul.f32 v45, v6;
	(xrf2) =	vadd.scan.msk.f32 $0xffff, v16;
	v15 =	vadd.f32 v49, v15;
	v55 =	vadd.f32 v52, v51  }
0x322: {  	v59 =	vld [tilespmem:s19+$0x160];
	v58 =	vmul.f32 v46, v3;
	v19 =	vmul.f32 v47, v4;
	(xrf2) =	vadd.scan.msk.f32 $0xffff, v17  }
0x323: {  	v9 =	vmul.f32 v9, v5;
	v60 =	vld [tilespmem:s19+$0x170];
	v15 =	vadd.f32 v55, v15  }
0x324: {  	v63 =	vld [tilespmem:s19+$0x1C0];
	v62 =	vmul.f32 v50, v6;
	v12 =	vadd.f32 v56, v12;
	v61 =	vadd.f32 v19, v58  }
0x325: {  	v31 =	vld [tilespmem:s19+$0x1E0];
	v28 =	vmul.f32 v53, v3;
	v20 =	vmul.f32 v54, v4;
	(xrf2) =	vadd.scan.msk.f32 $0xffff, v15  }
0x326: {  	v8 =	vmul.f32 v8, v5;
	v35 =	vld [tilespmem:s19+$0x1F0];
	v30, _, _ =	vpop (xrf2);
	v12 =	vadd.f32 v61, v12  }
0x327: {  	v29 =	vld [tilespmem:s19+$0x1D0];
	v32, _, _ =	vpop (xrf2);
	v34 =	vmul.f32 v57, v6;
	v9 =	vadd.f32 v62, v9;
	v33 =	vadd.f32 v20, v28  }
0x328: {  	v24 =	vmul.f32 v59, v3;
	v16 =	vmul.f32 v60, v4;
	v36, _, _ =	vpop (xrf2);
	(xrf2) =	vadd.scan.msk.f32 $0xffff, v12  }
0x329: {  	v9 =	vadd.f32 v33, v9;
	v37, _, _ =	vpop (xrf2)  }
0x32a: {  	v8 =	vadd.f32 v34, v8;
	v16 =	vadd.f32 v16, v24;
	v38, _, _ =	vpop (xrf2)  }
0x32b: {  	v40 =	vmul.f32 v63, v5;
	v3 =	vmul.f32 v31, v3;
	(xrf2) =	vadd.scan.msk.f32 $0xffff, v9;
	v39, _, _ =	vpop (xrf2)  }
0x32c: {  	v42 =	vmul.f32 v35, v4;
	v41 =	vmul.f32 v29, v6;
	v8 =	vadd.f32 v16, v8;
	v43, _, _ =	vpop (xrf2)  }
0x32d: {  	v44 =	vbroadcast v39, $0xF;
	v9 =	vbroadcast v43, $0xF  }
0x32e: {  	v3 =	vadd.f32 v42, v3;
	v5 =	vadd.f32 v41, v40;
	(xrf2) =	vadd.scan.msk.f32 $0xffff, v8;
	v45 =	vbroadcast v38, $0xF  }
0x32f: {  	v47 =	vbroadcast v37, $0xF;
	v48, _, _ =	vpop (xrf2);
	v46 =	vsel vm0, v44, v9  }
0x330: {  	v3 =	vadd.f32 v3, v5;
	v49 =	vbroadcast v48, $0xF;
	v4 =	vsel vm1, v46, v45  }
0x331: {  	v50 =	vbroadcast v36, $0xF;
	v4 =	vsel vm2, v4, v47  }
0x332: {  	v51 =	vbroadcast v32, $0xF;
	v52, _, _ =	vpop (xrf2);
	(xrf2) =	vadd.scan.msk.f32 $0xffff, v3;
	v4 =	vsel vm3, v4, v49  }
0x333: {  	v53 =	vbroadcast v52, $0xF;
	v3 =	vsel vm4, v4, v50  }
0x334: {  	v54 =	vbroadcast v30, $0xF;
	v3 =	vsel vm5, v3, v51  }
0x335: {  	v55 =	vbroadcast v14, $0xF;
	v56, _, _ =	vpop (xrf2);
	v3 =	vsel vm6, v3, v53  }
0x336: {  	v57 =	vbroadcast v56, $0xF;
	v3 =	vsel vm7, v3, v54  }
0x337: {  	v58 =	vbroadcast v13, $0xF;
	v3 =	vsel vm8, v3, v55  }
0x338: {  	v59 =	vbroadcast v11, $0xF;
	v60, _, _ =	vpop (xrf2);
	v3 =	vsel vm9, v3, v57  }
0x339: {  	v61 =	vbroadcast v60, $0xF;
	v3 =	vsel vm10, v3, v58  }
0x33a: {  	v62 =	vbroadcast v10, $0xF;
	v3 =	vsel vm11, v3, v59  }
0x33b: {  	v3 =	vsel vm12, v3, v61  }
0x33c: {  	v63, _, _ =	vpop (xrf2);
	v3 =	vsel vm13, v3, v62  }
0x33d: {  	v3 =	vsel vm14, v3, v63  }
0x33e: {  	v3 =	vmul.f32 $1.428571410e+01, v3;
	_ =	sdelay $0x1  }
0x33f: {  	v3 =	vmul.f32 $1.442695020e+00, v3;
	_ =	sdelay $0x1  }
0x340: {  	(erf) = vpow2.f32 v3;
	_ =	sdelay $0x3  }
0x341: {  	s18 =	sadd.s32 $0x1, s18  }
0x342: {  	p0 =	sne.s32 s18, $0x10  }
.Ltmp4:
0x343: {  	_ = 	snop;
	(pc) =	sbr.rel @p0 .LBB2_2-.Ltmp4, $3  }
0x344: {  	_ =	sdelay $0x1  }
0x345: {  	s1 =	sshra.s32 s20, $0x2;
	s17 =	sadd.s32 $0x400, s17;
	v3 =	vpop (erf)  }
0x346: {  	s14 =	sadd.s32 $0x400, s14;
	s15 =	sadd.s32 $0x400, s15;
	s16 =	sadd.s32 $0x400, s16;
	[tilespmem:v7+s1+$0x0 ss:$0x1] =	vst.idx.msk $0xffff, v3;
	v2 =	vadd.f32 v3, v2  }
0x347: {  	_ = 	snop  }
0x348: {  	s1 =	simm.s32 $0x14820;
	[tilespmem:$0x18820] =	vst v2  }
0x349: {  	[hbm4b:s7+s2] =	stream.linear.scatter [tilespmem:s1], [sflag:$0x5], $0x4000, $0x38;
	[tilespmem:$0x18830] =	vst v63  }
0x34a: {  	s11 =	sadd.s32 $0x1, s11;
	_ =	swait.ge [sflag:s10], $0x4000  }
0x34b: {  	p0 =	sne.s32 s11, s9;
	[sflag:s10] =	ssyncset.done $0x0  }
.Ltmp5:
0x34c: {  	[sflag:s10] =	ssyncadd.s32 $0xFFFFC000;
	(pc) =	sbr.rel @p0 .LBB2_1-.Ltmp5, $4  }
0x34d: {  	[hbm4b:s8+s2] =	stream.linear.scatter [tilespmem:s0], [sflag:$0x5], $0x10, $0x38;
	[tilespmem:$0x18830] =	vst v63  }
0x34e: {  	_ =	swait.ge [sflag:s10], $0x10  }
0x34f: {  	[sflag:s10] =	ssyncset.done $0x0  }
0x350: {  	[sflag:s10] =	ssyncadd.s32 $0xFFFFFFF0  }
0x351: {  	_ =	sfence.sel $0x180000  }
0x352: {  	[bflag:$0x0] =	sbarrier.arrive $0xFFFF  }
0x353: {  	_ =	strace $0x90000047  }
0x354: {  	s0 =	stileid.u32;
	[bflag:$0x2] =	sbarrier.arrive $0xFFFF  }
0x355: {  	p0 =	sne.s32 s0, $0x0;
	s0 =	rddreg [dreg:$0x3]  }
0x356: {  	s0 =	sadd.s32 @!p0 $0x100000, s0  }
0x357: {  	[sflag:s0] =	ssyncadd.tile.s32 @!p0 $0x1;
	_ =	shalt  }
.Lfunc_end2:
_tile_overlayer_lowered:
.L_overlay_start_2:
0x358: {  	(tag) =	ssettag $0x2  }
0x359: {  	s0 =	rddreg [dreg:$0x0];
	s2 =	stileid.u32  }
0x35a: {  	s1 =	rddreg [dreg:$0x1];
	p0 =	sne.s32 s2, $0x0  }
0x35b: {  	s3 =	rddreg [dreg:$0x2];
	[bflag:$0x3] =	sbarrier.arrive $0xFFFF;
	s2 =	simm.s32 @!p0 $0x1C05  }
0x35c: {  	[timem:s3], [sflag:s2] =	dma.local @!p0 [hbm:s0], s1  }
0x35d: {  	s0 =	simm.s32 @!p0 $0x5  }
0x35e: {  	_ =	swait.ge @!p0 [sflag:s0], s1  }
0x35f: {  	s1 =	ssub.s32 @!p0 $0x0, s1;
	[sflag:s0] =	ssyncset.done @!p0 $0x0  }
0x360: {  	[sflag:s0] =	ssyncadd.s32 @!p0 s1  }
0x361: {  	[bflag:$0x3] =	sbarrier.arrive $0xFFFF  }
0x362: {  	_ =	shalt  }

</sc_bundles>
